<compile_context>
chip_gen: v7x
topology: tpu7x:2x2x1
jax: 0.10.2.dev20260603
libtpu: 0.0.44.dev20260713+nightly
codegen_flags: <defaults>
</compile_context>

<pallas_src>
import functools

import jax
import jax.numpy as jnp
from jax import lax
from jax.experimental import pallas as pl
from jax.experimental.pallas import tpu as pltpu
from jax.experimental.pallas import tpu_sc as plsc

B = 16384
ENC = 50
EMB = 50
NOUT = 3
NC = 2
NS = 16
NW = NC * NS
ROWS_PER_W = B // NW
CHUNK = 8
NCHUNK = ROWS_PER_W // CHUNK
LOOKUPS = CHUNK * ENC
UNITS = LOOKUPS * 4
VOCABW = 1000000 * EMB
IDX_PER_GATHER = 128
GATHERS = UNITS // IDX_PER_GATHER
REM = UNITS - GATHERS * IDX_PER_GATHER


def _sc_body(uidx, table16, w_arr, b16, out,
             uidx_v, rows_v, w_v, b_v, out_v, sem_a, sem_b):
    wid = lax.axis_index("s") * NC + lax.axis_index("c")
    base_row = wid * ROWS_PER_W

    pltpu.sync_copy(w_arr, w_v)
    pltpu.sync_copy(b16, b_v)

    sems = (sem_a, sem_b)

    def stage(c, p):
        base = (wid * NCHUNK + c)
        pltpu.sync_copy(uidx.at[pl.ds(base * UNITS, UNITS)], uidx_v.at[p])

    def fire(c, p):
        for g in range(GATHERS + 1):
            n = IDX_PER_GATHER if g < GATHERS else REM
            pltpu.async_copy(
                table16.at[uidx_v.at[p, pl.ds(g * IDX_PER_GATHER, n)]],
                rows_v.at[p, pl.ds(g * IDX_PER_GATHER, n), :],
                sems[p])

    def drain(c, p):
        for g in range(GATHERS + 1):
            n = IDX_PER_GATHER if g < GATHERS else REM
            pltpu.make_async_copy(
                table16.at[uidx_v.at[p, pl.ds(g * IDX_PER_GATHER, n)]],
                rows_v.at[p, pl.ds(g * IDX_PER_GATHER, n), :],
                sems[p]).wait()

    def compute(c, p):
        zero = jnp.zeros((16,), jnp.float32)
        accs = (zero,) * (CHUNK * NOUT)

        def jbody(j, accs):
            new = list(accs)
            two = j * 0 + 2
            for v in range(4):
                wv = [w_v[j * 12 + v * NOUT + o, :] for o in range(NOUT)]
                for r in range(CHUNK):
                    k = r * ENC + j
                    if v < 3:
                        rv = rows_v[p, k * 4 + v, :]
                    else:
                        rv = rows_v[p, k * 4 + 2, pl.ds(two, 16)]
                    for o in range(NOUT):
                        a = r * NOUT + o
                        new[a] = new[a] + rv * wv[o]
            return tuple(new)

        accs = lax.fori_loop(0, ENC, jbody, accs)
        lane = lax.iota(jnp.int32, 16)
        bvec = b_v[:]
        for r in range(CHUNK):
            row = c * CHUNK + r
            out16 = bvec
            for o in range(NOUT):
                s = jnp.sum(accs[r * NOUT + o])
                out16 = out16 + s * (lane == o).astype(jnp.float32)
            out_v[row, :] = out16

    stage(0, 0)
    fire(0, 0)
    stage(1, 1)

    def outer(i, carry):
        for p in range(2):
            c = 2 * i + p
            drain(c, p)

            @pl.when(c + 1 < NCHUNK)
            def _fire_next():
                fire(c + 1, 1 - p)

            compute(c, p)

            @pl.when(c + 2 < NCHUNK)
            def _stage_next():
                stage(c + 2, p)
        return carry

    lax.fori_loop(0, NCHUNK // 2, outer, 0)
    pltpu.sync_copy(out_v, out.at[pl.ds(base_row, ROWS_PER_W), :])


@jax.jit
def kernel(x, emb_table, W, b):
    x_flat = x.reshape(-1).astype(jnp.int32)
    table_pad = jnp.pad(emb_table, ((0, 0), (0, 128 - EMB)))
    table16 = table_pad.reshape(-1, 16)
    uidx = (x_flat[:, None] * 8
            + jnp.arange(4, dtype=jnp.int32)).reshape(-1)

    w3 = W.reshape(NOUT, ENC, EMB).transpose(1, 0, 2)
    v012 = w3[:, :, :48].reshape(ENC, NOUT, 3, 16).transpose(0, 2, 1, 3)
    tail = jnp.concatenate(
        [jnp.zeros((ENC, NOUT, 14), jnp.float32), w3[:, :, 48:]], axis=-1)
    w_arr = jnp.concatenate([v012, tail[:, None]], axis=1)
    w_arr = w_arr.reshape(ENC * 4 * NOUT, 16)
    b16 = jnp.concatenate([b, jnp.zeros((16 - NOUT,), jnp.float32)])

    mesh = plsc.VectorSubcoreMesh(core_axis_name="c", subcore_axis_name="s")
    run = pl.kernel(
        _sc_body,
        out_type=jax.ShapeDtypeStruct((B, 16), jnp.float32),
        mesh=mesh,
        compiler_params=pltpu.CompilerParams(
            needs_layout_passes=False, use_tc_tiling_on_sc=False,
            disable_bounds_checks=True),
        scratch_types=[
            pltpu.VMEM((2, UNITS), jnp.int32),
            pltpu.VMEM((2, UNITS, 16), jnp.float32),
            pltpu.VMEM((ENC * 4 * NOUT, 16), jnp.float32),
            pltpu.VMEM((16,), jnp.float32),
            pltpu.VMEM((ROWS_PER_W, 16), jnp.float32),
            pltpu.SemaphoreType.DMA,
            pltpu.SemaphoreType.DMA,
        ],
    )
    return run(uidx, table16, w_arr, b16)[:, :NOUT]

# --- scband reference (transcript-rebuilt; emitter-appended) ---
"""Pipeline reference for scband-neural-network-79998060855441 (READ-ONLY COPY).

The authoritative reference and input builder live on the scoring server;
editing this copy changes nothing except your own understanding.
"""

import jax, jax.numpy as jnp
import numpy as np

VOCAB = 1000000
ENC = 50
EMB = 50
BATCH = 16384

def setup_inputs(seed: int = 0) -> dict:
    key = jax.random.key(seed)
    k1, k2, k3, k4 = jax.random.split(key, 4)
    x = jax.random.randint(k1, (BATCH, ENC), 0, VOCAB, dtype=jnp.int64)
    emb_table = jax.random.normal(k2, (VOCAB, EMB), dtype=jnp.float32)
    # torch nn.Linear(in=ENC*EMB, out=3): weight [3, ENC*EMB], bias [3]
    fan_in = ENC * EMB
    bound = 1.0 / np.sqrt(fan_in)
    W = jax.random.uniform(k3, (3, fan_in), dtype=jnp.float32, minval=-bound, maxval=bound)
    b = jax.random.uniform(k4, (3,), dtype=jnp.float32, minval=-bound, maxval=bound)
    return {"x": x, "emb_table": emb_table, "W": W, "b": b}

def reference(x, emb_table, W, b):
    # embedding lookup (SparseCore gather)
    e = jnp.take(emb_table, x, axis=0)          # [B, ENC, EMB]
    flat = e.reshape(e.shape[0], -1)            # [B, ENC*EMB]
    out = flat @ W.T + b                        # [B, 3]
    return out

if __name__ == "__main__":
    import jax
    _d = setup_inputs()
    print(jax.jit(kernel)(*tuple(_d.values())))

</pallas_src>

<mosaic_0001>
#map = affine_map<(d0, d1) -> (0)>
#map1 = affine_map<(d0, d1) -> (0, 0)>
module attributes {stable_mosaic.version = 14 : i64} {
  func.func @_sc_body(%arg0: i32, %arg1: i32, %arg2: memref<3276800xi32, #tpu.memory_space<hbm>>, %arg3: memref<8000000x16xf32, #tpu.memory_space<hbm>>, %arg4: memref<600x16xf32, #tpu.memory_space<hbm>>, %arg5: memref<16xf32, #tpu.memory_space<hbm>>, %arg6: memref<16384x16xf32, #tpu.memory_space<hbm>>, %arg7: memref<2x1600xi32, #tpu.memory_space<vmem>>, %arg8: memref<2x1600x16xf32, #tpu.memory_space<vmem>>, %arg9: memref<600x16xf32, #tpu.memory_space<vmem>>, %arg10: memref<16xf32, #tpu.memory_space<vmem>>, %arg11: memref<512x16xf32, #tpu.memory_space<vmem>>, %arg12: memref<!tpu.dma_semaphore, #tpu.memory_space<semaphore_mem>>, %arg13: memref<!tpu.dma_semaphore, #tpu.memory_space<semaphore_mem>>) attributes {dimension_semantics = [#tpu.dimension_semantics<core_parallel>, #tpu.dimension_semantics<subcore_parallel>], iteration_bounds = array<i64: 2, 16>, scalar_prefetch = 0 : i64, scratch_operands = 7 : i64, tpu.core_type = #tpu.core_type<sc_vector_subcore>, window_params = [{transform_indices = #map}, {transform_indices = #map1}, {transform_indices = #map1}, {transform_indices = #map}, {transform_indices = #map1}]} {
    %mul3A = arith.constant 2 : i32
    %mul3A_0 = arith.muli %arg1, %mul3A : i32
    %add3A = arith.addi %mul3A_0, %arg0 : i32
    %mul3A_1 = arith.constant 512 : i32
    %mul3A_2 = arith.muli %add3A, %mul3A_1 : i32
    "tpu.region"() ({
      %run_scoped3A_176 = tpu.sem_alloc : memref<!tpu.dma_semaphore, #tpu.memory_space<semaphore_mem>>
      tpu.enqueue_dma source(%arg4 : memref<600x16xf32, #tpu.memory_space<hbm>>) target(%arg9 : memref<600x16xf32, #tpu.memory_space<vmem>>) target_semaphore(%run_scoped3A_176 : memref<!tpu.dma_semaphore, #tpu.memory_space<semaphore_mem>>)
      tpu.wait_dma2 semaphore(%run_scoped3A_176 : memref<!tpu.dma_semaphore, #tpu.memory_space<semaphore_mem>>) src(%arg4 : memref<600x16xf32, #tpu.memory_space<hbm>>) dst(%arg9 : memref<600x16xf32, #tpu.memory_space<vmem>>)
      tpu.yield
    }) : () -> ()
    "tpu.region"() ({
      %run_scoped3A_176 = tpu.sem_alloc : memref<!tpu.dma_semaphore, #tpu.memory_space<semaphore_mem>>
      tpu.enqueue_dma source(%arg5 : memref<16xf32, #tpu.memory_space<hbm>>) target(%arg10 : memref<16xf32, #tpu.memory_space<vmem>>) target_semaphore(%run_scoped3A_176 : memref<!tpu.dma_semaphore, #tpu.memory_space<semaphore_mem>>)
      tpu.wait_dma2 semaphore(%run_scoped3A_176 : memref<!tpu.dma_semaphore, #tpu.memory_space<semaphore_mem>>) src(%arg5 : memref<16xf32, #tpu.memory_space<hbm>>) dst(%arg10 : memref<16xf32, #tpu.memory_space<vmem>>)
      tpu.yield
    }) : () -> ()
    %mul3A_3 = arith.constant 64 : i32
    %mul3A_4 = arith.muli %add3A, %mul3A_3 : i32
    %add3A_5 = arith.constant 0 : i32
    %add3A_6 = arith.addi %mul3A_4, %add3A_5 : i32
    %mul3A_7 = arith.constant 1600 : i32
    %mul3A_8 = arith.muli %add3A_6, %mul3A_7 : i32
    %run_scoped3A = arith.constant 0 : i32
    "tpu.region"() ({
      %run_scoped3A_176 = tpu.sem_alloc : memref<!tpu.dma_semaphore, #tpu.memory_space<semaphore_mem>>
      %dma_start3A_177 = arith.constant 0 : i32
      %dma_start3A_178 = tpu.memref_slice %arg7[%run_scoped3A, %dma_start3A_177] : memref<2x1600xi32, #tpu.memory_space<vmem>> -> memref<1x1600xi32, #tpu.memory_space<vmem>>
      %dma_start3A_179 = tpu.memref_squeeze %dma_start3A_178 : memref<1x1600xi32, #tpu.memory_space<vmem>> -> memref<1600xi32, #tpu.memory_space<vmem>>
      %dma_start3A_180 = tpu.memref_slice %arg2[%mul3A_8] : memref<3276800xi32, #tpu.memory_space<hbm>> -> memref<1600xi32, #tpu.memory_space<hbm>>
      %dma_start3A_181 = arith.constant 0 : i32
      %dma_start3A_182 = tpu.memref_slice %arg7[%run_scoped3A, %dma_start3A_181] : memref<2x1600xi32, #tpu.memory_space<vmem>> -> memref<1x1600xi32, #tpu.memory_space<vmem>>
      %dma_start3A_183 = tpu.memref_squeeze %dma_start3A_182 : memref<1x1600xi32, #tpu.memory_space<vmem>> -> memref<1600xi32, #tpu.memory_space<vmem>>
      %dma_start3A_184 = tpu.memref_slice %arg2[%mul3A_8] : memref<3276800xi32, #tpu.memory_space<hbm>> -> memref<1600xi32, #tpu.memory_space<hbm>>
      tpu.enqueue_dma source(%dma_start3A_184 : memref<1600xi32, #tpu.memory_space<hbm>>) target(%dma_start3A_183 : memref<1600xi32, #tpu.memory_space<vmem>>) target_semaphore(%run_scoped3A_176 : memref<!tpu.dma_semaphore, #tpu.memory_space<semaphore_mem>>)
      %dma_wait3A = arith.constant 0 : i32
      %dma_wait3A_185 = tpu.memref_slice %arg7[%run_scoped3A, %dma_wait3A] : memref<2x1600xi32, #tpu.memory_space<vmem>> -> memref<1x1600xi32, #tpu.memory_space<vmem>>
      %dma_wait3A_186 = tpu.memref_squeeze %dma_wait3A_185 : memref<1x1600xi32, #tpu.memory_space<vmem>> -> memref<1600xi32, #tpu.memory_space<vmem>>
      %dma_wait3A_187 = tpu.memref_slice %arg2[%mul3A_8] : memref<3276800xi32, #tpu.memory_space<hbm>> -> memref<1600xi32, #tpu.memory_space<hbm>>
      %dma_wait3A_188 = arith.constant 0 : i32
      %dma_wait3A_189 = tpu.memref_slice %arg7[%run_scoped3A, %dma_wait3A_188] : memref<2x1600xi32, #tpu.memory_space<vmem>> -> memref<1x1600xi32, #tpu.memory_space<vmem>>
      %dma_wait3A_190 = tpu.memref_squeeze %dma_wait3A_189 : memref<1x1600xi32, #tpu.memory_space<vmem>> -> memref<1600xi32, #tpu.memory_space<vmem>>
      %dma_wait3A_191 = tpu.memref_slice %arg2[%mul3A_8] : memref<3276800xi32, #tpu.memory_space<hbm>> -> memref<1600xi32, #tpu.memory_space<hbm>>
      tpu.wait_dma2 semaphore(%run_scoped3A_176 : memref<!tpu.dma_semaphore, #tpu.memory_space<semaphore_mem>>) src(%dma_wait3A_191 : memref<1600xi32, #tpu.memory_space<hbm>>) dst(%dma_wait3A_190 : memref<1600xi32, #tpu.memory_space<vmem>>)
      tpu.yield
    }) : () -> ()
    %dma_start3A = arith.constant 0 : i32
    %dma_start3A_9 = arith.constant 0 : i32
    %dma_start3A_10 = arith.constant 0 : i32
    %dma_start3A_11 = arith.constant 0 : i32
    %dma_start3A_12 = tpu.memref_slice %arg8[%dma_start3A_9, %dma_start3A_10, %dma_start3A_11] : memref<2x1600x16xf32, #tpu.memory_space<vmem>> -> memref<1x128x16xf32, #tpu.memory_space<vmem>>
    %dma_start3A_13 = tpu.memref_squeeze %dma_start3A_12 : memref<1x128x16xf32, #tpu.memory_space<vmem>> -> memref<128x16xf32, #tpu.memory_space<vmem>>
    %dma_start3A_14 = arith.constant 0 : i32
    %dma_start3A_15 = tpu.memref_slice %arg7[%dma_start3A, %dma_start3A_14] : memref<2x1600xi32, #tpu.memory_space<vmem>> -> memref<1x128xi32, #tpu.memory_space<vmem>>
    %dma_start3A_16 = tpu.memref_squeeze %dma_start3A_15 : memref<1x128xi32, #tpu.memory_space<vmem>> -> memref<128xi32, #tpu.memory_space<vmem>>
    %dma_start3A_17 = arith.constant 0 : i32
    %dma_start3A_18 = arith.constant 0 : i32
    %dma_start3A_19 = tpu.memref_slice %arg3[%dma_start3A_17, %dma_start3A_18] : memref<8000000x16xf32, #tpu.memory_space<hbm>> -> memref<8000000x16xf32, #tpu.memory_space<hbm>>
    tpu.enqueue_indirect_dma source(%dma_start3A_19 : memref<8000000x16xf32, #tpu.memory_space<hbm>>) target(%dma_start3A_13 : memref<128x16xf32, #tpu.memory_space<vmem>>) offsets(%dma_start3A_16 : memref<128xi32, #tpu.memory_space<vmem>>) semaphore(%arg12 : memref<!tpu.dma_semaphore, #tpu.memory_space<semaphore_mem>>)
    %dma_start3A_20 = arith.constant 0 : i32
    %dma_start3A_21 = arith.constant 0 : i32
    %dma_start3A_22 = arith.constant 128 : i32
    %dma_start3A_23 = arith.constant 0 : i32
    %dma_start3A_24 = tpu.memref_slice %arg8[%dma_start3A_21, %dma_start3A_22, %dma_start3A_23] : memref<2x1600x16xf32, #tpu.memory_space<vmem>> -> memref<1x128x16xf32, #tpu.memory_space<vmem>>
    %dma_start3A_25 = tpu.memref_squeeze %dma_start3A_24 : memref<1x128x16xf32, #tpu.memory_space<vmem>> -> memref<128x16xf32, #tpu.memory_space<vmem>>
    %dma_start3A_26 = arith.constant 128 : i32
    %dma_start3A_27 = tpu.memref_slice %arg7[%dma_start3A_20, %dma_start3A_26] : memref<2x1600xi32, #tpu.memory_space<vmem>> -> memref<1x128xi32, #tpu.memory_space<vmem>>
    %dma_start3A_28 = tpu.memref_squeeze %dma_start3A_27 : memref<1x128xi32, #tpu.memory_space<vmem>> -> memref<128xi32, #tpu.memory_space<vmem>>
    %dma_start3A_29 = arith.constant 0 : i32
    %dma_start3A_30 = arith.constant 0 : i32
    %dma_start3A_31 = tpu.memref_slice %arg3[%dma_start3A_29, %dma_start3A_30] : memref<8000000x16xf32, #tpu.memory_space<hbm>> -> memref<8000000x16xf32, #tpu.memory_space<hbm>>
    tpu.enqueue_indirect_dma source(%dma_start3A_31 : memref<8000000x16xf32, #tpu.memory_space<hbm>>) target(%dma_start3A_25 : memref<128x16xf32, #tpu.memory_space<vmem>>) offsets(%dma_start3A_28 : memref<128xi32, #tpu.memory_space<vmem>>) semaphore(%arg12 : memref<!tpu.dma_semaphore, #tpu.memory_space<semaphore_mem>>)
    %dma_start3A_32 = arith.constant 0 : i32
    %dma_start3A_33 = arith.constant 0 : i32
    %dma_start3A_34 = arith.constant 256 : i32
    %dma_start3A_35 = arith.constant 0 : i32
    %dma_start3A_36 = tpu.memref_slice %arg8[%dma_start3A_33, %dma_start3A_34, %dma_start3A_35] : memref<2x1600x16xf32, #tpu.memory_space<vmem>> -> memref<1x128x16xf32, #tpu.memory_space<vmem>>
    %dma_start3A_37 = tpu.memref_squeeze %dma_start3A_36 : memref<1x128x16xf32, #tpu.memory_space<vmem>> -> memref<128x16xf32, #tpu.memory_space<vmem>>
    %dma_start3A_38 = arith.constant 256 : i32
    %dma_start3A_39 = tpu.memref_slice %arg7[%dma_start3A_32, %dma_start3A_38] : memref<2x1600xi32, #tpu.memory_space<vmem>> -> memref<1x128xi32, #tpu.memory_space<vmem>>
    %dma_start3A_40 = tpu.memref_squeeze %dma_start3A_39 : memref<1x128xi32, #tpu.memory_space<vmem>> -> memref<128xi32, #tpu.memory_space<vmem>>
    %dma_start3A_41 = arith.constant 0 : i32
    %dma_start3A_42 = arith.constant 0 : i32
    %dma_start3A_43 = tpu.memref_slice %arg3[%dma_start3A_41, %dma_start3A_42] : memref<8000000x16xf32, #tpu.memory_space<hbm>> -> memref<8000000x16xf32, #tpu.memory_space<hbm>>
    tpu.enqueue_indirect_dma source(%dma_start3A_43 : memref<8000000x16xf32, #tpu.memory_space<hbm>>) target(%dma_start3A_37 : memref<128x16xf32, #tpu.memory_space<vmem>>) offsets(%dma_start3A_40 : memref<128xi32, #tpu.memory_space<vmem>>) semaphore(%arg12 : memref<!tpu.dma_semaphore, #tpu.memory_space<semaphore_mem>>)
    %dma_start3A_44 = arith.constant 0 : i32
    %dma_start3A_45 = arith.constant 0 : i32
    %dma_start3A_46 = arith.constant 384 : i32
    %dma_start3A_47 = arith.constant 0 : i32
    %dma_start3A_48 = tpu.memref_slice %arg8[%dma_start3A_45, %dma_start3A_46, %dma_start3A_47] : memref<2x1600x16xf32, #tpu.memory_space<vmem>> -> memref<1x128x16xf32, #tpu.memory_space<vmem>>
    %dma_start3A_49 = tpu.memref_squeeze %dma_start3A_48 : memref<1x128x16xf32, #tpu.memory_space<vmem>> -> memref<128x16xf32, #tpu.memory_space<vmem>>
    %dma_start3A_50 = arith.constant 384 : i32
    %dma_start3A_51 = tpu.memref_slice %arg7[%dma_start3A_44, %dma_start3A_50] : memref<2x1600xi32, #tpu.memory_space<vmem>> -> memref<1x128xi32, #tpu.memory_space<vmem>>
    %dma_start3A_52 = tpu.memref_squeeze %dma_start3A_51 : memref<1x128xi32, #tpu.memory_space<vmem>> -> memref<128xi32, #tpu.memory_space<vmem>>
    %dma_start3A_53 = arith.constant 0 : i32
    %dma_start3A_54 = arith.constant 0 : i32
    %dma_start3A_55 = tpu.memref_slice %arg3[%dma_start3A_53, %dma_start3A_54] : memref<8000000x16xf32, #tpu.memory_space<hbm>> -> memref<8000000x16xf32, #tpu.memory_space<hbm>>
    tpu.enqueue_indirect_dma source(%dma_start3A_55 : memref<8000000x16xf32, #tpu.memory_space<hbm>>) target(%dma_start3A_49 : memref<128x16xf32, #tpu.memory_space<vmem>>) offsets(%dma_start3A_52 : memref<128xi32, #tpu.memory_space<vmem>>) semaphore(%arg12 : memref<!tpu.dma_semaphore, #tpu.memory_space<semaphore_mem>>)
    %dma_start3A_56 = arith.constant 0 : i32
    %dma_start3A_57 = arith.constant 0 : i32
    %dma_start3A_58 = arith.constant 512 : i32
    %dma_start3A_59 = arith.constant 0 : i32
    %dma_start3A_60 = tpu.memref_slice %arg8[%dma_start3A_57, %dma_start3A_58, %dma_start3A_59] : memref<2x1600x16xf32, #tpu.memory_space<vmem>> -> memref<1x128x16xf32, #tpu.memory_space<vmem>>
    %dma_start3A_61 = tpu.memref_squeeze %dma_start3A_60 : memref<1x128x16xf32, #tpu.memory_space<vmem>> -> memref<128x16xf32, #tpu.memory_space<vmem>>
    %dma_start3A_62 = arith.constant 512 : i32
    %dma_start3A_63 = tpu.memref_slice %arg7[%dma_start3A_56, %dma_start3A_62] : memref<2x1600xi32, #tpu.memory_space<vmem>> -> memref<1x128xi32, #tpu.memory_space<vmem>>
    %dma_start3A_64 = tpu.memref_squeeze %dma_start3A_63 : memref<1x128xi32, #tpu.memory_space<vmem>> -> memref<128xi32, #tpu.memory_space<vmem>>
    %dma_start3A_65 = arith.constant 0 : i32
    %dma_start3A_66 = arith.constant 0 : i32
    %dma_start3A_67 = tpu.memref_slice %arg3[%dma_start3A_65, %dma_start3A_66] : memref<8000000x16xf32, #tpu.memory_space<hbm>> -> memref<8000000x16xf32, #tpu.memory_space<hbm>>
    tpu.enqueue_indirect_dma source(%dma_start3A_67 : memref<8000000x16xf32, #tpu.memory_space<hbm>>) target(%dma_start3A_61 : memref<128x16xf32, #tpu.memory_space<vmem>>) offsets(%dma_start3A_64 : memref<128xi32, #tpu.memory_space<vmem>>) semaphore(%arg12 : memref<!tpu.dma_semaphore, #tpu.memory_space<semaphore_mem>>)
    %dma_start3A_68 = arith.constant 0 : i32
    %dma_start3A_69 = arith.constant 0 : i32
    %dma_start3A_70 = arith.constant 640 : i32
    %dma_start3A_71 = arith.constant 0 : i32
    %dma_start3A_72 = tpu.memref_slice %arg8[%dma_start3A_69, %dma_start3A_70, %dma_start3A_71] : memref<2x1600x16xf32, #tpu.memory_space<vmem>> -> memref<1x128x16xf32, #tpu.memory_space<vmem>>
    %dma_start3A_73 = tpu.memref_squeeze %dma_start3A_72 : memref<1x128x16xf32, #tpu.memory_space<vmem>> -> memref<128x16xf32, #tpu.memory_space<vmem>>
    %dma_start3A_74 = arith.constant 640 : i32
    %dma_start3A_75 = tpu.memref_slice %arg7[%dma_start3A_68, %dma_start3A_74] : memref<2x1600xi32, #tpu.memory_space<vmem>> -> memref<1x128xi32, #tpu.memory_space<vmem>>
    %dma_start3A_76 = tpu.memref_squeeze %dma_start3A_75 : memref<1x128xi32, #tpu.memory_space<vmem>> -> memref<128xi32, #tpu.memory_space<vmem>>
    %dma_start3A_77 = arith.constant 0 : i32
    %dma_start3A_78 = arith.constant 0 : i32
    %dma_start3A_79 = tpu.memref_slice %arg3[%dma_start3A_77, %dma_start3A_78] : memref<8000000x16xf32, #tpu.memory_space<hbm>> -> memref<8000000x16xf32, #tpu.memory_space<hbm>>
    tpu.enqueue_indirect_dma source(%dma_start3A_79 : memref<8000000x16xf32, #tpu.memory_space<hbm>>) target(%dma_start3A_73 : memref<128x16xf32, #tpu.memory_space<vmem>>) offsets(%dma_start3A_76 : memref<128xi32, #tpu.memory_space<vmem>>) semaphore(%arg12 : memref<!tpu.dma_semaphore, #tpu.memory_space<semaphore_mem>>)
    %dma_start3A_80 = arith.constant 0 : i32
    %dma_start3A_81 = arith.constant 0 : i32
    %dma_start3A_82 = arith.constant 768 : i32
    %dma_start3A_83 = arith.constant 0 : i32
    %dma_start3A_84 = tpu.memref_slice %arg8[%dma_start3A_81, %dma_start3A_82, %dma_start3A_83] : memref<2x1600x16xf32, #tpu.memory_space<vmem>> -> memref<1x128x16xf32, #tpu.memory_space<vmem>>
    %dma_start3A_85 = tpu.memref_squeeze %dma_start3A_84 : memref<1x128x16xf32, #tpu.memory_space<vmem>> -> memref<128x16xf32, #tpu.memory_space<vmem>>
    %dma_start3A_86 = arith.constant 768 : i32
    %dma_start3A_87 = tpu.memref_slice %arg7[%dma_start3A_80, %dma_start3A_86] : memref<2x1600xi32, #tpu.memory_space<vmem>> -> memref<1x128xi32, #tpu.memory_space<vmem>>
    %dma_start3A_88 = tpu.memref_squeeze %dma_start3A_87 : memref<1x128xi32, #tpu.memory_space<vmem>> -> memref<128xi32, #tpu.memory_space<vmem>>
    %dma_start3A_89 = arith.constant 0 : i32
    %dma_start3A_90 = arith.constant 0 : i32
    %dma_start3A_91 = tpu.memref_slice %arg3[%dma_start3A_89, %dma_start3A_90] : memref<8000000x16xf32, #tpu.memory_space<hbm>> -> memref<8000000x16xf32, #tpu.memory_space<hbm>>
    tpu.enqueue_indirect_dma source(%dma_start3A_91 : memref<8000000x16xf32, #tpu.memory_space<hbm>>) target(%dma_start3A_85 : memref<128x16xf32, #tpu.memory_space<vmem>>) offsets(%dma_start3A_88 : memref<128xi32, #tpu.memory_space<vmem>>) semaphore(%arg12 : memref<!tpu.dma_semaphore, #tpu.memory_space<semaphore_mem>>)
    %dma_start3A_92 = arith.constant 0 : i32
    %dma_start3A_93 = arith.constant 0 : i32
    %dma_start3A_94 = arith.constant 896 : i32
    %dma_start3A_95 = arith.constant 0 : i32
    %dma_start3A_96 = tpu.memref_slice %arg8[%dma_start3A_93, %dma_start3A_94, %dma_start3A_95] : memref<2x1600x16xf32, #tpu.memory_space<vmem>> -> memref<1x128x16xf32, #tpu.memory_space<vmem>>
    %dma_start3A_97 = tpu.memref_squeeze %dma_start3A_96 : memref<1x128x16xf32, #tpu.memory_space<vmem>> -> memref<128x16xf32, #tpu.memory_space<vmem>>
    %dma_start3A_98 = arith.constant 896 : i32
    %dma_start3A_99 = tpu.memref_slice %arg7[%dma_start3A_92, %dma_start3A_98] : memref<2x1600xi32, #tpu.memory_space<vmem>> -> memref<1x128xi32, #tpu.memory_space<vmem>>
    %dma_start3A_100 = tpu.memref_squeeze %dma_start3A_99 : memref<1x128xi32, #tpu.memory_space<vmem>> -> memref<128xi32, #tpu.memory_space<vmem>>
    %dma_start3A_101 = arith.constant 0 : i32
    %dma_start3A_102 = arith.constant 0 : i32
    %dma_start3A_103 = tpu.memref_slice %arg3[%dma_start3A_101, %dma_start3A_102] : memref<8000000x16xf32, #tpu.memory_space<hbm>> -> memref<8000000x16xf32, #tpu.memory_space<hbm>>
    tpu.enqueue_indirect_dma source(%dma_start3A_103 : memref<8000000x16xf32, #tpu.memory_space<hbm>>) target(%dma_start3A_97 : memref<128x16xf32, #tpu.memory_space<vmem>>) offsets(%dma_start3A_100 : memref<128xi32, #tpu.memory_space<vmem>>) semaphore(%arg12 : memref<!tpu.dma_semaphore, #tpu.memory_space<semaphore_mem>>)
    %dma_start3A_104 = arith.constant 0 : i32
    %dma_start3A_105 = arith.constant 0 : i32
    %dma_start3A_106 = arith.constant 1024 : i32
    %dma_start3A_107 = arith.constant 0 : i32
    %dma_start3A_108 = tpu.memref_slice %arg8[%dma_start3A_105, %dma_start3A_106, %dma_start3A_107] : memref<2x1600x16xf32, #tpu.memory_space<vmem>> -> memref<1x128x16xf32, #tpu.memory_space<vmem>>
    %dma_start3A_109 = tpu.memref_squeeze %dma_start3A_108 : memref<1x128x16xf32, #tpu.memory_space<vmem>> -> memref<128x16xf32, #tpu.memory_space<vmem>>
    %dma_start3A_110 = arith.constant 1024 : i32
    %dma_start3A_111 = tpu.memref_slice %arg7[%dma_start3A_104, %dma_start3A_110] : memref<2x1600xi32, #tpu.memory_space<vmem>> -> memref<1x128xi32, #tpu.memory_space<vmem>>
    %dma_start3A_112 = tpu.memref_squeeze %dma_start3A_111 : memref<1x128xi32, #tpu.memory_space<vmem>> -> memref<128xi32, #tpu.memory_space<vmem>>
    %dma_start3A_113 = arith.constant 0 : i32
    %dma_start3A_114 = arith.constant 0 : i32
    %dma_start3A_115 = tpu.memref_slice %arg3[%dma_start3A_113, %dma_start3A_114] : memref<8000000x16xf32, #tpu.memory_space<hbm>> -> memref<8000000x16xf32, #tpu.memory_space<hbm>>
    tpu.enqueue_indirect_dma source(%dma_start3A_115 : memref<8000000x16xf32, #tpu.memory_space<hbm>>) target(%dma_start3A_109 : memref<128x16xf32, #tpu.memory_space<vmem>>) offsets(%dma_start3A_112 : memref<128xi32, #tpu.memory_space<vmem>>) semaphore(%arg12 : memref<!tpu.dma_semaphore, #tpu.memory_space<semaphore_mem>>)
    %dma_start3A_116 = arith.constant 0 : i32
    %dma_start3A_117 = arith.constant 0 : i32
    %dma_start3A_118 = arith.constant 1152 : i32
    %dma_start3A_119 = arith.constant 0 : i32
    %dma_start3A_120 = tpu.memref_slice %arg8[%dma_start3A_117, %dma_start3A_118, %dma_start3A_119] : memref<2x1600x16xf32, #tpu.memory_space<vmem>> -> memref<1x128x16xf32, #tpu.memory_space<vmem>>
    %dma_start3A_121 = tpu.memref_squeeze %dma_start3A_120 : memref<1x128x16xf32, #tpu.memory_space<vmem>> -> memref<128x16xf32, #tpu.memory_space<vmem>>
    %dma_start3A_122 = arith.constant 1152 : i32
    %dma_start3A_123 = tpu.memref_slice %arg7[%dma_start3A_116, %dma_start3A_122] : memref<2x1600xi32, #tpu.memory_space<vmem>> -> memref<1x128xi32, #tpu.memory_space<vmem>>
    %dma_start3A_124 = tpu.memref_squeeze %dma_start3A_123 : memref<1x128xi32, #tpu.memory_space<vmem>> -> memref<128xi32, #tpu.memory_space<vmem>>
    %dma_start3A_125 = arith.constant 0 : i32
    %dma_start3A_126 = arith.constant 0 : i32
    %dma_start3A_127 = tpu.memref_slice %arg3[%dma_start3A_125, %dma_start3A_126] : memref<8000000x16xf32, #tpu.memory_space<hbm>> -> memref<8000000x16xf32, #tpu.memory_space<hbm>>
    tpu.enqueue_indirect_dma source(%dma_start3A_127 : memref<8000000x16xf32, #tpu.memory_space<hbm>>) target(%dma_start3A_121 : memref<128x16xf32, #tpu.memory_space<vmem>>) offsets(%dma_start3A_124 : memref<128xi32, #tpu.memory_space<vmem>>) semaphore(%arg12 : memref<!tpu.dma_semaphore, #tpu.memory_space<semaphore_mem>>)
    %dma_start3A_128 = arith.constant 0 : i32
    %dma_start3A_129 = arith.constant 0 : i32
    %dma_start3A_130 = arith.constant 1280 : i32
    %dma_start3A_131 = arith.constant 0 : i32
    %dma_start3A_132 = tpu.memref_slice %arg8[%dma_start3A_129, %dma_start3A_130, %dma_start3A_131] : memref<2x1600x16xf32, #tpu.memory_space<vmem>> -> memref<1x128x16xf32, #tpu.memory_space<vmem>>
    %dma_start3A_133 = tpu.memref_squeeze %dma_start3A_132 : memref<1x128x16xf32, #tpu.memory_space<vmem>> -> memref<128x16xf32, #tpu.memory_space<vmem>>
    %dma_start3A_134 = arith.constant 1280 : i32
    %dma_start3A_135 = tpu.memref_slice %arg7[%dma_start3A_128, %dma_start3A_134] : memref<2x1600xi32, #tpu.memory_space<vmem>> -> memref<1x128xi32, #tpu.memory_space<vmem>>
    %dma_start3A_136 = tpu.memref_squeeze %dma_start3A_135 : memref<1x128xi32, #tpu.memory_space<vmem>> -> memref<128xi32, #tpu.memory_space<vmem>>
    %dma_start3A_137 = arith.constant 0 : i32
    %dma_start3A_138 = arith.constant 0 : i32
    %dma_start3A_139 = tpu.memref_slice %arg3[%dma_start3A_137, %dma_start3A_138] : memref<8000000x16xf32, #tpu.memory_space<hbm>> -> memref<8000000x16xf32, #tpu.memory_space<hbm>>
    tpu.enqueue_indirect_dma source(%dma_start3A_139 : memref<8000000x16xf32, #tpu.memory_space<hbm>>) target(%dma_start3A_133 : memref<128x16xf32, #tpu.memory_space<vmem>>) offsets(%dma_start3A_136 : memref<128xi32, #tpu.memory_space<vmem>>) semaphore(%arg12 : memref<!tpu.dma_semaphore, #tpu.memory_space<semaphore_mem>>)
    %dma_start3A_140 = arith.constant 0 : i32
    %dma_start3A_141 = arith.constant 0 : i32
    %dma_start3A_142 = arith.constant 1408 : i32
    %dma_start3A_143 = arith.constant 0 : i32
    %dma_start3A_144 = tpu.memref_slice %arg8[%dma_start3A_141, %dma_start3A_142, %dma_start3A_143] : memref<2x1600x16xf32, #tpu.memory_space<vmem>> -> memref<1x128x16xf32, #tpu.memory_space<vmem>>
    %dma_start3A_145 = tpu.memref_squeeze %dma_start3A_144 : memref<1x128x16xf32, #tpu.memory_space<vmem>> -> memref<128x16xf32, #tpu.memory_space<vmem>>
    %dma_start3A_146 = arith.constant 1408 : i32
    %dma_start3A_147 = tpu.memref_slice %arg7[%dma_start3A_140, %dma_start3A_146] : memref<2x1600xi32, #tpu.memory_space<vmem>> -> memref<1x128xi32, #tpu.memory_space<vmem>>
    %dma_start3A_148 = tpu.memref_squeeze %dma_start3A_147 : memref<1x128xi32, #tpu.memory_space<vmem>> -> memref<128xi32, #tpu.memory_space<vmem>>
    %dma_start3A_149 = arith.constant 0 : i32
    %dma_start3A_150 = arith.constant 0 : i32
    %dma_start3A_151 = tpu.memref_slice %arg3[%dma_start3A_149, %dma_start3A_150] : memref<8000000x16xf32, #tpu.memory_space<hbm>> -> memref<8000000x16xf32, #tpu.memory_space<hbm>>
    tpu.enqueue_indirect_dma source(%dma_start3A_151 : memref<8000000x16xf32, #tpu.memory_space<hbm>>) target(%dma_start3A_145 : memref<128x16xf32, #tpu.memory_space<vmem>>) offsets(%dma_start3A_148 : memref<128xi32, #tpu.memory_space<vmem>>) semaphore(%arg12 : memref<!tpu.dma_semaphore, #tpu.memory_space<semaphore_mem>>)
    %dma_start3A_152 = arith.constant 0 : i32
    %dma_start3A_153 = arith.constant 0 : i32
    %dma_start3A_154 = arith.constant 1536 : i32
    %dma_start3A_155 = arith.constant 0 : i32
    %dma_start3A_156 = tpu.memref_slice %arg8[%dma_start3A_153, %dma_start3A_154, %dma_start3A_155] : memref<2x1600x16xf32, #tpu.memory_space<vmem>> -> memref<1x64x16xf32, #tpu.memory_space<vmem>>
    %dma_start3A_157 = tpu.memref_squeeze %dma_start3A_156 : memref<1x64x16xf32, #tpu.memory_space<vmem>> -> memref<64x16xf32, #tpu.memory_space<vmem>>
    %dma_start3A_158 = arith.constant 1536 : i32
    %dma_start3A_159 = tpu.memref_slice %arg7[%dma_start3A_152, %dma_start3A_158] : memref<2x1600xi32, #tpu.memory_space<vmem>> -> memref<1x64xi32, #tpu.memory_space<vmem>>
    %dma_start3A_160 = tpu.memref_squeeze %dma_start3A_159 : memref<1x64xi32, #tpu.memory_space<vmem>> -> memref<64xi32, #tpu.memory_space<vmem>>
    %dma_start3A_161 = arith.constant 0 : i32
    %dma_start3A_162 = arith.constant 0 : i32
    %dma_start3A_163 = tpu.memref_slice %arg3[%dma_start3A_161, %dma_start3A_162] : memref<8000000x16xf32, #tpu.memory_space<hbm>> -> memref<8000000x16xf32, #tpu.memory_space<hbm>>
    tpu.enqueue_indirect_dma source(%dma_start3A_163 : memref<8000000x16xf32, #tpu.memory_space<hbm>>) target(%dma_start3A_157 : memref<64x16xf32, #tpu.memory_space<vmem>>) offsets(%dma_start3A_160 : memref<64xi32, #tpu.memory_space<vmem>>) semaphore(%arg12 : memref<!tpu.dma_semaphore, #tpu.memory_space<semaphore_mem>>)
    %mul3A_164 = arith.constant 64 : i32
    %mul3A_165 = arith.muli %add3A, %mul3A_164 : i32
    %add3A_166 = arith.constant 1 : i32
    %add3A_167 = arith.addi %mul3A_165, %add3A_166 : i32
    %mul3A_168 = arith.constant 1600 : i32
    %mul3A_169 = arith.muli %add3A_167, %mul3A_168 : i32
    %run_scoped3A_170 = arith.constant 1 : i32
    "tpu.region"() ({
      %run_scoped3A_176 = tpu.sem_alloc : memref<!tpu.dma_semaphore, #tpu.memory_space<semaphore_mem>>
      %dma_start3A_177 = arith.constant 0 : i32
      %dma_start3A_178 = tpu.memref_slice %arg7[%run_scoped3A_170, %dma_start3A_177] : memref<2x1600xi32, #tpu.memory_space<vmem>> -> memref<1x1600xi32, #tpu.memory_space<vmem>>
      %dma_start3A_179 = tpu.memref_squeeze %dma_start3A_178 : memref<1x1600xi32, #tpu.memory_space<vmem>> -> memref<1600xi32, #tpu.memory_space<vmem>>
      %dma_start3A_180 = tpu.memref_slice %arg2[%mul3A_169] : memref<3276800xi32, #tpu.memory_space<hbm>> -> memref<1600xi32, #tpu.memory_space<hbm>>
      %dma_start3A_181 = arith.constant 0 : i32
      %dma_start3A_182 = tpu.memref_slice %arg7[%run_scoped3A_170, %dma_start3A_181] : memref<2x1600xi32, #tpu.memory_space<vmem>> -> memref<1x1600xi32, #tpu.memory_space<vmem>>
      %dma_start3A_183 = tpu.memref_squeeze %dma_start3A_182 : memref<1x1600xi32, #tpu.memory_space<vmem>> -> memref<1600xi32, #tpu.memory_space<vmem>>
      %dma_start3A_184 = tpu.memref_slice %arg2[%mul3A_169] : memref<3276800xi32, #tpu.memory_space<hbm>> -> memref<1600xi32, #tpu.memory_space<hbm>>
      tpu.enqueue_dma source(%dma_start3A_184 : memref<1600xi32, #tpu.memory_space<hbm>>) target(%dma_start3A_183 : memref<1600xi32, #tpu.memory_space<vmem>>) target_semaphore(%run_scoped3A_176 : memref<!tpu.dma_semaphore, #tpu.memory_space<semaphore_mem>>)
      %dma_wait3A = arith.constant 0 : i32
      %dma_wait3A_185 = tpu.memref_slice %arg7[%run_scoped3A_170, %dma_wait3A] : memref<2x1600xi32, #tpu.memory_space<vmem>> -> memref<1x1600xi32, #tpu.memory_space<vmem>>
      %dma_wait3A_186 = tpu.memref_squeeze %dma_wait3A_185 : memref<1x1600xi32, #tpu.memory_space<vmem>> -> memref<1600xi32, #tpu.memory_space<vmem>>
      %dma_wait3A_187 = tpu.memref_slice %arg2[%mul3A_169] : memref<3276800xi32, #tpu.memory_space<hbm>> -> memref<1600xi32, #tpu.memory_space<hbm>>
      %dma_wait3A_188 = arith.constant 0 : i32
      %dma_wait3A_189 = tpu.memref_slice %arg7[%run_scoped3A_170, %dma_wait3A_188] : memref<2x1600xi32, #tpu.memory_space<vmem>> -> memref<1x1600xi32, #tpu.memory_space<vmem>>
      %dma_wait3A_190 = tpu.memref_squeeze %dma_wait3A_189 : memref<1x1600xi32, #tpu.memory_space<vmem>> -> memref<1600xi32, #tpu.memory_space<vmem>>
      %dma_wait3A_191 = tpu.memref_slice %arg2[%mul3A_169] : memref<3276800xi32, #tpu.memory_space<hbm>> -> memref<1600xi32, #tpu.memory_space<hbm>>
      tpu.wait_dma2 semaphore(%run_scoped3A_176 : memref<!tpu.dma_semaphore, #tpu.memory_space<semaphore_mem>>) src(%dma_wait3A_191 : memref<1600xi32, #tpu.memory_space<hbm>>) dst(%dma_wait3A_190 : memref<1600xi32, #tpu.memory_space<vmem>>)
      tpu.yield
    }) : () -> ()
    %scan3A = arith.constant 0 : i32
    %scan3A_171 = arith.constant 0 : i32
    %scan3A_172 = arith.constant 32 : i32
    %scan3A_173 = arith.addi %scan3A_171, %scan3A_172 : i32
    %scan3A_174 = arith.constant 1 : i32
    scf.for %scan3A_176 = %scan3A_171 to %scan3A_173 step %scan3A_174  : i32 {
      %mul3A_177 = arith.constant 2 : i32
      %mul3A_178 = arith.muli %mul3A_177, %scan3A_176 : i32
      %add3A_179 = arith.constant 0 : i32
      %add3A_180 = arith.addi %mul3A_178, %add3A_179 : i32
      %dma_wait3A = arith.constant 0 : i32
      %dma_wait3A_181 = arith.constant 0 : i32
      %dma_wait3A_182 = arith.constant 0 : i32
      %dma_wait3A_183 = arith.constant 0 : i32
      %dma_wait3A_184 = tpu.memref_slice %arg8[%dma_wait3A_181, %dma_wait3A_182, %dma_wait3A_183] : memref<2x1600x16xf32, #tpu.memory_space<vmem>> -> memref<1x128x16xf32, #tpu.memory_space<vmem>>
      %dma_wait3A_185 = tpu.memref_squeeze %dma_wait3A_184 : memref<1x128x16xf32, #tpu.memory_space<vmem>> -> memref<128x16xf32, #tpu.memory_space<vmem>>
      %dma_wait3A_186 = arith.constant 0 : i32
      %dma_wait3A_187 = tpu.memref_slice %arg7[%dma_wait3A, %dma_wait3A_186] : memref<2x1600xi32, #tpu.memory_space<vmem>> -> memref<1x128xi32, #tpu.memory_space<vmem>>
      %dma_wait3A_188 = tpu.memref_squeeze %dma_wait3A_187 : memref<1x128xi32, #tpu.memory_space<vmem>> -> memref<128xi32, #tpu.memory_space<vmem>>
      %dma_wait3A_189 = arith.constant 0 : i32
      %dma_wait3A_190 = arith.constant 0 : i32
      %dma_wait3A_191 = tpu.memref_slice %arg3[%dma_wait3A_189, %dma_wait3A_190] : memref<8000000x16xf32, #tpu.memory_space<hbm>> -> memref<8000000x16xf32, #tpu.memory_space<hbm>>
      tpu.wait_indirect_dma semaphore(%arg12 : memref<!tpu.dma_semaphore, #tpu.memory_space<semaphore_mem>>) src(%dma_wait3A_191 : memref<8000000x16xf32, #tpu.memory_space<hbm>>) dst(%dma_wait3A_185 : memref<128x16xf32, #tpu.memory_space<vmem>>)
      %dma_wait3A_192 = arith.constant 0 : i32
      %dma_wait3A_193 = arith.constant 0 : i32
      %dma_wait3A_194 = arith.constant 128 : i32
      %dma_wait3A_195 = arith.constant 0 : i32
      %dma_wait3A_196 = tpu.memref_slice %arg8[%dma_wait3A_193, %dma_wait3A_194, %dma_wait3A_195] : memref<2x1600x16xf32, #tpu.memory_space<vmem>> -> memref<1x128x16xf32, #tpu.memory_space<vmem>>
      %dma_wait3A_197 = tpu.memref_squeeze %dma_wait3A_196 : memref<1x128x16xf32, #tpu.memory_space<vmem>> -> memref<128x16xf32, #tpu.memory_space<vmem>>
      %dma_wait3A_198 = arith.constant 128 : i32
      %dma_wait3A_199 = tpu.memref_slice %arg7[%dma_wait3A_192, %dma_wait3A_198] : memref<2x1600xi32, #tpu.memory_space<vmem>> -> memref<1x128xi32, #tpu.memory_space<vmem>>
      %dma_wait3A_200 = tpu.memref_squeeze %dma_wait3A_199 : memref<1x128xi32, #tpu.memory_space<vmem>> -> memref<128xi32, #tpu.memory_space<vmem>>
      %dma_wait3A_201 = arith.constant 0 : i32
      %dma_wait3A_202 = arith.constant 0 : i32
      %dma_wait3A_203 = tpu.memref_slice %arg3[%dma_wait3A_201, %dma_wait3A_202] : memref<8000000x16xf32, #tpu.memory_space<hbm>> -> memref<8000000x16xf32, #tpu.memory_space<hbm>>
      tpu.wait_indirect_dma semaphore(%arg12 : memref<!tpu.dma_semaphore, #tpu.memory_space<semaphore_mem>>) src(%dma_wait3A_203 : memref<8000000x16xf32, #tpu.memory_space<hbm>>) dst(%dma_wait3A_197 : memref<128x16xf32, #tpu.memory_space<vmem>>)
      %dma_wait3A_204 = arith.constant 0 : i32
      %dma_wait3A_205 = arith.constant 0 : i32
      %dma_wait3A_206 = arith.constant 256 : i32
      %dma_wait3A_207 = arith.constant 0 : i32
      %dma_wait3A_208 = tpu.memref_slice %arg8[%dma_wait3A_205, %dma_wait3A_206, %dma_wait3A_207] : memref<2x1600x16xf32, #tpu.memory_space<vmem>> -> memref<1x128x16xf32, #tpu.memory_space<vmem>>
      %dma_wait3A_209 = tpu.memref_squeeze %dma_wait3A_208 : memref<1x128x16xf32, #tpu.memory_space<vmem>> -> memref<128x16xf32, #tpu.memory_space<vmem>>
      %dma_wait3A_210 = arith.constant 256 : i32
      %dma_wait3A_211 = tpu.memref_slice %arg7[%dma_wait3A_204, %dma_wait3A_210] : memref<2x1600xi32, #tpu.memory_space<vmem>> -> memref<1x128xi32, #tpu.memory_space<vmem>>
      %dma_wait3A_212 = tpu.memref_squeeze %dma_wait3A_211 : memref<1x128xi32, #tpu.memory_space<vmem>> -> memref<128xi32, #tpu.memory_space<vmem>>
      %dma_wait3A_213 = arith.constant 0 : i32
      %dma_wait3A_214 = arith.constant 0 : i32
      %dma_wait3A_215 = tpu.memref_slice %arg3[%dma_wait3A_213, %dma_wait3A_214] : memref<8000000x16xf32, #tpu.memory_space<hbm>> -> memref<8000000x16xf32, #tpu.memory_space<hbm>>
      tpu.wait_indirect_dma semaphore(%arg12 : memref<!tpu.dma_semaphore, #tpu.memory_space<semaphore_mem>>) src(%dma_wait3A_215 : memref<8000000x16xf32, #tpu.memory_space<hbm>>) dst(%dma_wait3A_209 : memref<128x16xf32, #tpu.memory_space<vmem>>)
      %dma_wait3A_216 = arith.constant 0 : i32
      %dma_wait3A_217 = arith.constant 0 : i32
      %dma_wait3A_218 = arith.constant 384 : i32
      %dma_wait3A_219 = arith.constant 0 : i32
      %dma_wait3A_220 = tpu.memref_slice %arg8[%dma_wait3A_217, %dma_wait3A_218, %dma_wait3A_219] : memref<2x1600x16xf32, #tpu.memory_space<vmem>> -> memref<1x128x16xf32, #tpu.memory_space<vmem>>
      %dma_wait3A_221 = tpu.memref_squeeze %dma_wait3A_220 : memref<1x128x16xf32, #tpu.memory_space<vmem>> -> memref<128x16xf32, #tpu.memory_space<vmem>>
      %dma_wait3A_222 = arith.constant 384 : i32
      %dma_wait3A_223 = tpu.memref_slice %arg7[%dma_wait3A_216, %dma_wait3A_222] : memref<2x1600xi32, #tpu.memory_space<vmem>> -> memref<1x128xi32, #tpu.memory_space<vmem>>
      %dma_wait3A_224 = tpu.memref_squeeze %dma_wait3A_223 : memref<1x128xi32, #tpu.memory_space<vmem>> -> memref<128xi32, #tpu.memory_space<vmem>>
      %dma_wait3A_225 = arith.constant 0 : i32
      %dma_wait3A_226 = arith.constant 0 : i32
      %dma_wait3A_227 = tpu.memref_slice %arg3[%dma_wait3A_225, %dma_wait3A_226] : memref<8000000x16xf32, #tpu.memory_space<hbm>> -> memref<8000000x16xf32, #tpu.memory_space<hbm>>
      tpu.wait_indirect_dma semaphore(%arg12 : memref<!tpu.dma_semaphore, #tpu.memory_space<semaphore_mem>>) src(%dma_wait3A_227 : memref<8000000x16xf32, #tpu.memory_space<hbm>>) dst(%dma_wait3A_221 : memref<128x16xf32, #tpu.memory_space<vmem>>)
      %dma_wait3A_228 = arith.constant 0 : i32
      %dma_wait3A_229 = arith.constant 0 : i32
      %dma_wait3A_230 = arith.constant 512 : i32
      %dma_wait3A_231 = arith.constant 0 : i32
      %dma_wait3A_232 = tpu.memref_slice %arg8[%dma_wait3A_229, %dma_wait3A_230, %dma_wait3A_231] : memref<2x1600x16xf32, #tpu.memory_space<vmem>> -> memref<1x128x16xf32, #tpu.memory_space<vmem>>
      %dma_wait3A_233 = tpu.memref_squeeze %dma_wait3A_232 : memref<1x128x16xf32, #tpu.memory_space<vmem>> -> memref<128x16xf32, #tpu.memory_space<vmem>>
      %dma_wait3A_234 = arith.constant 512 : i32
      %dma_wait3A_235 = tpu.memref_slice %arg7[%dma_wait3A_228, %dma_wait3A_234] : memref<2x1600xi32, #tpu.memory_space<vmem>> -> memref<1x128xi32, #tpu.memory_space<vmem>>
      %dma_wait3A_236 = tpu.memref_squeeze %dma_wait3A_235 : memref<1x128xi32, #tpu.memory_space<vmem>> -> memref<128xi32, #tpu.memory_space<vmem>>
      %dma_wait3A_237 = arith.constant 0 : i32
      %dma_wait3A_238 = arith.constant 0 : i32
      %dma_wait3A_239 = tpu.memref_slice %arg3[%dma_wait3A_237, %dma_wait3A_238] : memref<8000000x16xf32, #tpu.memory_space<hbm>> -> memref<8000000x16xf32, #tpu.memory_space<hbm>>
      tpu.wait_indirect_dma semaphore(%arg12 : memref<!tpu.dma_semaphore, #tpu.memory_space<semaphore_mem>>) src(%dma_wait3A_239 : memref<8000000x16xf32, #tpu.memory_space<hbm>>) dst(%dma_wait3A_233 : memref<128x16xf32, #tpu.memory_space<vmem>>)
      %dma_wait3A_240 = arith.constant 0 : i32
      %dma_wait3A_241 = arith.constant 0 : i32
      %dma_wait3A_242 = arith.constant 640 : i32
      %dma_wait3A_243 = arith.constant 0 : i32
      %dma_wait3A_244 = tpu.memref_slice %arg8[%dma_wait3A_241, %dma_wait3A_242, %dma_wait3A_243] : memref<2x1600x16xf32, #tpu.memory_space<vmem>> -> memref<1x128x16xf32, #tpu.memory_space<vmem>>
      %dma_wait3A_245 = tpu.memref_squeeze %dma_wait3A_244 : memref<1x128x16xf32, #tpu.memory_space<vmem>> -> memref<128x16xf32, #tpu.memory_space<vmem>>
      %dma_wait3A_246 = arith.constant 640 : i32
      %dma_wait3A_247 = tpu.memref_slice %arg7[%dma_wait3A_240, %dma_wait3A_246] : memref<2x1600xi32, #tpu.memory_space<vmem>> -> memref<1x128xi32, #tpu.memory_space<vmem>>
      %dma_wait3A_248 = tpu.memref_squeeze %dma_wait3A_247 : memref<1x128xi32, #tpu.memory_space<vmem>> -> memref<128xi32, #tpu.memory_space<vmem>>
      %dma_wait3A_249 = arith.constant 0 : i32
      %dma_wait3A_250 = arith.constant 0 : i32
      %dma_wait3A_251 = tpu.memref_slice %arg3[%dma_wait3A_249, %dma_wait3A_250] : memref<8000000x16xf32, #tpu.memory_space<hbm>> -> memref<8000000x16xf32, #tpu.memory_space<hbm>>
      tpu.wait_indirect_dma semaphore(%arg12 : memref<!tpu.dma_semaphore, #tpu.memory_space<semaphore_mem>>) src(%dma_wait3A_251 : memref<8000000x16xf32, #tpu.memory_space<hbm>>) dst(%dma_wait3A_245 : memref<128x16xf32, #tpu.memory_space<vmem>>)
      %dma_wait3A_252 = arith.constant 0 : i32
      %dma_wait3A_253 = arith.constant 0 : i32
      %dma_wait3A_254 = arith.constant 768 : i32
      %dma_wait3A_255 = arith.constant 0 : i32
      %dma_wait3A_256 = tpu.memref_slice %arg8[%dma_wait3A_253, %dma_wait3A_254, %dma_wait3A_255] : memref<2x1600x16xf32, #tpu.memory_space<vmem>> -> memref<1x128x16xf32, #tpu.memory_space<vmem>>
      %dma_wait3A_257 = tpu.memref_squeeze %dma_wait3A_256 : memref<1x128x16xf32, #tpu.memory_space<vmem>> -> memref<128x16xf32, #tpu.memory_space<vmem>>
      %dma_wait3A_258 = arith.constant 768 : i32
      %dma_wait3A_259 = tpu.memref_slice %arg7[%dma_wait3A_252, %dma_wait3A_258] : memref<2x1600xi32, #tpu.memory_space<vmem>> -> memref<1x128xi32, #tpu.memory_space<vmem>>
      %dma_wait3A_260 = tpu.memref_squeeze %dma_wait3A_259 : memref<1x128xi32, #tpu.memory_space<vmem>> -> memref<128xi32, #tpu.memory_space<vmem>>
      %dma_wait3A_261 = arith.constant 0 : i32
      %dma_wait3A_262 = arith.constant 0 : i32
      %dma_wait3A_263 = tpu.memref_slice %arg3[%dma_wait3A_261, %dma_wait3A_262] : memref<8000000x16xf32, #tpu.memory_space<hbm>> -> memref<8000000x16xf32, #tpu.memory_space<hbm>>
      tpu.wait_indirect_dma semaphore(%arg12 : memref<!tpu.dma_semaphore, #tpu.memory_space<semaphore_mem>>) src(%dma_wait3A_263 : memref<8000000x16xf32, #tpu.memory_space<hbm>>) dst(%dma_wait3A_257 : memref<128x16xf32, #tpu.memory_space<vmem>>)
      %dma_wait3A_264 = arith.constant 0 : i32
      %dma_wait3A_265 = arith.constant 0 : i32
      %dma_wait3A_266 = arith.constant 896 : i32
      %dma_wait3A_267 = arith.constant 0 : i32
      %dma_wait3A_268 = tpu.memref_slice %arg8[%dma_wait3A_265, %dma_wait3A_266, %dma_wait3A_267] : memref<2x1600x16xf32, #tpu.memory_space<vmem>> -> memref<1x128x16xf32, #tpu.memory_space<vmem>>
      %dma_wait3A_269 = tpu.memref_squeeze %dma_wait3A_268 : memref<1x128x16xf32, #tpu.memory_space<vmem>> -> memref<128x16xf32, #tpu.memory_space<vmem>>
      %dma_wait3A_270 = arith.constant 896 : i32
      %dma_wait3A_271 = tpu.memref_slice %arg7[%dma_wait3A_264, %dma_wait3A_270] : memref<2x1600xi32, #tpu.memory_space<vmem>> -> memref<1x128xi32, #tpu.memory_space<vmem>>
      %dma_wait3A_272 = tpu.memref_squeeze %dma_wait3A_271 : memref<1x128xi32, #tpu.memory_space<vmem>> -> memref<128xi32, #tpu.memory_space<vmem>>
      %dma_wait3A_273 = arith.constant 0 : i32
      %dma_wait3A_274 = arith.constant 0 : i32
      %dma_wait3A_275 = tpu.memref_slice %arg3[%dma_wait3A_273, %dma_wait3A_274] : memref<8000000x16xf32, #tpu.memory_space<hbm>> -> memref<8000000x16xf32, #tpu.memory_space<hbm>>
      tpu.wait_indirect_dma semaphore(%arg12 : memref<!tpu.dma_semaphore, #tpu.memory_space<semaphore_mem>>) src(%dma_wait3A_275 : memref<8000000x16xf32, #tpu.memory_space<hbm>>) dst(%dma_wait3A_269 : memref<128x16xf32, #tpu.memory_space<vmem>>)
      %dma_wait3A_276 = arith.constant 0 : i32
      %dma_wait3A_277 = arith.constant 0 : i32
      %dma_wait3A_278 = arith.constant 1024 : i32
      %dma_wait3A_279 = arith.constant 0 : i32
      %dma_wait3A_280 = tpu.memref_slice %arg8[%dma_wait3A_277, %dma_wait3A_278, %dma_wait3A_279] : memref<2x1600x16xf32, #tpu.memory_space<vmem>> -> memref<1x128x16xf32, #tpu.memory_space<vmem>>
      %dma_wait3A_281 = tpu.memref_squeeze %dma_wait3A_280 : memref<1x128x16xf32, #tpu.memory_space<vmem>> -> memref<128x16xf32, #tpu.memory_space<vmem>>
      %dma_wait3A_282 = arith.constant 1024 : i32
      %dma_wait3A_283 = tpu.memref_slice %arg7[%dma_wait3A_276, %dma_wait3A_282] : memref<2x1600xi32, #tpu.memory_space<vmem>> -> memref<1x128xi32, #tpu.memory_space<vmem>>
      %dma_wait3A_284 = tpu.memref_squeeze %dma_wait3A_283 : memref<1x128xi32, #tpu.memory_space<vmem>> -> memref<128xi32, #tpu.memory_space<vmem>>
      %dma_wait3A_285 = arith.constant 0 : i32
      %dma_wait3A_286 = arith.constant 0 : i32
      %dma_wait3A_287 = tpu.memref_slice %arg3[%dma_wait3A_285, %dma_wait3A_286] : memref<8000000x16xf32, #tpu.memory_space<hbm>> -> memref<8000000x16xf32, #tpu.memory_space<hbm>>
      tpu.wait_indirect_dma semaphore(%arg12 : memref<!tpu.dma_semaphore, #tpu.memory_space<semaphore_mem>>) src(%dma_wait3A_287 : memref<8000000x16xf32, #tpu.memory_space<hbm>>) dst(%dma_wait3A_281 : memref<128x16xf32, #tpu.memory_space<vmem>>)
      %dma_wait3A_288 = arith.constant 0 : i32
      %dma_wait3A_289 = arith.constant 0 : i32
      %dma_wait3A_290 = arith.constant 1152 : i32
      %dma_wait3A_291 = arith.constant 0 : i32
      %dma_wait3A_292 = tpu.memref_slice %arg8[%dma_wait3A_289, %dma_wait3A_290, %dma_wait3A_291] : memref<2x1600x16xf32, #tpu.memory_space<vmem>> -> memref<1x128x16xf32, #tpu.memory_space<vmem>>
      %dma_wait3A_293 = tpu.memref_squeeze %dma_wait3A_292 : memref<1x128x16xf32, #tpu.memory_space<vmem>> -> memref<128x16xf32, #tpu.memory_space<vmem>>
      %dma_wait3A_294 = arith.constant 1152 : i32
      %dma_wait3A_295 = tpu.memref_slice %arg7[%dma_wait3A_288, %dma_wait3A_294] : memref<2x1600xi32, #tpu.memory_space<vmem>> -> memref<1x128xi32, #tpu.memory_space<vmem>>
      %dma_wait3A_296 = tpu.memref_squeeze %dma_wait3A_295 : memref<1x128xi32, #tpu.memory_space<vmem>> -> memref<128xi32, #tpu.memory_space<vmem>>
      %dma_wait3A_297 = arith.constant 0 : i32
      %dma_wait3A_298 = arith.constant 0 : i32
      %dma_wait3A_299 = tpu.memref_slice %arg3[%dma_wait3A_297, %dma_wait3A_298] : memref<8000000x16xf32, #tpu.memory_space<hbm>> -> memref<8000000x16xf32, #tpu.memory_space<hbm>>
      tpu.wait_indirect_dma semaphore(%arg12 : memref<!tpu.dma_semaphore, #tpu.memory_space<semaphore_mem>>) src(%dma_wait3A_299 : memref<8000000x16xf32, #tpu.memory_space<hbm>>) dst(%dma_wait3A_293 : memref<128x16xf32, #tpu.memory_space<vmem>>)
      %dma_wait3A_300 = arith.constant 0 : i32
      %dma_wait3A_301 = arith.constant 0 : i32
      %dma_wait3A_302 = arith.constant 1280 : i32
      %dma_wait3A_303 = arith.constant 0 : i32
      %dma_wait3A_304 = tpu.memref_slice %arg8[%dma_wait3A_301, %dma_wait3A_302, %dma_wait3A_303] : memref<2x1600x16xf32, #tpu.memory_space<vmem>> -> memref<1x128x16xf32, #tpu.memory_space<vmem>>
      %dma_wait3A_305 = tpu.memref_squeeze %dma_wait3A_304 : memref<1x128x16xf32, #tpu.memory_space<vmem>> -> memref<128x16xf32, #tpu.memory_space<vmem>>
      %dma_wait3A_306 = arith.constant 1280 : i32
      %dma_wait3A_307 = tpu.memref_slice %arg7[%dma_wait3A_300, %dma_wait3A_306] : memref<2x1600xi32, #tpu.memory_space<vmem>> -> memref<1x128xi32, #tpu.memory_space<vmem>>
      %dma_wait3A_308 = tpu.memref_squeeze %dma_wait3A_307 : memref<1x128xi32, #tpu.memory_space<vmem>> -> memref<128xi32, #tpu.memory_space<vmem>>
      %dma_wait3A_309 = arith.constant 0 : i32
      %dma_wait3A_310 = arith.constant 0 : i32
      %dma_wait3A_311 = tpu.memref_slice %arg3[%dma_wait3A_309, %dma_wait3A_310] : memref<8000000x16xf32, #tpu.memory_space<hbm>> -> memref<8000000x16xf32, #tpu.memory_space<hbm>>
      tpu.wait_indirect_dma semaphore(%arg12 : memref<!tpu.dma_semaphore, #tpu.memory_space<semaphore_mem>>) src(%dma_wait3A_311 : memref<8000000x16xf32, #tpu.memory_space<hbm>>) dst(%dma_wait3A_305 : memref<128x16xf32, #tpu.memory_space<vmem>>)
      %dma_wait3A_312 = arith.constant 0 : i32
      %dma_wait3A_313 = arith.constant 0 : i32
      %dma_wait3A_314 = arith.constant 1408 : i32
      %dma_wait3A_315 = arith.constant 0 : i32
      %dma_wait3A_316 = tpu.memref_slice %arg8[%dma_wait3A_313, %dma_wait3A_314, %dma_wait3A_315] : memref<2x1600x16xf32, #tpu.memory_space<vmem>> -> memref<1x128x16xf32, #tpu.memory_space<vmem>>
      %dma_wait3A_317 = tpu.memref_squeeze %dma_wait3A_316 : memref<1x128x16xf32, #tpu.memory_space<vmem>> -> memref<128x16xf32, #tpu.memory_space<vmem>>
      %dma_wait3A_318 = arith.constant 1408 : i32
      %dma_wait3A_319 = tpu.memref_slice %arg7[%dma_wait3A_312, %dma_wait3A_318] : memref<2x1600xi32, #tpu.memory_space<vmem>> -> memref<1x128xi32, #tpu.memory_space<vmem>>
      %dma_wait3A_320 = tpu.memref_squeeze %dma_wait3A_319 : memref<1x128xi32, #tpu.memory_space<vmem>> -> memref<128xi32, #tpu.memory_space<vmem>>
      %dma_wait3A_321 = arith.constant 0 : i32
      %dma_wait3A_322 = arith.constant 0 : i32
      %dma_wait3A_323 = tpu.memref_slice %arg3[%dma_wait3A_321, %dma_wait3A_322] : memref<8000000x16xf32, #tpu.memory_space<hbm>> -> memref<8000000x16xf32, #tpu.memory_space<hbm>>
      tpu.wait_indirect_dma semaphore(%arg12 : memref<!tpu.dma_semaphore, #tpu.memory_space<semaphore_mem>>) src(%dma_wait3A_323 : memref<8000000x16xf32, #tpu.memory_space<hbm>>) dst(%dma_wait3A_317 : memref<128x16xf32, #tpu.memory_space<vmem>>)
      %dma_wait3A_324 = arith.constant 0 : i32
      %dma_wait3A_325 = arith.constant 0 : i32
      %dma_wait3A_326 = arith.constant 1536 : i32
      %dma_wait3A_327 = arith.constant 0 : i32
      %dma_wait3A_328 = tpu.memref_slice %arg8[%dma_wait3A_325, %dma_wait3A_326, %dma_wait3A_327] : memref<2x1600x16xf32, #tpu.memory_space<vmem>> -> memref<1x64x16xf32, #tpu.memory_space<vmem>>
      %dma_wait3A_329 = tpu.memref_squeeze %dma_wait3A_328 : memref<1x64x16xf32, #tpu.memory_space<vmem>> -> memref<64x16xf32, #tpu.memory_space<vmem>>
      %dma_wait3A_330 = arith.constant 1536 : i32
      %dma_wait3A_331 = tpu.memref_slice %arg7[%dma_wait3A_324, %dma_wait3A_330] : memref<2x1600xi32, #tpu.memory_space<vmem>> -> memref<1x64xi32, #tpu.memory_space<vmem>>
      %dma_wait3A_332 = tpu.memref_squeeze %dma_wait3A_331 : memref<1x64xi32, #tpu.memory_space<vmem>> -> memref<64xi32, #tpu.memory_space<vmem>>
      %dma_wait3A_333 = arith.constant 0 : i32
      %dma_wait3A_334 = arith.constant 0 : i32
      %dma_wait3A_335 = tpu.memref_slice %arg3[%dma_wait3A_333, %dma_wait3A_334] : memref<8000000x16xf32, #tpu.memory_space<hbm>> -> memref<8000000x16xf32, #tpu.memory_space<hbm>>
      tpu.wait_indirect_dma semaphore(%arg12 : memref<!tpu.dma_semaphore, #tpu.memory_space<semaphore_mem>>) src(%dma_wait3A_335 : memref<8000000x16xf32, #tpu.memory_space<hbm>>) dst(%dma_wait3A_329 : memref<64x16xf32, #tpu.memory_space<vmem>>)
      %add3A_336 = arith.constant 1 : i32
      %add3A_337 = arith.addi %add3A_180, %add3A_336 : i32
      %lt3A = arith.constant 64 : i32
      %lt3A_338 = arith.cmpi slt, %add3A_337, %lt3A : i32
      %convert_element_type3A = arith.extui %lt3A_338 : i1 to i32
      %cond3A = arith.constant 0 : i32
      %cond3A_339 = arith.cmpi ne, %convert_element_type3A, %cond3A : i32
      scf.if %cond3A_339 {
        %add3A_1225 = arith.constant 1 : i32
        %add3A_1226 = arith.addi %add3A_180, %add3A_1225 : i32
        %dma_start3A_1227 = arith.constant 1 : i32
        %dma_start3A_1228 = arith.constant 1 : i32
        %dma_start3A_1229 = arith.constant 0 : i32
        %dma_start3A_1230 = arith.constant 0 : i32
        %dma_start3A_1231 = tpu.memref_slice %arg8[%dma_start3A_1228, %dma_start3A_1229, %dma_start3A_1230] : memref<2x1600x16xf32, #tpu.memory_space<vmem>> -> memref<1x128x16xf32, #tpu.memory_space<vmem>>
        %dma_start3A_1232 = tpu.memref_squeeze %dma_start3A_1231 : memref<1x128x16xf32, #tpu.memory_space<vmem>> -> memref<128x16xf32, #tpu.memory_space<vmem>>
        %dma_start3A_1233 = arith.constant 0 : i32
        %dma_start3A_1234 = tpu.memref_slice %arg7[%dma_start3A_1227, %dma_start3A_1233] : memref<2x1600xi32, #tpu.memory_space<vmem>> -> memref<1x128xi32, #tpu.memory_space<vmem>>
        %dma_start3A_1235 = tpu.memref_squeeze %dma_start3A_1234 : memref<1x128xi32, #tpu.memory_space<vmem>> -> memref<128xi32, #tpu.memory_space<vmem>>
        %dma_start3A_1236 = arith.constant 0 : i32
        %dma_start3A_1237 = arith.constant 0 : i32
        %dma_start3A_1238 = tpu.memref_slice %arg3[%dma_start3A_1236, %dma_start3A_1237] : memref<8000000x16xf32, #tpu.memory_space<hbm>> -> memref<8000000x16xf32, #tpu.memory_space<hbm>>
        tpu.enqueue_indirect_dma source(%dma_start3A_1238 : memref<8000000x16xf32, #tpu.memory_space<hbm>>) target(%dma_start3A_1232 : memref<128x16xf32, #tpu.memory_space<vmem>>) offsets(%dma_start3A_1235 : memref<128xi32, #tpu.memory_space<vmem>>) semaphore(%arg13 : memref<!tpu.dma_semaphore, #tpu.memory_space<semaphore_mem>>)
        %dma_start3A_1239 = arith.constant 1 : i32
        %dma_start3A_1240 = arith.constant 1 : i32
        %dma_start3A_1241 = arith.constant 128 : i32
        %dma_start3A_1242 = arith.constant 0 : i32
        %dma_start3A_1243 = tpu.memref_slice %arg8[%dma_start3A_1240, %dma_start3A_1241, %dma_start3A_1242] : memref<2x1600x16xf32, #tpu.memory_space<vmem>> -> memref<1x128x16xf32, #tpu.memory_space<vmem>>
        %dma_start3A_1244 = tpu.memref_squeeze %dma_start3A_1243 : memref<1x128x16xf32, #tpu.memory_space<vmem>> -> memref<128x16xf32, #tpu.memory_space<vmem>>
        %dma_start3A_1245 = arith.constant 128 : i32
        %dma_start3A_1246 = tpu.memref_slice %arg7[%dma_start3A_1239, %dma_start3A_1245] : memref<2x1600xi32, #tpu.memory_space<vmem>> -> memref<1x128xi32, #tpu.memory_space<vmem>>
        %dma_start3A_1247 = tpu.memref_squeeze %dma_start3A_1246 : memref<1x128xi32, #tpu.memory_space<vmem>> -> memref<128xi32, #tpu.memory_space<vmem>>
        %dma_start3A_1248 = arith.constant 0 : i32
        %dma_start3A_1249 = arith.constant 0 : i32
        %dma_start3A_1250 = tpu.memref_slice %arg3[%dma_start3A_1248, %dma_start3A_1249] : memref<8000000x16xf32, #tpu.memory_space<hbm>> -> memref<8000000x16xf32, #tpu.memory_space<hbm>>
        tpu.enqueue_indirect_dma source(%dma_start3A_1250 : memref<8000000x16xf32, #tpu.memory_space<hbm>>) target(%dma_start3A_1244 : memref<128x16xf32, #tpu.memory_space<vmem>>) offsets(%dma_start3A_1247 : memref<128xi32, #tpu.memory_space<vmem>>) semaphore(%arg13 : memref<!tpu.dma_semaphore, #tpu.memory_space<semaphore_mem>>)
        %dma_start3A_1251 = arith.constant 1 : i32
        %dma_start3A_1252 = arith.constant 1 : i32
        %dma_start3A_1253 = arith.constant 256 : i32
        %dma_start3A_1254 = arith.constant 0 : i32
        %dma_start3A_1255 = tpu.memref_slice %arg8[%dma_start3A_1252, %dma_start3A_1253, %dma_start3A_1254] : memref<2x1600x16xf32, #tpu.memory_space<vmem>> -> memref<1x128x16xf32, #tpu.memory_space<vmem>>
        %dma_start3A_1256 = tpu.memref_squeeze %dma_start3A_1255 : memref<1x128x16xf32, #tpu.memory_space<vmem>> -> memref<128x16xf32, #tpu.memory_space<vmem>>
        %dma_start3A_1257 = arith.constant 256 : i32
        %dma_start3A_1258 = tpu.memref_slice %arg7[%dma_start3A_1251, %dma_start3A_1257] : memref<2x1600xi32, #tpu.memory_space<vmem>> -> memref<1x128xi32, #tpu.memory_space<vmem>>
        %dma_start3A_1259 = tpu.memref_squeeze %dma_start3A_1258 : memref<1x128xi32, #tpu.memory_space<vmem>> -> memref<128xi32, #tpu.memory_space<vmem>>
        %dma_start3A_1260 = arith.constant 0 : i32
        %dma_start3A_1261 = arith.constant 0 : i32
        %dma_start3A_1262 = tpu.memref_slice %arg3[%dma_start3A_1260, %dma_start3A_1261] : memref<8000000x16xf32, #tpu.memory_space<hbm>> -> memref<8000000x16xf32, #tpu.memory_space<hbm>>
        tpu.enqueue_indirect_dma source(%dma_start3A_1262 : memref<8000000x16xf32, #tpu.memory_space<hbm>>) target(%dma_start3A_1256 : memref<128x16xf32, #tpu.memory_space<vmem>>) offsets(%dma_start3A_1259 : memref<128xi32, #tpu.memory_space<vmem>>) semaphore(%arg13 : memref<!tpu.dma_semaphore, #tpu.memory_space<semaphore_mem>>)
        %dma_start3A_1263 = arith.constant 1 : i32
        %dma_start3A_1264 = arith.constant 1 : i32
        %dma_start3A_1265 = arith.constant 384 : i32
        %dma_start3A_1266 = arith.constant 0 : i32
        %dma_start3A_1267 = tpu.memref_slice %arg8[%dma_start3A_1264, %dma_start3A_1265, %dma_start3A_1266] : memref<2x1600x16xf32, #tpu.memory_space<vmem>> -> memref<1x128x16xf32, #tpu.memory_space<vmem>>
        %dma_start3A_1268 = tpu.memref_squeeze %dma_start3A_1267 : memref<1x128x16xf32, #tpu.memory_space<vmem>> -> memref<128x16xf32, #tpu.memory_space<vmem>>
        %dma_start3A_1269 = arith.constant 384 : i32
        %dma_start3A_1270 = tpu.memref_slice %arg7[%dma_start3A_1263, %dma_start3A_1269] : memref<2x1600xi32, #tpu.memory_space<vmem>> -> memref<1x128xi32, #tpu.memory_space<vmem>>
        %dma_start3A_1271 = tpu.memref_squeeze %dma_start3A_1270 : memref<1x128xi32, #tpu.memory_space<vmem>> -> memref<128xi32, #tpu.memory_space<vmem>>
        %dma_start3A_1272 = arith.constant 0 : i32
        %dma_start3A_1273 = arith.constant 0 : i32
        %dma_start3A_1274 = tpu.memref_slice %arg3[%dma_start3A_1272, %dma_start3A_1273] : memref<8000000x16xf32, #tpu.memory_space<hbm>> -> memref<8000000x16xf32, #tpu.memory_space<hbm>>
        tpu.enqueue_indirect_dma source(%dma_start3A_1274 : memref<8000000x16xf32, #tpu.memory_space<hbm>>) target(%dma_start3A_1268 : memref<128x16xf32, #tpu.memory_space<vmem>>) offsets(%dma_start3A_1271 : memref<128xi32, #tpu.memory_space<vmem>>) semaphore(%arg13 : memref<!tpu.dma_semaphore, #tpu.memory_space<semaphore_mem>>)
        %dma_start3A_1275 = arith.constant 1 : i32
        %dma_start3A_1276 = arith.constant 1 : i32
        %dma_start3A_1277 = arith.constant 512 : i32
        %dma_start3A_1278 = arith.constant 0 : i32
        %dma_start3A_1279 = tpu.memref_slice %arg8[%dma_start3A_1276, %dma_start3A_1277, %dma_start3A_1278] : memref<2x1600x16xf32, #tpu.memory_space<vmem>> -> memref<1x128x16xf32, #tpu.memory_space<vmem>>
        %dma_start3A_1280 = tpu.memref_squeeze %dma_start3A_1279 : memref<1x128x16xf32, #tpu.memory_space<vmem>> -> memref<128x16xf32, #tpu.memory_space<vmem>>
        %dma_start3A_1281 = arith.constant 512 : i32
        %dma_start3A_1282 = tpu.memref_slice %arg7[%dma_start3A_1275, %dma_start3A_1281] : memref<2x1600xi32, #tpu.memory_space<vmem>> -> memref<1x128xi32, #tpu.memory_space<vmem>>
        %dma_start3A_1283 = tpu.memref_squeeze %dma_start3A_1282 : memref<1x128xi32, #tpu.memory_space<vmem>> -> memref<128xi32, #tpu.memory_space<vmem>>
        %dma_start3A_1284 = arith.constant 0 : i32
        %dma_start3A_1285 = arith.constant 0 : i32
        %dma_start3A_1286 = tpu.memref_slice %arg3[%dma_start3A_1284, %dma_start3A_1285] : memref<8000000x16xf32, #tpu.memory_space<hbm>> -> memref<8000000x16xf32, #tpu.memory_space<hbm>>
        tpu.enqueue_indirect_dma source(%dma_start3A_1286 : memref<8000000x16xf32, #tpu.memory_space<hbm>>) target(%dma_start3A_1280 : memref<128x16xf32, #tpu.memory_space<vmem>>) offsets(%dma_start3A_1283 : memref<128xi32, #tpu.memory_space<vmem>>) semaphore(%arg13 : memref<!tpu.dma_semaphore, #tpu.memory_space<semaphore_mem>>)
        %dma_start3A_1287 = arith.constant 1 : i32
        %dma_start3A_1288 = arith.constant 1 : i32
        %dma_start3A_1289 = arith.constant 640 : i32
        %dma_start3A_1290 = arith.constant 0 : i32
        %dma_start3A_1291 = tpu.memref_slice %arg8[%dma_start3A_1288, %dma_start3A_1289, %dma_start3A_1290] : memref<2x1600x16xf32, #tpu.memory_space<vmem>> -> memref<1x128x16xf32, #tpu.memory_space<vmem>>
        %dma_start3A_1292 = tpu.memref_squeeze %dma_start3A_1291 : memref<1x128x16xf32, #tpu.memory_space<vmem>> -> memref<128x16xf32, #tpu.memory_space<vmem>>
        %dma_start3A_1293 = arith.constant 640 : i32
        %dma_start3A_1294 = tpu.memref_slice %arg7[%dma_start3A_1287, %dma_start3A_1293] : memref<2x1600xi32, #tpu.memory_space<vmem>> -> memref<1x128xi32, #tpu.memory_space<vmem>>
        %dma_start3A_1295 = tpu.memref_squeeze %dma_start3A_1294 : memref<1x128xi32, #tpu.memory_space<vmem>> -> memref<128xi32, #tpu.memory_space<vmem>>
        %dma_start3A_1296 = arith.constant 0 : i32
        %dma_start3A_1297 = arith.constant 0 : i32
        %dma_start3A_1298 = tpu.memref_slice %arg3[%dma_start3A_1296, %dma_start3A_1297] : memref<8000000x16xf32, #tpu.memory_space<hbm>> -> memref<8000000x16xf32, #tpu.memory_space<hbm>>
        tpu.enqueue_indirect_dma source(%dma_start3A_1298 : memref<8000000x16xf32, #tpu.memory_space<hbm>>) target(%dma_start3A_1292 : memref<128x16xf32, #tpu.memory_space<vmem>>) offsets(%dma_start3A_1295 : memref<128xi32, #tpu.memory_space<vmem>>) semaphore(%arg13 : memref<!tpu.dma_semaphore, #tpu.memory_space<semaphore_mem>>)
        %dma_start3A_1299 = arith.constant 1 : i32
        %dma_start3A_1300 = arith.constant 1 : i32
        %dma_start3A_1301 = arith.constant 768 : i32
        %dma_start3A_1302 = arith.constant 0 : i32
        %dma_start3A_1303 = tpu.memref_slice %arg8[%dma_start3A_1300, %dma_start3A_1301, %dma_start3A_1302] : memref<2x1600x16xf32, #tpu.memory_space<vmem>> -> memref<1x128x16xf32, #tpu.memory_space<vmem>>
        %dma_start3A_1304 = tpu.memref_squeeze %dma_start3A_1303 : memref<1x128x16xf32, #tpu.memory_space<vmem>> -> memref<128x16xf32, #tpu.memory_space<vmem>>
        %dma_start3A_1305 = arith.constant 768 : i32
        %dma_start3A_1306 = tpu.memref_slice %arg7[%dma_start3A_1299, %dma_start3A_1305] : memref<2x1600xi32, #tpu.memory_space<vmem>> -> memref<1x128xi32, #tpu.memory_space<vmem>>
        %dma_start3A_1307 = tpu.memref_squeeze %dma_start3A_1306 : memref<1x128xi32, #tpu.memory_space<vmem>> -> memref<128xi32, #tpu.memory_space<vmem>>
        %dma_start3A_1308 = arith.constant 0 : i32
        %dma_start3A_1309 = arith.constant 0 : i32
        %dma_start3A_1310 = tpu.memref_slice %arg3[%dma_start3A_1308, %dma_start3A_1309] : memref<8000000x16xf32, #tpu.memory_space<hbm>> -> memref<8000000x16xf32, #tpu.memory_space<hbm>>
        tpu.enqueue_indirect_dma source(%dma_start3A_1310 : memref<8000000x16xf32, #tpu.memory_space<hbm>>) target(%dma_start3A_1304 : memref<128x16xf32, #tpu.memory_space<vmem>>) offsets(%dma_start3A_1307 : memref<128xi32, #tpu.memory_space<vmem>>) semaphore(%arg13 : memref<!tpu.dma_semaphore, #tpu.memory_space<semaphore_mem>>)
        %dma_start3A_1311 = arith.constant 1 : i32
        %dma_start3A_1312 = arith.constant 1 : i32
        %dma_start3A_1313 = arith.constant 896 : i32
        %dma_start3A_1314 = arith.constant 0 : i32
        %dma_start3A_1315 = tpu.memref_slice %arg8[%dma_start3A_1312, %dma_start3A_1313, %dma_start3A_1314] : memref<2x1600x16xf32, #tpu.memory_space<vmem>> -> memref<1x128x16xf32, #tpu.memory_space<vmem>>
        %dma_start3A_1316 = tpu.memref_squeeze %dma_start3A_1315 : memref<1x128x16xf32, #tpu.memory_space<vmem>> -> memref<128x16xf32, #tpu.memory_space<vmem>>
        %dma_start3A_1317 = arith.constant 896 : i32
        %dma_start3A_1318 = tpu.memref_slice %arg7[%dma_start3A_1311, %dma_start3A_1317] : memref<2x1600xi32, #tpu.memory_space<vmem>> -> memref<1x128xi32, #tpu.memory_space<vmem>>
        %dma_start3A_1319 = tpu.memref_squeeze %dma_start3A_1318 : memref<1x128xi32, #tpu.memory_space<vmem>> -> memref<128xi32, #tpu.memory_space<vmem>>
        %dma_start3A_1320 = arith.constant 0 : i32
        %dma_start3A_1321 = arith.constant 0 : i32
        %dma_start3A_1322 = tpu.memref_slice %arg3[%dma_start3A_1320, %dma_start3A_1321] : memref<8000000x16xf32, #tpu.memory_space<hbm>> -> memref<8000000x16xf32, #tpu.memory_space<hbm>>
        tpu.enqueue_indirect_dma source(%dma_start3A_1322 : memref<8000000x16xf32, #tpu.memory_space<hbm>>) target(%dma_start3A_1316 : memref<128x16xf32, #tpu.memory_space<vmem>>) offsets(%dma_start3A_1319 : memref<128xi32, #tpu.memory_space<vmem>>) semaphore(%arg13 : memref<!tpu.dma_semaphore, #tpu.memory_space<semaphore_mem>>)
        %dma_start3A_1323 = arith.constant 1 : i32
        %dma_start3A_1324 = arith.constant 1 : i32
        %dma_start3A_1325 = arith.constant 1024 : i32
        %dma_start3A_1326 = arith.constant 0 : i32
        %dma_start3A_1327 = tpu.memref_slice %arg8[%dma_start3A_1324, %dma_start3A_1325, %dma_start3A_1326] : memref<2x1600x16xf32, #tpu.memory_space<vmem>> -> memref<1x128x16xf32, #tpu.memory_space<vmem>>
        %dma_start3A_1328 = tpu.memref_squeeze %dma_start3A_1327 : memref<1x128x16xf32, #tpu.memory_space<vmem>> -> memref<128x16xf32, #tpu.memory_space<vmem>>
        %dma_start3A_1329 = arith.constant 1024 : i32
        %dma_start3A_1330 = tpu.memref_slice %arg7[%dma_start3A_1323, %dma_start3A_1329] : memref<2x1600xi32, #tpu.memory_space<vmem>> -> memref<1x128xi32, #tpu.memory_space<vmem>>
        %dma_start3A_1331 = tpu.memref_squeeze %dma_start3A_1330 : memref<1x128xi32, #tpu.memory_space<vmem>> -> memref<128xi32, #tpu.memory_space<vmem>>
        %dma_start3A_1332 = arith.constant 0 : i32
        %dma_start3A_1333 = arith.constant 0 : i32
        %dma_start3A_1334 = tpu.memref_slice %arg3[%dma_start3A_1332, %dma_start3A_1333] : memref<8000000x16xf32, #tpu.memory_space<hbm>> -> memref<8000000x16xf32, #tpu.memory_space<hbm>>
        tpu.enqueue_indirect_dma source(%dma_start3A_1334 : memref<8000000x16xf32, #tpu.memory_space<hbm>>) target(%dma_start3A_1328 : memref<128x16xf32, #tpu.memory_space<vmem>>) offsets(%dma_start3A_1331 : memref<128xi32, #tpu.memory_space<vmem>>) semaphore(%arg13 : memref<!tpu.dma_semaphore, #tpu.memory_space<semaphore_mem>>)
        %dma_start3A_1335 = arith.constant 1 : i32
        %dma_start3A_1336 = arith.constant 1 : i32
        %dma_start3A_1337 = arith.constant 1152 : i32
        %dma_start3A_1338 = arith.constant 0 : i32
        %dma_start3A_1339 = tpu.memref_slice %arg8[%dma_start3A_1336, %dma_start3A_1337, %dma_start3A_1338] : memref<2x1600x16xf32, #tpu.memory_space<vmem>> -> memref<1x128x16xf32, #tpu.memory_space<vmem>>
        %dma_start3A_1340 = tpu.memref_squeeze %dma_start3A_1339 : memref<1x128x16xf32, #tpu.memory_space<vmem>> -> memref<128x16xf32, #tpu.memory_space<vmem>>
        %dma_start3A_1341 = arith.constant 1152 : i32
        %dma_start3A_1342 = tpu.memref_slice %arg7[%dma_start3A_1335, %dma_start3A_1341] : memref<2x1600xi32, #tpu.memory_space<vmem>> -> memref<1x128xi32, #tpu.memory_space<vmem>>
        %dma_start3A_1343 = tpu.memref_squeeze %dma_start3A_1342 : memref<1x128xi32, #tpu.memory_space<vmem>> -> memref<128xi32, #tpu.memory_space<vmem>>
        %dma_start3A_1344 = arith.constant 0 : i32
        %dma_start3A_1345 = arith.constant 0 : i32
        %dma_start3A_1346 = tpu.memref_slice %arg3[%dma_start3A_1344, %dma_start3A_1345] : memref<8000000x16xf32, #tpu.memory_space<hbm>> -> memref<8000000x16xf32, #tpu.memory_space<hbm>>
        tpu.enqueue_indirect_dma source(%dma_start3A_1346 : memref<8000000x16xf32, #tpu.memory_space<hbm>>) target(%dma_start3A_1340 : memref<128x16xf32, #tpu.memory_space<vmem>>) offsets(%dma_start3A_1343 : memref<128xi32, #tpu.memory_space<vmem>>) semaphore(%arg13 : memref<!tpu.dma_semaphore, #tpu.memory_space<semaphore_mem>>)
        %dma_start3A_1347 = arith.constant 1 : i32
        %dma_start3A_1348 = arith.constant 1 : i32
        %dma_start3A_1349 = arith.constant 1280 : i32
        %dma_start3A_1350 = arith.constant 0 : i32
        %dma_start3A_1351 = tpu.memref_slice %arg8[%dma_start3A_1348, %dma_start3A_1349, %dma_start3A_1350] : memref<2x1600x16xf32, #tpu.memory_space<vmem>> -> memref<1x128x16xf32, #tpu.memory_space<vmem>>
        %dma_start3A_1352 = tpu.memref_squeeze %dma_start3A_1351 : memref<1x128x16xf32, #tpu.memory_space<vmem>> -> memref<128x16xf32, #tpu.memory_space<vmem>>
        %dma_start3A_1353 = arith.constant 1280 : i32
        %dma_start3A_1354 = tpu.memref_slice %arg7[%dma_start3A_1347, %dma_start3A_1353] : memref<2x1600xi32, #tpu.memory_space<vmem>> -> memref<1x128xi32, #tpu.memory_space<vmem>>
        %dma_start3A_1355 = tpu.memref_squeeze %dma_start3A_1354 : memref<1x128xi32, #tpu.memory_space<vmem>> -> memref<128xi32, #tpu.memory_space<vmem>>
        %dma_start3A_1356 = arith.constant 0 : i32
        %dma_start3A_1357 = arith.constant 0 : i32
        %dma_start3A_1358 = tpu.memref_slice %arg3[%dma_start3A_1356, %dma_start3A_1357] : memref<8000000x16xf32, #tpu.memory_space<hbm>> -> memref<8000000x16xf32, #tpu.memory_space<hbm>>
        tpu.enqueue_indirect_dma source(%dma_start3A_1358 : memref<8000000x16xf32, #tpu.memory_space<hbm>>) target(%dma_start3A_1352 : memref<128x16xf32, #tpu.memory_space<vmem>>) offsets(%dma_start3A_1355 : memref<128xi32, #tpu.memory_space<vmem>>) semaphore(%arg13 : memref<!tpu.dma_semaphore, #tpu.memory_space<semaphore_mem>>)
        %dma_start3A_1359 = arith.constant 1 : i32
        %dma_start3A_1360 = arith.constant 1 : i32
        %dma_start3A_1361 = arith.constant 1408 : i32
        %dma_start3A_1362 = arith.constant 0 : i32
        %dma_start3A_1363 = tpu.memref_slice %arg8[%dma_start3A_1360, %dma_start3A_1361, %dma_start3A_1362] : memref<2x1600x16xf32, #tpu.memory_space<vmem>> -> memref<1x128x16xf32, #tpu.memory_space<vmem>>
        %dma_start3A_1364 = tpu.memref_squeeze %dma_start3A_1363 : memref<1x128x16xf32, #tpu.memory_space<vmem>> -> memref<128x16xf32, #tpu.memory_space<vmem>>
        %dma_start3A_1365 = arith.constant 1408 : i32
        %dma_start3A_1366 = tpu.memref_slice %arg7[%dma_start3A_1359, %dma_start3A_1365] : memref<2x1600xi32, #tpu.memory_space<vmem>> -> memref<1x128xi32, #tpu.memory_space<vmem>>
        %dma_start3A_1367 = tpu.memref_squeeze %dma_start3A_1366 : memref<1x128xi32, #tpu.memory_space<vmem>> -> memref<128xi32, #tpu.memory_space<vmem>>
        %dma_start3A_1368 = arith.constant 0 : i32
        %dma_start3A_1369 = arith.constant 0 : i32
        %dma_start3A_1370 = tpu.memref_slice %arg3[%dma_start3A_1368, %dma_start3A_1369] : memref<8000000x16xf32, #tpu.memory_space<hbm>> -> memref<8000000x16xf32, #tpu.memory_space<hbm>>
        tpu.enqueue_indirect_dma source(%dma_start3A_1370 : memref<8000000x16xf32, #tpu.memory_space<hbm>>) target(%dma_start3A_1364 : memref<128x16xf32, #tpu.memory_space<vmem>>) offsets(%dma_start3A_1367 : memref<128xi32, #tpu.memory_space<vmem>>) semaphore(%arg13 : memref<!tpu.dma_semaphore, #tpu.memory_space<semaphore_mem>>)
        %dma_start3A_1371 = arith.constant 1 : i32
        %dma_start3A_1372 = arith.constant 1 : i32
        %dma_start3A_1373 = arith.constant 1536 : i32
        %dma_start3A_1374 = arith.constant 0 : i32
        %dma_start3A_1375 = tpu.memref_slice %arg8[%dma_start3A_1372, %dma_start3A_1373, %dma_start3A_1374] : memref<2x1600x16xf32, #tpu.memory_space<vmem>> -> memref<1x64x16xf32, #tpu.memory_space<vmem>>
        %dma_start3A_1376 = tpu.memref_squeeze %dma_start3A_1375 : memref<1x64x16xf32, #tpu.memory_space<vmem>> -> memref<64x16xf32, #tpu.memory_space<vmem>>
        %dma_start3A_1377 = arith.constant 1536 : i32
        %dma_start3A_1378 = tpu.memref_slice %arg7[%dma_start3A_1371, %dma_start3A_1377] : memref<2x1600xi32, #tpu.memory_space<vmem>> -> memref<1x64xi32, #tpu.memory_space<vmem>>
        %dma_start3A_1379 = tpu.memref_squeeze %dma_start3A_1378 : memref<1x64xi32, #tpu.memory_space<vmem>> -> memref<64xi32, #tpu.memory_space<vmem>>
        %dma_start3A_1380 = arith.constant 0 : i32
        %dma_start3A_1381 = arith.constant 0 : i32
        %dma_start3A_1382 = tpu.memref_slice %arg3[%dma_start3A_1380, %dma_start3A_1381] : memref<8000000x16xf32, #tpu.memory_space<hbm>> -> memref<8000000x16xf32, #tpu.memory_space<hbm>>
        tpu.enqueue_indirect_dma source(%dma_start3A_1382 : memref<8000000x16xf32, #tpu.memory_space<hbm>>) target(%dma_start3A_1376 : memref<64x16xf32, #tpu.memory_space<vmem>>) offsets(%dma_start3A_1379 : memref<64xi32, #tpu.memory_space<vmem>>) semaphore(%arg13 : memref<!tpu.dma_semaphore, #tpu.memory_space<semaphore_mem>>)
      } else {
      }
      %broadcast_in_dim3A = arith.constant 0.000000e+00 : f32
      %broadcast_in_dim3A_340 = vector.broadcast %broadcast_in_dim3A : f32 to vector<16xf32>
      %scan3A_341 = arith.constant 0 : i32
      %scan3A_342 = arith.constant 50 : i32
      %scan3A_343 = arith.addi %scan3A_341, %scan3A_342 : i32
      %scan3A_344 = arith.constant 1 : i32
      %scan3A_345:24 = scf.for %scan3A_1225 = %scan3A_341 to %scan3A_343 step %scan3A_344 iter_args(%scan3A_1226 = %broadcast_in_dim3A_340, %scan3A_1227 = %broadcast_in_dim3A_340, %scan3A_1228 = %broadcast_in_dim3A_340, %scan3A_1229 = %broadcast_in_dim3A_340, %scan3A_1230 = %broadcast_in_dim3A_340, %scan3A_1231 = %broadcast_in_dim3A_340, %scan3A_1232 = %broadcast_in_dim3A_340, %scan3A_1233 = %broadcast_in_dim3A_340, %scan3A_1234 = %broadcast_in_dim3A_340, %scan3A_1235 = %broadcast_in_dim3A_340, %scan3A_1236 = %broadcast_in_dim3A_340, %scan3A_1237 = %broadcast_in_dim3A_340, %scan3A_1238 = %broadcast_in_dim3A_340, %scan3A_1239 = %broadcast_in_dim3A_340, %scan3A_1240 = %broadcast_in_dim3A_340, %scan3A_1241 = %broadcast_in_dim3A_340, %scan3A_1242 = %broadcast_in_dim3A_340, %scan3A_1243 = %broadcast_in_dim3A_340, %scan3A_1244 = %broadcast_in_dim3A_340, %scan3A_1245 = %broadcast_in_dim3A_340, %scan3A_1246 = %broadcast_in_dim3A_340, %scan3A_1247 = %broadcast_in_dim3A_340, %scan3A_1248 = %broadcast_in_dim3A_340, %scan3A_1249 = %broadcast_in_dim3A_340) -> (vector<16xf32>, vector<16xf32>, vector<16xf32>, vector<16xf32>, vector<16xf32>, vector<16xf32>, vector<16xf32>, vector<16xf32>, vector<16xf32>, vector<16xf32>, vector<16xf32>, vector<16xf32>, vector<16xf32>, vector<16xf32>, vector<16xf32>, vector<16xf32>, vector<16xf32>, vector<16xf32>, vector<16xf32>, vector<16xf32>, vector<16xf32>, vector<16xf32>, vector<16xf32>, vector<16xf32>)  : i32 {
        %mul3A_1250 = arith.constant 0 : i32
        %mul3A_1251 = arith.muli %scan3A_1225, %mul3A_1250 : i32
        %add3A_1252 = arith.constant 2 : i32
        %add3A_1253 = arith.addi %mul3A_1251, %add3A_1252 : i32
        %mul3A_1254 = arith.constant 12 : i32
        %mul3A_1255 = arith.muli %scan3A_1225, %mul3A_1254 : i32
        %add3A_1256 = arith.constant 0 : i32
        %add3A_1257 = arith.addi %mul3A_1255, %add3A_1256 : i32
        %add3A_1258 = arith.constant 0 : i32
        %add3A_1259 = arith.addi %add3A_1257, %add3A_1258 : i32
        %get3A_1260 = arith.index_cast %add3A_1259 : i32 to index
        %get3A_1261 = arith.constant 0 : index
        %get3A_1262 = tpu.vector_load %arg9[%get3A_1260, %get3A_1261] {strides = array<i32>} : memref<600x16xf32, #tpu.memory_space<vmem>>, vector<16xf32>,
        %mul3A_1263 = arith.constant 12 : i32
        %mul3A_1264 = arith.muli %scan3A_1225, %mul3A_1263 : i32
        %add3A_1265 = arith.constant 0 : i32
        %add3A_1266 = arith.addi %mul3A_1264, %add3A_1265 : i32
        %add3A_1267 = arith.constant 1 : i32
        %add3A_1268 = arith.addi %add3A_1266, %add3A_1267 : i32
        %get3A_1269 = arith.index_cast %add3A_1268 : i32 to index
        %get3A_1270 = arith.constant 0 : index
        %get3A_1271 = tpu.vector_load %arg9[%get3A_1269, %get3A_1270] {strides = array<i32>} : memref<600x16xf32, #tpu.memory_space<vmem>>, vector<16xf32>,
        %mul3A_1272 = arith.constant 12 : i32
        %mul3A_1273 = arith.muli %scan3A_1225, %mul3A_1272 : i32
        %add3A_1274 = arith.constant 0 : i32
        %add3A_1275 = arith.addi %mul3A_1273, %add3A_1274 : i32
        %add3A_1276 = arith.constant 2 : i32
        %add3A_1277 = arith.addi %add3A_1275, %add3A_1276 : i32
        %get3A_1278 = arith.index_cast %add3A_1277 : i32 to index
        %get3A_1279 = arith.constant 0 : index
        %get3A_1280 = tpu.vector_load %arg9[%get3A_1278, %get3A_1279] {strides = array<i32>} : memref<600x16xf32, #tpu.memory_space<vmem>>, vector<16xf32>,
        %add3A_1281 = arith.constant 0 : i32
        %add3A_1282 = arith.addi %add3A_1281, %scan3A_1225 : i32
        %mul3A_1283 = arith.constant 4 : i32
        %mul3A_1284 = arith.muli %add3A_1282, %mul3A_1283 : i32
        %add3A_1285 = arith.constant 0 : i32
        %add3A_1286 = arith.addi %mul3A_1284, %add3A_1285 : i32
        %get3A_1287 = arith.constant 0 : i32
        %get3A_1288 = arith.index_cast %get3A_1287 : i32 to index
        %get3A_1289 = arith.index_cast %add3A_1286 : i32 to index
        %get3A_1290 = arith.constant 0 : index
        %get3A_1291 = tpu.vector_load %arg8[%get3A_1288, %get3A_1289, %get3A_1290] {strides = array<i32>} : memref<2x1600x16xf32, #tpu.memory_space<vmem>>, vector<16xf32>,
        %mul3A_1292 = arith.mulf %get3A_1291, %get3A_1262 : vector<16xf32>
        %add3A_1293 = arith.addf %scan3A_1226, %mul3A_1292 : vector<16xf32>
        %mul3A_1294 = arith.mulf %get3A_1291, %get3A_1271 : vector<16xf32>
        %add3A_1295 = arith.addf %scan3A_1227, %mul3A_1294 : vector<16xf32>
        %mul3A_1296 = arith.mulf %get3A_1291, %get3A_1280 : vector<16xf32>
        %add3A_1297 = arith.addf %scan3A_1228, %mul3A_1296 : vector<16xf32>
        %add3A_1298 = arith.constant 50 : i32
        %add3A_1299 = arith.addi %add3A_1298, %scan3A_1225 : i32
        %mul3A_1300 = arith.constant 4 : i32
        %mul3A_1301 = arith.muli %add3A_1299, %mul3A_1300 : i32
        %add3A_1302 = arith.constant 0 : i32
        %add3A_1303 = arith.addi %mul3A_1301, %add3A_1302 : i32
        %get3A_1304 = arith.constant 0 : i32
        %get3A_1305 = arith.index_cast %get3A_1304 : i32 to index
        %get3A_1306 = arith.index_cast %add3A_1303 : i32 to index
        %get3A_1307 = arith.constant 0 : index
        %get3A_1308 = tpu.vector_load %arg8[%get3A_1305, %get3A_1306, %get3A_1307] {strides = array<i32>} : memref<2x1600x16xf32, #tpu.memory_space<vmem>>, vector<16xf32>,
        %mul3A_1309 = arith.mulf %get3A_1308, %get3A_1262 : vector<16xf32>
        %add3A_1310 = arith.addf %scan3A_1229, %mul3A_1309 : vector<16xf32>
        %mul3A_1311 = arith.mulf %get3A_1308, %get3A_1271 : vector<16xf32>
        %add3A_1312 = arith.addf %scan3A_1230, %mul3A_1311 : vector<16xf32>
        %mul3A_1313 = arith.mulf %get3A_1308, %get3A_1280 : vector<16xf32>
        %add3A_1314 = arith.addf %scan3A_1231, %mul3A_1313 : vector<16xf32>
        %add3A_1315 = arith.constant 100 : i32
        %add3A_1316 = arith.addi %add3A_1315, %scan3A_1225 : i32
        %mul3A_1317 = arith.constant 4 : i32
        %mul3A_1318 = arith.muli %add3A_1316, %mul3A_1317 : i32
        %add3A_1319 = arith.constant 0 : i32
        %add3A_1320 = arith.addi %mul3A_1318, %add3A_1319 : i32
        %get3A_1321 = arith.constant 0 : i32
        %get3A_1322 = arith.index_cast %get3A_1321 : i32 to index
        %get3A_1323 = arith.index_cast %add3A_1320 : i32 to index
        %get3A_1324 = arith.constant 0 : index
        %get3A_1325 = tpu.vector_load %arg8[%get3A_1322, %get3A_1323, %get3A_1324] {strides = array<i32>} : memref<2x1600x16xf32, #tpu.memory_space<vmem>>, vector<16xf32>,
        %mul3A_1326 = arith.mulf %get3A_1325, %get3A_1262 : vector<16xf32>
        %add3A_1327 = arith.addf %scan3A_1232, %mul3A_1326 : vector<16xf32>
        %mul3A_1328 = arith.mulf %get3A_1325, %get3A_1271 : vector<16xf32>
        %add3A_1329 = arith.addf %scan3A_1233, %mul3A_1328 : vector<16xf32>
        %mul3A_1330 = arith.mulf %get3A_1325, %get3A_1280 : vector<16xf32>
        %add3A_1331 = arith.addf %scan3A_1234, %mul3A_1330 : vector<16xf32>
        %add3A_1332 = arith.constant 150 : i32
        %add3A_1333 = arith.addi %add3A_1332, %scan3A_1225 : i32
        %mul3A_1334 = arith.constant 4 : i32
        %mul3A_1335 = arith.muli %add3A_1333, %mul3A_1334 : i32
        %add3A_1336 = arith.constant 0 : i32
        %add3A_1337 = arith.addi %mul3A_1335, %add3A_1336 : i32
        %get3A_1338 = arith.constant 0 : i32
        %get3A_1339 = arith.index_cast %get3A_1338 : i32 to index
        %get3A_1340 = arith.index_cast %add3A_1337 : i32 to index
        %get3A_1341 = arith.constant 0 : index
        %get3A_1342 = tpu.vector_load %arg8[%get3A_1339, %get3A_1340, %get3A_1341] {strides = array<i32>} : memref<2x1600x16xf32, #tpu.memory_space<vmem>>, vector<16xf32>,
        %mul3A_1343 = arith.mulf %get3A_1342, %get3A_1262 : vector<16xf32>
        %add3A_1344 = arith.addf %scan3A_1235, %mul3A_1343 : vector<16xf32>
        %mul3A_1345 = arith.mulf %get3A_1342, %get3A_1271 : vector<16xf32>
        %add3A_1346 = arith.addf %scan3A_1236, %mul3A_1345 : vector<16xf32>
        %mul3A_1347 = arith.mulf %get3A_1342, %get3A_1280 : vector<16xf32>
        %add3A_1348 = arith.addf %scan3A_1237, %mul3A_1347 : vector<16xf32>
        %add3A_1349 = arith.constant 200 : i32
        %add3A_1350 = arith.addi %add3A_1349, %scan3A_1225 : i32
        %mul3A_1351 = arith.constant 4 : i32
        %mul3A_1352 = arith.muli %add3A_1350, %mul3A_1351 : i32
        %add3A_1353 = arith.constant 0 : i32
        %add3A_1354 = arith.addi %mul3A_1352, %add3A_1353 : i32
        %get3A_1355 = arith.constant 0 : i32
        %get3A_1356 = arith.index_cast %get3A_1355 : i32 to index
        %get3A_1357 = arith.index_cast %add3A_1354 : i32 to index
        %get3A_1358 = arith.constant 0 : index
        %get3A_1359 = tpu.vector_load %arg8[%get3A_1356, %get3A_1357, %get3A_1358] {strides = array<i32>} : memref<2x1600x16xf32, #tpu.memory_space<vmem>>, vector<16xf32>,
        %mul3A_1360 = arith.mulf %get3A_1359, %get3A_1262 : vector<16xf32>
        %add3A_1361 = arith.addf %scan3A_1238, %mul3A_1360 : vector<16xf32>
        %mul3A_1362 = arith.mulf %get3A_1359, %get3A_1271 : vector<16xf32>
        %add3A_1363 = arith.addf %scan3A_1239, %mul3A_1362 : vector<16xf32>
        %mul3A_1364 = arith.mulf %get3A_1359, %get3A_1280 : vector<16xf32>
        %add3A_1365 = arith.addf %scan3A_1240, %mul3A_1364 : vector<16xf32>
        %add3A_1366 = arith.constant 250 : i32
        %add3A_1367 = arith.addi %add3A_1366, %scan3A_1225 : i32
        %mul3A_1368 = arith.constant 4 : i32
        %mul3A_1369 = arith.muli %add3A_1367, %mul3A_1368 : i32
        %add3A_1370 = arith.constant 0 : i32
        %add3A_1371 = arith.addi %mul3A_1369, %add3A_1370 : i32
        %get3A_1372 = arith.constant 0 : i32
        %get3A_1373 = arith.index_cast %get3A_1372 : i32 to index
        %get3A_1374 = arith.index_cast %add3A_1371 : i32 to index
        %get3A_1375 = arith.constant 0 : index
        %get3A_1376 = tpu.vector_load %arg8[%get3A_1373, %get3A_1374, %get3A_1375] {strides = array<i32>} : memref<2x1600x16xf32, #tpu.memory_space<vmem>>, vector<16xf32>,
        %mul3A_1377 = arith.mulf %get3A_1376, %get3A_1262 : vector<16xf32>
        %add3A_1378 = arith.addf %scan3A_1241, %mul3A_1377 : vector<16xf32>
        %mul3A_1379 = arith.mulf %get3A_1376, %get3A_1271 : vector<16xf32>
        %add3A_1380 = arith.addf %scan3A_1242, %mul3A_1379 : vector<16xf32>
        %mul3A_1381 = arith.mulf %get3A_1376, %get3A_1280 : vector<16xf32>
        %add3A_1382 = arith.addf %scan3A_1243, %mul3A_1381 : vector<16xf32>
        %add3A_1383 = arith.constant 300 : i32
        %add3A_1384 = arith.addi %add3A_1383, %scan3A_1225 : i32
        %mul3A_1385 = arith.constant 4 : i32
        %mul3A_1386 = arith.muli %add3A_1384, %mul3A_1385 : i32
        %add3A_1387 = arith.constant 0 : i32
        %add3A_1388 = arith.addi %mul3A_1386, %add3A_1387 : i32
        %get3A_1389 = arith.constant 0 : i32
        %get3A_1390 = arith.index_cast %get3A_1389 : i32 to index
        %get3A_1391 = arith.index_cast %add3A_1388 : i32 to index
        %get3A_1392 = arith.constant 0 : index
        %get3A_1393 = tpu.vector_load %arg8[%get3A_1390, %get3A_1391, %get3A_1392] {strides = array<i32>} : memref<2x1600x16xf32, #tpu.memory_space<vmem>>, vector<16xf32>,
        %mul3A_1394 = arith.mulf %get3A_1393, %get3A_1262 : vector<16xf32>
        %add3A_1395 = arith.addf %scan3A_1244, %mul3A_1394 : vector<16xf32>
        %mul3A_1396 = arith.mulf %get3A_1393, %get3A_1271 : vector<16xf32>
        %add3A_1397 = arith.addf %scan3A_1245, %mul3A_1396 : vector<16xf32>
        %mul3A_1398 = arith.mulf %get3A_1393, %get3A_1280 : vector<16xf32>
        %add3A_1399 = arith.addf %scan3A_1246, %mul3A_1398 : vector<16xf32>
        %add3A_1400 = arith.constant 350 : i32
        %add3A_1401 = arith.addi %add3A_1400, %scan3A_1225 : i32
        %mul3A_1402 = arith.constant 4 : i32
        %mul3A_1403 = arith.muli %add3A_1401, %mul3A_1402 : i32
        %add3A_1404 = arith.constant 0 : i32
        %add3A_1405 = arith.addi %mul3A_1403, %add3A_1404 : i32
        %get3A_1406 = arith.constant 0 : i32
        %get3A_1407 = arith.index_cast %get3A_1406 : i32 to index
        %get3A_1408 = arith.index_cast %add3A_1405 : i32 to index
        %get3A_1409 = arith.constant 0 : index
        %get3A_1410 = tpu.vector_load %arg8[%get3A_1407, %get3A_1408, %get3A_1409] {strides = array<i32>} : memref<2x1600x16xf32, #tpu.memory_space<vmem>>, vector<16xf32>,
        %mul3A_1411 = arith.mulf %get3A_1410, %get3A_1262 : vector<16xf32>
        %add3A_1412 = arith.addf %scan3A_1247, %mul3A_1411 : vector<16xf32>
        %mul3A_1413 = arith.mulf %get3A_1410, %get3A_1271 : vector<16xf32>
        %add3A_1414 = arith.addf %scan3A_1248, %mul3A_1413 : vector<16xf32>
        %mul3A_1415 = arith.mulf %get3A_1410, %get3A_1280 : vector<16xf32>
        %add3A_1416 = arith.addf %scan3A_1249, %mul3A_1415 : vector<16xf32>
        %mul3A_1417 = arith.constant 12 : i32
        %mul3A_1418 = arith.muli %scan3A_1225, %mul3A_1417 : i32
        %add3A_1419 = arith.constant 3 : i32
        %add3A_1420 = arith.addi %mul3A_1418, %add3A_1419 : i32
        %add3A_1421 = arith.constant 0 : i32
        %add3A_1422 = arith.addi %add3A_1420, %add3A_1421 : i32
        %get3A_1423 = arith.index_cast %add3A_1422 : i32 to index
        %get3A_1424 = arith.constant 0 : index
        %get3A_1425 = tpu.vector_load %arg9[%get3A_1423, %get3A_1424] {strides = array<i32>} : memref<600x16xf32, #tpu.memory_space<vmem>>, vector<16xf32>,
        %mul3A_1426 = arith.constant 12 : i32
        %mul3A_1427 = arith.muli %scan3A_1225, %mul3A_1426 : i32
        %add3A_1428 = arith.constant 3 : i32
        %add3A_1429 = arith.addi %mul3A_1427, %add3A_1428 : i32
        %add3A_1430 = arith.constant 1 : i32
        %add3A_1431 = arith.addi %add3A_1429, %add3A_1430 : i32
        %get3A_1432 = arith.index_cast %add3A_1431 : i32 to index
        %get3A_1433 = arith.constant 0 : index
        %get3A_1434 = tpu.vector_load %arg9[%get3A_1432, %get3A_1433] {strides = array<i32>} : memref<600x16xf32, #tpu.memory_space<vmem>>, vector<16xf32>,
        %mul3A_1435 = arith.constant 12 : i32
        %mul3A_1436 = arith.muli %scan3A_1225, %mul3A_1435 : i32
        %add3A_1437 = arith.constant 3 : i32
        %add3A_1438 = arith.addi %mul3A_1436, %add3A_1437 : i32
        %add3A_1439 = arith.constant 2 : i32
        %add3A_1440 = arith.addi %add3A_1438, %add3A_1439 : i32
        %get3A_1441 = arith.index_cast %add3A_1440 : i32 to index
        %get3A_1442 = arith.constant 0 : index
        %get3A_1443 = tpu.vector_load %arg9[%get3A_1441, %get3A_1442] {strides = array<i32>} : memref<600x16xf32, #tpu.memory_space<vmem>>, vector<16xf32>,
        %add3A_1444 = arith.constant 0 : i32
        %add3A_1445 = arith.addi %add3A_1444, %scan3A_1225 : i32
        %mul3A_1446 = arith.constant 4 : i32
        %mul3A_1447 = arith.muli %add3A_1445, %mul3A_1446 : i32
        %add3A_1448 = arith.constant 1 : i32
        %add3A_1449 = arith.addi %mul3A_1447, %add3A_1448 : i32
        %get3A_1450 = arith.constant 0 : i32
        %get3A_1451 = arith.index_cast %get3A_1450 : i32 to index
        %get3A_1452 = arith.index_cast %add3A_1449 : i32 to index
        %get3A_1453 = arith.constant 0 : index
        %get3A_1454 = tpu.vector_load %arg8[%get3A_1451, %get3A_1452, %get3A_1453] {strides = array<i32>} : memref<2x1600x16xf32, #tpu.memory_space<vmem>>, vector<16xf32>,
        %mul3A_1455 = arith.mulf %get3A_1454, %get3A_1425 : vector<16xf32>
        %add3A_1456 = arith.addf %add3A_1293, %mul3A_1455 : vector<16xf32>
        %mul3A_1457 = arith.mulf %get3A_1454, %get3A_1434 : vector<16xf32>
        %add3A_1458 = arith.addf %add3A_1295, %mul3A_1457 : vector<16xf32>
        %mul3A_1459 = arith.mulf %get3A_1454, %get3A_1443 : vector<16xf32>
        %add3A_1460 = arith.addf %add3A_1297, %mul3A_1459 : vector<16xf32>
        %add3A_1461 = arith.constant 50 : i32
        %add3A_1462 = arith.addi %add3A_1461, %scan3A_1225 : i32
        %mul3A_1463 = arith.constant 4 : i32
        %mul3A_1464 = arith.muli %add3A_1462, %mul3A_1463 : i32
        %add3A_1465 = arith.constant 1 : i32
        %add3A_1466 = arith.addi %mul3A_1464, %add3A_1465 : i32
        %get3A_1467 = arith.constant 0 : i32
        %get3A_1468 = arith.index_cast %get3A_1467 : i32 to index
        %get3A_1469 = arith.index_cast %add3A_1466 : i32 to index
        %get3A_1470 = arith.constant 0 : index
        %get3A_1471 = tpu.vector_load %arg8[%get3A_1468, %get3A_1469, %get3A_1470] {strides = array<i32>} : memref<2x1600x16xf32, #tpu.memory_space<vmem>>, vector<16xf32>,
        %mul3A_1472 = arith.mulf %get3A_1471, %get3A_1425 : vector<16xf32>
        %add3A_1473 = arith.addf %add3A_1310, %mul3A_1472 : vector<16xf32>
        %mul3A_1474 = arith.mulf %get3A_1471, %get3A_1434 : vector<16xf32>
        %add3A_1475 = arith.addf %add3A_1312, %mul3A_1474 : vector<16xf32>
        %mul3A_1476 = arith.mulf %get3A_1471, %get3A_1443 : vector<16xf32>
        %add3A_1477 = arith.addf %add3A_1314, %mul3A_1476 : vector<16xf32>
        %add3A_1478 = arith.constant 100 : i32
        %add3A_1479 = arith.addi %add3A_1478, %scan3A_1225 : i32
        %mul3A_1480 = arith.constant 4 : i32
        %mul3A_1481 = arith.muli %add3A_1479, %mul3A_1480 : i32
        %add3A_1482 = arith.constant 1 : i32
        %add3A_1483 = arith.addi %mul3A_1481, %add3A_1482 : i32
        %get3A_1484 = arith.constant 0 : i32
        %get3A_1485 = arith.index_cast %get3A_1484 : i32 to index
        %get3A_1486 = arith.index_cast %add3A_1483 : i32 to index
        %get3A_1487 = arith.constant 0 : index
        %get3A_1488 = tpu.vector_load %arg8[%get3A_1485, %get3A_1486, %get3A_1487] {strides = array<i32>} : memref<2x1600x16xf32, #tpu.memory_space<vmem>>, vector<16xf32>,
        %mul3A_1489 = arith.mulf %get3A_1488, %get3A_1425 : vector<16xf32>
        %add3A_1490 = arith.addf %add3A_1327, %mul3A_1489 : vector<16xf32>
        %mul3A_1491 = arith.mulf %get3A_1488, %get3A_1434 : vector<16xf32>
        %add3A_1492 = arith.addf %add3A_1329, %mul3A_1491 : vector<16xf32>
        %mul3A_1493 = arith.mulf %get3A_1488, %get3A_1443 : vector<16xf32>
        %add3A_1494 = arith.addf %add3A_1331, %mul3A_1493 : vector<16xf32>
        %add3A_1495 = arith.constant 150 : i32
        %add3A_1496 = arith.addi %add3A_1495, %scan3A_1225 : i32
        %mul3A_1497 = arith.constant 4 : i32
        %mul3A_1498 = arith.muli %add3A_1496, %mul3A_1497 : i32
        %add3A_1499 = arith.constant 1 : i32
        %add3A_1500 = arith.addi %mul3A_1498, %add3A_1499 : i32
        %get3A_1501 = arith.constant 0 : i32
        %get3A_1502 = arith.index_cast %get3A_1501 : i32 to index
        %get3A_1503 = arith.index_cast %add3A_1500 : i32 to index
        %get3A_1504 = arith.constant 0 : index
        %get3A_1505 = tpu.vector_load %arg8[%get3A_1502, %get3A_1503, %get3A_1504] {strides = array<i32>} : memref<2x1600x16xf32, #tpu.memory_space<vmem>>, vector<16xf32>,
        %mul3A_1506 = arith.mulf %get3A_1505, %get3A_1425 : vector<16xf32>
        %add3A_1507 = arith.addf %add3A_1344, %mul3A_1506 : vector<16xf32>
        %mul3A_1508 = arith.mulf %get3A_1505, %get3A_1434 : vector<16xf32>
        %add3A_1509 = arith.addf %add3A_1346, %mul3A_1508 : vector<16xf32>
        %mul3A_1510 = arith.mulf %get3A_1505, %get3A_1443 : vector<16xf32>
        %add3A_1511 = arith.addf %add3A_1348, %mul3A_1510 : vector<16xf32>
        %add3A_1512 = arith.constant 200 : i32
        %add3A_1513 = arith.addi %add3A_1512, %scan3A_1225 : i32
        %mul3A_1514 = arith.constant 4 : i32
        %mul3A_1515 = arith.muli %add3A_1513, %mul3A_1514 : i32
        %add3A_1516 = arith.constant 1 : i32
        %add3A_1517 = arith.addi %mul3A_1515, %add3A_1516 : i32
        %get3A_1518 = arith.constant 0 : i32
        %get3A_1519 = arith.index_cast %get3A_1518 : i32 to index
        %get3A_1520 = arith.index_cast %add3A_1517 : i32 to index
        %get3A_1521 = arith.constant 0 : index
        %get3A_1522 = tpu.vector_load %arg8[%get3A_1519, %get3A_1520, %get3A_1521] {strides = array<i32>} : memref<2x1600x16xf32, #tpu.memory_space<vmem>>, vector<16xf32>,
        %mul3A_1523 = arith.mulf %get3A_1522, %get3A_1425 : vector<16xf32>
        %add3A_1524 = arith.addf %add3A_1361, %mul3A_1523 : vector<16xf32>
        %mul3A_1525 = arith.mulf %get3A_1522, %get3A_1434 : vector<16xf32>
        %add3A_1526 = arith.addf %add3A_1363, %mul3A_1525 : vector<16xf32>
        %mul3A_1527 = arith.mulf %get3A_1522, %get3A_1443 : vector<16xf32>
        %add3A_1528 = arith.addf %add3A_1365, %mul3A_1527 : vector<16xf32>
        %add3A_1529 = arith.constant 250 : i32
        %add3A_1530 = arith.addi %add3A_1529, %scan3A_1225 : i32
        %mul3A_1531 = arith.constant 4 : i32
        %mul3A_1532 = arith.muli %add3A_1530, %mul3A_1531 : i32
        %add3A_1533 = arith.constant 1 : i32
        %add3A_1534 = arith.addi %mul3A_1532, %add3A_1533 : i32
        %get3A_1535 = arith.constant 0 : i32
        %get3A_1536 = arith.index_cast %get3A_1535 : i32 to index
        %get3A_1537 = arith.index_cast %add3A_1534 : i32 to index
        %get3A_1538 = arith.constant 0 : index
        %get3A_1539 = tpu.vector_load %arg8[%get3A_1536, %get3A_1537, %get3A_1538] {strides = array<i32>} : memref<2x1600x16xf32, #tpu.memory_space<vmem>>, vector<16xf32>,
        %mul3A_1540 = arith.mulf %get3A_1539, %get3A_1425 : vector<16xf32>
        %add3A_1541 = arith.addf %add3A_1378, %mul3A_1540 : vector<16xf32>
        %mul3A_1542 = arith.mulf %get3A_1539, %get3A_1434 : vector<16xf32>
        %add3A_1543 = arith.addf %add3A_1380, %mul3A_1542 : vector<16xf32>
        %mul3A_1544 = arith.mulf %get3A_1539, %get3A_1443 : vector<16xf32>
        %add3A_1545 = arith.addf %add3A_1382, %mul3A_1544 : vector<16xf32>
        %add3A_1546 = arith.constant 300 : i32
        %add3A_1547 = arith.addi %add3A_1546, %scan3A_1225 : i32
        %mul3A_1548 = arith.constant 4 : i32
        %mul3A_1549 = arith.muli %add3A_1547, %mul3A_1548 : i32
        %add3A_1550 = arith.constant 1 : i32
        %add3A_1551 = arith.addi %mul3A_1549, %add3A_1550 : i32
        %get3A_1552 = arith.constant 0 : i32
        %get3A_1553 = arith.index_cast %get3A_1552 : i32 to index
        %get3A_1554 = arith.index_cast %add3A_1551 : i32 to index
        %get3A_1555 = arith.constant 0 : index
        %get3A_1556 = tpu.vector_load %arg8[%get3A_1553, %get3A_1554, %get3A_1555] {strides = array<i32>} : memref<2x1600x16xf32, #tpu.memory_space<vmem>>, vector<16xf32>,
        %mul3A_1557 = arith.mulf %get3A_1556, %get3A_1425 : vector<16xf32>
        %add3A_1558 = arith.addf %add3A_1395, %mul3A_1557 : vector<16xf32>
        %mul3A_1559 = arith.mulf %get3A_1556, %get3A_1434 : vector<16xf32>
        %add3A_1560 = arith.addf %add3A_1397, %mul3A_1559 : vector<16xf32>
        %mul3A_1561 = arith.mulf %get3A_1556, %get3A_1443 : vector<16xf32>
        %add3A_1562 = arith.addf %add3A_1399, %mul3A_1561 : vector<16xf32>
        %add3A_1563 = arith.constant 350 : i32
        %add3A_1564 = arith.addi %add3A_1563, %scan3A_1225 : i32
        %mul3A_1565 = arith.constant 4 : i32
        %mul3A_1566 = arith.muli %add3A_1564, %mul3A_1565 : i32
        %add3A_1567 = arith.constant 1 : i32
        %add3A_1568 = arith.addi %mul3A_1566, %add3A_1567 : i32
        %get3A_1569 = arith.constant 0 : i32
        %get3A_1570 = arith.index_cast %get3A_1569 : i32 to index
        %get3A_1571 = arith.index_cast %add3A_1568 : i32 to index
        %get3A_1572 = arith.constant 0 : index
        %get3A_1573 = tpu.vector_load %arg8[%get3A_1570, %get3A_1571, %get3A_1572] {strides = array<i32>} : memref<2x1600x16xf32, #tpu.memory_space<vmem>>, vector<16xf32>,
        %mul3A_1574 = arith.mulf %get3A_1573, %get3A_1425 : vector<16xf32>
        %add3A_1575 = arith.addf %add3A_1412, %mul3A_1574 : vector<16xf32>
        %mul3A_1576 = arith.mulf %get3A_1573, %get3A_1434 : vector<16xf32>
        %add3A_1577 = arith.addf %add3A_1414, %mul3A_1576 : vector<16xf32>
        %mul3A_1578 = arith.mulf %get3A_1573, %get3A_1443 : vector<16xf32>
        %add3A_1579 = arith.addf %add3A_1416, %mul3A_1578 : vector<16xf32>
        %mul3A_1580 = arith.constant 12 : i32
        %mul3A_1581 = arith.muli %scan3A_1225, %mul3A_1580 : i32
        %add3A_1582 = arith.constant 6 : i32
        %add3A_1583 = arith.addi %mul3A_1581, %add3A_1582 : i32
        %add3A_1584 = arith.constant 0 : i32
        %add3A_1585 = arith.addi %add3A_1583, %add3A_1584 : i32
        %get3A_1586 = arith.index_cast %add3A_1585 : i32 to index
        %get3A_1587 = arith.constant 0 : index
        %get3A_1588 = tpu.vector_load %arg9[%get3A_1586, %get3A_1587] {strides = array<i32>} : memref<600x16xf32, #tpu.memory_space<vmem>>, vector<16xf32>,
        %mul3A_1589 = arith.constant 12 : i32
        %mul3A_1590 = arith.muli %scan3A_1225, %mul3A_1589 : i32
        %add3A_1591 = arith.constant 6 : i32
        %add3A_1592 = arith.addi %mul3A_1590, %add3A_1591 : i32
        %add3A_1593 = arith.constant 1 : i32
        %add3A_1594 = arith.addi %add3A_1592, %add3A_1593 : i32
        %get3A_1595 = arith.index_cast %add3A_1594 : i32 to index
        %get3A_1596 = arith.constant 0 : index
        %get3A_1597 = tpu.vector_load %arg9[%get3A_1595, %get3A_1596] {strides = array<i32>} : memref<600x16xf32, #tpu.memory_space<vmem>>, vector<16xf32>,
        %mul3A_1598 = arith.constant 12 : i32
        %mul3A_1599 = arith.muli %scan3A_1225, %mul3A_1598 : i32
        %add3A_1600 = arith.constant 6 : i32
        %add3A_1601 = arith.addi %mul3A_1599, %add3A_1600 : i32
        %add3A_1602 = arith.constant 2 : i32
        %add3A_1603 = arith.addi %add3A_1601, %add3A_1602 : i32
        %get3A_1604 = arith.index_cast %add3A_1603 : i32 to index
        %get3A_1605 = arith.constant 0 : index
        %get3A_1606 = tpu.vector_load %arg9[%get3A_1604, %get3A_1605] {strides = array<i32>} : memref<600x16xf32, #tpu.memory_space<vmem>>, vector<16xf32>,
        %add3A_1607 = arith.constant 0 : i32
        %add3A_1608 = arith.addi %add3A_1607, %scan3A_1225 : i32
        %mul3A_1609 = arith.constant 4 : i32
        %mul3A_1610 = arith.muli %add3A_1608, %mul3A_1609 : i32
        %add3A_1611 = arith.constant 2 : i32
        %add3A_1612 = arith.addi %mul3A_1610, %add3A_1611 : i32
        %get3A_1613 = arith.constant 0 : i32
        %get3A_1614 = arith.index_cast %get3A_1613 : i32 to index
        %get3A_1615 = arith.index_cast %add3A_1612 : i32 to index
        %get3A_1616 = arith.constant 0 : index
        %get3A_1617 = tpu.vector_load %arg8[%get3A_1614, %get3A_1615, %get3A_1616] {strides = array<i32>} : memref<2x1600x16xf32, #tpu.memory_space<vmem>>, vector<16xf32>,
        %mul3A_1618 = arith.mulf %get3A_1617, %get3A_1588 : vector<16xf32>
        %add3A_1619 = arith.addf %add3A_1456, %mul3A_1618 : vector<16xf32>
        %mul3A_1620 = arith.mulf %get3A_1617, %get3A_1597 : vector<16xf32>
        %add3A_1621 = arith.addf %add3A_1458, %mul3A_1620 : vector<16xf32>
        %mul3A_1622 = arith.mulf %get3A_1617, %get3A_1606 : vector<16xf32>
        %add3A_1623 = arith.addf %add3A_1460, %mul3A_1622 : vector<16xf32>
        %add3A_1624 = arith.constant 50 : i32
        %add3A_1625 = arith.addi %add3A_1624, %scan3A_1225 : i32
        %mul3A_1626 = arith.constant 4 : i32
        %mul3A_1627 = arith.muli %add3A_1625, %mul3A_1626 : i32
        %add3A_1628 = arith.constant 2 : i32
        %add3A_1629 = arith.addi %mul3A_1627, %add3A_1628 : i32
        %get3A_1630 = arith.constant 0 : i32
        %get3A_1631 = arith.index_cast %get3A_1630 : i32 to index
        %get3A_1632 = arith.index_cast %add3A_1629 : i32 to index
        %get3A_1633 = arith.constant 0 : index
        %get3A_1634 = tpu.vector_load %arg8[%get3A_1631, %get3A_1632, %get3A_1633] {strides = array<i32>} : memref<2x1600x16xf32, #tpu.memory_space<vmem>>, vector<16xf32>,
        %mul3A_1635 = arith.mulf %get3A_1634, %get3A_1588 : vector<16xf32>
        %add3A_1636 = arith.addf %add3A_1473, %mul3A_1635 : vector<16xf32>
        %mul3A_1637 = arith.mulf %get3A_1634, %get3A_1597 : vector<16xf32>
        %add3A_1638 = arith.addf %add3A_1475, %mul3A_1637 : vector<16xf32>
        %mul3A_1639 = arith.mulf %get3A_1634, %get3A_1606 : vector<16xf32>
        %add3A_1640 = arith.addf %add3A_1477, %mul3A_1639 : vector<16xf32>
        %add3A_1641 = arith.constant 100 : i32
        %add3A_1642 = arith.addi %add3A_1641, %scan3A_1225 : i32
        %mul3A_1643 = arith.constant 4 : i32
        %mul3A_1644 = arith.muli %add3A_1642, %mul3A_1643 : i32
        %add3A_1645 = arith.constant 2 : i32
        %add3A_1646 = arith.addi %mul3A_1644, %add3A_1645 : i32
        %get3A_1647 = arith.constant 0 : i32
        %get3A_1648 = arith.index_cast %get3A_1647 : i32 to index
        %get3A_1649 = arith.index_cast %add3A_1646 : i32 to index
        %get3A_1650 = arith.constant 0 : index
        %get3A_1651 = tpu.vector_load %arg8[%get3A_1648, %get3A_1649, %get3A_1650] {strides = array<i32>} : memref<2x1600x16xf32, #tpu.memory_space<vmem>>, vector<16xf32>,
        %mul3A_1652 = arith.mulf %get3A_1651, %get3A_1588 : vector<16xf32>
        %add3A_1653 = arith.addf %add3A_1490, %mul3A_1652 : vector<16xf32>
        %mul3A_1654 = arith.mulf %get3A_1651, %get3A_1597 : vector<16xf32>
        %add3A_1655 = arith.addf %add3A_1492, %mul3A_1654 : vector<16xf32>
        %mul3A_1656 = arith.mulf %get3A_1651, %get3A_1606 : vector<16xf32>
        %add3A_1657 = arith.addf %add3A_1494, %mul3A_1656 : vector<16xf32>
        %add3A_1658 = arith.constant 150 : i32
        %add3A_1659 = arith.addi %add3A_1658, %scan3A_1225 : i32
        %mul3A_1660 = arith.constant 4 : i32
        %mul3A_1661 = arith.muli %add3A_1659, %mul3A_1660 : i32
        %add3A_1662 = arith.constant 2 : i32
        %add3A_1663 = arith.addi %mul3A_1661, %add3A_1662 : i32
        %get3A_1664 = arith.constant 0 : i32
        %get3A_1665 = arith.index_cast %get3A_1664 : i32 to index
        %get3A_1666 = arith.index_cast %add3A_1663 : i32 to index
        %get3A_1667 = arith.constant 0 : index
        %get3A_1668 = tpu.vector_load %arg8[%get3A_1665, %get3A_1666, %get3A_1667] {strides = array<i32>} : memref<2x1600x16xf32, #tpu.memory_space<vmem>>, vector<16xf32>,
        %mul3A_1669 = arith.mulf %get3A_1668, %get3A_1588 : vector<16xf32>
        %add3A_1670 = arith.addf %add3A_1507, %mul3A_1669 : vector<16xf32>
        %mul3A_1671 = arith.mulf %get3A_1668, %get3A_1597 : vector<16xf32>
        %add3A_1672 = arith.addf %add3A_1509, %mul3A_1671 : vector<16xf32>
        %mul3A_1673 = arith.mulf %get3A_1668, %get3A_1606 : vector<16xf32>
        %add3A_1674 = arith.addf %add3A_1511, %mul3A_1673 : vector<16xf32>
        %add3A_1675 = arith.constant 200 : i32
        %add3A_1676 = arith.addi %add3A_1675, %scan3A_1225 : i32
        %mul3A_1677 = arith.constant 4 : i32
        %mul3A_1678 = arith.muli %add3A_1676, %mul3A_1677 : i32
        %add3A_1679 = arith.constant 2 : i32
        %add3A_1680 = arith.addi %mul3A_1678, %add3A_1679 : i32
        %get3A_1681 = arith.constant 0 : i32
        %get3A_1682 = arith.index_cast %get3A_1681 : i32 to index
        %get3A_1683 = arith.index_cast %add3A_1680 : i32 to index
        %get3A_1684 = arith.constant 0 : index
        %get3A_1685 = tpu.vector_load %arg8[%get3A_1682, %get3A_1683, %get3A_1684] {strides = array<i32>} : memref<2x1600x16xf32, #tpu.memory_space<vmem>>, vector<16xf32>,
        %mul3A_1686 = arith.mulf %get3A_1685, %get3A_1588 : vector<16xf32>
        %add3A_1687 = arith.addf %add3A_1524, %mul3A_1686 : vector<16xf32>
        %mul3A_1688 = arith.mulf %get3A_1685, %get3A_1597 : vector<16xf32>
        %add3A_1689 = arith.addf %add3A_1526, %mul3A_1688 : vector<16xf32>
        %mul3A_1690 = arith.mulf %get3A_1685, %get3A_1606 : vector<16xf32>
        %add3A_1691 = arith.addf %add3A_1528, %mul3A_1690 : vector<16xf32>
        %add3A_1692 = arith.constant 250 : i32
        %add3A_1693 = arith.addi %add3A_1692, %scan3A_1225 : i32
        %mul3A_1694 = arith.constant 4 : i32
        %mul3A_1695 = arith.muli %add3A_1693, %mul3A_1694 : i32
        %add3A_1696 = arith.constant 2 : i32
        %add3A_1697 = arith.addi %mul3A_1695, %add3A_1696 : i32
        %get3A_1698 = arith.constant 0 : i32
        %get3A_1699 = arith.index_cast %get3A_1698 : i32 to index
        %get3A_1700 = arith.index_cast %add3A_1697 : i32 to index
        %get3A_1701 = arith.constant 0 : index
        %get3A_1702 = tpu.vector_load %arg8[%get3A_1699, %get3A_1700, %get3A_1701] {strides = array<i32>} : memref<2x1600x16xf32, #tpu.memory_space<vmem>>, vector<16xf32>,
        %mul3A_1703 = arith.mulf %get3A_1702, %get3A_1588 : vector<16xf32>
        %add3A_1704 = arith.addf %add3A_1541, %mul3A_1703 : vector<16xf32>
        %mul3A_1705 = arith.mulf %get3A_1702, %get3A_1597 : vector<16xf32>
        %add3A_1706 = arith.addf %add3A_1543, %mul3A_1705 : vector<16xf32>
        %mul3A_1707 = arith.mulf %get3A_1702, %get3A_1606 : vector<16xf32>
        %add3A_1708 = arith.addf %add3A_1545, %mul3A_1707 : vector<16xf32>
        %add3A_1709 = arith.constant 300 : i32
        %add3A_1710 = arith.addi %add3A_1709, %scan3A_1225 : i32
        %mul3A_1711 = arith.constant 4 : i32
        %mul3A_1712 = arith.muli %add3A_1710, %mul3A_1711 : i32
        %add3A_1713 = arith.constant 2 : i32
        %add3A_1714 = arith.addi %mul3A_1712, %add3A_1713 : i32
        %get3A_1715 = arith.constant 0 : i32
        %get3A_1716 = arith.index_cast %get3A_1715 : i32 to index
        %get3A_1717 = arith.index_cast %add3A_1714 : i32 to index
        %get3A_1718 = arith.constant 0 : index
        %get3A_1719 = tpu.vector_load %arg8[%get3A_1716, %get3A_1717, %get3A_1718] {strides = array<i32>} : memref<2x1600x16xf32, #tpu.memory_space<vmem>>, vector<16xf32>,
        %mul3A_1720 = arith.mulf %get3A_1719, %get3A_1588 : vector<16xf32>
        %add3A_1721 = arith.addf %add3A_1558, %mul3A_1720 : vector<16xf32>
        %mul3A_1722 = arith.mulf %get3A_1719, %get3A_1597 : vector<16xf32>
        %add3A_1723 = arith.addf %add3A_1560, %mul3A_1722 : vector<16xf32>
        %mul3A_1724 = arith.mulf %get3A_1719, %get3A_1606 : vector<16xf32>
        %add3A_1725 = arith.addf %add3A_1562, %mul3A_1724 : vector<16xf32>
        %add3A_1726 = arith.constant 350 : i32
        %add3A_1727 = arith.addi %add3A_1726, %scan3A_1225 : i32
        %mul3A_1728 = arith.constant 4 : i32
        %mul3A_1729 = arith.muli %add3A_1727, %mul3A_1728 : i32
        %add3A_1730 = arith.constant 2 : i32
        %add3A_1731 = arith.addi %mul3A_1729, %add3A_1730 : i32
        %get3A_1732 = arith.constant 0 : i32
        %get3A_1733 = arith.index_cast %get3A_1732 : i32 to index
        %get3A_1734 = arith.index_cast %add3A_1731 : i32 to index
        %get3A_1735 = arith.constant 0 : index
        %get3A_1736 = tpu.vector_load %arg8[%get3A_1733, %get3A_1734, %get3A_1735] {strides = array<i32>} : memref<2x1600x16xf32, #tpu.memory_space<vmem>>, vector<16xf32>,
        %mul3A_1737 = arith.mulf %get3A_1736, %get3A_1588 : vector<16xf32>
        %add3A_1738 = arith.addf %add3A_1575, %mul3A_1737 : vector<16xf32>
        %mul3A_1739 = arith.mulf %get3A_1736, %get3A_1597 : vector<16xf32>
        %add3A_1740 = arith.addf %add3A_1577, %mul3A_1739 : vector<16xf32>
        %mul3A_1741 = arith.mulf %get3A_1736, %get3A_1606 : vector<16xf32>
        %add3A_1742 = arith.addf %add3A_1579, %mul3A_1741 : vector<16xf32>
        %mul3A_1743 = arith.constant 12 : i32
        %mul3A_1744 = arith.muli %scan3A_1225, %mul3A_1743 : i32
        %add3A_1745 = arith.constant 9 : i32
        %add3A_1746 = arith.addi %mul3A_1744, %add3A_1745 : i32
        %add3A_1747 = arith.constant 0 : i32
        %add3A_1748 = arith.addi %add3A_1746, %add3A_1747 : i32
        %get3A_1749 = arith.index_cast %add3A_1748 : i32 to index
        %get3A_1750 = arith.constant 0 : index
        %get3A_1751 = tpu.vector_load %arg9[%get3A_1749, %get3A_1750] {strides = array<i32>} : memref<600x16xf32, #tpu.memory_space<vmem>>, vector<16xf32>,
        %mul3A_1752 = arith.constant 12 : i32
        %mul3A_1753 = arith.muli %scan3A_1225, %mul3A_1752 : i32
        %add3A_1754 = arith.constant 9 : i32
        %add3A_1755 = arith.addi %mul3A_1753, %add3A_1754 : i32
        %add3A_1756 = arith.constant 1 : i32
        %add3A_1757 = arith.addi %add3A_1755, %add3A_1756 : i32
        %get3A_1758 = arith.index_cast %add3A_1757 : i32 to index
        %get3A_1759 = arith.constant 0 : index
        %get3A_1760 = tpu.vector_load %arg9[%get3A_1758, %get3A_1759] {strides = array<i32>} : memref<600x16xf32, #tpu.memory_space<vmem>>, vector<16xf32>,
        %mul3A_1761 = arith.constant 12 : i32
        %mul3A_1762 = arith.muli %scan3A_1225, %mul3A_1761 : i32
        %add3A_1763 = arith.constant 9 : i32
        %add3A_1764 = arith.addi %mul3A_1762, %add3A_1763 : i32
        %add3A_1765 = arith.constant 2 : i32
        %add3A_1766 = arith.addi %add3A_1764, %add3A_1765 : i32
        %get3A_1767 = arith.index_cast %add3A_1766 : i32 to index
        %get3A_1768 = arith.constant 0 : index
        %get3A_1769 = tpu.vector_load %arg9[%get3A_1767, %get3A_1768] {strides = array<i32>} : memref<600x16xf32, #tpu.memory_space<vmem>>, vector<16xf32>,
        %add3A_1770 = arith.constant 0 : i32
        %add3A_1771 = arith.addi %add3A_1770, %scan3A_1225 : i32
        %mul3A_1772 = arith.constant 4 : i32
        %mul3A_1773 = arith.muli %add3A_1771, %mul3A_1772 : i32
        %add3A_1774 = arith.constant 2 : i32
        %add3A_1775 = arith.addi %mul3A_1773, %add3A_1774 : i32
        %get3A_1776 = arith.constant 0 : i32
        %get3A_1777 = arith.index_cast %get3A_1776 : i32 to index
        %get3A_1778 = arith.index_cast %add3A_1775 : i32 to index
        %get3A_1779 = arith.index_cast %add3A_1253 : i32 to index
        %get3A_1780 = tpu.vector_load %arg8[%get3A_1777, %get3A_1778, %get3A_1779] {strides = array<i32>} : memref<2x1600x16xf32, #tpu.memory_space<vmem>>, vector<16xf32>,
        %mul3A_1781 = arith.mulf %get3A_1780, %get3A_1751 : vector<16xf32>
        %add3A_1782 = arith.addf %add3A_1619, %mul3A_1781 : vector<16xf32>
        %mul3A_1783 = arith.mulf %get3A_1780, %get3A_1760 : vector<16xf32>
        %add3A_1784 = arith.addf %add3A_1621, %mul3A_1783 : vector<16xf32>
        %mul3A_1785 = arith.mulf %get3A_1780, %get3A_1769 : vector<16xf32>
        %add3A_1786 = arith.addf %add3A_1623, %mul3A_1785 : vector<16xf32>
        %add3A_1787 = arith.constant 50 : i32
        %add3A_1788 = arith.addi %add3A_1787, %scan3A_1225 : i32
        %mul3A_1789 = arith.constant 4 : i32
        %mul3A_1790 = arith.muli %add3A_1788, %mul3A_1789 : i32
        %add3A_1791 = arith.constant 2 : i32
        %add3A_1792 = arith.addi %mul3A_1790, %add3A_1791 : i32
        %get3A_1793 = arith.constant 0 : i32
        %get3A_1794 = arith.index_cast %get3A_1793 : i32 to index
        %get3A_1795 = arith.index_cast %add3A_1792 : i32 to index
        %get3A_1796 = arith.index_cast %add3A_1253 : i32 to index
        %get3A_1797 = tpu.vector_load %arg8[%get3A_1794, %get3A_1795, %get3A_1796] {strides = array<i32>} : memref<2x1600x16xf32, #tpu.memory_space<vmem>>, vector<16xf32>,
        %mul3A_1798 = arith.mulf %get3A_1797, %get3A_1751 : vector<16xf32>
        %add3A_1799 = arith.addf %add3A_1636, %mul3A_1798 : vector<16xf32>
        %mul3A_1800 = arith.mulf %get3A_1797, %get3A_1760 : vector<16xf32>
        %add3A_1801 = arith.addf %add3A_1638, %mul3A_1800 : vector<16xf32>
        %mul3A_1802 = arith.mulf %get3A_1797, %get3A_1769 : vector<16xf32>
        %add3A_1803 = arith.addf %add3A_1640, %mul3A_1802 : vector<16xf32>
        %add3A_1804 = arith.constant 100 : i32
        %add3A_1805 = arith.addi %add3A_1804, %scan3A_1225 : i32
        %mul3A_1806 = arith.constant 4 : i32
        %mul3A_1807 = arith.muli %add3A_1805, %mul3A_1806 : i32
        %add3A_1808 = arith.constant 2 : i32
        %add3A_1809 = arith.addi %mul3A_1807, %add3A_1808 : i32
        %get3A_1810 = arith.constant 0 : i32
        %get3A_1811 = arith.index_cast %get3A_1810 : i32 to index
        %get3A_1812 = arith.index_cast %add3A_1809 : i32 to index
        %get3A_1813 = arith.index_cast %add3A_1253 : i32 to index
        %get3A_1814 = tpu.vector_load %arg8[%get3A_1811, %get3A_1812, %get3A_1813] {strides = array<i32>} : memref<2x1600x16xf32, #tpu.memory_space<vmem>>, vector<16xf32>,
        %mul3A_1815 = arith.mulf %get3A_1814, %get3A_1751 : vector<16xf32>
        %add3A_1816 = arith.addf %add3A_1653, %mul3A_1815 : vector<16xf32>
        %mul3A_1817 = arith.mulf %get3A_1814, %get3A_1760 : vector<16xf32>
        %add3A_1818 = arith.addf %add3A_1655, %mul3A_1817 : vector<16xf32>
        %mul3A_1819 = arith.mulf %get3A_1814, %get3A_1769 : vector<16xf32>
        %add3A_1820 = arith.addf %add3A_1657, %mul3A_1819 : vector<16xf32>
        %add3A_1821 = arith.constant 150 : i32
        %add3A_1822 = arith.addi %add3A_1821, %scan3A_1225 : i32
        %mul3A_1823 = arith.constant 4 : i32
        %mul3A_1824 = arith.muli %add3A_1822, %mul3A_1823 : i32
        %add3A_1825 = arith.constant 2 : i32
        %add3A_1826 = arith.addi %mul3A_1824, %add3A_1825 : i32
        %get3A_1827 = arith.constant 0 : i32
        %get3A_1828 = arith.index_cast %get3A_1827 : i32 to index
        %get3A_1829 = arith.index_cast %add3A_1826 : i32 to index
        %get3A_1830 = arith.index_cast %add3A_1253 : i32 to index
        %get3A_1831 = tpu.vector_load %arg8[%get3A_1828, %get3A_1829, %get3A_1830] {strides = array<i32>} : memref<2x1600x16xf32, #tpu.memory_space<vmem>>, vector<16xf32>,
        %mul3A_1832 = arith.mulf %get3A_1831, %get3A_1751 : vector<16xf32>
        %add3A_1833 = arith.addf %add3A_1670, %mul3A_1832 : vector<16xf32>
        %mul3A_1834 = arith.mulf %get3A_1831, %get3A_1760 : vector<16xf32>
        %add3A_1835 = arith.addf %add3A_1672, %mul3A_1834 : vector<16xf32>
        %mul3A_1836 = arith.mulf %get3A_1831, %get3A_1769 : vector<16xf32>
        %add3A_1837 = arith.addf %add3A_1674, %mul3A_1836 : vector<16xf32>
        %add3A_1838 = arith.constant 200 : i32
        %add3A_1839 = arith.addi %add3A_1838, %scan3A_1225 : i32
        %mul3A_1840 = arith.constant 4 : i32
        %mul3A_1841 = arith.muli %add3A_1839, %mul3A_1840 : i32
        %add3A_1842 = arith.constant 2 : i32
        %add3A_1843 = arith.addi %mul3A_1841, %add3A_1842 : i32
        %get3A_1844 = arith.constant 0 : i32
        %get3A_1845 = arith.index_cast %get3A_1844 : i32 to index
        %get3A_1846 = arith.index_cast %add3A_1843 : i32 to index
        %get3A_1847 = arith.index_cast %add3A_1253 : i32 to index
        %get3A_1848 = tpu.vector_load %arg8[%get3A_1845, %get3A_1846, %get3A_1847] {strides = array<i32>} : memref<2x1600x16xf32, #tpu.memory_space<vmem>>, vector<16xf32>,
        %mul3A_1849 = arith.mulf %get3A_1848, %get3A_1751 : vector<16xf32>
        %add3A_1850 = arith.addf %add3A_1687, %mul3A_1849 : vector<16xf32>
        %mul3A_1851 = arith.mulf %get3A_1848, %get3A_1760 : vector<16xf32>
        %add3A_1852 = arith.addf %add3A_1689, %mul3A_1851 : vector<16xf32>
        %mul3A_1853 = arith.mulf %get3A_1848, %get3A_1769 : vector<16xf32>
        %add3A_1854 = arith.addf %add3A_1691, %mul3A_1853 : vector<16xf32>
        %add3A_1855 = arith.constant 250 : i32
        %add3A_1856 = arith.addi %add3A_1855, %scan3A_1225 : i32
        %mul3A_1857 = arith.constant 4 : i32
        %mul3A_1858 = arith.muli %add3A_1856, %mul3A_1857 : i32
        %add3A_1859 = arith.constant 2 : i32
        %add3A_1860 = arith.addi %mul3A_1858, %add3A_1859 : i32
        %get3A_1861 = arith.constant 0 : i32
        %get3A_1862 = arith.index_cast %get3A_1861 : i32 to index
        %get3A_1863 = arith.index_cast %add3A_1860 : i32 to index
        %get3A_1864 = arith.index_cast %add3A_1253 : i32 to index
        %get3A_1865 = tpu.vector_load %arg8[%get3A_1862, %get3A_1863, %get3A_1864] {strides = array<i32>} : memref<2x1600x16xf32, #tpu.memory_space<vmem>>, vector<16xf32>,
        %mul3A_1866 = arith.mulf %get3A_1865, %get3A_1751 : vector<16xf32>
        %add3A_1867 = arith.addf %add3A_1704, %mul3A_1866 : vector<16xf32>
        %mul3A_1868 = arith.mulf %get3A_1865, %get3A_1760 : vector<16xf32>
        %add3A_1869 = arith.addf %add3A_1706, %mul3A_1868 : vector<16xf32>
        %mul3A_1870 = arith.mulf %get3A_1865, %get3A_1769 : vector<16xf32>
        %add3A_1871 = arith.addf %add3A_1708, %mul3A_1870 : vector<16xf32>
        %add3A_1872 = arith.constant 300 : i32
        %add3A_1873 = arith.addi %add3A_1872, %scan3A_1225 : i32
        %mul3A_1874 = arith.constant 4 : i32
        %mul3A_1875 = arith.muli %add3A_1873, %mul3A_1874 : i32
        %add3A_1876 = arith.constant 2 : i32
        %add3A_1877 = arith.addi %mul3A_1875, %add3A_1876 : i32
        %get3A_1878 = arith.constant 0 : i32
        %get3A_1879 = arith.index_cast %get3A_1878 : i32 to index
        %get3A_1880 = arith.index_cast %add3A_1877 : i32 to index
        %get3A_1881 = arith.index_cast %add3A_1253 : i32 to index
        %get3A_1882 = tpu.vector_load %arg8[%get3A_1879, %get3A_1880, %get3A_1881] {strides = array<i32>} : memref<2x1600x16xf32, #tpu.memory_space<vmem>>, vector<16xf32>,
        %mul3A_1883 = arith.mulf %get3A_1882, %get3A_1751 : vector<16xf32>
        %add3A_1884 = arith.addf %add3A_1721, %mul3A_1883 : vector<16xf32>
        %mul3A_1885 = arith.mulf %get3A_1882, %get3A_1760 : vector<16xf32>
        %add3A_1886 = arith.addf %add3A_1723, %mul3A_1885 : vector<16xf32>
        %mul3A_1887 = arith.mulf %get3A_1882, %get3A_1769 : vector<16xf32>
        %add3A_1888 = arith.addf %add3A_1725, %mul3A_1887 : vector<16xf32>
        %add3A_1889 = arith.constant 350 : i32
        %add3A_1890 = arith.addi %add3A_1889, %scan3A_1225 : i32
        %mul3A_1891 = arith.constant 4 : i32
        %mul3A_1892 = arith.muli %add3A_1890, %mul3A_1891 : i32
        %add3A_1893 = arith.constant 2 : i32
        %add3A_1894 = arith.addi %mul3A_1892, %add3A_1893 : i32
        %get3A_1895 = arith.constant 0 : i32
        %get3A_1896 = arith.index_cast %get3A_1895 : i32 to index
        %get3A_1897 = arith.index_cast %add3A_1894 : i32 to index
        %get3A_1898 = arith.index_cast %add3A_1253 : i32 to index
        %get3A_1899 = tpu.vector_load %arg8[%get3A_1896, %get3A_1897, %get3A_1898] {strides = array<i32>} : memref<2x1600x16xf32, #tpu.memory_space<vmem>>, vector<16xf32>,
        %mul3A_1900 = arith.mulf %get3A_1899, %get3A_1751 : vector<16xf32>
        %add3A_1901 = arith.addf %add3A_1738, %mul3A_1900 : vector<16xf32>
        %mul3A_1902 = arith.mulf %get3A_1899, %get3A_1760 : vector<16xf32>
        %add3A_1903 = arith.addf %add3A_1740, %mul3A_1902 : vector<16xf32>
        %mul3A_1904 = arith.mulf %get3A_1899, %get3A_1769 : vector<16xf32>
        %add3A_1905 = arith.addf %add3A_1742, %mul3A_1904 : vector<16xf32>
        scf.yield %add3A_1782, %add3A_1784, %add3A_1786, %add3A_1799, %add3A_1801, %add3A_1803, %add3A_1816, %add3A_1818, %add3A_1820, %add3A_1833, %add3A_1835, %add3A_1837, %add3A_1850, %add3A_1852, %add3A_1854, %add3A_1867, %add3A_1869, %add3A_1871, %add3A_1884, %add3A_1886, %add3A_1888, %add3A_1901, %add3A_1903, %add3A_1905 : vector<16xf32>, vector<16xf32>, vector<16xf32>, vector<16xf32>, vector<16xf32>, vector<16xf32>, vector<16xf32>, vector<16xf32>, vector<16xf32>, vector<16xf32>, vector<16xf32>, vector<16xf32>, vector<16xf32>, vector<16xf32>, vector<16xf32>, vector<16xf32>, vector<16xf32>, vector<16xf32>, vector<16xf32>, vector<16xf32>, vector<16xf32>, vector<16xf32>, vector<16xf32>, vector<16xf32>
      }
      %scan3A_346 = arith.constant 50 : i32
      %iota3A = tpu.iota {dimensions = array<i32: 0>} : vector<16xi32>
      %get3A = arith.constant 0 : index
      %get3A_347 = tpu.vector_load %arg10[%get3A] {strides = array<i32>} : memref<16xf32, #tpu.memory_space<vmem>>, vector<16xf32>,
      %mul3A_348 = arith.constant 8 : i32
      %mul3A_349 = arith.muli %add3A_180, %mul3A_348 : i32
      %add3A_350 = arith.constant 0 : i32
      %add3A_351 = arith.addi %mul3A_349, %add3A_350 : i32
      %reduce_sum3A = arith.constant true
      %reduce_sum3A_352 = vector.broadcast %reduce_sum3A : i1 to vector<16xi1>
      %reduce_sum3A_353 = tpu.scan <sum>, %scan3A_345#0 masked %reduce_sum3A_352 : vector<16xf32>, vector<16xi1> -> vector<16xf32>
      %reduce_sum3A_354 = vector.extract %reduce_sum3A_353[15] : f32 from vector<16xf32>
      %eq3A = arith.constant 0 : i32
      %eq3A_355 = vector.broadcast %eq3A : i32 to vector<16xi32>
      %eq3A_356 = arith.cmpi eq, %iota3A, %eq3A_355 : vector<16xi32>
      %convert_element_type3A_357 = arith.extui %eq3A_356 : vector<16xi1> to vector<16xi32>
      %convert_element_type3A_358 = arith.sitofp %convert_element_type3A_357 : vector<16xi32> to vector<16xf32>
      %mul3A_359 = vector.broadcast %reduce_sum3A_354 : f32 to vector<16xf32>
      %mul3A_360 = arith.mulf %mul3A_359, %convert_element_type3A_358 : vector<16xf32>
      %add3A_361 = arith.addf %get3A_347, %mul3A_360 : vector<16xf32>
      %reduce_sum3A_362 = arith.constant true
      %reduce_sum3A_363 = vector.broadcast %reduce_sum3A_362 : i1 to vector<16xi1>
      %reduce_sum3A_364 = tpu.scan <sum>, %scan3A_345#1 masked %reduce_sum3A_363 : vector<16xf32>, vector<16xi1> -> vector<16xf32>
      %reduce_sum3A_365 = vector.extract %reduce_sum3A_364[15] : f32 from vector<16xf32>
      %eq3A_366 = arith.constant 1 : i32
      %eq3A_367 = vector.broadcast %eq3A_366 : i32 to vector<16xi32>
      %eq3A_368 = arith.cmpi eq, %iota3A, %eq3A_367 : vector<16xi32>
      %convert_element_type3A_369 = arith.extui %eq3A_368 : vector<16xi1> to vector<16xi32>
      %convert_element_type3A_370 = arith.sitofp %convert_element_type3A_369 : vector<16xi32> to vector<16xf32>
      %mul3A_371 = vector.broadcast %reduce_sum3A_365 : f32 to vector<16xf32>
      %mul3A_372 = arith.mulf %mul3A_371, %convert_element_type3A_370 : vector<16xf32>
      %add3A_373 = arith.addf %add3A_361, %mul3A_372 : vector<16xf32>
      %reduce_sum3A_374 = arith.constant true
      %reduce_sum3A_375 = vector.broadcast %reduce_sum3A_374 : i1 to vector<16xi1>
      %reduce_sum3A_376 = tpu.scan <sum>, %scan3A_345#2 masked %reduce_sum3A_375 : vector<16xf32>, vector<16xi1> -> vector<16xf32>
      %reduce_sum3A_377 = vector.extract %reduce_sum3A_376[15] : f32 from vector<16xf32>
      %eq3A_378 = arith.constant 2 : i32
      %eq3A_379 = vector.broadcast %eq3A_378 : i32 to vector<16xi32>
      %eq3A_380 = arith.cmpi eq, %iota3A, %eq3A_379 : vector<16xi32>
      %convert_element_type3A_381 = arith.extui %eq3A_380 : vector<16xi1> to vector<16xi32>
      %convert_element_type3A_382 = arith.sitofp %convert_element_type3A_381 : vector<16xi32> to vector<16xf32>
      %mul3A_383 = vector.broadcast %reduce_sum3A_377 : f32 to vector<16xf32>
      %mul3A_384 = arith.mulf %mul3A_383, %convert_element_type3A_382 : vector<16xf32>
      %add3A_385 = arith.addf %add3A_373, %mul3A_384 : vector<16xf32>
      %swap3A = arith.index_cast %add3A_351 : i32 to index
      %swap3A_386 = arith.constant 0 : index
      %swap3A_387 = tpu.vector_load %arg11[%swap3A, %swap3A_386] {strides = array<i32>} : memref<512x16xf32, #tpu.memory_space<vmem>>, vector<16xf32>,
      tpu.vector_store %arg11[%swap3A, %swap3A_386], %add3A_385 {strides = array<i32>} : memref<512x16xf32, #tpu.memory_space<vmem>>, vector<16xf32>,
      %mul3A_388 = arith.constant 8 : i32
      %mul3A_389 = arith.muli %add3A_180, %mul3A_388 : i32
      %add3A_390 = arith.constant 1 : i32
      %add3A_391 = arith.addi %mul3A_389, %add3A_390 : i32
      %reduce_sum3A_392 = arith.constant true
      %reduce_sum3A_393 = vector.broadcast %reduce_sum3A_392 : i1 to vector<16xi1>
      %reduce_sum3A_394 = tpu.scan <sum>, %scan3A_345#3 masked %reduce_sum3A_393 : vector<16xf32>, vector<16xi1> -> vector<16xf32>
      %reduce_sum3A_395 = vector.extract %reduce_sum3A_394[15] : f32 from vector<16xf32>
      %eq3A_396 = arith.constant 0 : i32
      %eq3A_397 = vector.broadcast %eq3A_396 : i32 to vector<16xi32>
      %eq3A_398 = arith.cmpi eq, %iota3A, %eq3A_397 : vector<16xi32>
      %convert_element_type3A_399 = arith.extui %eq3A_398 : vector<16xi1> to vector<16xi32>
      %convert_element_type3A_400 = arith.sitofp %convert_element_type3A_399 : vector<16xi32> to vector<16xf32>
      %mul3A_401 = vector.broadcast %reduce_sum3A_395 : f32 to vector<16xf32>
      %mul3A_402 = arith.mulf %mul3A_401, %convert_element_type3A_400 : vector<16xf32>
      %add3A_403 = arith.addf %get3A_347, %mul3A_402 : vector<16xf32>
      %reduce_sum3A_404 = arith.constant true
      %reduce_sum3A_405 = vector.broadcast %reduce_sum3A_404 : i1 to vector<16xi1>
      %reduce_sum3A_406 = tpu.scan <sum>, %scan3A_345#4 masked %reduce_sum3A_405 : vector<16xf32>, vector<16xi1> -> vector<16xf32>
      %reduce_sum3A_407 = vector.extract %reduce_sum3A_406[15] : f32 from vector<16xf32>
      %eq3A_408 = arith.constant 1 : i32
      %eq3A_409 = vector.broadcast %eq3A_408 : i32 to vector<16xi32>
      %eq3A_410 = arith.cmpi eq, %iota3A, %eq3A_409 : vector<16xi32>
      %convert_element_type3A_411 = arith.extui %eq3A_410 : vector<16xi1> to vector<16xi32>
      %convert_element_type3A_412 = arith.sitofp %convert_element_type3A_411 : vector<16xi32> to vector<16xf32>
      %mul3A_413 = vector.broadcast %reduce_sum3A_407 : f32 to vector<16xf32>
      %mul3A_414 = arith.mulf %mul3A_413, %convert_element_type3A_412 : vector<16xf32>
      %add3A_415 = arith.addf %add3A_403, %mul3A_414 : vector<16xf32>
      %reduce_sum3A_416 = arith.constant true
      %reduce_sum3A_417 = vector.broadcast %reduce_sum3A_416 : i1 to vector<16xi1>
      %reduce_sum3A_418 = tpu.scan <sum>, %scan3A_345#5 masked %reduce_sum3A_417 : vector<16xf32>, vector<16xi1> -> vector<16xf32>
      %reduce_sum3A_419 = vector.extract %reduce_sum3A_418[15] : f32 from vector<16xf32>
      %eq3A_420 = arith.constant 2 : i32
      %eq3A_421 = vector.broadcast %eq3A_420 : i32 to vector<16xi32>
      %eq3A_422 = arith.cmpi eq, %iota3A, %eq3A_421 : vector<16xi32>
      %convert_element_type3A_423 = arith.extui %eq3A_422 : vector<16xi1> to vector<16xi32>
      %convert_element_type3A_424 = arith.sitofp %convert_element_type3A_423 : vector<16xi32> to vector<16xf32>
      %mul3A_425 = vector.broadcast %reduce_sum3A_419 : f32 to vector<16xf32>
      %mul3A_426 = arith.mulf %mul3A_425, %convert_element_type3A_424 : vector<16xf32>
      %add3A_427 = arith.addf %add3A_415, %mul3A_426 : vector<16xf32>
      %swap3A_428 = arith.index_cast %add3A_391 : i32 to index
      %swap3A_429 = arith.constant 0 : index
      %swap3A_430 = tpu.vector_load %arg11[%swap3A_428, %swap3A_429] {strides = array<i32>} : memref<512x16xf32, #tpu.memory_space<vmem>>, vector<16xf32>,
      tpu.vector_store %arg11[%swap3A_428, %swap3A_429], %add3A_427 {strides = array<i32>} : memref<512x16xf32, #tpu.memory_space<vmem>>, vector<16xf32>,
      %mul3A_431 = arith.constant 8 : i32
      %mul3A_432 = arith.muli %add3A_180, %mul3A_431 : i32
      %add3A_433 = arith.constant 2 : i32
      %add3A_434 = arith.addi %mul3A_432, %add3A_433 : i32
      %reduce_sum3A_435 = arith.constant true
      %reduce_sum3A_436 = vector.broadcast %reduce_sum3A_435 : i1 to vector<16xi1>
      %reduce_sum3A_437 = tpu.scan <sum>, %scan3A_345#6 masked %reduce_sum3A_436 : vector<16xf32>, vector<16xi1> -> vector<16xf32>
      %reduce_sum3A_438 = vector.extract %reduce_sum3A_437[15] : f32 from vector<16xf32>
      %eq3A_439 = arith.constant 0 : i32
      %eq3A_440 = vector.broadcast %eq3A_439 : i32 to vector<16xi32>
      %eq3A_441 = arith.cmpi eq, %iota3A, %eq3A_440 : vector<16xi32>
      %convert_element_type3A_442 = arith.extui %eq3A_441 : vector<16xi1> to vector<16xi32>
      %convert_element_type3A_443 = arith.sitofp %convert_element_type3A_442 : vector<16xi32> to vector<16xf32>
      %mul3A_444 = vector.broadcast %reduce_sum3A_438 : f32 to vector<16xf32>
      %mul3A_445 = arith.mulf %mul3A_444, %convert_element_type3A_443 : vector<16xf32>
      %add3A_446 = arith.addf %get3A_347, %mul3A_445 : vector<16xf32>
      %reduce_sum3A_447 = arith.constant true
      %reduce_sum3A_448 = vector.broadcast %reduce_sum3A_447 : i1 to vector<16xi1>
      %reduce_sum3A_449 = tpu.scan <sum>, %scan3A_345#7 masked %reduce_sum3A_448 : vector<16xf32>, vector<16xi1> -> vector<16xf32>
      %reduce_sum3A_450 = vector.extract %reduce_sum3A_449[15] : f32 from vector<16xf32>
      %eq3A_451 = arith.constant 1 : i32
      %eq3A_452 = vector.broadcast %eq3A_451 : i32 to vector<16xi32>
      %eq3A_453 = arith.cmpi eq, %iota3A, %eq3A_452 : vector<16xi32>
      %convert_element_type3A_454 = arith.extui %eq3A_453 : vector<16xi1> to vector<16xi32>
      %convert_element_type3A_455 = arith.sitofp %convert_element_type3A_454 : vector<16xi32> to vector<16xf32>
      %mul3A_456 = vector.broadcast %reduce_sum3A_450 : f32 to vector<16xf32>
      %mul3A_457 = arith.mulf %mul3A_456, %convert_element_type3A_455 : vector<16xf32>
      %add3A_458 = arith.addf %add3A_446, %mul3A_457 : vector<16xf32>
      %reduce_sum3A_459 = arith.constant true
      %reduce_sum3A_460 = vector.broadcast %reduce_sum3A_459 : i1 to vector<16xi1>
      %reduce_sum3A_461 = tpu.scan <sum>, %scan3A_345#8 masked %reduce_sum3A_460 : vector<16xf32>, vector<16xi1> -> vector<16xf32>
      %reduce_sum3A_462 = vector.extract %reduce_sum3A_461[15] : f32 from vector<16xf32>
      %eq3A_463 = arith.constant 2 : i32
      %eq3A_464 = vector.broadcast %eq3A_463 : i32 to vector<16xi32>
      %eq3A_465 = arith.cmpi eq, %iota3A, %eq3A_464 : vector<16xi32>
      %convert_element_type3A_466 = arith.extui %eq3A_465 : vector<16xi1> to vector<16xi32>
      %convert_element_type3A_467 = arith.sitofp %convert_element_type3A_466 : vector<16xi32> to vector<16xf32>
      %mul3A_468 = vector.broadcast %reduce_sum3A_462 : f32 to vector<16xf32>
      %mul3A_469 = arith.mulf %mul3A_468, %convert_element_type3A_467 : vector<16xf32>
      %add3A_470 = arith.addf %add3A_458, %mul3A_469 : vector<16xf32>
      %swap3A_471 = arith.index_cast %add3A_434 : i32 to index
      %swap3A_472 = arith.constant 0 : index
      %swap3A_473 = tpu.vector_load %arg11[%swap3A_471, %swap3A_472] {strides = array<i32>} : memref<512x16xf32, #tpu.memory_space<vmem>>, vector<16xf32>,
      tpu.vector_store %arg11[%swap3A_471, %swap3A_472], %add3A_470 {strides = array<i32>} : memref<512x16xf32, #tpu.memory_space<vmem>>, vector<16xf32>,
      %mul3A_474 = arith.constant 8 : i32
      %mul3A_475 = arith.muli %add3A_180, %mul3A_474 : i32
      %add3A_476 = arith.constant 3 : i32
      %add3A_477 = arith.addi %mul3A_475, %add3A_476 : i32
      %reduce_sum3A_478 = arith.constant true
      %reduce_sum3A_479 = vector.broadcast %reduce_sum3A_478 : i1 to vector<16xi1>
      %reduce_sum3A_480 = tpu.scan <sum>, %scan3A_345#9 masked %reduce_sum3A_479 : vector<16xf32>, vector<16xi1> -> vector<16xf32>
      %reduce_sum3A_481 = vector.extract %reduce_sum3A_480[15] : f32 from vector<16xf32>
      %eq3A_482 = arith.constant 0 : i32
      %eq3A_483 = vector.broadcast %eq3A_482 : i32 to vector<16xi32>
      %eq3A_484 = arith.cmpi eq, %iota3A, %eq3A_483 : vector<16xi32>
      %convert_element_type3A_485 = arith.extui %eq3A_484 : vector<16xi1> to vector<16xi32>
      %convert_element_type3A_486 = arith.sitofp %convert_element_type3A_485 : vector<16xi32> to vector<16xf32>
      %mul3A_487 = vector.broadcast %reduce_sum3A_481 : f32 to vector<16xf32>
      %mul3A_488 = arith.mulf %mul3A_487, %convert_element_type3A_486 : vector<16xf32>
      %add3A_489 = arith.addf %get3A_347, %mul3A_488 : vector<16xf32>
      %reduce_sum3A_490 = arith.constant true
      %reduce_sum3A_491 = vector.broadcast %reduce_sum3A_490 : i1 to vector<16xi1>
      %reduce_sum3A_492 = tpu.scan <sum>, %scan3A_345#10 masked %reduce_sum3A_491 : vector<16xf32>, vector<16xi1> -> vector<16xf32>
      %reduce_sum3A_493 = vector.extract %reduce_sum3A_492[15] : f32 from vector<16xf32>
      %eq3A_494 = arith.constant 1 : i32
      %eq3A_495 = vector.broadcast %eq3A_494 : i32 to vector<16xi32>
      %eq3A_496 = arith.cmpi eq, %iota3A, %eq3A_495 : vector<16xi32>
      %convert_element_type3A_497 = arith.extui %eq3A_496 : vector<16xi1> to vector<16xi32>
      %convert_element_type3A_498 = arith.sitofp %convert_element_type3A_497 : vector<16xi32> to vector<16xf32>
      %mul3A_499 = vector.broadcast %reduce_sum3A_493 : f32 to vector<16xf32>
      %mul3A_500 = arith.mulf %mul3A_499, %convert_element_type3A_498 : vector<16xf32>
      %add3A_501 = arith.addf %add3A_489, %mul3A_500 : vector<16xf32>
      %reduce_sum3A_502 = arith.constant true
      %reduce_sum3A_503 = vector.broadcast %reduce_sum3A_502 : i1 to vector<16xi1>
      %reduce_sum3A_504 = tpu.scan <sum>, %scan3A_345#11 masked %reduce_sum3A_503 : vector<16xf32>, vector<16xi1> -> vector<16xf32>
      %reduce_sum3A_505 = vector.extract %reduce_sum3A_504[15] : f32 from vector<16xf32>
      %eq3A_506 = arith.constant 2 : i32
      %eq3A_507 = vector.broadcast %eq3A_506 : i32 to vector<16xi32>
      %eq3A_508 = arith.cmpi eq, %iota3A, %eq3A_507 : vector<16xi32>
      %convert_element_type3A_509 = arith.extui %eq3A_508 : vector<16xi1> to vector<16xi32>
      %convert_element_type3A_510 = arith.sitofp %convert_element_type3A_509 : vector<16xi32> to vector<16xf32>
      %mul3A_511 = vector.broadcast %reduce_sum3A_505 : f32 to vector<16xf32>
      %mul3A_512 = arith.mulf %mul3A_511, %convert_element_type3A_510 : vector<16xf32>
      %add3A_513 = arith.addf %add3A_501, %mul3A_512 : vector<16xf32>
      %swap3A_514 = arith.index_cast %add3A_477 : i32 to index
      %swap3A_515 = arith.constant 0 : index
      %swap3A_516 = tpu.vector_load %arg11[%swap3A_514, %swap3A_515] {strides = array<i32>} : memref<512x16xf32, #tpu.memory_space<vmem>>, vector<16xf32>,
      tpu.vector_store %arg11[%swap3A_514, %swap3A_515], %add3A_513 {strides = array<i32>} : memref<512x16xf32, #tpu.memory_space<vmem>>, vector<16xf32>,
      %mul3A_517 = arith.constant 8 : i32
      %mul3A_518 = arith.muli %add3A_180, %mul3A_517 : i32
      %add3A_519 = arith.constant 4 : i32
      %add3A_520 = arith.addi %mul3A_518, %add3A_519 : i32
      %reduce_sum3A_521 = arith.constant true
      %reduce_sum3A_522 = vector.broadcast %reduce_sum3A_521 : i1 to vector<16xi1>
      %reduce_sum3A_523 = tpu.scan <sum>, %scan3A_345#12 masked %reduce_sum3A_522 : vector<16xf32>, vector<16xi1> -> vector<16xf32>
      %reduce_sum3A_524 = vector.extract %reduce_sum3A_523[15] : f32 from vector<16xf32>
      %eq3A_525 = arith.constant 0 : i32
      %eq3A_526 = vector.broadcast %eq3A_525 : i32 to vector<16xi32>
      %eq3A_527 = arith.cmpi eq, %iota3A, %eq3A_526 : vector<16xi32>
      %convert_element_type3A_528 = arith.extui %eq3A_527 : vector<16xi1> to vector<16xi32>
      %convert_element_type3A_529 = arith.sitofp %convert_element_type3A_528 : vector<16xi32> to vector<16xf32>
      %mul3A_530 = vector.broadcast %reduce_sum3A_524 : f32 to vector<16xf32>
      %mul3A_531 = arith.mulf %mul3A_530, %convert_element_type3A_529 : vector<16xf32>
      %add3A_532 = arith.addf %get3A_347, %mul3A_531 : vector<16xf32>
      %reduce_sum3A_533 = arith.constant true
      %reduce_sum3A_534 = vector.broadcast %reduce_sum3A_533 : i1 to vector<16xi1>
      %reduce_sum3A_535 = tpu.scan <sum>, %scan3A_345#13 masked %reduce_sum3A_534 : vector<16xf32>, vector<16xi1> -> vector<16xf32>
      %reduce_sum3A_536 = vector.extract %reduce_sum3A_535[15] : f32 from vector<16xf32>
      %eq3A_537 = arith.constant 1 : i32
      %eq3A_538 = vector.broadcast %eq3A_537 : i32 to vector<16xi32>
      %eq3A_539 = arith.cmpi eq, %iota3A, %eq3A_538 : vector<16xi32>
      %convert_element_type3A_540 = arith.extui %eq3A_539 : vector<16xi1> to vector<16xi32>
      %convert_element_type3A_541 = arith.sitofp %convert_element_type3A_540 : vector<16xi32> to vector<16xf32>
      %mul3A_542 = vector.broadcast %reduce_sum3A_536 : f32 to vector<16xf32>
      %mul3A_543 = arith.mulf %mul3A_542, %convert_element_type3A_541 : vector<16xf32>
      %add3A_544 = arith.addf %add3A_532, %mul3A_543 : vector<16xf32>
      %reduce_sum3A_545 = arith.constant true
      %reduce_sum3A_546 = vector.broadcast %reduce_sum3A_545 : i1 to vector<16xi1>
      %reduce_sum3A_547 = tpu.scan <sum>, %scan3A_345#14 masked %reduce_sum3A_546 : vector<16xf32>, vector<16xi1> -> vector<16xf32>
      %reduce_sum3A_548 = vector.extract %reduce_sum3A_547[15] : f32 from vector<16xf32>
      %eq3A_549 = arith.constant 2 : i32
      %eq3A_550 = vector.broadcast %eq3A_549 : i32 to vector<16xi32>
      %eq3A_551 = arith.cmpi eq, %iota3A, %eq3A_550 : vector<16xi32>
      %convert_element_type3A_552 = arith.extui %eq3A_551 : vector<16xi1> to vector<16xi32>
      %convert_element_type3A_553 = arith.sitofp %convert_element_type3A_552 : vector<16xi32> to vector<16xf32>
      %mul3A_554 = vector.broadcast %reduce_sum3A_548 : f32 to vector<16xf32>
      %mul3A_555 = arith.mulf %mul3A_554, %convert_element_type3A_553 : vector<16xf32>
      %add3A_556 = arith.addf %add3A_544, %mul3A_555 : vector<16xf32>
      %swap3A_557 = arith.index_cast %add3A_520 : i32 to index
      %swap3A_558 = arith.constant 0 : index
      %swap3A_559 = tpu.vector_load %arg11[%swap3A_557, %swap3A_558] {strides = array<i32>} : memref<512x16xf32, #tpu.memory_space<vmem>>, vector<16xf32>,
      tpu.vector_store %arg11[%swap3A_557, %swap3A_558], %add3A_556 {strides = array<i32>} : memref<512x16xf32, #tpu.memory_space<vmem>>, vector<16xf32>,
      %mul3A_560 = arith.constant 8 : i32
      %mul3A_561 = arith.muli %add3A_180, %mul3A_560 : i32
      %add3A_562 = arith.constant 5 : i32
      %add3A_563 = arith.addi %mul3A_561, %add3A_562 : i32
      %reduce_sum3A_564 = arith.constant true
      %reduce_sum3A_565 = vector.broadcast %reduce_sum3A_564 : i1 to vector<16xi1>
      %reduce_sum3A_566 = tpu.scan <sum>, %scan3A_345#15 masked %reduce_sum3A_565 : vector<16xf32>, vector<16xi1> -> vector<16xf32>
      %reduce_sum3A_567 = vector.extract %reduce_sum3A_566[15] : f32 from vector<16xf32>
      %eq3A_568 = arith.constant 0 : i32
      %eq3A_569 = vector.broadcast %eq3A_568 : i32 to vector<16xi32>
      %eq3A_570 = arith.cmpi eq, %iota3A, %eq3A_569 : vector<16xi32>
      %convert_element_type3A_571 = arith.extui %eq3A_570 : vector<16xi1> to vector<16xi32>
      %convert_element_type3A_572 = arith.sitofp %convert_element_type3A_571 : vector<16xi32> to vector<16xf32>
      %mul3A_573 = vector.broadcast %reduce_sum3A_567 : f32 to vector<16xf32>
      %mul3A_574 = arith.mulf %mul3A_573, %convert_element_type3A_572 : vector<16xf32>
      %add3A_575 = arith.addf %get3A_347, %mul3A_574 : vector<16xf32>
      %reduce_sum3A_576 = arith.constant true
      %reduce_sum3A_577 = vector.broadcast %reduce_sum3A_576 : i1 to vector<16xi1>
      %reduce_sum3A_578 = tpu.scan <sum>, %scan3A_345#16 masked %reduce_sum3A_577 : vector<16xf32>, vector<16xi1> -> vector<16xf32>
      %reduce_sum3A_579 = vector.extract %reduce_sum3A_578[15] : f32 from vector<16xf32>
      %eq3A_580 = arith.constant 1 : i32
      %eq3A_581 = vector.broadcast %eq3A_580 : i32 to vector<16xi32>
      %eq3A_582 = arith.cmpi eq, %iota3A, %eq3A_581 : vector<16xi32>
      %convert_element_type3A_583 = arith.extui %eq3A_582 : vector<16xi1> to vector<16xi32>
      %convert_element_type3A_584 = arith.sitofp %convert_element_type3A_583 : vector<16xi32> to vector<16xf32>
      %mul3A_585 = vector.broadcast %reduce_sum3A_579 : f32 to vector<16xf32>
      %mul3A_586 = arith.mulf %mul3A_585, %convert_element_type3A_584 : vector<16xf32>
      %add3A_587 = arith.addf %add3A_575, %mul3A_586 : vector<16xf32>
      %reduce_sum3A_588 = arith.constant true
      %reduce_sum3A_589 = vector.broadcast %reduce_sum3A_588 : i1 to vector<16xi1>
      %reduce_sum3A_590 = tpu.scan <sum>, %scan3A_345#17 masked %reduce_sum3A_589 : vector<16xf32>, vector<16xi1> -> vector<16xf32>
      %reduce_sum3A_591 = vector.extract %reduce_sum3A_590[15] : f32 from vector<16xf32>
      %eq3A_592 = arith.constant 2 : i32
      %eq3A_593 = vector.broadcast %eq3A_592 : i32 to vector<16xi32>
      %eq3A_594 = arith.cmpi eq, %iota3A, %eq3A_593 : vector<16xi32>
      %convert_element_type3A_595 = arith.extui %eq3A_594 : vector<16xi1> to vector<16xi32>
      %convert_element_type3A_596 = arith.sitofp %convert_element_type3A_595 : vector<16xi32> to vector<16xf32>
      %mul3A_597 = vector.broadcast %reduce_sum3A_591 : f32 to vector<16xf32>
      %mul3A_598 = arith.mulf %mul3A_597, %convert_element_type3A_596 : vector<16xf32>
      %add3A_599 = arith.addf %add3A_587, %mul3A_598 : vector<16xf32>
      %swap3A_600 = arith.index_cast %add3A_563 : i32 to index
      %swap3A_601 = arith.constant 0 : index
      %swap3A_602 = tpu.vector_load %arg11[%swap3A_600, %swap3A_601] {strides = array<i32>} : memref<512x16xf32, #tpu.memory_space<vmem>>, vector<16xf32>,
      tpu.vector_store %arg11[%swap3A_600, %swap3A_601], %add3A_599 {strides = array<i32>} : memref<512x16xf32, #tpu.memory_space<vmem>>, vector<16xf32>,
      %mul3A_603 = arith.constant 8 : i32
      %mul3A_604 = arith.muli %add3A_180, %mul3A_603 : i32
      %add3A_605 = arith.constant 6 : i32
      %add3A_606 = arith.addi %mul3A_604, %add3A_605 : i32
      %reduce_sum3A_607 = arith.constant true
      %reduce_sum3A_608 = vector.broadcast %reduce_sum3A_607 : i1 to vector<16xi1>
      %reduce_sum3A_609 = tpu.scan <sum>, %scan3A_345#18 masked %reduce_sum3A_608 : vector<16xf32>, vector<16xi1> -> vector<16xf32>
      %reduce_sum3A_610 = vector.extract %reduce_sum3A_609[15] : f32 from vector<16xf32>
      %eq3A_611 = arith.constant 0 : i32
      %eq3A_612 = vector.broadcast %eq3A_611 : i32 to vector<16xi32>
      %eq3A_613 = arith.cmpi eq, %iota3A, %eq3A_612 : vector<16xi32>
      %convert_element_type3A_614 = arith.extui %eq3A_613 : vector<16xi1> to vector<16xi32>
      %convert_element_type3A_615 = arith.sitofp %convert_element_type3A_614 : vector<16xi32> to vector<16xf32>
      %mul3A_616 = vector.broadcast %reduce_sum3A_610 : f32 to vector<16xf32>
      %mul3A_617 = arith.mulf %mul3A_616, %convert_element_type3A_615 : vector<16xf32>
      %add3A_618 = arith.addf %get3A_347, %mul3A_617 : vector<16xf32>
      %reduce_sum3A_619 = arith.constant true
      %reduce_sum3A_620 = vector.broadcast %reduce_sum3A_619 : i1 to vector<16xi1>
      %reduce_sum3A_621 = tpu.scan <sum>, %scan3A_345#19 masked %reduce_sum3A_620 : vector<16xf32>, vector<16xi1> -> vector<16xf32>
      %reduce_sum3A_622 = vector.extract %reduce_sum3A_621[15] : f32 from vector<16xf32>
      %eq3A_623 = arith.constant 1 : i32
      %eq3A_624 = vector.broadcast %eq3A_623 : i32 to vector<16xi32>
      %eq3A_625 = arith.cmpi eq, %iota3A, %eq3A_624 : vector<16xi32>
      %convert_element_type3A_626 = arith.extui %eq3A_625 : vector<16xi1> to vector<16xi32>
      %convert_element_type3A_627 = arith.sitofp %convert_element_type3A_626 : vector<16xi32> to vector<16xf32>
      %mul3A_628 = vector.broadcast %reduce_sum3A_622 : f32 to vector<16xf32>
      %mul3A_629 = arith.mulf %mul3A_628, %convert_element_type3A_627 : vector<16xf32>
      %add3A_630 = arith.addf %add3A_618, %mul3A_629 : vector<16xf32>
      %reduce_sum3A_631 = arith.constant true
      %reduce_sum3A_632 = vector.broadcast %reduce_sum3A_631 : i1 to vector<16xi1>
      %reduce_sum3A_633 = tpu.scan <sum>, %scan3A_345#20 masked %reduce_sum3A_632 : vector<16xf32>, vector<16xi1> -> vector<16xf32>
      %reduce_sum3A_634 = vector.extract %reduce_sum3A_633[15] : f32 from vector<16xf32>
      %eq3A_635 = arith.constant 2 : i32
      %eq3A_636 = vector.broadcast %eq3A_635 : i32 to vector<16xi32>
      %eq3A_637 = arith.cmpi eq, %iota3A, %eq3A_636 : vector<16xi32>
      %convert_element_type3A_638 = arith.extui %eq3A_637 : vector<16xi1> to vector<16xi32>
      %convert_element_type3A_639 = arith.sitofp %convert_element_type3A_638 : vector<16xi32> to vector<16xf32>
      %mul3A_640 = vector.broadcast %reduce_sum3A_634 : f32 to vector<16xf32>
      %mul3A_641 = arith.mulf %mul3A_640, %convert_element_type3A_639 : vector<16xf32>
      %add3A_642 = arith.addf %add3A_630, %mul3A_641 : vector<16xf32>
      %swap3A_643 = arith.index_cast %add3A_606 : i32 to index
      %swap3A_644 = arith.constant 0 : index
      %swap3A_645 = tpu.vector_load %arg11[%swap3A_643, %swap3A_644] {strides = array<i32>} : memref<512x16xf32, #tpu.memory_space<vmem>>, vector<16xf32>,
      tpu.vector_store %arg11[%swap3A_643, %swap3A_644], %add3A_642 {strides = array<i32>} : memref<512x16xf32, #tpu.memory_space<vmem>>, vector<16xf32>,
      %mul3A_646 = arith.constant 8 : i32
      %mul3A_647 = arith.muli %add3A_180, %mul3A_646 : i32
      %add3A_648 = arith.constant 7 : i32
      %add3A_649 = arith.addi %mul3A_647, %add3A_648 : i32
      %reduce_sum3A_650 = arith.constant true
      %reduce_sum3A_651 = vector.broadcast %reduce_sum3A_650 : i1 to vector<16xi1>
      %reduce_sum3A_652 = tpu.scan <sum>, %scan3A_345#21 masked %reduce_sum3A_651 : vector<16xf32>, vector<16xi1> -> vector<16xf32>
      %reduce_sum3A_653 = vector.extract %reduce_sum3A_652[15] : f32 from vector<16xf32>
      %eq3A_654 = arith.constant 0 : i32
      %eq3A_655 = vector.broadcast %eq3A_654 : i32 to vector<16xi32>
      %eq3A_656 = arith.cmpi eq, %iota3A, %eq3A_655 : vector<16xi32>
      %convert_element_type3A_657 = arith.extui %eq3A_656 : vector<16xi1> to vector<16xi32>
      %convert_element_type3A_658 = arith.sitofp %convert_element_type3A_657 : vector<16xi32> to vector<16xf32>
      %mul3A_659 = vector.broadcast %reduce_sum3A_653 : f32 to vector<16xf32>
      %mul3A_660 = arith.mulf %mul3A_659, %convert_element_type3A_658 : vector<16xf32>
      %add3A_661 = arith.addf %get3A_347, %mul3A_660 : vector<16xf32>
      %reduce_sum3A_662 = arith.constant true
      %reduce_sum3A_663 = vector.broadcast %reduce_sum3A_662 : i1 to vector<16xi1>
      %reduce_sum3A_664 = tpu.scan <sum>, %scan3A_345#22 masked %reduce_sum3A_663 : vector<16xf32>, vector<16xi1> -> vector<16xf32>
      %reduce_sum3A_665 = vector.extract %reduce_sum3A_664[15] : f32 from vector<16xf32>
      %eq3A_666 = arith.constant 1 : i32
      %eq3A_667 = vector.broadcast %eq3A_666 : i32 to vector<16xi32>
      %eq3A_668 = arith.cmpi eq, %iota3A, %eq3A_667 : vector<16xi32>
      %convert_element_type3A_669 = arith.extui %eq3A_668 : vector<16xi1> to vector<16xi32>
      %convert_element_type3A_670 = arith.sitofp %convert_element_type3A_669 : vector<16xi32> to vector<16xf32>
      %mul3A_671 = vector.broadcast %reduce_sum3A_665 : f32 to vector<16xf32>
      %mul3A_672 = arith.mulf %mul3A_671, %convert_element_type3A_670 : vector<16xf32>
      %add3A_673 = arith.addf %add3A_661, %mul3A_672 : vector<16xf32>
      %reduce_sum3A_674 = arith.constant true
      %reduce_sum3A_675 = vector.broadcast %reduce_sum3A_674 : i1 to vector<16xi1>
      %reduce_sum3A_676 = tpu.scan <sum>, %scan3A_345#23 masked %reduce_sum3A_675 : vector<16xf32>, vector<16xi1> -> vector<16xf32>
      %reduce_sum3A_677 = vector.extract %reduce_sum3A_676[15] : f32 from vector<16xf32>
      %eq3A_678 = arith.constant 2 : i32
      %eq3A_679 = vector.broadcast %eq3A_678 : i32 to vector<16xi32>
      %eq3A_680 = arith.cmpi eq, %iota3A, %eq3A_679 : vector<16xi32>
      %convert_element_type3A_681 = arith.extui %eq3A_680 : vector<16xi1> to vector<16xi32>
      %convert_element_type3A_682 = arith.sitofp %convert_element_type3A_681 : vector<16xi32> to vector<16xf32>
      %mul3A_683 = vector.broadcast %reduce_sum3A_677 : f32 to vector<16xf32>
      %mul3A_684 = arith.mulf %mul3A_683, %convert_element_type3A_682 : vector<16xf32>
      %add3A_685 = arith.addf %add3A_673, %mul3A_684 : vector<16xf32>
      %swap3A_686 = arith.index_cast %add3A_649 : i32 to index
      %swap3A_687 = arith.constant 0 : index
      %swap3A_688 = tpu.vector_load %arg11[%swap3A_686, %swap3A_687] {strides = array<i32>} : memref<512x16xf32, #tpu.memory_space<vmem>>, vector<16xf32>,
      tpu.vector_store %arg11[%swap3A_686, %swap3A_687], %add3A_685 {strides = array<i32>} : memref<512x16xf32, #tpu.memory_space<vmem>>, vector<16xf32>,
      %add3A_689 = arith.constant 2 : i32
      %add3A_690 = arith.addi %add3A_180, %add3A_689 : i32
      %lt3A_691 = arith.constant 64 : i32
      %lt3A_692 = arith.cmpi slt, %add3A_690, %lt3A_691 : i32
      %convert_element_type3A_693 = arith.extui %lt3A_692 : i1 to i32
      %cond3A_694 = arith.constant 0 : i32
      %cond3A_695 = arith.cmpi ne, %convert_element_type3A_693, %cond3A_694 : i32
      scf.if %cond3A_695 {
        %add3A_1225 = arith.constant 2 : i32
        %add3A_1226 = arith.addi %add3A_180, %add3A_1225 : i32
        %mul3A_1227 = arith.constant 64 : i32
        %mul3A_1228 = arith.muli %add3A, %mul3A_1227 : i32
        %add3A_1229 = arith.addi %mul3A_1228, %add3A_1226 : i32
        %mul3A_1230 = arith.constant 1600 : i32
        %mul3A_1231 = arith.muli %add3A_1229, %mul3A_1230 : i32
        %run_scoped3A_1232 = arith.constant 0 : i32
        "tpu.region"() ({
          %run_scoped3A_1233 = tpu.sem_alloc : memref<!tpu.dma_semaphore, #tpu.memory_space<semaphore_mem>>
          %dma_start3A_1234 = arith.constant 0 : i32
          %dma_start3A_1235 = tpu.memref_slice %arg7[%run_scoped3A_1232, %dma_start3A_1234] : memref<2x1600xi32, #tpu.memory_space<vmem>> -> memref<1x1600xi32, #tpu.memory_space<vmem>>
          %dma_start3A_1236 = tpu.memref_squeeze %dma_start3A_1235 : memref<1x1600xi32, #tpu.memory_space<vmem>> -> memref<1600xi32, #tpu.memory_space<vmem>>
          %dma_start3A_1237 = tpu.memref_slice %arg2[%mul3A_1231] : memref<3276800xi32, #tpu.memory_space<hbm>> -> memref<1600xi32, #tpu.memory_space<hbm>>
          %dma_start3A_1238 = arith.constant 0 : i32
          %dma_start3A_1239 = tpu.memref_slice %arg7[%run_scoped3A_1232, %dma_start3A_1238] : memref<2x1600xi32, #tpu.memory_space<vmem>> -> memref<1x1600xi32, #tpu.memory_space<vmem>>
          %dma_start3A_1240 = tpu.memref_squeeze %dma_start3A_1239 : memref<1x1600xi32, #tpu.memory_space<vmem>> -> memref<1600xi32, #tpu.memory_space<vmem>>
          %dma_start3A_1241 = tpu.memref_slice %arg2[%mul3A_1231] : memref<3276800xi32, #tpu.memory_space<hbm>> -> memref<1600xi32, #tpu.memory_space<hbm>>
          tpu.enqueue_dma source(%dma_start3A_1241 : memref<1600xi32, #tpu.memory_space<hbm>>) target(%dma_start3A_1240 : memref<1600xi32, #tpu.memory_space<vmem>>) target_semaphore(%run_scoped3A_1233 : memref<!tpu.dma_semaphore, #tpu.memory_space<semaphore_mem>>)
          %dma_wait3A_1242 = arith.constant 0 : i32
          %dma_wait3A_1243 = tpu.memref_slice %arg7[%run_scoped3A_1232, %dma_wait3A_1242] : memref<2x1600xi32, #tpu.memory_space<vmem>> -> memref<1x1600xi32, #tpu.memory_space<vmem>>
          %dma_wait3A_1244 = tpu.memref_squeeze %dma_wait3A_1243 : memref<1x1600xi32, #tpu.memory_space<vmem>> -> memref<1600xi32, #tpu.memory_space<vmem>>
          %dma_wait3A_1245 = tpu.memref_slice %arg2[%mul3A_1231] : memref<3276800xi32, #tpu.memory_space<hbm>> -> memref<1600xi32, #tpu.memory_space<hbm>>
          %dma_wait3A_1246 = arith.constant 0 : i32
          %dma_wait3A_1247 = tpu.memref_slice %arg7[%run_scoped3A_1232, %dma_wait3A_1246] : memref<2x1600xi32, #tpu.memory_space<vmem>> -> memref<1x1600xi32, #tpu.memory_space<vmem>>
          %dma_wait3A_1248 = tpu.memref_squeeze %dma_wait3A_1247 : memref<1x1600xi32, #tpu.memory_space<vmem>> -> memref<1600xi32, #tpu.memory_space<vmem>>
          %dma_wait3A_1249 = tpu.memref_slice %arg2[%mul3A_1231] : memref<3276800xi32, #tpu.memory_space<hbm>> -> memref<1600xi32, #tpu.memory_space<hbm>>
          tpu.wait_dma2 semaphore(%run_scoped3A_1233 : memref<!tpu.dma_semaphore, #tpu.memory_space<semaphore_mem>>) src(%dma_wait3A_1249 : memref<1600xi32, #tpu.memory_space<hbm>>) dst(%dma_wait3A_1248 : memref<1600xi32, #tpu.memory_space<vmem>>)
          tpu.yield
        }) : () -> ()
      } else {
      }
      %mul3A_696 = arith.constant 2 : i32
      %mul3A_697 = arith.muli %mul3A_696, %scan3A_176 : i32
      %add3A_698 = arith.constant 1 : i32
      %add3A_699 = arith.addi %mul3A_697, %add3A_698 : i32
      %dma_wait3A_700 = arith.constant 1 : i32
      %dma_wait3A_701 = arith.constant 1 : i32
      %dma_wait3A_702 = arith.constant 0 : i32
      %dma_wait3A_703 = arith.constant 0 : i32
      %dma_wait3A_704 = tpu.memref_slice %arg8[%dma_wait3A_701, %dma_wait3A_702, %dma_wait3A_703] : memref<2x1600x16xf32, #tpu.memory_space<vmem>> -> memref<1x128x16xf32, #tpu.memory_space<vmem>>
      %dma_wait3A_705 = tpu.memref_squeeze %dma_wait3A_704 : memref<1x128x16xf32, #tpu.memory_space<vmem>> -> memref<128x16xf32, #tpu.memory_space<vmem>>
      %dma_wait3A_706 = arith.constant 0 : i32
      %dma_wait3A_707 = tpu.memref_slice %arg7[%dma_wait3A_700, %dma_wait3A_706] : memref<2x1600xi32, #tpu.memory_space<vmem>> -> memref<1x128xi32, #tpu.memory_space<vmem>>
      %dma_wait3A_708 = tpu.memref_squeeze %dma_wait3A_707 : memref<1x128xi32, #tpu.memory_space<vmem>> -> memref<128xi32, #tpu.memory_space<vmem>>
      %dma_wait3A_709 = arith.constant 0 : i32
      %dma_wait3A_710 = arith.constant 0 : i32
      %dma_wait3A_711 = tpu.memref_slice %arg3[%dma_wait3A_709, %dma_wait3A_710] : memref<8000000x16xf32, #tpu.memory_space<hbm>> -> memref<8000000x16xf32, #tpu.memory_space<hbm>>
      tpu.wait_indirect_dma semaphore(%arg13 : memref<!tpu.dma_semaphore, #tpu.memory_space<semaphore_mem>>) src(%dma_wait3A_711 : memref<8000000x16xf32, #tpu.memory_space<hbm>>) dst(%dma_wait3A_705 : memref<128x16xf32, #tpu.memory_space<vmem>>)
      %dma_wait3A_712 = arith.constant 1 : i32
      %dma_wait3A_713 = arith.constant 1 : i32
      %dma_wait3A_714 = arith.constant 128 : i32
      %dma_wait3A_715 = arith.constant 0 : i32
      %dma_wait3A_716 = tpu.memref_slice %arg8[%dma_wait3A_713, %dma_wait3A_714, %dma_wait3A_715] : memref<2x1600x16xf32, #tpu.memory_space<vmem>> -> memref<1x128x16xf32, #tpu.memory_space<vmem>>
      %dma_wait3A_717 = tpu.memref_squeeze %dma_wait3A_716 : memref<1x128x16xf32, #tpu.memory_space<vmem>> -> memref<128x16xf32, #tpu.memory_space<vmem>>
      %dma_wait3A_718 = arith.constant 128 : i32
      %dma_wait3A_719 = tpu.memref_slice %arg7[%dma_wait3A_712, %dma_wait3A_718] : memref<2x1600xi32, #tpu.memory_space<vmem>> -> memref<1x128xi32, #tpu.memory_space<vmem>>
      %dma_wait3A_720 = tpu.memref_squeeze %dma_wait3A_719 : memref<1x128xi32, #tpu.memory_space<vmem>> -> memref<128xi32, #tpu.memory_space<vmem>>
      %dma_wait3A_721 = arith.constant 0 : i32
      %dma_wait3A_722 = arith.constant 0 : i32
      %dma_wait3A_723 = tpu.memref_slice %arg3[%dma_wait3A_721, %dma_wait3A_722] : memref<8000000x16xf32, #tpu.memory_space<hbm>> -> memref<8000000x16xf32, #tpu.memory_space<hbm>>
      tpu.wait_indirect_dma semaphore(%arg13 : memref<!tpu.dma_semaphore, #tpu.memory_space<semaphore_mem>>) src(%dma_wait3A_723 : memref<8000000x16xf32, #tpu.memory_space<hbm>>) dst(%dma_wait3A_717 : memref<128x16xf32, #tpu.memory_space<vmem>>)
      %dma_wait3A_724 = arith.constant 1 : i32
      %dma_wait3A_725 = arith.constant 1 : i32
      %dma_wait3A_726 = arith.constant 256 : i32
      %dma_wait3A_727 = arith.constant 0 : i32
      %dma_wait3A_728 = tpu.memref_slice %arg8[%dma_wait3A_725, %dma_wait3A_726, %dma_wait3A_727] : memref<2x1600x16xf32, #tpu.memory_space<vmem>> -> memref<1x128x16xf32, #tpu.memory_space<vmem>>
      %dma_wait3A_729 = tpu.memref_squeeze %dma_wait3A_728 : memref<1x128x16xf32, #tpu.memory_space<vmem>> -> memref<128x16xf32, #tpu.memory_space<vmem>>
      %dma_wait3A_730 = arith.constant 256 : i32
      %dma_wait3A_731 = tpu.memref_slice %arg7[%dma_wait3A_724, %dma_wait3A_730] : memref<2x1600xi32, #tpu.memory_space<vmem>> -> memref<1x128xi32, #tpu.memory_space<vmem>>
      %dma_wait3A_732 = tpu.memref_squeeze %dma_wait3A_731 : memref<1x128xi32, #tpu.memory_space<vmem>> -> memref<128xi32, #tpu.memory_space<vmem>>
      %dma_wait3A_733 = arith.constant 0 : i32
      %dma_wait3A_734 = arith.constant 0 : i32
      %dma_wait3A_735 = tpu.memref_slice %arg3[%dma_wait3A_733, %dma_wait3A_734] : memref<8000000x16xf32, #tpu.memory_space<hbm>> -> memref<8000000x16xf32, #tpu.memory_space<hbm>>
      tpu.wait_indirect_dma semaphore(%arg13 : memref<!tpu.dma_semaphore, #tpu.memory_space<semaphore_mem>>) src(%dma_wait3A_735 : memref<8000000x16xf32, #tpu.memory_space<hbm>>) dst(%dma_wait3A_729 : memref<128x16xf32, #tpu.memory_space<vmem>>)
      %dma_wait3A_736 = arith.constant 1 : i32
      %dma_wait3A_737 = arith.constant 1 : i32
      %dma_wait3A_738 = arith.constant 384 : i32
      %dma_wait3A_739 = arith.constant 0 : i32
      %dma_wait3A_740 = tpu.memref_slice %arg8[%dma_wait3A_737, %dma_wait3A_738, %dma_wait3A_739] : memref<2x1600x16xf32, #tpu.memory_space<vmem>> -> memref<1x128x16xf32, #tpu.memory_space<vmem>>
      %dma_wait3A_741 = tpu.memref_squeeze %dma_wait3A_740 : memref<1x128x16xf32, #tpu.memory_space<vmem>> -> memref<128x16xf32, #tpu.memory_space<vmem>>
      %dma_wait3A_742 = arith.constant 384 : i32
      %dma_wait3A_743 = tpu.memref_slice %arg7[%dma_wait3A_736, %dma_wait3A_742] : memref<2x1600xi32, #tpu.memory_space<vmem>> -> memref<1x128xi32, #tpu.memory_space<vmem>>
      %dma_wait3A_744 = tpu.memref_squeeze %dma_wait3A_743 : memref<1x128xi32, #tpu.memory_space<vmem>> -> memref<128xi32, #tpu.memory_space<vmem>>
      %dma_wait3A_745 = arith.constant 0 : i32
      %dma_wait3A_746 = arith.constant 0 : i32
      %dma_wait3A_747 = tpu.memref_slice %arg3[%dma_wait3A_745, %dma_wait3A_746] : memref<8000000x16xf32, #tpu.memory_space<hbm>> -> memref<8000000x16xf32, #tpu.memory_space<hbm>>
      tpu.wait_indirect_dma semaphore(%arg13 : memref<!tpu.dma_semaphore, #tpu.memory_space<semaphore_mem>>) src(%dma_wait3A_747 : memref<8000000x16xf32, #tpu.memory_space<hbm>>) dst(%dma_wait3A_741 : memref<128x16xf32, #tpu.memory_space<vmem>>)
      %dma_wait3A_748 = arith.constant 1 : i32
      %dma_wait3A_749 = arith.constant 1 : i32
      %dma_wait3A_750 = arith.constant 512 : i32
      %dma_wait3A_751 = arith.constant 0 : i32
      %dma_wait3A_752 = tpu.memref_slice %arg8[%dma_wait3A_749, %dma_wait3A_750, %dma_wait3A_751] : memref<2x1600x16xf32, #tpu.memory_space<vmem>> -> memref<1x128x16xf32, #tpu.memory_space<vmem>>
      %dma_wait3A_753 = tpu.memref_squeeze %dma_wait3A_752 : memref<1x128x16xf32, #tpu.memory_space<vmem>> -> memref<128x16xf32, #tpu.memory_space<vmem>>
      %dma_wait3A_754 = arith.constant 512 : i32
      %dma_wait3A_755 = tpu.memref_slice %arg7[%dma_wait3A_748, %dma_wait3A_754] : memref<2x1600xi32, #tpu.memory_space<vmem>> -> memref<1x128xi32, #tpu.memory_space<vmem>>
      %dma_wait3A_756 = tpu.memref_squeeze %dma_wait3A_755 : memref<1x128xi32, #tpu.memory_space<vmem>> -> memref<128xi32, #tpu.memory_space<vmem>>
      %dma_wait3A_757 = arith.constant 0 : i32
      %dma_wait3A_758 = arith.constant 0 : i32
      %dma_wait3A_759 = tpu.memref_slice %arg3[%dma_wait3A_757, %dma_wait3A_758] : memref<8000000x16xf32, #tpu.memory_space<hbm>> -> memref<8000000x16xf32, #tpu.memory_space<hbm>>
      tpu.wait_indirect_dma semaphore(%arg13 : memref<!tpu.dma_semaphore, #tpu.memory_space<semaphore_mem>>) src(%dma_wait3A_759 : memref<8000000x16xf32, #tpu.memory_space<hbm>>) dst(%dma_wait3A_753 : memref<128x16xf32, #tpu.memory_space<vmem>>)
      %dma_wait3A_760 = arith.constant 1 : i32
      %dma_wait3A_761 = arith.constant 1 : i32
      %dma_wait3A_762 = arith.constant 640 : i32
      %dma_wait3A_763 = arith.constant 0 : i32
      %dma_wait3A_764 = tpu.memref_slice %arg8[%dma_wait3A_761, %dma_wait3A_762, %dma_wait3A_763] : memref<2x1600x16xf32, #tpu.memory_space<vmem>> -> memref<1x128x16xf32, #tpu.memory_space<vmem>>
      %dma_wait3A_765 = tpu.memref_squeeze %dma_wait3A_764 : memref<1x128x16xf32, #tpu.memory_space<vmem>> -> memref<128x16xf32, #tpu.memory_space<vmem>>
      %dma_wait3A_766 = arith.constant 640 : i32
      %dma_wait3A_767 = tpu.memref_slice %arg7[%dma_wait3A_760, %dma_wait3A_766] : memref<2x1600xi32, #tpu.memory_space<vmem>> -> memref<1x128xi32, #tpu.memory_space<vmem>>
      %dma_wait3A_768 = tpu.memref_squeeze %dma_wait3A_767 : memref<1x128xi32, #tpu.memory_space<vmem>> -> memref<128xi32, #tpu.memory_space<vmem>>
      %dma_wait3A_769 = arith.constant 0 : i32
      %dma_wait3A_770 = arith.constant 0 : i32
      %dma_wait3A_771 = tpu.memref_slice %arg3[%dma_wait3A_769, %dma_wait3A_770] : memref<8000000x16xf32, #tpu.memory_space<hbm>> -> memref<8000000x16xf32, #tpu.memory_space<hbm>>
      tpu.wait_indirect_dma semaphore(%arg13 : memref<!tpu.dma_semaphore, #tpu.memory_space<semaphore_mem>>) src(%dma_wait3A_771 : memref<8000000x16xf32, #tpu.memory_space<hbm>>) dst(%dma_wait3A_765 : memref<128x16xf32, #tpu.memory_space<vmem>>)
      %dma_wait3A_772 = arith.constant 1 : i32
      %dma_wait3A_773 = arith.constant 1 : i32
      %dma_wait3A_774 = arith.constant 768 : i32
      %dma_wait3A_775 = arith.constant 0 : i32
      %dma_wait3A_776 = tpu.memref_slice %arg8[%dma_wait3A_773, %dma_wait3A_774, %dma_wait3A_775] : memref<2x1600x16xf32, #tpu.memory_space<vmem>> -> memref<1x128x16xf32, #tpu.memory_space<vmem>>
      %dma_wait3A_777 = tpu.memref_squeeze %dma_wait3A_776 : memref<1x128x16xf32, #tpu.memory_space<vmem>> -> memref<128x16xf32, #tpu.memory_space<vmem>>
      %dma_wait3A_778 = arith.constant 768 : i32
      %dma_wait3A_779 = tpu.memref_slice %arg7[%dma_wait3A_772, %dma_wait3A_778] : memref<2x1600xi32, #tpu.memory_space<vmem>> -> memref<1x128xi32, #tpu.memory_space<vmem>>
      %dma_wait3A_780 = tpu.memref_squeeze %dma_wait3A_779 : memref<1x128xi32, #tpu.memory_space<vmem>> -> memref<128xi32, #tpu.memory_space<vmem>>
      %dma_wait3A_781 = arith.constant 0 : i32
      %dma_wait3A_782 = arith.constant 0 : i32
      %dma_wait3A_783 = tpu.memref_slice %arg3[%dma_wait3A_781, %dma_wait3A_782] : memref<8000000x16xf32, #tpu.memory_space<hbm>> -> memref<8000000x16xf32, #tpu.memory_space<hbm>>
      tpu.wait_indirect_dma semaphore(%arg13 : memref<!tpu.dma_semaphore, #tpu.memory_space<semaphore_mem>>) src(%dma_wait3A_783 : memref<8000000x16xf32, #tpu.memory_space<hbm>>) dst(%dma_wait3A_777 : memref<128x16xf32, #tpu.memory_space<vmem>>)
      %dma_wait3A_784 = arith.constant 1 : i32
      %dma_wait3A_785 = arith.constant 1 : i32
      %dma_wait3A_786 = arith.constant 896 : i32
      %dma_wait3A_787 = arith.constant 0 : i32
      %dma_wait3A_788 = tpu.memref_slice %arg8[%dma_wait3A_785, %dma_wait3A_786, %dma_wait3A_787] : memref<2x1600x16xf32, #tpu.memory_space<vmem>> -> memref<1x128x16xf32, #tpu.memory_space<vmem>>
      %dma_wait3A_789 = tpu.memref_squeeze %dma_wait3A_788 : memref<1x128x16xf32, #tpu.memory_space<vmem>> -> memref<128x16xf32, #tpu.memory_space<vmem>>
      %dma_wait3A_790 = arith.constant 896 : i32
      %dma_wait3A_791 = tpu.memref_slice %arg7[%dma_wait3A_784, %dma_wait3A_790] : memref<2x1600xi32, #tpu.memory_space<vmem>> -> memref<1x128xi32, #tpu.memory_space<vmem>>
      %dma_wait3A_792 = tpu.memref_squeeze %dma_wait3A_791 : memref<1x128xi32, #tpu.memory_space<vmem>> -> memref<128xi32, #tpu.memory_space<vmem>>
      %dma_wait3A_793 = arith.constant 0 : i32
      %dma_wait3A_794 = arith.constant 0 : i32
      %dma_wait3A_795 = tpu.memref_slice %arg3[%dma_wait3A_793, %dma_wait3A_794] : memref<8000000x16xf32, #tpu.memory_space<hbm>> -> memref<8000000x16xf32, #tpu.memory_space<hbm>>
      tpu.wait_indirect_dma semaphore(%arg13 : memref<!tpu.dma_semaphore, #tpu.memory_space<semaphore_mem>>) src(%dma_wait3A_795 : memref<8000000x16xf32, #tpu.memory_space<hbm>>) dst(%dma_wait3A_789 : memref<128x16xf32, #tpu.memory_space<vmem>>)
      %dma_wait3A_796 = arith.constant 1 : i32
      %dma_wait3A_797 = arith.constant 1 : i32
      %dma_wait3A_798 = arith.constant 1024 : i32
      %dma_wait3A_799 = arith.constant 0 : i32
      %dma_wait3A_800 = tpu.memref_slice %arg8[%dma_wait3A_797, %dma_wait3A_798, %dma_wait3A_799] : memref<2x1600x16xf32, #tpu.memory_space<vmem>> -> memref<1x128x16xf32, #tpu.memory_space<vmem>>
      %dma_wait3A_801 = tpu.memref_squeeze %dma_wait3A_800 : memref<1x128x16xf32, #tpu.memory_space<vmem>> -> memref<128x16xf32, #tpu.memory_space<vmem>>
      %dma_wait3A_802 = arith.constant 1024 : i32
      %dma_wait3A_803 = tpu.memref_slice %arg7[%dma_wait3A_796, %dma_wait3A_802] : memref<2x1600xi32, #tpu.memory_space<vmem>> -> memref<1x128xi32, #tpu.memory_space<vmem>>
      %dma_wait3A_804 = tpu.memref_squeeze %dma_wait3A_803 : memref<1x128xi32, #tpu.memory_space<vmem>> -> memref<128xi32, #tpu.memory_space<vmem>>
      %dma_wait3A_805 = arith.constant 0 : i32
      %dma_wait3A_806 = arith.constant 0 : i32
      %dma_wait3A_807 = tpu.memref_slice %arg3[%dma_wait3A_805, %dma_wait3A_806] : memref<8000000x16xf32, #tpu.memory_space<hbm>> -> memref<8000000x16xf32, #tpu.memory_space<hbm>>
      tpu.wait_indirect_dma semaphore(%arg13 : memref<!tpu.dma_semaphore, #tpu.memory_space<semaphore_mem>>) src(%dma_wait3A_807 : memref<8000000x16xf32, #tpu.memory_space<hbm>>) dst(%dma_wait3A_801 : memref<128x16xf32, #tpu.memory_space<vmem>>)
      %dma_wait3A_808 = arith.constant 1 : i32
      %dma_wait3A_809 = arith.constant 1 : i32
      %dma_wait3A_810 = arith.constant 1152 : i32
      %dma_wait3A_811 = arith.constant 0 : i32
      %dma_wait3A_812 = tpu.memref_slice %arg8[%dma_wait3A_809, %dma_wait3A_810, %dma_wait3A_811] : memref<2x1600x16xf32, #tpu.memory_space<vmem>> -> memref<1x128x16xf32, #tpu.memory_space<vmem>>
      %dma_wait3A_813 = tpu.memref_squeeze %dma_wait3A_812 : memref<1x128x16xf32, #tpu.memory_space<vmem>> -> memref<128x16xf32, #tpu.memory_space<vmem>>
      %dma_wait3A_814 = arith.constant 1152 : i32
      %dma_wait3A_815 = tpu.memref_slice %arg7[%dma_wait3A_808, %dma_wait3A_814] : memref<2x1600xi32, #tpu.memory_space<vmem>> -> memref<1x128xi32, #tpu.memory_space<vmem>>
      %dma_wait3A_816 = tpu.memref_squeeze %dma_wait3A_815 : memref<1x128xi32, #tpu.memory_space<vmem>> -> memref<128xi32, #tpu.memory_space<vmem>>
      %dma_wait3A_817 = arith.constant 0 : i32
      %dma_wait3A_818 = arith.constant 0 : i32
      %dma_wait3A_819 = tpu.memref_slice %arg3[%dma_wait3A_817, %dma_wait3A_818] : memref<8000000x16xf32, #tpu.memory_space<hbm>> -> memref<8000000x16xf32, #tpu.memory_space<hbm>>
      tpu.wait_indirect_dma semaphore(%arg13 : memref<!tpu.dma_semaphore, #tpu.memory_space<semaphore_mem>>) src(%dma_wait3A_819 : memref<8000000x16xf32, #tpu.memory_space<hbm>>) dst(%dma_wait3A_813 : memref<128x16xf32, #tpu.memory_space<vmem>>)
      %dma_wait3A_820 = arith.constant 1 : i32
      %dma_wait3A_821 = arith.constant 1 : i32
      %dma_wait3A_822 = arith.constant 1280 : i32
      %dma_wait3A_823 = arith.constant 0 : i32
      %dma_wait3A_824 = tpu.memref_slice %arg8[%dma_wait3A_821, %dma_wait3A_822, %dma_wait3A_823] : memref<2x1600x16xf32, #tpu.memory_space<vmem>> -> memref<1x128x16xf32, #tpu.memory_space<vmem>>
      %dma_wait3A_825 = tpu.memref_squeeze %dma_wait3A_824 : memref<1x128x16xf32, #tpu.memory_space<vmem>> -> memref<128x16xf32, #tpu.memory_space<vmem>>
      %dma_wait3A_826 = arith.constant 1280 : i32
      %dma_wait3A_827 = tpu.memref_slice %arg7[%dma_wait3A_820, %dma_wait3A_826] : memref<2x1600xi32, #tpu.memory_space<vmem>> -> memref<1x128xi32, #tpu.memory_space<vmem>>
      %dma_wait3A_828 = tpu.memref_squeeze %dma_wait3A_827 : memref<1x128xi32, #tpu.memory_space<vmem>> -> memref<128xi32, #tpu.memory_space<vmem>>
      %dma_wait3A_829 = arith.constant 0 : i32
      %dma_wait3A_830 = arith.constant 0 : i32
      %dma_wait3A_831 = tpu.memref_slice %arg3[%dma_wait3A_829, %dma_wait3A_830] : memref<8000000x16xf32, #tpu.memory_space<hbm>> -> memref<8000000x16xf32, #tpu.memory_space<hbm>>
      tpu.wait_indirect_dma semaphore(%arg13 : memref<!tpu.dma_semaphore, #tpu.memory_space<semaphore_mem>>) src(%dma_wait3A_831 : memref<8000000x16xf32, #tpu.memory_space<hbm>>) dst(%dma_wait3A_825 : memref<128x16xf32, #tpu.memory_space<vmem>>)
      %dma_wait3A_832 = arith.constant 1 : i32
      %dma_wait3A_833 = arith.constant 1 : i32
      %dma_wait3A_834 = arith.constant 1408 : i32
      %dma_wait3A_835 = arith.constant 0 : i32
      %dma_wait3A_836 = tpu.memref_slice %arg8[%dma_wait3A_833, %dma_wait3A_834, %dma_wait3A_835] : memref<2x1600x16xf32, #tpu.memory_space<vmem>> -> memref<1x128x16xf32, #tpu.memory_space<vmem>>
      %dma_wait3A_837 = tpu.memref_squeeze %dma_wait3A_836 : memref<1x128x16xf32, #tpu.memory_space<vmem>> -> memref<128x16xf32, #tpu.memory_space<vmem>>
      %dma_wait3A_838 = arith.constant 1408 : i32
      %dma_wait3A_839 = tpu.memref_slice %arg7[%dma_wait3A_832, %dma_wait3A_838] : memref<2x1600xi32, #tpu.memory_space<vmem>> -> memref<1x128xi32, #tpu.memory_space<vmem>>
      %dma_wait3A_840 = tpu.memref_squeeze %dma_wait3A_839 : memref<1x128xi32, #tpu.memory_space<vmem>> -> memref<128xi32, #tpu.memory_space<vmem>>
      %dma_wait3A_841 = arith.constant 0 : i32
      %dma_wait3A_842 = arith.constant 0 : i32
      %dma_wait3A_843 = tpu.memref_slice %arg3[%dma_wait3A_841, %dma_wait3A_842] : memref<8000000x16xf32, #tpu.memory_space<hbm>> -> memref<8000000x16xf32, #tpu.memory_space<hbm>>
      tpu.wait_indirect_dma semaphore(%arg13 : memref<!tpu.dma_semaphore, #tpu.memory_space<semaphore_mem>>) src(%dma_wait3A_843 : memref<8000000x16xf32, #tpu.memory_space<hbm>>) dst(%dma_wait3A_837 : memref<128x16xf32, #tpu.memory_space<vmem>>)
      %dma_wait3A_844 = arith.constant 1 : i32
      %dma_wait3A_845 = arith.constant 1 : i32
      %dma_wait3A_846 = arith.constant 1536 : i32
      %dma_wait3A_847 = arith.constant 0 : i32
      %dma_wait3A_848 = tpu.memref_slice %arg8[%dma_wait3A_845, %dma_wait3A_846, %dma_wait3A_847] : memref<2x1600x16xf32, #tpu.memory_space<vmem>> -> memref<1x64x16xf32, #tpu.memory_space<vmem>>
      %dma_wait3A_849 = tpu.memref_squeeze %dma_wait3A_848 : memref<1x64x16xf32, #tpu.memory_space<vmem>> -> memref<64x16xf32, #tpu.memory_space<vmem>>
      %dma_wait3A_850 = arith.constant 1536 : i32
      %dma_wait3A_851 = tpu.memref_slice %arg7[%dma_wait3A_844, %dma_wait3A_850] : memref<2x1600xi32, #tpu.memory_space<vmem>> -> memref<1x64xi32, #tpu.memory_space<vmem>>
      %dma_wait3A_852 = tpu.memref_squeeze %dma_wait3A_851 : memref<1x64xi32, #tpu.memory_space<vmem>> -> memref<64xi32, #tpu.memory_space<vmem>>
      %dma_wait3A_853 = arith.constant 0 : i32
      %dma_wait3A_854 = arith.constant 0 : i32
      %dma_wait3A_855 = tpu.memref_slice %arg3[%dma_wait3A_853, %dma_wait3A_854] : memref<8000000x16xf32, #tpu.memory_space<hbm>> -> memref<8000000x16xf32, #tpu.memory_space<hbm>>
      tpu.wait_indirect_dma semaphore(%arg13 : memref<!tpu.dma_semaphore, #tpu.memory_space<semaphore_mem>>) src(%dma_wait3A_855 : memref<8000000x16xf32, #tpu.memory_space<hbm>>) dst(%dma_wait3A_849 : memref<64x16xf32, #tpu.memory_space<vmem>>)
      %add3A_856 = arith.constant 1 : i32
      %add3A_857 = arith.addi %add3A_699, %add3A_856 : i32
      %lt3A_858 = arith.constant 64 : i32
      %lt3A_859 = arith.cmpi slt, %add3A_857, %lt3A_858 : i32
      %convert_element_type3A_860 = arith.extui %lt3A_859 : i1 to i32
      %cond3A_861 = arith.constant 0 : i32
      %cond3A_862 = arith.cmpi ne, %convert_element_type3A_860, %cond3A_861 : i32
      scf.if %cond3A_862 {
        %add3A_1225 = arith.constant 1 : i32
        %add3A_1226 = arith.addi %add3A_699, %add3A_1225 : i32
        %dma_start3A_1227 = arith.constant 0 : i32
        %dma_start3A_1228 = arith.constant 0 : i32
        %dma_start3A_1229 = arith.constant 0 : i32
        %dma_start3A_1230 = arith.constant 0 : i32
        %dma_start3A_1231 = tpu.memref_slice %arg8[%dma_start3A_1228, %dma_start3A_1229, %dma_start3A_1230] : memref<2x1600x16xf32, #tpu.memory_space<vmem>> -> memref<1x128x16xf32, #tpu.memory_space<vmem>>
        %dma_start3A_1232 = tpu.memref_squeeze %dma_start3A_1231 : memref<1x128x16xf32, #tpu.memory_space<vmem>> -> memref<128x16xf32, #tpu.memory_space<vmem>>
        %dma_start3A_1233 = arith.constant 0 : i32
        %dma_start3A_1234 = tpu.memref_slice %arg7[%dma_start3A_1227, %dma_start3A_1233] : memref<2x1600xi32, #tpu.memory_space<vmem>> -> memref<1x128xi32, #tpu.memory_space<vmem>>
        %dma_start3A_1235 = tpu.memref_squeeze %dma_start3A_1234 : memref<1x128xi32, #tpu.memory_space<vmem>> -> memref<128xi32, #tpu.memory_space<vmem>>
        %dma_start3A_1236 = arith.constant 0 : i32
        %dma_start3A_1237 = arith.constant 0 : i32
        %dma_start3A_1238 = tpu.memref_slice %arg3[%dma_start3A_1236, %dma_start3A_1237] : memref<8000000x16xf32, #tpu.memory_space<hbm>> -> memref<8000000x16xf32, #tpu.memory_space<hbm>>
        tpu.enqueue_indirect_dma source(%dma_start3A_1238 : memref<8000000x16xf32, #tpu.memory_space<hbm>>) target(%dma_start3A_1232 : memref<128x16xf32, #tpu.memory_space<vmem>>) offsets(%dma_start3A_1235 : memref<128xi32, #tpu.memory_space<vmem>>) semaphore(%arg12 : memref<!tpu.dma_semaphore, #tpu.memory_space<semaphore_mem>>)
        %dma_start3A_1239 = arith.constant 0 : i32
        %dma_start3A_1240 = arith.constant 0 : i32
        %dma_start3A_1241 = arith.constant 128 : i32
        %dma_start3A_1242 = arith.constant 0 : i32
        %dma_start3A_1243 = tpu.memref_slice %arg8[%dma_start3A_1240, %dma_start3A_1241, %dma_start3A_1242] : memref<2x1600x16xf32, #tpu.memory_space<vmem>> -> memref<1x128x16xf32, #tpu.memory_space<vmem>>
        %dma_start3A_1244 = tpu.memref_squeeze %dma_start3A_1243 : memref<1x128x16xf32, #tpu.memory_space<vmem>> -> memref<128x16xf32, #tpu.memory_space<vmem>>
        %dma_start3A_1245 = arith.constant 128 : i32
        %dma_start3A_1246 = tpu.memref_slice %arg7[%dma_start3A_1239, %dma_start3A_1245] : memref<2x1600xi32, #tpu.memory_space<vmem>> -> memref<1x128xi32, #tpu.memory_space<vmem>>
        %dma_start3A_1247 = tpu.memref_squeeze %dma_start3A_1246 : memref<1x128xi32, #tpu.memory_space<vmem>> -> memref<128xi32, #tpu.memory_space<vmem>>
        %dma_start3A_1248 = arith.constant 0 : i32
        %dma_start3A_1249 = arith.constant 0 : i32
        %dma_start3A_1250 = tpu.memref_slice %arg3[%dma_start3A_1248, %dma_start3A_1249] : memref<8000000x16xf32, #tpu.memory_space<hbm>> -> memref<8000000x16xf32, #tpu.memory_space<hbm>>
        tpu.enqueue_indirect_dma source(%dma_start3A_1250 : memref<8000000x16xf32, #tpu.memory_space<hbm>>) target(%dma_start3A_1244 : memref<128x16xf32, #tpu.memory_space<vmem>>) offsets(%dma_start3A_1247 : memref<128xi32, #tpu.memory_space<vmem>>) semaphore(%arg12 : memref<!tpu.dma_semaphore, #tpu.memory_space<semaphore_mem>>)
        %dma_start3A_1251 = arith.constant 0 : i32
        %dma_start3A_1252 = arith.constant 0 : i32
        %dma_start3A_1253 = arith.constant 256 : i32
        %dma_start3A_1254 = arith.constant 0 : i32
        %dma_start3A_1255 = tpu.memref_slice %arg8[%dma_start3A_1252, %dma_start3A_1253, %dma_start3A_1254] : memref<2x1600x16xf32, #tpu.memory_space<vmem>> -> memref<1x128x16xf32, #tpu.memory_space<vmem>>
        %dma_start3A_1256 = tpu.memref_squeeze %dma_start3A_1255 : memref<1x128x16xf32, #tpu.memory_space<vmem>> -> memref<128x16xf32, #tpu.memory_space<vmem>>
        %dma_start3A_1257 = arith.constant 256 : i32
        %dma_start3A_1258 = tpu.memref_slice %arg7[%dma_start3A_1251, %dma_start3A_1257] : memref<2x1600xi32, #tpu.memory_space<vmem>> -> memref<1x128xi32, #tpu.memory_space<vmem>>
        %dma_start3A_1259 = tpu.memref_squeeze %dma_start3A_1258 : memref<1x128xi32, #tpu.memory_space<vmem>> -> memref<128xi32, #tpu.memory_space<vmem>>
        %dma_start3A_1260 = arith.constant 0 : i32
        %dma_start3A_1261 = arith.constant 0 : i32
        %dma_start3A_1262 = tpu.memref_slice %arg3[%dma_start3A_1260, %dma_start3A_1261] : memref<8000000x16xf32, #tpu.memory_space<hbm>> -> memref<8000000x16xf32, #tpu.memory_space<hbm>>
        tpu.enqueue_indirect_dma source(%dma_start3A_1262 : memref<8000000x16xf32, #tpu.memory_space<hbm>>) target(%dma_start3A_1256 : memref<128x16xf32, #tpu.memory_space<vmem>>) offsets(%dma_start3A_1259 : memref<128xi32, #tpu.memory_space<vmem>>) semaphore(%arg12 : memref<!tpu.dma_semaphore, #tpu.memory_space<semaphore_mem>>)
        %dma_start3A_1263 = arith.constant 0 : i32
        %dma_start3A_1264 = arith.constant 0 : i32
        %dma_start3A_1265 = arith.constant 384 : i32
        %dma_start3A_1266 = arith.constant 0 : i32
        %dma_start3A_1267 = tpu.memref_slice %arg8[%dma_start3A_1264, %dma_start3A_1265, %dma_start3A_1266] : memref<2x1600x16xf32, #tpu.memory_space<vmem>> -> memref<1x128x16xf32, #tpu.memory_space<vmem>>
        %dma_start3A_1268 = tpu.memref_squeeze %dma_start3A_1267 : memref<1x128x16xf32, #tpu.memory_space<vmem>> -> memref<128x16xf32, #tpu.memory_space<vmem>>
        %dma_start3A_1269 = arith.constant 384 : i32
        %dma_start3A_1270 = tpu.memref_slice %arg7[%dma_start3A_1263, %dma_start3A_1269] : memref<2x1600xi32, #tpu.memory_space<vmem>> -> memref<1x128xi32, #tpu.memory_space<vmem>>
        %dma_start3A_1271 = tpu.memref_squeeze %dma_start3A_1270 : memref<1x128xi32, #tpu.memory_space<vmem>> -> memref<128xi32, #tpu.memory_space<vmem>>
        %dma_start3A_1272 = arith.constant 0 : i32
        %dma_start3A_1273 = arith.constant 0 : i32
        %dma_start3A_1274 = tpu.memref_slice %arg3[%dma_start3A_1272, %dma_start3A_1273] : memref<8000000x16xf32, #tpu.memory_space<hbm>> -> memref<8000000x16xf32, #tpu.memory_space<hbm>>
        tpu.enqueue_indirect_dma source(%dma_start3A_1274 : memref<8000000x16xf32, #tpu.memory_space<hbm>>) target(%dma_start3A_1268 : memref<128x16xf32, #tpu.memory_space<vmem>>) offsets(%dma_start3A_1271 : memref<128xi32, #tpu.memory_space<vmem>>) semaphore(%arg12 : memref<!tpu.dma_semaphore, #tpu.memory_space<semaphore_mem>>)
        %dma_start3A_1275 = arith.constant 0 : i32
        %dma_start3A_1276 = arith.constant 0 : i32
        %dma_start3A_1277 = arith.constant 512 : i32
        %dma_start3A_1278 = arith.constant 0 : i32
        %dma_start3A_1279 = tpu.memref_slice %arg8[%dma_start3A_1276, %dma_start3A_1277, %dma_start3A_1278] : memref<2x1600x16xf32, #tpu.memory_space<vmem>> -> memref<1x128x16xf32, #tpu.memory_space<vmem>>
        %dma_start3A_1280 = tpu.memref_squeeze %dma_start3A_1279 : memref<1x128x16xf32, #tpu.memory_space<vmem>> -> memref<128x16xf32, #tpu.memory_space<vmem>>
        %dma_start3A_1281 = arith.constant 512 : i32
        %dma_start3A_1282 = tpu.memref_slice %arg7[%dma_start3A_1275, %dma_start3A_1281] : memref<2x1600xi32, #tpu.memory_space<vmem>> -> memref<1x128xi32, #tpu.memory_space<vmem>>
        %dma_start3A_1283 = tpu.memref_squeeze %dma_start3A_1282 : memref<1x128xi32, #tpu.memory_space<vmem>> -> memref<128xi32, #tpu.memory_space<vmem>>
        %dma_start3A_1284 = arith.constant 0 : i32
        %dma_start3A_1285 = arith.constant 0 : i32
        %dma_start3A_1286 = tpu.memref_slice %arg3[%dma_start3A_1284, %dma_start3A_1285] : memref<8000000x16xf32, #tpu.memory_space<hbm>> -> memref<8000000x16xf32, #tpu.memory_space<hbm>>
        tpu.enqueue_indirect_dma source(%dma_start3A_1286 : memref<8000000x16xf32, #tpu.memory_space<hbm>>) target(%dma_start3A_1280 : memref<128x16xf32, #tpu.memory_space<vmem>>) offsets(%dma_start3A_1283 : memref<128xi32, #tpu.memory_space<vmem>>) semaphore(%arg12 : memref<!tpu.dma_semaphore, #tpu.memory_space<semaphore_mem>>)
        %dma_start3A_1287 = arith.constant 0 : i32
        %dma_start3A_1288 = arith.constant 0 : i32
        %dma_start3A_1289 = arith.constant 640 : i32
        %dma_start3A_1290 = arith.constant 0 : i32
        %dma_start3A_1291 = tpu.memref_slice %arg8[%dma_start3A_1288, %dma_start3A_1289, %dma_start3A_1290] : memref<2x1600x16xf32, #tpu.memory_space<vmem>> -> memref<1x128x16xf32, #tpu.memory_space<vmem>>
        %dma_start3A_1292 = tpu.memref_squeeze %dma_start3A_1291 : memref<1x128x16xf32, #tpu.memory_space<vmem>> -> memref<128x16xf32, #tpu.memory_space<vmem>>
        %dma_start3A_1293 = arith.constant 640 : i32
        %dma_start3A_1294 = tpu.memref_slice %arg7[%dma_start3A_1287, %dma_start3A_1293] : memref<2x1600xi32, #tpu.memory_space<vmem>> -> memref<1x128xi32, #tpu.memory_space<vmem>>
        %dma_start3A_1295 = tpu.memref_squeeze %dma_start3A_1294 : memref<1x128xi32, #tpu.memory_space<vmem>> -> memref<128xi32, #tpu.memory_space<vmem>>
        %dma_start3A_1296 = arith.constant 0 : i32
        %dma_start3A_1297 = arith.constant 0 : i32
        %dma_start3A_1298 = tpu.memref_slice %arg3[%dma_start3A_1296, %dma_start3A_1297] : memref<8000000x16xf32, #tpu.memory_space<hbm>> -> memref<8000000x16xf32, #tpu.memory_space<hbm>>
        tpu.enqueue_indirect_dma source(%dma_start3A_1298 : memref<8000000x16xf32, #tpu.memory_space<hbm>>) target(%dma_start3A_1292 : memref<128x16xf32, #tpu.memory_space<vmem>>) offsets(%dma_start3A_1295 : memref<128xi32, #tpu.memory_space<vmem>>) semaphore(%arg12 : memref<!tpu.dma_semaphore, #tpu.memory_space<semaphore_mem>>)
        %dma_start3A_1299 = arith.constant 0 : i32
        %dma_start3A_1300 = arith.constant 0 : i32
        %dma_start3A_1301 = arith.constant 768 : i32
        %dma_start3A_1302 = arith.constant 0 : i32
        %dma_start3A_1303 = tpu.memref_slice %arg8[%dma_start3A_1300, %dma_start3A_1301, %dma_start3A_1302] : memref<2x1600x16xf32, #tpu.memory_space<vmem>> -> memref<1x128x16xf32, #tpu.memory_space<vmem>>
        %dma_start3A_1304 = tpu.memref_squeeze %dma_start3A_1303 : memref<1x128x16xf32, #tpu.memory_space<vmem>> -> memref<128x16xf32, #tpu.memory_space<vmem>>
        %dma_start3A_1305 = arith.constant 768 : i32
        %dma_start3A_1306 = tpu.memref_slice %arg7[%dma_start3A_1299, %dma_start3A_1305] : memref<2x1600xi32, #tpu.memory_space<vmem>> -> memref<1x128xi32, #tpu.memory_space<vmem>>
        %dma_start3A_1307 = tpu.memref_squeeze %dma_start3A_1306 : memref<1x128xi32, #tpu.memory_space<vmem>> -> memref<128xi32, #tpu.memory_space<vmem>>
        %dma_start3A_1308 = arith.constant 0 : i32
        %dma_start3A_1309 = arith.constant 0 : i32
        %dma_start3A_1310 = tpu.memref_slice %arg3[%dma_start3A_1308, %dma_start3A_1309] : memref<8000000x16xf32, #tpu.memory_space<hbm>> -> memref<8000000x16xf32, #tpu.memory_space<hbm>>
        tpu.enqueue_indirect_dma source(%dma_start3A_1310 : memref<8000000x16xf32, #tpu.memory_space<hbm>>) target(%dma_start3A_1304 : memref<128x16xf32, #tpu.memory_space<vmem>>) offsets(%dma_start3A_1307 : memref<128xi32, #tpu.memory_space<vmem>>) semaphore(%arg12 : memref<!tpu.dma_semaphore, #tpu.memory_space<semaphore_mem>>)
        %dma_start3A_1311 = arith.constant 0 : i32
        %dma_start3A_1312 = arith.constant 0 : i32
        %dma_start3A_1313 = arith.constant 896 : i32
        %dma_start3A_1314 = arith.constant 0 : i32
        %dma_start3A_1315 = tpu.memref_slice %arg8[%dma_start3A_1312, %dma_start3A_1313, %dma_start3A_1314] : memref<2x1600x16xf32, #tpu.memory_space<vmem>> -> memref<1x128x16xf32, #tpu.memory_space<vmem>>
        %dma_start3A_1316 = tpu.memref_squeeze %dma_start3A_1315 : memref<1x128x16xf32, #tpu.memory_space<vmem>> -> memref<128x16xf32, #tpu.memory_space<vmem>>
        %dma_start3A_1317 = arith.constant 896 : i32
        %dma_start3A_1318 = tpu.memref_slice %arg7[%dma_start3A_1311, %dma_start3A_1317] : memref<2x1600xi32, #tpu.memory_space<vmem>> -> memref<1x128xi32, #tpu.memory_space<vmem>>
        %dma_start3A_1319 = tpu.memref_squeeze %dma_start3A_1318 : memref<1x128xi32, #tpu.memory_space<vmem>> -> memref<128xi32, #tpu.memory_space<vmem>>
        %dma_start3A_1320 = arith.constant 0 : i32
        %dma_start3A_1321 = arith.constant 0 : i32
        %dma_start3A_1322 = tpu.memref_slice %arg3[%dma_start3A_1320, %dma_start3A_1321] : memref<8000000x16xf32, #tpu.memory_space<hbm>> -> memref<8000000x16xf32, #tpu.memory_space<hbm>>
        tpu.enqueue_indirect_dma source(%dma_start3A_1322 : memref<8000000x16xf32, #tpu.memory_space<hbm>>) target(%dma_start3A_1316 : memref<128x16xf32, #tpu.memory_space<vmem>>) offsets(%dma_start3A_1319 : memref<128xi32, #tpu.memory_space<vmem>>) semaphore(%arg12 : memref<!tpu.dma_semaphore, #tpu.memory_space<semaphore_mem>>)
        %dma_start3A_1323 = arith.constant 0 : i32
        %dma_start3A_1324 = arith.constant 0 : i32
        %dma_start3A_1325 = arith.constant 1024 : i32
        %dma_start3A_1326 = arith.constant 0 : i32
        %dma_start3A_1327 = tpu.memref_slice %arg8[%dma_start3A_1324, %dma_start3A_1325, %dma_start3A_1326] : memref<2x1600x16xf32, #tpu.memory_space<vmem>> -> memref<1x128x16xf32, #tpu.memory_space<vmem>>
        %dma_start3A_1328 = tpu.memref_squeeze %dma_start3A_1327 : memref<1x128x16xf32, #tpu.memory_space<vmem>> -> memref<128x16xf32, #tpu.memory_space<vmem>>
        %dma_start3A_1329 = arith.constant 1024 : i32
        %dma_start3A_1330 = tpu.memref_slice %arg7[%dma_start3A_1323, %dma_start3A_1329] : memref<2x1600xi32, #tpu.memory_space<vmem>> -> memref<1x128xi32, #tpu.memory_space<vmem>>
        %dma_start3A_1331 = tpu.memref_squeeze %dma_start3A_1330 : memref<1x128xi32, #tpu.memory_space<vmem>> -> memref<128xi32, #tpu.memory_space<vmem>>
        %dma_start3A_1332 = arith.constant 0 : i32
        %dma_start3A_1333 = arith.constant 0 : i32
        %dma_start3A_1334 = tpu.memref_slice %arg3[%dma_start3A_1332, %dma_start3A_1333] : memref<8000000x16xf32, #tpu.memory_space<hbm>> -> memref<8000000x16xf32, #tpu.memory_space<hbm>>
        tpu.enqueue_indirect_dma source(%dma_start3A_1334 : memref<8000000x16xf32, #tpu.memory_space<hbm>>) target(%dma_start3A_1328 : memref<128x16xf32, #tpu.memory_space<vmem>>) offsets(%dma_start3A_1331 : memref<128xi32, #tpu.memory_space<vmem>>) semaphore(%arg12 : memref<!tpu.dma_semaphore, #tpu.memory_space<semaphore_mem>>)
        %dma_start3A_1335 = arith.constant 0 : i32
        %dma_start3A_1336 = arith.constant 0 : i32
        %dma_start3A_1337 = arith.constant 1152 : i32
        %dma_start3A_1338 = arith.constant 0 : i32
        %dma_start3A_1339 = tpu.memref_slice %arg8[%dma_start3A_1336, %dma_start3A_1337, %dma_start3A_1338] : memref<2x1600x16xf32, #tpu.memory_space<vmem>> -> memref<1x128x16xf32, #tpu.memory_space<vmem>>
        %dma_start3A_1340 = tpu.memref_squeeze %dma_start3A_1339 : memref<1x128x16xf32, #tpu.memory_space<vmem>> -> memref<128x16xf32, #tpu.memory_space<vmem>>
        %dma_start3A_1341 = arith.constant 1152 : i32
        %dma_start3A_1342 = tpu.memref_slice %arg7[%dma_start3A_1335, %dma_start3A_1341] : memref<2x1600xi32, #tpu.memory_space<vmem>> -> memref<1x128xi32, #tpu.memory_space<vmem>>
        %dma_start3A_1343 = tpu.memref_squeeze %dma_start3A_1342 : memref<1x128xi32, #tpu.memory_space<vmem>> -> memref<128xi32, #tpu.memory_space<vmem>>
        %dma_start3A_1344 = arith.constant 0 : i32
        %dma_start3A_1345 = arith.constant 0 : i32
        %dma_start3A_1346 = tpu.memref_slice %arg3[%dma_start3A_1344, %dma_start3A_1345] : memref<8000000x16xf32, #tpu.memory_space<hbm>> -> memref<8000000x16xf32, #tpu.memory_space<hbm>>
        tpu.enqueue_indirect_dma source(%dma_start3A_1346 : memref<8000000x16xf32, #tpu.memory_space<hbm>>) target(%dma_start3A_1340 : memref<128x16xf32, #tpu.memory_space<vmem>>) offsets(%dma_start3A_1343 : memref<128xi32, #tpu.memory_space<vmem>>) semaphore(%arg12 : memref<!tpu.dma_semaphore, #tpu.memory_space<semaphore_mem>>)
        %dma_start3A_1347 = arith.constant 0 : i32
        %dma_start3A_1348 = arith.constant 0 : i32
        %dma_start3A_1349 = arith.constant 1280 : i32
        %dma_start3A_1350 = arith.constant 0 : i32
        %dma_start3A_1351 = tpu.memref_slice %arg8[%dma_start3A_1348, %dma_start3A_1349, %dma_start3A_1350] : memref<2x1600x16xf32, #tpu.memory_space<vmem>> -> memref<1x128x16xf32, #tpu.memory_space<vmem>>
        %dma_start3A_1352 = tpu.memref_squeeze %dma_start3A_1351 : memref<1x128x16xf32, #tpu.memory_space<vmem>> -> memref<128x16xf32, #tpu.memory_space<vmem>>
        %dma_start3A_1353 = arith.constant 1280 : i32
        %dma_start3A_1354 = tpu.memref_slice %arg7[%dma_start3A_1347, %dma_start3A_1353] : memref<2x1600xi32, #tpu.memory_space<vmem>> -> memref<1x128xi32, #tpu.memory_space<vmem>>
        %dma_start3A_1355 = tpu.memref_squeeze %dma_start3A_1354 : memref<1x128xi32, #tpu.memory_space<vmem>> -> memref<128xi32, #tpu.memory_space<vmem>>
        %dma_start3A_1356 = arith.constant 0 : i32
        %dma_start3A_1357 = arith.constant 0 : i32
        %dma_start3A_1358 = tpu.memref_slice %arg3[%dma_start3A_1356, %dma_start3A_1357] : memref<8000000x16xf32, #tpu.memory_space<hbm>> -> memref<8000000x16xf32, #tpu.memory_space<hbm>>
        tpu.enqueue_indirect_dma source(%dma_start3A_1358 : memref<8000000x16xf32, #tpu.memory_space<hbm>>) target(%dma_start3A_1352 : memref<128x16xf32, #tpu.memory_space<vmem>>) offsets(%dma_start3A_1355 : memref<128xi32, #tpu.memory_space<vmem>>) semaphore(%arg12 : memref<!tpu.dma_semaphore, #tpu.memory_space<semaphore_mem>>)
        %dma_start3A_1359 = arith.constant 0 : i32
        %dma_start3A_1360 = arith.constant 0 : i32
        %dma_start3A_1361 = arith.constant 1408 : i32
        %dma_start3A_1362 = arith.constant 0 : i32
        %dma_start3A_1363 = tpu.memref_slice %arg8[%dma_start3A_1360, %dma_start3A_1361, %dma_start3A_1362] : memref<2x1600x16xf32, #tpu.memory_space<vmem>> -> memref<1x128x16xf32, #tpu.memory_space<vmem>>
        %dma_start3A_1364 = tpu.memref_squeeze %dma_start3A_1363 : memref<1x128x16xf32, #tpu.memory_space<vmem>> -> memref<128x16xf32, #tpu.memory_space<vmem>>
        %dma_start3A_1365 = arith.constant 1408 : i32
        %dma_start3A_1366 = tpu.memref_slice %arg7[%dma_start3A_1359, %dma_start3A_1365] : memref<2x1600xi32, #tpu.memory_space<vmem>> -> memref<1x128xi32, #tpu.memory_space<vmem>>
        %dma_start3A_1367 = tpu.memref_squeeze %dma_start3A_1366 : memref<1x128xi32, #tpu.memory_space<vmem>> -> memref<128xi32, #tpu.memory_space<vmem>>
        %dma_start3A_1368 = arith.constant 0 : i32
        %dma_start3A_1369 = arith.constant 0 : i32
        %dma_start3A_1370 = tpu.memref_slice %arg3[%dma_start3A_1368, %dma_start3A_1369] : memref<8000000x16xf32, #tpu.memory_space<hbm>> -> memref<8000000x16xf32, #tpu.memory_space<hbm>>
        tpu.enqueue_indirect_dma source(%dma_start3A_1370 : memref<8000000x16xf32, #tpu.memory_space<hbm>>) target(%dma_start3A_1364 : memref<128x16xf32, #tpu.memory_space<vmem>>) offsets(%dma_start3A_1367 : memref<128xi32, #tpu.memory_space<vmem>>) semaphore(%arg12 : memref<!tpu.dma_semaphore, #tpu.memory_space<semaphore_mem>>)
        %dma_start3A_1371 = arith.constant 0 : i32
        %dma_start3A_1372 = arith.constant 0 : i32
        %dma_start3A_1373 = arith.constant 1536 : i32
        %dma_start3A_1374 = arith.constant 0 : i32
        %dma_start3A_1375 = tpu.memref_slice %arg8[%dma_start3A_1372, %dma_start3A_1373, %dma_start3A_1374] : memref<2x1600x16xf32, #tpu.memory_space<vmem>> -> memref<1x64x16xf32, #tpu.memory_space<vmem>>
        %dma_start3A_1376 = tpu.memref_squeeze %dma_start3A_1375 : memref<1x64x16xf32, #tpu.memory_space<vmem>> -> memref<64x16xf32, #tpu.memory_space<vmem>>
        %dma_start3A_1377 = arith.constant 1536 : i32
        %dma_start3A_1378 = tpu.memref_slice %arg7[%dma_start3A_1371, %dma_start3A_1377] : memref<2x1600xi32, #tpu.memory_space<vmem>> -> memref<1x64xi32, #tpu.memory_space<vmem>>
        %dma_start3A_1379 = tpu.memref_squeeze %dma_start3A_1378 : memref<1x64xi32, #tpu.memory_space<vmem>> -> memref<64xi32, #tpu.memory_space<vmem>>
        %dma_start3A_1380 = arith.constant 0 : i32
        %dma_start3A_1381 = arith.constant 0 : i32
        %dma_start3A_1382 = tpu.memref_slice %arg3[%dma_start3A_1380, %dma_start3A_1381] : memref<8000000x16xf32, #tpu.memory_space<hbm>> -> memref<8000000x16xf32, #tpu.memory_space<hbm>>
        tpu.enqueue_indirect_dma source(%dma_start3A_1382 : memref<8000000x16xf32, #tpu.memory_space<hbm>>) target(%dma_start3A_1376 : memref<64x16xf32, #tpu.memory_space<vmem>>) offsets(%dma_start3A_1379 : memref<64xi32, #tpu.memory_space<vmem>>) semaphore(%arg12 : memref<!tpu.dma_semaphore, #tpu.memory_space<semaphore_mem>>)
      } else {
      }
      %broadcast_in_dim3A_863 = arith.constant 0.000000e+00 : f32
      %broadcast_in_dim3A_864 = vector.broadcast %broadcast_in_dim3A_863 : f32 to vector<16xf32>
      %scan3A_865 = arith.constant 0 : i32
      %scan3A_866 = arith.constant 50 : i32
      %scan3A_867 = arith.addi %scan3A_865, %scan3A_866 : i32
      %scan3A_868 = arith.constant 1 : i32
      %scan3A_869:24 = scf.for %scan3A_1225 = %scan3A_865 to %scan3A_867 step %scan3A_868 iter_args(%scan3A_1226 = %broadcast_in_dim3A_864, %scan3A_1227 = %broadcast_in_dim3A_864, %scan3A_1228 = %broadcast_in_dim3A_864, %scan3A_1229 = %broadcast_in_dim3A_864, %scan3A_1230 = %broadcast_in_dim3A_864, %scan3A_1231 = %broadcast_in_dim3A_864, %scan3A_1232 = %broadcast_in_dim3A_864, %scan3A_1233 = %broadcast_in_dim3A_864, %scan3A_1234 = %broadcast_in_dim3A_864, %scan3A_1235 = %broadcast_in_dim3A_864, %scan3A_1236 = %broadcast_in_dim3A_864, %scan3A_1237 = %broadcast_in_dim3A_864, %scan3A_1238 = %broadcast_in_dim3A_864, %scan3A_1239 = %broadcast_in_dim3A_864, %scan3A_1240 = %broadcast_in_dim3A_864, %scan3A_1241 = %broadcast_in_dim3A_864, %scan3A_1242 = %broadcast_in_dim3A_864, %scan3A_1243 = %broadcast_in_dim3A_864, %scan3A_1244 = %broadcast_in_dim3A_864, %scan3A_1245 = %broadcast_in_dim3A_864, %scan3A_1246 = %broadcast_in_dim3A_864, %scan3A_1247 = %broadcast_in_dim3A_864, %scan3A_1248 = %broadcast_in_dim3A_864, %scan3A_1249 = %broadcast_in_dim3A_864) -> (vector<16xf32>, vector<16xf32>, vector<16xf32>, vector<16xf32>, vector<16xf32>, vector<16xf32>, vector<16xf32>, vector<16xf32>, vector<16xf32>, vector<16xf32>, vector<16xf32>, vector<16xf32>, vector<16xf32>, vector<16xf32>, vector<16xf32>, vector<16xf32>, vector<16xf32>, vector<16xf32>, vector<16xf32>, vector<16xf32>, vector<16xf32>, vector<16xf32>, vector<16xf32>, vector<16xf32>)  : i32 {
        %mul3A_1250 = arith.constant 0 : i32
        %mul3A_1251 = arith.muli %scan3A_1225, %mul3A_1250 : i32
        %add3A_1252 = arith.constant 2 : i32
        %add3A_1253 = arith.addi %mul3A_1251, %add3A_1252 : i32
        %mul3A_1254 = arith.constant 12 : i32
        %mul3A_1255 = arith.muli %scan3A_1225, %mul3A_1254 : i32
        %add3A_1256 = arith.constant 0 : i32
        %add3A_1257 = arith.addi %mul3A_1255, %add3A_1256 : i32
        %add3A_1258 = arith.constant 0 : i32
        %add3A_1259 = arith.addi %add3A_1257, %add3A_1258 : i32
        %get3A_1260 = arith.index_cast %add3A_1259 : i32 to index
        %get3A_1261 = arith.constant 0 : index
        %get3A_1262 = tpu.vector_load %arg9[%get3A_1260, %get3A_1261] {strides = array<i32>} : memref<600x16xf32, #tpu.memory_space<vmem>>, vector<16xf32>,
        %mul3A_1263 = arith.constant 12 : i32
        %mul3A_1264 = arith.muli %scan3A_1225, %mul3A_1263 : i32
        %add3A_1265 = arith.constant 0 : i32
        %add3A_1266 = arith.addi %mul3A_1264, %add3A_1265 : i32
        %add3A_1267 = arith.constant 1 : i32
        %add3A_1268 = arith.addi %add3A_1266, %add3A_1267 : i32
        %get3A_1269 = arith.index_cast %add3A_1268 : i32 to index
        %get3A_1270 = arith.constant 0 : index
        %get3A_1271 = tpu.vector_load %arg9[%get3A_1269, %get3A_1270] {strides = array<i32>} : memref<600x16xf32, #tpu.memory_space<vmem>>, vector<16xf32>,
        %mul3A_1272 = arith.constant 12 : i32
        %mul3A_1273 = arith.muli %scan3A_1225, %mul3A_1272 : i32
        %add3A_1274 = arith.constant 0 : i32
        %add3A_1275 = arith.addi %mul3A_1273, %add3A_1274 : i32
        %add3A_1276 = arith.constant 2 : i32
        %add3A_1277 = arith.addi %add3A_1275, %add3A_1276 : i32
        %get3A_1278 = arith.index_cast %add3A_1277 : i32 to index
        %get3A_1279 = arith.constant 0 : index
        %get3A_1280 = tpu.vector_load %arg9[%get3A_1278, %get3A_1279] {strides = array<i32>} : memref<600x16xf32, #tpu.memory_space<vmem>>, vector<16xf32>,
        %add3A_1281 = arith.constant 0 : i32
        %add3A_1282 = arith.addi %add3A_1281, %scan3A_1225 : i32
        %mul3A_1283 = arith.constant 4 : i32
        %mul3A_1284 = arith.muli %add3A_1282, %mul3A_1283 : i32
        %add3A_1285 = arith.constant 0 : i32
        %add3A_1286 = arith.addi %mul3A_1284, %add3A_1285 : i32
        %get3A_1287 = arith.constant 1 : i32
        %get3A_1288 = arith.index_cast %get3A_1287 : i32 to index
        %get3A_1289 = arith.index_cast %add3A_1286 : i32 to index
        %get3A_1290 = arith.constant 0 : index
        %get3A_1291 = tpu.vector_load %arg8[%get3A_1288, %get3A_1289, %get3A_1290] {strides = array<i32>} : memref<2x1600x16xf32, #tpu.memory_space<vmem>>, vector<16xf32>,
        %mul3A_1292 = arith.mulf %get3A_1291, %get3A_1262 : vector<16xf32>
        %add3A_1293 = arith.addf %scan3A_1226, %mul3A_1292 : vector<16xf32>
        %mul3A_1294 = arith.mulf %get3A_1291, %get3A_1271 : vector<16xf32>
        %add3A_1295 = arith.addf %scan3A_1227, %mul3A_1294 : vector<16xf32>
        %mul3A_1296 = arith.mulf %get3A_1291, %get3A_1280 : vector<16xf32>
        %add3A_1297 = arith.addf %scan3A_1228, %mul3A_1296 : vector<16xf32>
        %add3A_1298 = arith.constant 50 : i32
        %add3A_1299 = arith.addi %add3A_1298, %scan3A_1225 : i32
        %mul3A_1300 = arith.constant 4 : i32
        %mul3A_1301 = arith.muli %add3A_1299, %mul3A_1300 : i32
        %add3A_1302 = arith.constant 0 : i32
        %add3A_1303 = arith.addi %mul3A_1301, %add3A_1302 : i32
        %get3A_1304 = arith.constant 1 : i32
        %get3A_1305 = arith.index_cast %get3A_1304 : i32 to index
        %get3A_1306 = arith.index_cast %add3A_1303 : i32 to index
        %get3A_1307 = arith.constant 0 : index
        %get3A_1308 = tpu.vector_load %arg8[%get3A_1305, %get3A_1306, %get3A_1307] {strides = array<i32>} : memref<2x1600x16xf32, #tpu.memory_space<vmem>>, vector<16xf32>,
        %mul3A_1309 = arith.mulf %get3A_1308, %get3A_1262 : vector<16xf32>
        %add3A_1310 = arith.addf %scan3A_1229, %mul3A_1309 : vector<16xf32>
        %mul3A_1311 = arith.mulf %get3A_1308, %get3A_1271 : vector<16xf32>
        %add3A_1312 = arith.addf %scan3A_1230, %mul3A_1311 : vector<16xf32>
        %mul3A_1313 = arith.mulf %get3A_1308, %get3A_1280 : vector<16xf32>
        %add3A_1314 = arith.addf %scan3A_1231, %mul3A_1313 : vector<16xf32>
        %add3A_1315 = arith.constant 100 : i32
        %add3A_1316 = arith.addi %add3A_1315, %scan3A_1225 : i32
        %mul3A_1317 = arith.constant 4 : i32
        %mul3A_1318 = arith.muli %add3A_1316, %mul3A_1317 : i32
        %add3A_1319 = arith.constant 0 : i32
        %add3A_1320 = arith.addi %mul3A_1318, %add3A_1319 : i32
        %get3A_1321 = arith.constant 1 : i32
        %get3A_1322 = arith.index_cast %get3A_1321 : i32 to index
        %get3A_1323 = arith.index_cast %add3A_1320 : i32 to index
        %get3A_1324 = arith.constant 0 : index
        %get3A_1325 = tpu.vector_load %arg8[%get3A_1322, %get3A_1323, %get3A_1324] {strides = array<i32>} : memref<2x1600x16xf32, #tpu.memory_space<vmem>>, vector<16xf32>,
        %mul3A_1326 = arith.mulf %get3A_1325, %get3A_1262 : vector<16xf32>
        %add3A_1327 = arith.addf %scan3A_1232, %mul3A_1326 : vector<16xf32>
        %mul3A_1328 = arith.mulf %get3A_1325, %get3A_1271 : vector<16xf32>
        %add3A_1329 = arith.addf %scan3A_1233, %mul3A_1328 : vector<16xf32>
        %mul3A_1330 = arith.mulf %get3A_1325, %get3A_1280 : vector<16xf32>
        %add3A_1331 = arith.addf %scan3A_1234, %mul3A_1330 : vector<16xf32>
        %add3A_1332 = arith.constant 150 : i32
        %add3A_1333 = arith.addi %add3A_1332, %scan3A_1225 : i32
        %mul3A_1334 = arith.constant 4 : i32
        %mul3A_1335 = arith.muli %add3A_1333, %mul3A_1334 : i32
        %add3A_1336 = arith.constant 0 : i32
        %add3A_1337 = arith.addi %mul3A_1335, %add3A_1336 : i32
        %get3A_1338 = arith.constant 1 : i32
        %get3A_1339 = arith.index_cast %get3A_1338 : i32 to index
        %get3A_1340 = arith.index_cast %add3A_1337 : i32 to index
        %get3A_1341 = arith.constant 0 : index
        %get3A_1342 = tpu.vector_load %arg8[%get3A_1339, %get3A_1340, %get3A_1341] {strides = array<i32>} : memref<2x1600x16xf32, #tpu.memory_space<vmem>>, vector<16xf32>,
        %mul3A_1343 = arith.mulf %get3A_1342, %get3A_1262 : vector<16xf32>
        %add3A_1344 = arith.addf %scan3A_1235, %mul3A_1343 : vector<16xf32>
        %mul3A_1345 = arith.mulf %get3A_1342, %get3A_1271 : vector<16xf32>
        %add3A_1346 = arith.addf %scan3A_1236, %mul3A_1345 : vector<16xf32>
        %mul3A_1347 = arith.mulf %get3A_1342, %get3A_1280 : vector<16xf32>
        %add3A_1348 = arith.addf %scan3A_1237, %mul3A_1347 : vector<16xf32>
        %add3A_1349 = arith.constant 200 : i32
        %add3A_1350 = arith.addi %add3A_1349, %scan3A_1225 : i32
        %mul3A_1351 = arith.constant 4 : i32
        %mul3A_1352 = arith.muli %add3A_1350, %mul3A_1351 : i32
        %add3A_1353 = arith.constant 0 : i32
        %add3A_1354 = arith.addi %mul3A_1352, %add3A_1353 : i32
        %get3A_1355 = arith.constant 1 : i32
        %get3A_1356 = arith.index_cast %get3A_1355 : i32 to index
        %get3A_1357 = arith.index_cast %add3A_1354 : i32 to index
        %get3A_1358 = arith.constant 0 : index
        %get3A_1359 = tpu.vector_load %arg8[%get3A_1356, %get3A_1357, %get3A_1358] {strides = array<i32>} : memref<2x1600x16xf32, #tpu.memory_space<vmem>>, vector<16xf32>,
        %mul3A_1360 = arith.mulf %get3A_1359, %get3A_1262 : vector<16xf32>
        %add3A_1361 = arith.addf %scan3A_1238, %mul3A_1360 : vector<16xf32>
        %mul3A_1362 = arith.mulf %get3A_1359, %get3A_1271 : vector<16xf32>
        %add3A_1363 = arith.addf %scan3A_1239, %mul3A_1362 : vector<16xf32>
        %mul3A_1364 = arith.mulf %get3A_1359, %get3A_1280 : vector<16xf32>
        %add3A_1365 = arith.addf %scan3A_1240, %mul3A_1364 : vector<16xf32>
        %add3A_1366 = arith.constant 250 : i32
        %add3A_1367 = arith.addi %add3A_1366, %scan3A_1225 : i32
        %mul3A_1368 = arith.constant 4 : i32
        %mul3A_1369 = arith.muli %add3A_1367, %mul3A_1368 : i32
        %add3A_1370 = arith.constant 0 : i32
        %add3A_1371 = arith.addi %mul3A_1369, %add3A_1370 : i32
        %get3A_1372 = arith.constant 1 : i32
        %get3A_1373 = arith.index_cast %get3A_1372 : i32 to index
        %get3A_1374 = arith.index_cast %add3A_1371 : i32 to index
        %get3A_1375 = arith.constant 0 : index
        %get3A_1376 = tpu.vector_load %arg8[%get3A_1373, %get3A_1374, %get3A_1375] {strides = array<i32>} : memref<2x1600x16xf32, #tpu.memory_space<vmem>>, vector<16xf32>,
        %mul3A_1377 = arith.mulf %get3A_1376, %get3A_1262 : vector<16xf32>
        %add3A_1378 = arith.addf %scan3A_1241, %mul3A_1377 : vector<16xf32>
        %mul3A_1379 = arith.mulf %get3A_1376, %get3A_1271 : vector<16xf32>
        %add3A_1380 = arith.addf %scan3A_1242, %mul3A_1379 : vector<16xf32>
        %mul3A_1381 = arith.mulf %get3A_1376, %get3A_1280 : vector<16xf32>
        %add3A_1382 = arith.addf %scan3A_1243, %mul3A_1381 : vector<16xf32>
        %add3A_1383 = arith.constant 300 : i32
        %add3A_1384 = arith.addi %add3A_1383, %scan3A_1225 : i32
        %mul3A_1385 = arith.constant 4 : i32
        %mul3A_1386 = arith.muli %add3A_1384, %mul3A_1385 : i32
        %add3A_1387 = arith.constant 0 : i32
        %add3A_1388 = arith.addi %mul3A_1386, %add3A_1387 : i32
        %get3A_1389 = arith.constant 1 : i32
        %get3A_1390 = arith.index_cast %get3A_1389 : i32 to index
        %get3A_1391 = arith.index_cast %add3A_1388 : i32 to index
        %get3A_1392 = arith.constant 0 : index
        %get3A_1393 = tpu.vector_load %arg8[%get3A_1390, %get3A_1391, %get3A_1392] {strides = array<i32>} : memref<2x1600x16xf32, #tpu.memory_space<vmem>>, vector<16xf32>,
        %mul3A_1394 = arith.mulf %get3A_1393, %get3A_1262 : vector<16xf32>
        %add3A_1395 = arith.addf %scan3A_1244, %mul3A_1394 : vector<16xf32>
        %mul3A_1396 = arith.mulf %get3A_1393, %get3A_1271 : vector<16xf32>
        %add3A_1397 = arith.addf %scan3A_1245, %mul3A_1396 : vector<16xf32>
        %mul3A_1398 = arith.mulf %get3A_1393, %get3A_1280 : vector<16xf32>
        %add3A_1399 = arith.addf %scan3A_1246, %mul3A_1398 : vector<16xf32>
        %add3A_1400 = arith.constant 350 : i32
        %add3A_1401 = arith.addi %add3A_1400, %scan3A_1225 : i32
        %mul3A_1402 = arith.constant 4 : i32
        %mul3A_1403 = arith.muli %add3A_1401, %mul3A_1402 : i32
        %add3A_1404 = arith.constant 0 : i32
        %add3A_1405 = arith.addi %mul3A_1403, %add3A_1404 : i32
        %get3A_1406 = arith.constant 1 : i32
        %get3A_1407 = arith.index_cast %get3A_1406 : i32 to index
        %get3A_1408 = arith.index_cast %add3A_1405 : i32 to index
        %get3A_1409 = arith.constant 0 : index
        %get3A_1410 = tpu.vector_load %arg8[%get3A_1407, %get3A_1408, %get3A_1409] {strides = array<i32>} : memref<2x1600x16xf32, #tpu.memory_space<vmem>>, vector<16xf32>,
        %mul3A_1411 = arith.mulf %get3A_1410, %get3A_1262 : vector<16xf32>
        %add3A_1412 = arith.addf %scan3A_1247, %mul3A_1411 : vector<16xf32>
        %mul3A_1413 = arith.mulf %get3A_1410, %get3A_1271 : vector<16xf32>
        %add3A_1414 = arith.addf %scan3A_1248, %mul3A_1413 : vector<16xf32>
        %mul3A_1415 = arith.mulf %get3A_1410, %get3A_1280 : vector<16xf32>
        %add3A_1416 = arith.addf %scan3A_1249, %mul3A_1415 : vector<16xf32>
        %mul3A_1417 = arith.constant 12 : i32
        %mul3A_1418 = arith.muli %scan3A_1225, %mul3A_1417 : i32
        %add3A_1419 = arith.constant 3 : i32
        %add3A_1420 = arith.addi %mul3A_1418, %add3A_1419 : i32
        %add3A_1421 = arith.constant 0 : i32
        %add3A_1422 = arith.addi %add3A_1420, %add3A_1421 : i32
        %get3A_1423 = arith.index_cast %add3A_1422 : i32 to index
        %get3A_1424 = arith.constant 0 : index
        %get3A_1425 = tpu.vector_load %arg9[%get3A_1423, %get3A_1424] {strides = array<i32>} : memref<600x16xf32, #tpu.memory_space<vmem>>, vector<16xf32>,
        %mul3A_1426 = arith.constant 12 : i32
        %mul3A_1427 = arith.muli %scan3A_1225, %mul3A_1426 : i32
        %add3A_1428 = arith.constant 3 : i32
        %add3A_1429 = arith.addi %mul3A_1427, %add3A_1428 : i32
        %add3A_1430 = arith.constant 1 : i32
        %add3A_1431 = arith.addi %add3A_1429, %add3A_1430 : i32
        %get3A_1432 = arith.index_cast %add3A_1431 : i32 to index
        %get3A_1433 = arith.constant 0 : index
        %get3A_1434 = tpu.vector_load %arg9[%get3A_1432, %get3A_1433] {strides = array<i32>} : memref<600x16xf32, #tpu.memory_space<vmem>>, vector<16xf32>,
        %mul3A_1435 = arith.constant 12 : i32
        %mul3A_1436 = arith.muli %scan3A_1225, %mul3A_1435 : i32
        %add3A_1437 = arith.constant 3 : i32
        %add3A_1438 = arith.addi %mul3A_1436, %add3A_1437 : i32
        %add3A_1439 = arith.constant 2 : i32
        %add3A_1440 = arith.addi %add3A_1438, %add3A_1439 : i32
        %get3A_1441 = arith.index_cast %add3A_1440 : i32 to index
        %get3A_1442 = arith.constant 0 : index
        %get3A_1443 = tpu.vector_load %arg9[%get3A_1441, %get3A_1442] {strides = array<i32>} : memref<600x16xf32, #tpu.memory_space<vmem>>, vector<16xf32>,
        %add3A_1444 = arith.constant 0 : i32
        %add3A_1445 = arith.addi %add3A_1444, %scan3A_1225 : i32
        %mul3A_1446 = arith.constant 4 : i32
        %mul3A_1447 = arith.muli %add3A_1445, %mul3A_1446 : i32
        %add3A_1448 = arith.constant 1 : i32
        %add3A_1449 = arith.addi %mul3A_1447, %add3A_1448 : i32
        %get3A_1450 = arith.constant 1 : i32
        %get3A_1451 = arith.index_cast %get3A_1450 : i32 to index
        %get3A_1452 = arith.index_cast %add3A_1449 : i32 to index
        %get3A_1453 = arith.constant 0 : index
        %get3A_1454 = tpu.vector_load %arg8[%get3A_1451, %get3A_1452, %get3A_1453] {strides = array<i32>} : memref<2x1600x16xf32, #tpu.memory_space<vmem>>, vector<16xf32>,
        %mul3A_1455 = arith.mulf %get3A_1454, %get3A_1425 : vector<16xf32>
        %add3A_1456 = arith.addf %add3A_1293, %mul3A_1455 : vector<16xf32>
        %mul3A_1457 = arith.mulf %get3A_1454, %get3A_1434 : vector<16xf32>
        %add3A_1458 = arith.addf %add3A_1295, %mul3A_1457 : vector<16xf32>
        %mul3A_1459 = arith.mulf %get3A_1454, %get3A_1443 : vector<16xf32>
        %add3A_1460 = arith.addf %add3A_1297, %mul3A_1459 : vector<16xf32>
        %add3A_1461 = arith.constant 50 : i32
        %add3A_1462 = arith.addi %add3A_1461, %scan3A_1225 : i32
        %mul3A_1463 = arith.constant 4 : i32
        %mul3A_1464 = arith.muli %add3A_1462, %mul3A_1463 : i32
        %add3A_1465 = arith.constant 1 : i32
        %add3A_1466 = arith.addi %mul3A_1464, %add3A_1465 : i32
        %get3A_1467 = arith.constant 1 : i32
        %get3A_1468 = arith.index_cast %get3A_1467 : i32 to index
        %get3A_1469 = arith.index_cast %add3A_1466 : i32 to index
        %get3A_1470 = arith.constant 0 : index
        %get3A_1471 = tpu.vector_load %arg8[%get3A_1468, %get3A_1469, %get3A_1470] {strides = array<i32>} : memref<2x1600x16xf32, #tpu.memory_space<vmem>>, vector<16xf32>,
        %mul3A_1472 = arith.mulf %get3A_1471, %get3A_1425 : vector<16xf32>
        %add3A_1473 = arith.addf %add3A_1310, %mul3A_1472 : vector<16xf32>
        %mul3A_1474 = arith.mulf %get3A_1471, %get3A_1434 : vector<16xf32>
        %add3A_1475 = arith.addf %add3A_1312, %mul3A_1474 : vector<16xf32>
        %mul3A_1476 = arith.mulf %get3A_1471, %get3A_1443 : vector<16xf32>
        %add3A_1477 = arith.addf %add3A_1314, %mul3A_1476 : vector<16xf32>
        %add3A_1478 = arith.constant 100 : i32
        %add3A_1479 = arith.addi %add3A_1478, %scan3A_1225 : i32
        %mul3A_1480 = arith.constant 4 : i32
        %mul3A_1481 = arith.muli %add3A_1479, %mul3A_1480 : i32
        %add3A_1482 = arith.constant 1 : i32
        %add3A_1483 = arith.addi %mul3A_1481, %add3A_1482 : i32
        %get3A_1484 = arith.constant 1 : i32
        %get3A_1485 = arith.index_cast %get3A_1484 : i32 to index
        %get3A_1486 = arith.index_cast %add3A_1483 : i32 to index
        %get3A_1487 = arith.constant 0 : index
        %get3A_1488 = tpu.vector_load %arg8[%get3A_1485, %get3A_1486, %get3A_1487] {strides = array<i32>} : memref<2x1600x16xf32, #tpu.memory_space<vmem>>, vector<16xf32>,
        %mul3A_1489 = arith.mulf %get3A_1488, %get3A_1425 : vector<16xf32>
        %add3A_1490 = arith.addf %add3A_1327, %mul3A_1489 : vector<16xf32>
        %mul3A_1491 = arith.mulf %get3A_1488, %get3A_1434 : vector<16xf32>
        %add3A_1492 = arith.addf %add3A_1329, %mul3A_1491 : vector<16xf32>
        %mul3A_1493 = arith.mulf %get3A_1488, %get3A_1443 : vector<16xf32>
        %add3A_1494 = arith.addf %add3A_1331, %mul3A_1493 : vector<16xf32>
        %add3A_1495 = arith.constant 150 : i32
        %add3A_1496 = arith.addi %add3A_1495, %scan3A_1225 : i32
        %mul3A_1497 = arith.constant 4 : i32
        %mul3A_1498 = arith.muli %add3A_1496, %mul3A_1497 : i32
        %add3A_1499 = arith.constant 1 : i32
        %add3A_1500 = arith.addi %mul3A_1498, %add3A_1499 : i32
        %get3A_1501 = arith.constant 1 : i32
        %get3A_1502 = arith.index_cast %get3A_1501 : i32 to index
        %get3A_1503 = arith.index_cast %add3A_1500 : i32 to index
        %get3A_1504 = arith.constant 0 : index
        %get3A_1505 = tpu.vector_load %arg8[%get3A_1502, %get3A_1503, %get3A_1504] {strides = array<i32>} : memref<2x1600x16xf32, #tpu.memory_space<vmem>>, vector<16xf32>,
        %mul3A_1506 = arith.mulf %get3A_1505, %get3A_1425 : vector<16xf32>
        %add3A_1507 = arith.addf %add3A_1344, %mul3A_1506 : vector<16xf32>
        %mul3A_1508 = arith.mulf %get3A_1505, %get3A_1434 : vector<16xf32>
        %add3A_1509 = arith.addf %add3A_1346, %mul3A_1508 : vector<16xf32>
        %mul3A_1510 = arith.mulf %get3A_1505, %get3A_1443 : vector<16xf32>
        %add3A_1511 = arith.addf %add3A_1348, %mul3A_1510 : vector<16xf32>
        %add3A_1512 = arith.constant 200 : i32
        %add3A_1513 = arith.addi %add3A_1512, %scan3A_1225 : i32
        %mul3A_1514 = arith.constant 4 : i32
        %mul3A_1515 = arith.muli %add3A_1513, %mul3A_1514 : i32
        %add3A_1516 = arith.constant 1 : i32
        %add3A_1517 = arith.addi %mul3A_1515, %add3A_1516 : i32
        %get3A_1518 = arith.constant 1 : i32
        %get3A_1519 = arith.index_cast %get3A_1518 : i32 to index
        %get3A_1520 = arith.index_cast %add3A_1517 : i32 to index
        %get3A_1521 = arith.constant 0 : index
        %get3A_1522 = tpu.vector_load %arg8[%get3A_1519, %get3A_1520, %get3A_1521] {strides = array<i32>} : memref<2x1600x16xf32, #tpu.memory_space<vmem>>, vector<16xf32>,
        %mul3A_1523 = arith.mulf %get3A_1522, %get3A_1425 : vector<16xf32>
        %add3A_1524 = arith.addf %add3A_1361, %mul3A_1523 : vector<16xf32>
        %mul3A_1525 = arith.mulf %get3A_1522, %get3A_1434 : vector<16xf32>
        %add3A_1526 = arith.addf %add3A_1363, %mul3A_1525 : vector<16xf32>
        %mul3A_1527 = arith.mulf %get3A_1522, %get3A_1443 : vector<16xf32>
        %add3A_1528 = arith.addf %add3A_1365, %mul3A_1527 : vector<16xf32>
        %add3A_1529 = arith.constant 250 : i32
        %add3A_1530 = arith.addi %add3A_1529, %scan3A_1225 : i32
        %mul3A_1531 = arith.constant 4 : i32
        %mul3A_1532 = arith.muli %add3A_1530, %mul3A_1531 : i32
        %add3A_1533 = arith.constant 1 : i32
        %add3A_1534 = arith.addi %mul3A_1532, %add3A_1533 : i32
        %get3A_1535 = arith.constant 1 : i32
        %get3A_1536 = arith.index_cast %get3A_1535 : i32 to index
        %get3A_1537 = arith.index_cast %add3A_1534 : i32 to index
        %get3A_1538 = arith.constant 0 : index
        %get3A_1539 = tpu.vector_load %arg8[%get3A_1536, %get3A_1537, %get3A_1538] {strides = array<i32>} : memref<2x1600x16xf32, #tpu.memory_space<vmem>>, vector<16xf32>,
        %mul3A_1540 = arith.mulf %get3A_1539, %get3A_1425 : vector<16xf32>
        %add3A_1541 = arith.addf %add3A_1378, %mul3A_1540 : vector<16xf32>
        %mul3A_1542 = arith.mulf %get3A_1539, %get3A_1434 : vector<16xf32>
        %add3A_1543 = arith.addf %add3A_1380, %mul3A_1542 : vector<16xf32>
        %mul3A_1544 = arith.mulf %get3A_1539, %get3A_1443 : vector<16xf32>
        %add3A_1545 = arith.addf %add3A_1382, %mul3A_1544 : vector<16xf32>
        %add3A_1546 = arith.constant 300 : i32
        %add3A_1547 = arith.addi %add3A_1546, %scan3A_1225 : i32
        %mul3A_1548 = arith.constant 4 : i32
        %mul3A_1549 = arith.muli %add3A_1547, %mul3A_1548 : i32
        %add3A_1550 = arith.constant 1 : i32
        %add3A_1551 = arith.addi %mul3A_1549, %add3A_1550 : i32
        %get3A_1552 = arith.constant 1 : i32
        %get3A_1553 = arith.index_cast %get3A_1552 : i32 to index
        %get3A_1554 = arith.index_cast %add3A_1551 : i32 to index
        %get3A_1555 = arith.constant 0 : index
        %get3A_1556 = tpu.vector_load %arg8[%get3A_1553, %get3A_1554, %get3A_1555] {strides = array<i32>} : memref<2x1600x16xf32, #tpu.memory_space<vmem>>, vector<16xf32>,
        %mul3A_1557 = arith.mulf %get3A_1556, %get3A_1425 : vector<16xf32>
        %add3A_1558 = arith.addf %add3A_1395, %mul3A_1557 : vector<16xf32>
        %mul3A_1559 = arith.mulf %get3A_1556, %get3A_1434 : vector<16xf32>
        %add3A_1560 = arith.addf %add3A_1397, %mul3A_1559 : vector<16xf32>
        %mul3A_1561 = arith.mulf %get3A_1556, %get3A_1443 : vector<16xf32>
        %add3A_1562 = arith.addf %add3A_1399, %mul3A_1561 : vector<16xf32>
        %add3A_1563 = arith.constant 350 : i32
        %add3A_1564 = arith.addi %add3A_1563, %scan3A_1225 : i32
        %mul3A_1565 = arith.constant 4 : i32
        %mul3A_1566 = arith.muli %add3A_1564, %mul3A_1565 : i32
        %add3A_1567 = arith.constant 1 : i32
        %add3A_1568 = arith.addi %mul3A_1566, %add3A_1567 : i32
        %get3A_1569 = arith.constant 1 : i32
        %get3A_1570 = arith.index_cast %get3A_1569 : i32 to index
        %get3A_1571 = arith.index_cast %add3A_1568 : i32 to index
        %get3A_1572 = arith.constant 0 : index
        %get3A_1573 = tpu.vector_load %arg8[%get3A_1570, %get3A_1571, %get3A_1572] {strides = array<i32>} : memref<2x1600x16xf32, #tpu.memory_space<vmem>>, vector<16xf32>,
        %mul3A_1574 = arith.mulf %get3A_1573, %get3A_1425 : vector<16xf32>
        %add3A_1575 = arith.addf %add3A_1412, %mul3A_1574 : vector<16xf32>
        %mul3A_1576 = arith.mulf %get3A_1573, %get3A_1434 : vector<16xf32>
        %add3A_1577 = arith.addf %add3A_1414, %mul3A_1576 : vector<16xf32>
        %mul3A_1578 = arith.mulf %get3A_1573, %get3A_1443 : vector<16xf32>
        %add3A_1579 = arith.addf %add3A_1416, %mul3A_1578 : vector<16xf32>
        %mul3A_1580 = arith.constant 12 : i32
        %mul3A_1581 = arith.muli %scan3A_1225, %mul3A_1580 : i32
        %add3A_1582 = arith.constant 6 : i32
        %add3A_1583 = arith.addi %mul3A_1581, %add3A_1582 : i32
        %add3A_1584 = arith.constant 0 : i32
        %add3A_1585 = arith.addi %add3A_1583, %add3A_1584 : i32
        %get3A_1586 = arith.index_cast %add3A_1585 : i32 to index
        %get3A_1587 = arith.constant 0 : index
        %get3A_1588 = tpu.vector_load %arg9[%get3A_1586, %get3A_1587] {strides = array<i32>} : memref<600x16xf32, #tpu.memory_space<vmem>>, vector<16xf32>,
        %mul3A_1589 = arith.constant 12 : i32
        %mul3A_1590 = arith.muli %scan3A_1225, %mul3A_1589 : i32
        %add3A_1591 = arith.constant 6 : i32
        %add3A_1592 = arith.addi %mul3A_1590, %add3A_1591 : i32
        %add3A_1593 = arith.constant 1 : i32
        %add3A_1594 = arith.addi %add3A_1592, %add3A_1593 : i32
        %get3A_1595 = arith.index_cast %add3A_1594 : i32 to index
        %get3A_1596 = arith.constant 0 : index
        %get3A_1597 = tpu.vector_load %arg9[%get3A_1595, %get3A_1596] {strides = array<i32>} : memref<600x16xf32, #tpu.memory_space<vmem>>, vector<16xf32>,
        %mul3A_1598 = arith.constant 12 : i32
        %mul3A_1599 = arith.muli %scan3A_1225, %mul3A_1598 : i32
        %add3A_1600 = arith.constant 6 : i32
        %add3A_1601 = arith.addi %mul3A_1599, %add3A_1600 : i32
        %add3A_1602 = arith.constant 2 : i32
        %add3A_1603 = arith.addi %add3A_1601, %add3A_1602 : i32
        %get3A_1604 = arith.index_cast %add3A_1603 : i32 to index
        %get3A_1605 = arith.constant 0 : index
        %get3A_1606 = tpu.vector_load %arg9[%get3A_1604, %get3A_1605] {strides = array<i32>} : memref<600x16xf32, #tpu.memory_space<vmem>>, vector<16xf32>,
        %add3A_1607 = arith.constant 0 : i32
        %add3A_1608 = arith.addi %add3A_1607, %scan3A_1225 : i32
        %mul3A_1609 = arith.constant 4 : i32
        %mul3A_1610 = arith.muli %add3A_1608, %mul3A_1609 : i32
        %add3A_1611 = arith.constant 2 : i32
        %add3A_1612 = arith.addi %mul3A_1610, %add3A_1611 : i32
        %get3A_1613 = arith.constant 1 : i32
        %get3A_1614 = arith.index_cast %get3A_1613 : i32 to index
        %get3A_1615 = arith.index_cast %add3A_1612 : i32 to index
        %get3A_1616 = arith.constant 0 : index
        %get3A_1617 = tpu.vector_load %arg8[%get3A_1614, %get3A_1615, %get3A_1616] {strides = array<i32>} : memref<2x1600x16xf32, #tpu.memory_space<vmem>>, vector<16xf32>,
        %mul3A_1618 = arith.mulf %get3A_1617, %get3A_1588 : vector<16xf32>
        %add3A_1619 = arith.addf %add3A_1456, %mul3A_1618 : vector<16xf32>
        %mul3A_1620 = arith.mulf %get3A_1617, %get3A_1597 : vector<16xf32>
        %add3A_1621 = arith.addf %add3A_1458, %mul3A_1620 : vector<16xf32>
        %mul3A_1622 = arith.mulf %get3A_1617, %get3A_1606 : vector<16xf32>
        %add3A_1623 = arith.addf %add3A_1460, %mul3A_1622 : vector<16xf32>
        %add3A_1624 = arith.constant 50 : i32
        %add3A_1625 = arith.addi %add3A_1624, %scan3A_1225 : i32
        %mul3A_1626 = arith.constant 4 : i32
        %mul3A_1627 = arith.muli %add3A_1625, %mul3A_1626 : i32
        %add3A_1628 = arith.constant 2 : i32
        %add3A_1629 = arith.addi %mul3A_1627, %add3A_1628 : i32
        %get3A_1630 = arith.constant 1 : i32
        %get3A_1631 = arith.index_cast %get3A_1630 : i32 to index
        %get3A_1632 = arith.index_cast %add3A_1629 : i32 to index
        %get3A_1633 = arith.constant 0 : index
        %get3A_1634 = tpu.vector_load %arg8[%get3A_1631, %get3A_1632, %get3A_1633] {strides = array<i32>} : memref<2x1600x16xf32, #tpu.memory_space<vmem>>, vector<16xf32>,
        %mul3A_1635 = arith.mulf %get3A_1634, %get3A_1588 : vector<16xf32>
        %add3A_1636 = arith.addf %add3A_1473, %mul3A_1635 : vector<16xf32>
        %mul3A_1637 = arith.mulf %get3A_1634, %get3A_1597 : vector<16xf32>
        %add3A_1638 = arith.addf %add3A_1475, %mul3A_1637 : vector<16xf32>
        %mul3A_1639 = arith.mulf %get3A_1634, %get3A_1606 : vector<16xf32>
        %add3A_1640 = arith.addf %add3A_1477, %mul3A_1639 : vector<16xf32>
        %add3A_1641 = arith.constant 100 : i32
        %add3A_1642 = arith.addi %add3A_1641, %scan3A_1225 : i32
        %mul3A_1643 = arith.constant 4 : i32
        %mul3A_1644 = arith.muli %add3A_1642, %mul3A_1643 : i32
        %add3A_1645 = arith.constant 2 : i32
        %add3A_1646 = arith.addi %mul3A_1644, %add3A_1645 : i32
        %get3A_1647 = arith.constant 1 : i32
        %get3A_1648 = arith.index_cast %get3A_1647 : i32 to index
        %get3A_1649 = arith.index_cast %add3A_1646 : i32 to index
        %get3A_1650 = arith.constant 0 : index
        %get3A_1651 = tpu.vector_load %arg8[%get3A_1648, %get3A_1649, %get3A_1650] {strides = array<i32>} : memref<2x1600x16xf32, #tpu.memory_space<vmem>>, vector<16xf32>,
        %mul3A_1652 = arith.mulf %get3A_1651, %get3A_1588 : vector<16xf32>
        %add3A_1653 = arith.addf %add3A_1490, %mul3A_1652 : vector<16xf32>
        %mul3A_1654 = arith.mulf %get3A_1651, %get3A_1597 : vector<16xf32>
        %add3A_1655 = arith.addf %add3A_1492, %mul3A_1654 : vector<16xf32>
        %mul3A_1656 = arith.mulf %get3A_1651, %get3A_1606 : vector<16xf32>
        %add3A_1657 = arith.addf %add3A_1494, %mul3A_1656 : vector<16xf32>
        %add3A_1658 = arith.constant 150 : i32
        %add3A_1659 = arith.addi %add3A_1658, %scan3A_1225 : i32
        %mul3A_1660 = arith.constant 4 : i32
        %mul3A_1661 = arith.muli %add3A_1659, %mul3A_1660 : i32
        %add3A_1662 = arith.constant 2 : i32
        %add3A_1663 = arith.addi %mul3A_1661, %add3A_1662 : i32
        %get3A_1664 = arith.constant 1 : i32
        %get3A_1665 = arith.index_cast %get3A_1664 : i32 to index
        %get3A_1666 = arith.index_cast %add3A_1663 : i32 to index
        %get3A_1667 = arith.constant 0 : index
        %get3A_1668 = tpu.vector_load %arg8[%get3A_1665, %get3A_1666, %get3A_1667] {strides = array<i32>} : memref<2x1600x16xf32, #tpu.memory_space<vmem>>, vector<16xf32>,
        %mul3A_1669 = arith.mulf %get3A_1668, %get3A_1588 : vector<16xf32>
        %add3A_1670 = arith.addf %add3A_1507, %mul3A_1669 : vector<16xf32>
        %mul3A_1671 = arith.mulf %get3A_1668, %get3A_1597 : vector<16xf32>
        %add3A_1672 = arith.addf %add3A_1509, %mul3A_1671 : vector<16xf32>
        %mul3A_1673 = arith.mulf %get3A_1668, %get3A_1606 : vector<16xf32>
        %add3A_1674 = arith.addf %add3A_1511, %mul3A_1673 : vector<16xf32>
        %add3A_1675 = arith.constant 200 : i32
        %add3A_1676 = arith.addi %add3A_1675, %scan3A_1225 : i32
        %mul3A_1677 = arith.constant 4 : i32
        %mul3A_1678 = arith.muli %add3A_1676, %mul3A_1677 : i32
        %add3A_1679 = arith.constant 2 : i32
        %add3A_1680 = arith.addi %mul3A_1678, %add3A_1679 : i32
        %get3A_1681 = arith.constant 1 : i32
        %get3A_1682 = arith.index_cast %get3A_1681 : i32 to index
        %get3A_1683 = arith.index_cast %add3A_1680 : i32 to index
        %get3A_1684 = arith.constant 0 : index
        %get3A_1685 = tpu.vector_load %arg8[%get3A_1682, %get3A_1683, %get3A_1684] {strides = array<i32>} : memref<2x1600x16xf32, #tpu.memory_space<vmem>>, vector<16xf32>,
        %mul3A_1686 = arith.mulf %get3A_1685, %get3A_1588 : vector<16xf32>
        %add3A_1687 = arith.addf %add3A_1524, %mul3A_1686 : vector<16xf32>
        %mul3A_1688 = arith.mulf %get3A_1685, %get3A_1597 : vector<16xf32>
        %add3A_1689 = arith.addf %add3A_1526, %mul3A_1688 : vector<16xf32>
        %mul3A_1690 = arith.mulf %get3A_1685, %get3A_1606 : vector<16xf32>
        %add3A_1691 = arith.addf %add3A_1528, %mul3A_1690 : vector<16xf32>
        %add3A_1692 = arith.constant 250 : i32
        %add3A_1693 = arith.addi %add3A_1692, %scan3A_1225 : i32
        %mul3A_1694 = arith.constant 4 : i32
        %mul3A_1695 = arith.muli %add3A_1693, %mul3A_1694 : i32
        %add3A_1696 = arith.constant 2 : i32
        %add3A_1697 = arith.addi %mul3A_1695, %add3A_1696 : i32
        %get3A_1698 = arith.constant 1 : i32
        %get3A_1699 = arith.index_cast %get3A_1698 : i32 to index
        %get3A_1700 = arith.index_cast %add3A_1697 : i32 to index
        %get3A_1701 = arith.constant 0 : index
        %get3A_1702 = tpu.vector_load %arg8[%get3A_1699, %get3A_1700, %get3A_1701] {strides = array<i32>} : memref<2x1600x16xf32, #tpu.memory_space<vmem>>, vector<16xf32>,
        %mul3A_1703 = arith.mulf %get3A_1702, %get3A_1588 : vector<16xf32>
        %add3A_1704 = arith.addf %add3A_1541, %mul3A_1703 : vector<16xf32>
        %mul3A_1705 = arith.mulf %get3A_1702, %get3A_1597 : vector<16xf32>
        %add3A_1706 = arith.addf %add3A_1543, %mul3A_1705 : vector<16xf32>
        %mul3A_1707 = arith.mulf %get3A_1702, %get3A_1606 : vector<16xf32>
        %add3A_1708 = arith.addf %add3A_1545, %mul3A_1707 : vector<16xf32>
        %add3A_1709 = arith.constant 300 : i32
        %add3A_1710 = arith.addi %add3A_1709, %scan3A_1225 : i32
        %mul3A_1711 = arith.constant 4 : i32
        %mul3A_1712 = arith.muli %add3A_1710, %mul3A_1711 : i32
        %add3A_1713 = arith.constant 2 : i32
        %add3A_1714 = arith.addi %mul3A_1712, %add3A_1713 : i32
        %get3A_1715 = arith.constant 1 : i32
        %get3A_1716 = arith.index_cast %get3A_1715 : i32 to index
        %get3A_1717 = arith.index_cast %add3A_1714 : i32 to index
        %get3A_1718 = arith.constant 0 : index
        %get3A_1719 = tpu.vector_load %arg8[%get3A_1716, %get3A_1717, %get3A_1718] {strides = array<i32>} : memref<2x1600x16xf32, #tpu.memory_space<vmem>>, vector<16xf32>,
        %mul3A_1720 = arith.mulf %get3A_1719, %get3A_1588 : vector<16xf32>
        %add3A_1721 = arith.addf %add3A_1558, %mul3A_1720 : vector<16xf32>
        %mul3A_1722 = arith.mulf %get3A_1719, %get3A_1597 : vector<16xf32>
        %add3A_1723 = arith.addf %add3A_1560, %mul3A_1722 : vector<16xf32>
        %mul3A_1724 = arith.mulf %get3A_1719, %get3A_1606 : vector<16xf32>
        %add3A_1725 = arith.addf %add3A_1562, %mul3A_1724 : vector<16xf32>
        %add3A_1726 = arith.constant 350 : i32
        %add3A_1727 = arith.addi %add3A_1726, %scan3A_1225 : i32
        %mul3A_1728 = arith.constant 4 : i32
        %mul3A_1729 = arith.muli %add3A_1727, %mul3A_1728 : i32
        %add3A_1730 = arith.constant 2 : i32
        %add3A_1731 = arith.addi %mul3A_1729, %add3A_1730 : i32
        %get3A_1732 = arith.constant 1 : i32
        %get3A_1733 = arith.index_cast %get3A_1732 : i32 to index
        %get3A_1734 = arith.index_cast %add3A_1731 : i32 to index
        %get3A_1735 = arith.constant 0 : index
        %get3A_1736 = tpu.vector_load %arg8[%get3A_1733, %get3A_1734, %get3A_1735] {strides = array<i32>} : memref<2x1600x16xf32, #tpu.memory_space<vmem>>, vector<16xf32>,
        %mul3A_1737 = arith.mulf %get3A_1736, %get3A_1588 : vector<16xf32>
        %add3A_1738 = arith.addf %add3A_1575, %mul3A_1737 : vector<16xf32>
        %mul3A_1739 = arith.mulf %get3A_1736, %get3A_1597 : vector<16xf32>
        %add3A_1740 = arith.addf %add3A_1577, %mul3A_1739 : vector<16xf32>
        %mul3A_1741 = arith.mulf %get3A_1736, %get3A_1606 : vector<16xf32>
        %add3A_1742 = arith.addf %add3A_1579, %mul3A_1741 : vector<16xf32>
        %mul3A_1743 = arith.constant 12 : i32
        %mul3A_1744 = arith.muli %scan3A_1225, %mul3A_1743 : i32
        %add3A_1745 = arith.constant 9 : i32
        %add3A_1746 = arith.addi %mul3A_1744, %add3A_1745 : i32
        %add3A_1747 = arith.constant 0 : i32
        %add3A_1748 = arith.addi %add3A_1746, %add3A_1747 : i32
        %get3A_1749 = arith.index_cast %add3A_1748 : i32 to index
        %get3A_1750 = arith.constant 0 : index
        %get3A_1751 = tpu.vector_load %arg9[%get3A_1749, %get3A_1750] {strides = array<i32>} : memref<600x16xf32, #tpu.memory_space<vmem>>, vector<16xf32>,
        %mul3A_1752 = arith.constant 12 : i32
        %mul3A_1753 = arith.muli %scan3A_1225, %mul3A_1752 : i32
        %add3A_1754 = arith.constant 9 : i32
        %add3A_1755 = arith.addi %mul3A_1753, %add3A_1754 : i32
        %add3A_1756 = arith.constant 1 : i32
        %add3A_1757 = arith.addi %add3A_1755, %add3A_1756 : i32
        %get3A_1758 = arith.index_cast %add3A_1757 : i32 to index
        %get3A_1759 = arith.constant 0 : index
        %get3A_1760 = tpu.vector_load %arg9[%get3A_1758, %get3A_1759] {strides = array<i32>} : memref<600x16xf32, #tpu.memory_space<vmem>>, vector<16xf32>,
        %mul3A_1761 = arith.constant 12 : i32
        %mul3A_1762 = arith.muli %scan3A_1225, %mul3A_1761 : i32
        %add3A_1763 = arith.constant 9 : i32
        %add3A_1764 = arith.addi %mul3A_1762, %add3A_1763 : i32
        %add3A_1765 = arith.constant 2 : i32
        %add3A_1766 = arith.addi %add3A_1764, %add3A_1765 : i32
        %get3A_1767 = arith.index_cast %add3A_1766 : i32 to index
        %get3A_1768 = arith.constant 0 : index
        %get3A_1769 = tpu.vector_load %arg9[%get3A_1767, %get3A_1768] {strides = array<i32>} : memref<600x16xf32, #tpu.memory_space<vmem>>, vector<16xf32>,
        %add3A_1770 = arith.constant 0 : i32
        %add3A_1771 = arith.addi %add3A_1770, %scan3A_1225 : i32
        %mul3A_1772 = arith.constant 4 : i32
        %mul3A_1773 = arith.muli %add3A_1771, %mul3A_1772 : i32
        %add3A_1774 = arith.constant 2 : i32
        %add3A_1775 = arith.addi %mul3A_1773, %add3A_1774 : i32
        %get3A_1776 = arith.constant 1 : i32
        %get3A_1777 = arith.index_cast %get3A_1776 : i32 to index
        %get3A_1778 = arith.index_cast %add3A_1775 : i32 to index
        %get3A_1779 = arith.index_cast %add3A_1253 : i32 to index
        %get3A_1780 = tpu.vector_load %arg8[%get3A_1777, %get3A_1778, %get3A_1779] {strides = array<i32>} : memref<2x1600x16xf32, #tpu.memory_space<vmem>>, vector<16xf32>,
        %mul3A_1781 = arith.mulf %get3A_1780, %get3A_1751 : vector<16xf32>
        %add3A_1782 = arith.addf %add3A_1619, %mul3A_1781 : vector<16xf32>
        %mul3A_1783 = arith.mulf %get3A_1780, %get3A_1760 : vector<16xf32>
        %add3A_1784 = arith.addf %add3A_1621, %mul3A_1783 : vector<16xf32>
        %mul3A_1785 = arith.mulf %get3A_1780, %get3A_1769 : vector<16xf32>
        %add3A_1786 = arith.addf %add3A_1623, %mul3A_1785 : vector<16xf32>
        %add3A_1787 = arith.constant 50 : i32
        %add3A_1788 = arith.addi %add3A_1787, %scan3A_1225 : i32
        %mul3A_1789 = arith.constant 4 : i32
        %mul3A_1790 = arith.muli %add3A_1788, %mul3A_1789 : i32
        %add3A_1791 = arith.constant 2 : i32
        %add3A_1792 = arith.addi %mul3A_1790, %add3A_1791 : i32
        %get3A_1793 = arith.constant 1 : i32
        %get3A_1794 = arith.index_cast %get3A_1793 : i32 to index
        %get3A_1795 = arith.index_cast %add3A_1792 : i32 to index
        %get3A_1796 = arith.index_cast %add3A_1253 : i32 to index
        %get3A_1797 = tpu.vector_load %arg8[%get3A_1794, %get3A_1795, %get3A_1796] {strides = array<i32>} : memref<2x1600x16xf32, #tpu.memory_space<vmem>>, vector<16xf32>,
        %mul3A_1798 = arith.mulf %get3A_1797, %get3A_1751 : vector<16xf32>
        %add3A_1799 = arith.addf %add3A_1636, %mul3A_1798 : vector<16xf32>
        %mul3A_1800 = arith.mulf %get3A_1797, %get3A_1760 : vector<16xf32>
        %add3A_1801 = arith.addf %add3A_1638, %mul3A_1800 : vector<16xf32>
        %mul3A_1802 = arith.mulf %get3A_1797, %get3A_1769 : vector<16xf32>
        %add3A_1803 = arith.addf %add3A_1640, %mul3A_1802 : vector<16xf32>
        %add3A_1804 = arith.constant 100 : i32
        %add3A_1805 = arith.addi %add3A_1804, %scan3A_1225 : i32
        %mul3A_1806 = arith.constant 4 : i32
        %mul3A_1807 = arith.muli %add3A_1805, %mul3A_1806 : i32
        %add3A_1808 = arith.constant 2 : i32
        %add3A_1809 = arith.addi %mul3A_1807, %add3A_1808 : i32
        %get3A_1810 = arith.constant 1 : i32
        %get3A_1811 = arith.index_cast %get3A_1810 : i32 to index
        %get3A_1812 = arith.index_cast %add3A_1809 : i32 to index
        %get3A_1813 = arith.index_cast %add3A_1253 : i32 to index
        %get3A_1814 = tpu.vector_load %arg8[%get3A_1811, %get3A_1812, %get3A_1813] {strides = array<i32>} : memref<2x1600x16xf32, #tpu.memory_space<vmem>>, vector<16xf32>,
        %mul3A_1815 = arith.mulf %get3A_1814, %get3A_1751 : vector<16xf32>
        %add3A_1816 = arith.addf %add3A_1653, %mul3A_1815 : vector<16xf32>
        %mul3A_1817 = arith.mulf %get3A_1814, %get3A_1760 : vector<16xf32>
        %add3A_1818 = arith.addf %add3A_1655, %mul3A_1817 : vector<16xf32>
        %mul3A_1819 = arith.mulf %get3A_1814, %get3A_1769 : vector<16xf32>
        %add3A_1820 = arith.addf %add3A_1657, %mul3A_1819 : vector<16xf32>
        %add3A_1821 = arith.constant 150 : i32
        %add3A_1822 = arith.addi %add3A_1821, %scan3A_1225 : i32
        %mul3A_1823 = arith.constant 4 : i32
        %mul3A_1824 = arith.muli %add3A_1822, %mul3A_1823 : i32
        %add3A_1825 = arith.constant 2 : i32
        %add3A_1826 = arith.addi %mul3A_1824, %add3A_1825 : i32
        %get3A_1827 = arith.constant 1 : i32
        %get3A_1828 = arith.index_cast %get3A_1827 : i32 to index
        %get3A_1829 = arith.index_cast %add3A_1826 : i32 to index
        %get3A_1830 = arith.index_cast %add3A_1253 : i32 to index
        %get3A_1831 = tpu.vector_load %arg8[%get3A_1828, %get3A_1829, %get3A_1830] {strides = array<i32>} : memref<2x1600x16xf32, #tpu.memory_space<vmem>>, vector<16xf32>,
        %mul3A_1832 = arith.mulf %get3A_1831, %get3A_1751 : vector<16xf32>
        %add3A_1833 = arith.addf %add3A_1670, %mul3A_1832 : vector<16xf32>
        %mul3A_1834 = arith.mulf %get3A_1831, %get3A_1760 : vector<16xf32>
        %add3A_1835 = arith.addf %add3A_1672, %mul3A_1834 : vector<16xf32>
        %mul3A_1836 = arith.mulf %get3A_1831, %get3A_1769 : vector<16xf32>
        %add3A_1837 = arith.addf %add3A_1674, %mul3A_1836 : vector<16xf32>
        %add3A_1838 = arith.constant 200 : i32
        %add3A_1839 = arith.addi %add3A_1838, %scan3A_1225 : i32
        %mul3A_1840 = arith.constant 4 : i32
        %mul3A_1841 = arith.muli %add3A_1839, %mul3A_1840 : i32
        %add3A_1842 = arith.constant 2 : i32
        %add3A_1843 = arith.addi %mul3A_1841, %add3A_1842 : i32
        %get3A_1844 = arith.constant 1 : i32
        %get3A_1845 = arith.index_cast %get3A_1844 : i32 to index
        %get3A_1846 = arith.index_cast %add3A_1843 : i32 to index
        %get3A_1847 = arith.index_cast %add3A_1253 : i32 to index
        %get3A_1848 = tpu.vector_load %arg8[%get3A_1845, %get3A_1846, %get3A_1847] {strides = array<i32>} : memref<2x1600x16xf32, #tpu.memory_space<vmem>>, vector<16xf32>,
        %mul3A_1849 = arith.mulf %get3A_1848, %get3A_1751 : vector<16xf32>
        %add3A_1850 = arith.addf %add3A_1687, %mul3A_1849 : vector<16xf32>
        %mul3A_1851 = arith.mulf %get3A_1848, %get3A_1760 : vector<16xf32>
        %add3A_1852 = arith.addf %add3A_1689, %mul3A_1851 : vector<16xf32>
        %mul3A_1853 = arith.mulf %get3A_1848, %get3A_1769 : vector<16xf32>
        %add3A_1854 = arith.addf %add3A_1691, %mul3A_1853 : vector<16xf32>
        %add3A_1855 = arith.constant 250 : i32
        %add3A_1856 = arith.addi %add3A_1855, %scan3A_1225 : i32
        %mul3A_1857 = arith.constant 4 : i32
        %mul3A_1858 = arith.muli %add3A_1856, %mul3A_1857 : i32
        %add3A_1859 = arith.constant 2 : i32
        %add3A_1860 = arith.addi %mul3A_1858, %add3A_1859 : i32
        %get3A_1861 = arith.constant 1 : i32
        %get3A_1862 = arith.index_cast %get3A_1861 : i32 to index
        %get3A_1863 = arith.index_cast %add3A_1860 : i32 to index
        %get3A_1864 = arith.index_cast %add3A_1253 : i32 to index
        %get3A_1865 = tpu.vector_load %arg8[%get3A_1862, %get3A_1863, %get3A_1864] {strides = array<i32>} : memref<2x1600x16xf32, #tpu.memory_space<vmem>>, vector<16xf32>,
        %mul3A_1866 = arith.mulf %get3A_1865, %get3A_1751 : vector<16xf32>
        %add3A_1867 = arith.addf %add3A_1704, %mul3A_1866 : vector<16xf32>
        %mul3A_1868 = arith.mulf %get3A_1865, %get3A_1760 : vector<16xf32>
        %add3A_1869 = arith.addf %add3A_1706, %mul3A_1868 : vector<16xf32>
        %mul3A_1870 = arith.mulf %get3A_1865, %get3A_1769 : vector<16xf32>
        %add3A_1871 = arith.addf %add3A_1708, %mul3A_1870 : vector<16xf32>
        %add3A_1872 = arith.constant 300 : i32
        %add3A_1873 = arith.addi %add3A_1872, %scan3A_1225 : i32
        %mul3A_1874 = arith.constant 4 : i32
        %mul3A_1875 = arith.muli %add3A_1873, %mul3A_1874 : i32
        %add3A_1876 = arith.constant 2 : i32
        %add3A_1877 = arith.addi %mul3A_1875, %add3A_1876 : i32
        %get3A_1878 = arith.constant 1 : i32
        %get3A_1879 = arith.index_cast %get3A_1878 : i32 to index
        %get3A_1880 = arith.index_cast %add3A_1877 : i32 to index
        %get3A_1881 = arith.index_cast %add3A_1253 : i32 to index
        %get3A_1882 = tpu.vector_load %arg8[%get3A_1879, %get3A_1880, %get3A_1881] {strides = array<i32>} : memref<2x1600x16xf32, #tpu.memory_space<vmem>>, vector<16xf32>,
        %mul3A_1883 = arith.mulf %get3A_1882, %get3A_1751 : vector<16xf32>
        %add3A_1884 = arith.addf %add3A_1721, %mul3A_1883 : vector<16xf32>
        %mul3A_1885 = arith.mulf %get3A_1882, %get3A_1760 : vector<16xf32>
        %add3A_1886 = arith.addf %add3A_1723, %mul3A_1885 : vector<16xf32>
        %mul3A_1887 = arith.mulf %get3A_1882, %get3A_1769 : vector<16xf32>
        %add3A_1888 = arith.addf %add3A_1725, %mul3A_1887 : vector<16xf32>
        %add3A_1889 = arith.constant 350 : i32
        %add3A_1890 = arith.addi %add3A_1889, %scan3A_1225 : i32
        %mul3A_1891 = arith.constant 4 : i32
        %mul3A_1892 = arith.muli %add3A_1890, %mul3A_1891 : i32
        %add3A_1893 = arith.constant 2 : i32
        %add3A_1894 = arith.addi %mul3A_1892, %add3A_1893 : i32
        %get3A_1895 = arith.constant 1 : i32
        %get3A_1896 = arith.index_cast %get3A_1895 : i32 to index
        %get3A_1897 = arith.index_cast %add3A_1894 : i32 to index
        %get3A_1898 = arith.index_cast %add3A_1253 : i32 to index
        %get3A_1899 = tpu.vector_load %arg8[%get3A_1896, %get3A_1897, %get3A_1898] {strides = array<i32>} : memref<2x1600x16xf32, #tpu.memory_space<vmem>>, vector<16xf32>,
        %mul3A_1900 = arith.mulf %get3A_1899, %get3A_1751 : vector<16xf32>
        %add3A_1901 = arith.addf %add3A_1738, %mul3A_1900 : vector<16xf32>
        %mul3A_1902 = arith.mulf %get3A_1899, %get3A_1760 : vector<16xf32>
        %add3A_1903 = arith.addf %add3A_1740, %mul3A_1902 : vector<16xf32>
        %mul3A_1904 = arith.mulf %get3A_1899, %get3A_1769 : vector<16xf32>
        %add3A_1905 = arith.addf %add3A_1742, %mul3A_1904 : vector<16xf32>
        scf.yield %add3A_1782, %add3A_1784, %add3A_1786, %add3A_1799, %add3A_1801, %add3A_1803, %add3A_1816, %add3A_1818, %add3A_1820, %add3A_1833, %add3A_1835, %add3A_1837, %add3A_1850, %add3A_1852, %add3A_1854, %add3A_1867, %add3A_1869, %add3A_1871, %add3A_1884, %add3A_1886, %add3A_1888, %add3A_1901, %add3A_1903, %add3A_1905 : vector<16xf32>, vector<16xf32>, vector<16xf32>, vector<16xf32>, vector<16xf32>, vector<16xf32>, vector<16xf32>, vector<16xf32>, vector<16xf32>, vector<16xf32>, vector<16xf32>, vector<16xf32>, vector<16xf32>, vector<16xf32>, vector<16xf32>, vector<16xf32>, vector<16xf32>, vector<16xf32>, vector<16xf32>, vector<16xf32>, vector<16xf32>, vector<16xf32>, vector<16xf32>, vector<16xf32>
      }
      %scan3A_870 = arith.constant 50 : i32
      %iota3A_871 = tpu.iota {dimensions = array<i32: 0>} : vector<16xi32>
      %get3A_872 = arith.constant 0 : index
      %get3A_873 = tpu.vector_load %arg10[%get3A_872] {strides = array<i32>} : memref<16xf32, #tpu.memory_space<vmem>>, vector<16xf32>,
      %mul3A_874 = arith.constant 8 : i32
      %mul3A_875 = arith.muli %add3A_699, %mul3A_874 : i32
      %add3A_876 = arith.constant 0 : i32
      %add3A_877 = arith.addi %mul3A_875, %add3A_876 : i32
      %reduce_sum3A_878 = arith.constant true
      %reduce_sum3A_879 = vector.broadcast %reduce_sum3A_878 : i1 to vector<16xi1>
      %reduce_sum3A_880 = tpu.scan <sum>, %scan3A_869#0 masked %reduce_sum3A_879 : vector<16xf32>, vector<16xi1> -> vector<16xf32>
      %reduce_sum3A_881 = vector.extract %reduce_sum3A_880[15] : f32 from vector<16xf32>
      %eq3A_882 = arith.constant 0 : i32
      %eq3A_883 = vector.broadcast %eq3A_882 : i32 to vector<16xi32>
      %eq3A_884 = arith.cmpi eq, %iota3A_871, %eq3A_883 : vector<16xi32>
      %convert_element_type3A_885 = arith.extui %eq3A_884 : vector<16xi1> to vector<16xi32>
      %convert_element_type3A_886 = arith.sitofp %convert_element_type3A_885 : vector<16xi32> to vector<16xf32>
      %mul3A_887 = vector.broadcast %reduce_sum3A_881 : f32 to vector<16xf32>
      %mul3A_888 = arith.mulf %mul3A_887, %convert_element_type3A_886 : vector<16xf32>
      %add3A_889 = arith.addf %get3A_873, %mul3A_888 : vector<16xf32>
      %reduce_sum3A_890 = arith.constant true
      %reduce_sum3A_891 = vector.broadcast %reduce_sum3A_890 : i1 to vector<16xi1>
      %reduce_sum3A_892 = tpu.scan <sum>, %scan3A_869#1 masked %reduce_sum3A_891 : vector<16xf32>, vector<16xi1> -> vector<16xf32>
      %reduce_sum3A_893 = vector.extract %reduce_sum3A_892[15] : f32 from vector<16xf32>
      %eq3A_894 = arith.constant 1 : i32
      %eq3A_895 = vector.broadcast %eq3A_894 : i32 to vector<16xi32>
      %eq3A_896 = arith.cmpi eq, %iota3A_871, %eq3A_895 : vector<16xi32>
      %convert_element_type3A_897 = arith.extui %eq3A_896 : vector<16xi1> to vector<16xi32>
      %convert_element_type3A_898 = arith.sitofp %convert_element_type3A_897 : vector<16xi32> to vector<16xf32>
      %mul3A_899 = vector.broadcast %reduce_sum3A_893 : f32 to vector<16xf32>
      %mul3A_900 = arith.mulf %mul3A_899, %convert_element_type3A_898 : vector<16xf32>
      %add3A_901 = arith.addf %add3A_889, %mul3A_900 : vector<16xf32>
      %reduce_sum3A_902 = arith.constant true
      %reduce_sum3A_903 = vector.broadcast %reduce_sum3A_902 : i1 to vector<16xi1>
      %reduce_sum3A_904 = tpu.scan <sum>, %scan3A_869#2 masked %reduce_sum3A_903 : vector<16xf32>, vector<16xi1> -> vector<16xf32>
      %reduce_sum3A_905 = vector.extract %reduce_sum3A_904[15] : f32 from vector<16xf32>
      %eq3A_906 = arith.constant 2 : i32
      %eq3A_907 = vector.broadcast %eq3A_906 : i32 to vector<16xi32>
      %eq3A_908 = arith.cmpi eq, %iota3A_871, %eq3A_907 : vector<16xi32>
      %convert_element_type3A_909 = arith.extui %eq3A_908 : vector<16xi1> to vector<16xi32>
      %convert_element_type3A_910 = arith.sitofp %convert_element_type3A_909 : vector<16xi32> to vector<16xf32>
      %mul3A_911 = vector.broadcast %reduce_sum3A_905 : f32 to vector<16xf32>
      %mul3A_912 = arith.mulf %mul3A_911, %convert_element_type3A_910 : vector<16xf32>
      %add3A_913 = arith.addf %add3A_901, %mul3A_912 : vector<16xf32>
      %swap3A_914 = arith.index_cast %add3A_877 : i32 to index
      %swap3A_915 = arith.constant 0 : index
      %swap3A_916 = tpu.vector_load %arg11[%swap3A_914, %swap3A_915] {strides = array<i32>} : memref<512x16xf32, #tpu.memory_space<vmem>>, vector<16xf32>,
      tpu.vector_store %arg11[%swap3A_914, %swap3A_915], %add3A_913 {strides = array<i32>} : memref<512x16xf32, #tpu.memory_space<vmem>>, vector<16xf32>,
      %mul3A_917 = arith.constant 8 : i32
      %mul3A_918 = arith.muli %add3A_699, %mul3A_917 : i32
      %add3A_919 = arith.constant 1 : i32
      %add3A_920 = arith.addi %mul3A_918, %add3A_919 : i32
      %reduce_sum3A_921 = arith.constant true
      %reduce_sum3A_922 = vector.broadcast %reduce_sum3A_921 : i1 to vector<16xi1>
      %reduce_sum3A_923 = tpu.scan <sum>, %scan3A_869#3 masked %reduce_sum3A_922 : vector<16xf32>, vector<16xi1> -> vector<16xf32>
      %reduce_sum3A_924 = vector.extract %reduce_sum3A_923[15] : f32 from vector<16xf32>
      %eq3A_925 = arith.constant 0 : i32
      %eq3A_926 = vector.broadcast %eq3A_925 : i32 to vector<16xi32>
      %eq3A_927 = arith.cmpi eq, %iota3A_871, %eq3A_926 : vector<16xi32>
      %convert_element_type3A_928 = arith.extui %eq3A_927 : vector<16xi1> to vector<16xi32>
      %convert_element_type3A_929 = arith.sitofp %convert_element_type3A_928 : vector<16xi32> to vector<16xf32>
      %mul3A_930 = vector.broadcast %reduce_sum3A_924 : f32 to vector<16xf32>
      %mul3A_931 = arith.mulf %mul3A_930, %convert_element_type3A_929 : vector<16xf32>
      %add3A_932 = arith.addf %get3A_873, %mul3A_931 : vector<16xf32>
      %reduce_sum3A_933 = arith.constant true
      %reduce_sum3A_934 = vector.broadcast %reduce_sum3A_933 : i1 to vector<16xi1>
      %reduce_sum3A_935 = tpu.scan <sum>, %scan3A_869#4 masked %reduce_sum3A_934 : vector<16xf32>, vector<16xi1> -> vector<16xf32>
      %reduce_sum3A_936 = vector.extract %reduce_sum3A_935[15] : f32 from vector<16xf32>
      %eq3A_937 = arith.constant 1 : i32
      %eq3A_938 = vector.broadcast %eq3A_937 : i32 to vector<16xi32>
      %eq3A_939 = arith.cmpi eq, %iota3A_871, %eq3A_938 : vector<16xi32>
      %convert_element_type3A_940 = arith.extui %eq3A_939 : vector<16xi1> to vector<16xi32>
      %convert_element_type3A_941 = arith.sitofp %convert_element_type3A_940 : vector<16xi32> to vector<16xf32>
      %mul3A_942 = vector.broadcast %reduce_sum3A_936 : f32 to vector<16xf32>
      %mul3A_943 = arith.mulf %mul3A_942, %convert_element_type3A_941 : vector<16xf32>
      %add3A_944 = arith.addf %add3A_932, %mul3A_943 : vector<16xf32>
      %reduce_sum3A_945 = arith.constant true
      %reduce_sum3A_946 = vector.broadcast %reduce_sum3A_945 : i1 to vector<16xi1>
      %reduce_sum3A_947 = tpu.scan <sum>, %scan3A_869#5 masked %reduce_sum3A_946 : vector<16xf32>, vector<16xi1> -> vector<16xf32>
      %reduce_sum3A_948 = vector.extract %reduce_sum3A_947[15] : f32 from vector<16xf32>
      %eq3A_949 = arith.constant 2 : i32
      %eq3A_950 = vector.broadcast %eq3A_949 : i32 to vector<16xi32>
      %eq3A_951 = arith.cmpi eq, %iota3A_871, %eq3A_950 : vector<16xi32>
      %convert_element_type3A_952 = arith.extui %eq3A_951 : vector<16xi1> to vector<16xi32>
      %convert_element_type3A_953 = arith.sitofp %convert_element_type3A_952 : vector<16xi32> to vector<16xf32>
      %mul3A_954 = vector.broadcast %reduce_sum3A_948 : f32 to vector<16xf32>
      %mul3A_955 = arith.mulf %mul3A_954, %convert_element_type3A_953 : vector<16xf32>
      %add3A_956 = arith.addf %add3A_944, %mul3A_955 : vector<16xf32>
      %swap3A_957 = arith.index_cast %add3A_920 : i32 to index
      %swap3A_958 = arith.constant 0 : index
      %swap3A_959 = tpu.vector_load %arg11[%swap3A_957, %swap3A_958] {strides = array<i32>} : memref<512x16xf32, #tpu.memory_space<vmem>>, vector<16xf32>,
      tpu.vector_store %arg11[%swap3A_957, %swap3A_958], %add3A_956 {strides = array<i32>} : memref<512x16xf32, #tpu.memory_space<vmem>>, vector<16xf32>,
      %mul3A_960 = arith.constant 8 : i32
      %mul3A_961 = arith.muli %add3A_699, %mul3A_960 : i32
      %add3A_962 = arith.constant 2 : i32
      %add3A_963 = arith.addi %mul3A_961, %add3A_962 : i32
      %reduce_sum3A_964 = arith.constant true
      %reduce_sum3A_965 = vector.broadcast %reduce_sum3A_964 : i1 to vector<16xi1>
      %reduce_sum3A_966 = tpu.scan <sum>, %scan3A_869#6 masked %reduce_sum3A_965 : vector<16xf32>, vector<16xi1> -> vector<16xf32>
      %reduce_sum3A_967 = vector.extract %reduce_sum3A_966[15] : f32 from vector<16xf32>
      %eq3A_968 = arith.constant 0 : i32
      %eq3A_969 = vector.broadcast %eq3A_968 : i32 to vector<16xi32>
      %eq3A_970 = arith.cmpi eq, %iota3A_871, %eq3A_969 : vector<16xi32>
      %convert_element_type3A_971 = arith.extui %eq3A_970 : vector<16xi1> to vector<16xi32>
      %convert_element_type3A_972 = arith.sitofp %convert_element_type3A_971 : vector<16xi32> to vector<16xf32>
      %mul3A_973 = vector.broadcast %reduce_sum3A_967 : f32 to vector<16xf32>
      %mul3A_974 = arith.mulf %mul3A_973, %convert_element_type3A_972 : vector<16xf32>
      %add3A_975 = arith.addf %get3A_873, %mul3A_974 : vector<16xf32>
      %reduce_sum3A_976 = arith.constant true
      %reduce_sum3A_977 = vector.broadcast %reduce_sum3A_976 : i1 to vector<16xi1>
      %reduce_sum3A_978 = tpu.scan <sum>, %scan3A_869#7 masked %reduce_sum3A_977 : vector<16xf32>, vector<16xi1> -> vector<16xf32>
      %reduce_sum3A_979 = vector.extract %reduce_sum3A_978[15] : f32 from vector<16xf32>
      %eq3A_980 = arith.constant 1 : i32
      %eq3A_981 = vector.broadcast %eq3A_980 : i32 to vector<16xi32>
      %eq3A_982 = arith.cmpi eq, %iota3A_871, %eq3A_981 : vector<16xi32>
      %convert_element_type3A_983 = arith.extui %eq3A_982 : vector<16xi1> to vector<16xi32>
      %convert_element_type3A_984 = arith.sitofp %convert_element_type3A_983 : vector<16xi32> to vector<16xf32>
      %mul3A_985 = vector.broadcast %reduce_sum3A_979 : f32 to vector<16xf32>
      %mul3A_986 = arith.mulf %mul3A_985, %convert_element_type3A_984 : vector<16xf32>
      %add3A_987 = arith.addf %add3A_975, %mul3A_986 : vector<16xf32>
      %reduce_sum3A_988 = arith.constant true
      %reduce_sum3A_989 = vector.broadcast %reduce_sum3A_988 : i1 to vector<16xi1>
      %reduce_sum3A_990 = tpu.scan <sum>, %scan3A_869#8 masked %reduce_sum3A_989 : vector<16xf32>, vector<16xi1> -> vector<16xf32>
      %reduce_sum3A_991 = vector.extract %reduce_sum3A_990[15] : f32 from vector<16xf32>
      %eq3A_992 = arith.constant 2 : i32
      %eq3A_993 = vector.broadcast %eq3A_992 : i32 to vector<16xi32>
      %eq3A_994 = arith.cmpi eq, %iota3A_871, %eq3A_993 : vector<16xi32>
      %convert_element_type3A_995 = arith.extui %eq3A_994 : vector<16xi1> to vector<16xi32>
      %convert_element_type3A_996 = arith.sitofp %convert_element_type3A_995 : vector<16xi32> to vector<16xf32>
      %mul3A_997 = vector.broadcast %reduce_sum3A_991 : f32 to vector<16xf32>
      %mul3A_998 = arith.mulf %mul3A_997, %convert_element_type3A_996 : vector<16xf32>
      %add3A_999 = arith.addf %add3A_987, %mul3A_998 : vector<16xf32>
      %swap3A_1000 = arith.index_cast %add3A_963 : i32 to index
      %swap3A_1001 = arith.constant 0 : index
      %swap3A_1002 = tpu.vector_load %arg11[%swap3A_1000, %swap3A_1001] {strides = array<i32>} : memref<512x16xf32, #tpu.memory_space<vmem>>, vector<16xf32>,
      tpu.vector_store %arg11[%swap3A_1000, %swap3A_1001], %add3A_999 {strides = array<i32>} : memref<512x16xf32, #tpu.memory_space<vmem>>, vector<16xf32>,
      %mul3A_1003 = arith.constant 8 : i32
      %mul3A_1004 = arith.muli %add3A_699, %mul3A_1003 : i32
      %add3A_1005 = arith.constant 3 : i32
      %add3A_1006 = arith.addi %mul3A_1004, %add3A_1005 : i32
      %reduce_sum3A_1007 = arith.constant true
      %reduce_sum3A_1008 = vector.broadcast %reduce_sum3A_1007 : i1 to vector<16xi1>
      %reduce_sum3A_1009 = tpu.scan <sum>, %scan3A_869#9 masked %reduce_sum3A_1008 : vector<16xf32>, vector<16xi1> -> vector<16xf32>
      %reduce_sum3A_1010 = vector.extract %reduce_sum3A_1009[15] : f32 from vector<16xf32>
      %eq3A_1011 = arith.constant 0 : i32
      %eq3A_1012 = vector.broadcast %eq3A_1011 : i32 to vector<16xi32>
      %eq3A_1013 = arith.cmpi eq, %iota3A_871, %eq3A_1012 : vector<16xi32>
      %convert_element_type3A_1014 = arith.extui %eq3A_1013 : vector<16xi1> to vector<16xi32>
      %convert_element_type3A_1015 = arith.sitofp %convert_element_type3A_1014 : vector<16xi32> to vector<16xf32>
      %mul3A_1016 = vector.broadcast %reduce_sum3A_1010 : f32 to vector<16xf32>
      %mul3A_1017 = arith.mulf %mul3A_1016, %convert_element_type3A_1015 : vector<16xf32>
      %add3A_1018 = arith.addf %get3A_873, %mul3A_1017 : vector<16xf32>
      %reduce_sum3A_1019 = arith.constant true
      %reduce_sum3A_1020 = vector.broadcast %reduce_sum3A_1019 : i1 to vector<16xi1>
      %reduce_sum3A_1021 = tpu.scan <sum>, %scan3A_869#10 masked %reduce_sum3A_1020 : vector<16xf32>, vector<16xi1> -> vector<16xf32>
      %reduce_sum3A_1022 = vector.extract %reduce_sum3A_1021[15] : f32 from vector<16xf32>
      %eq3A_1023 = arith.constant 1 : i32
      %eq3A_1024 = vector.broadcast %eq3A_1023 : i32 to vector<16xi32>
      %eq3A_1025 = arith.cmpi eq, %iota3A_871, %eq3A_1024 : vector<16xi32>
      %convert_element_type3A_1026 = arith.extui %eq3A_1025 : vector<16xi1> to vector<16xi32>
      %convert_element_type3A_1027 = arith.sitofp %convert_element_type3A_1026 : vector<16xi32> to vector<16xf32>
      %mul3A_1028 = vector.broadcast %reduce_sum3A_1022 : f32 to vector<16xf32>
      %mul3A_1029 = arith.mulf %mul3A_1028, %convert_element_type3A_1027 : vector<16xf32>
      %add3A_1030 = arith.addf %add3A_1018, %mul3A_1029 : vector<16xf32>
      %reduce_sum3A_1031 = arith.constant true
      %reduce_sum3A_1032 = vector.broadcast %reduce_sum3A_1031 : i1 to vector<16xi1>
      %reduce_sum3A_1033 = tpu.scan <sum>, %scan3A_869#11 masked %reduce_sum3A_1032 : vector<16xf32>, vector<16xi1> -> vector<16xf32>
      %reduce_sum3A_1034 = vector.extract %reduce_sum3A_1033[15] : f32 from vector<16xf32>
      %eq3A_1035 = arith.constant 2 : i32
      %eq3A_1036 = vector.broadcast %eq3A_1035 : i32 to vector<16xi32>
      %eq3A_1037 = arith.cmpi eq, %iota3A_871, %eq3A_1036 : vector<16xi32>
      %convert_element_type3A_1038 = arith.extui %eq3A_1037 : vector<16xi1> to vector<16xi32>
      %convert_element_type3A_1039 = arith.sitofp %convert_element_type3A_1038 : vector<16xi32> to vector<16xf32>
      %mul3A_1040 = vector.broadcast %reduce_sum3A_1034 : f32 to vector<16xf32>
      %mul3A_1041 = arith.mulf %mul3A_1040, %convert_element_type3A_1039 : vector<16xf32>
      %add3A_1042 = arith.addf %add3A_1030, %mul3A_1041 : vector<16xf32>
      %swap3A_1043 = arith.index_cast %add3A_1006 : i32 to index
      %swap3A_1044 = arith.constant 0 : index
      %swap3A_1045 = tpu.vector_load %arg11[%swap3A_1043, %swap3A_1044] {strides = array<i32>} : memref<512x16xf32, #tpu.memory_space<vmem>>, vector<16xf32>,
      tpu.vector_store %arg11[%swap3A_1043, %swap3A_1044], %add3A_1042 {strides = array<i32>} : memref<512x16xf32, #tpu.memory_space<vmem>>, vector<16xf32>,
      %mul3A_1046 = arith.constant 8 : i32
      %mul3A_1047 = arith.muli %add3A_699, %mul3A_1046 : i32
      %add3A_1048 = arith.constant 4 : i32
      %add3A_1049 = arith.addi %mul3A_1047, %add3A_1048 : i32
      %reduce_sum3A_1050 = arith.constant true
      %reduce_sum3A_1051 = vector.broadcast %reduce_sum3A_1050 : i1 to vector<16xi1>
      %reduce_sum3A_1052 = tpu.scan <sum>, %scan3A_869#12 masked %reduce_sum3A_1051 : vector<16xf32>, vector<16xi1> -> vector<16xf32>
      %reduce_sum3A_1053 = vector.extract %reduce_sum3A_1052[15] : f32 from vector<16xf32>
      %eq3A_1054 = arith.constant 0 : i32
      %eq3A_1055 = vector.broadcast %eq3A_1054 : i32 to vector<16xi32>
      %eq3A_1056 = arith.cmpi eq, %iota3A_871, %eq3A_1055 : vector<16xi32>
      %convert_element_type3A_1057 = arith.extui %eq3A_1056 : vector<16xi1> to vector<16xi32>
      %convert_element_type3A_1058 = arith.sitofp %convert_element_type3A_1057 : vector<16xi32> to vector<16xf32>
      %mul3A_1059 = vector.broadcast %reduce_sum3A_1053 : f32 to vector<16xf32>
      %mul3A_1060 = arith.mulf %mul3A_1059, %convert_element_type3A_1058 : vector<16xf32>
      %add3A_1061 = arith.addf %get3A_873, %mul3A_1060 : vector<16xf32>
      %reduce_sum3A_1062 = arith.constant true
      %reduce_sum3A_1063 = vector.broadcast %reduce_sum3A_1062 : i1 to vector<16xi1>
      %reduce_sum3A_1064 = tpu.scan <sum>, %scan3A_869#13 masked %reduce_sum3A_1063 : vector<16xf32>, vector<16xi1> -> vector<16xf32>
      %reduce_sum3A_1065 = vector.extract %reduce_sum3A_1064[15] : f32 from vector<16xf32>
      %eq3A_1066 = arith.constant 1 : i32
      %eq3A_1067 = vector.broadcast %eq3A_1066 : i32 to vector<16xi32>
      %eq3A_1068 = arith.cmpi eq, %iota3A_871, %eq3A_1067 : vector<16xi32>
      %convert_element_type3A_1069 = arith.extui %eq3A_1068 : vector<16xi1> to vector<16xi32>
      %convert_element_type3A_1070 = arith.sitofp %convert_element_type3A_1069 : vector<16xi32> to vector<16xf32>
      %mul3A_1071 = vector.broadcast %reduce_sum3A_1065 : f32 to vector<16xf32>
      %mul3A_1072 = arith.mulf %mul3A_1071, %convert_element_type3A_1070 : vector<16xf32>
      %add3A_1073 = arith.addf %add3A_1061, %mul3A_1072 : vector<16xf32>
      %reduce_sum3A_1074 = arith.constant true
      %reduce_sum3A_1075 = vector.broadcast %reduce_sum3A_1074 : i1 to vector<16xi1>
      %reduce_sum3A_1076 = tpu.scan <sum>, %scan3A_869#14 masked %reduce_sum3A_1075 : vector<16xf32>, vector<16xi1> -> vector<16xf32>
      %reduce_sum3A_1077 = vector.extract %reduce_sum3A_1076[15] : f32 from vector<16xf32>
      %eq3A_1078 = arith.constant 2 : i32
      %eq3A_1079 = vector.broadcast %eq3A_1078 : i32 to vector<16xi32>
      %eq3A_1080 = arith.cmpi eq, %iota3A_871, %eq3A_1079 : vector<16xi32>
      %convert_element_type3A_1081 = arith.extui %eq3A_1080 : vector<16xi1> to vector<16xi32>
      %convert_element_type3A_1082 = arith.sitofp %convert_element_type3A_1081 : vector<16xi32> to vector<16xf32>
      %mul3A_1083 = vector.broadcast %reduce_sum3A_1077 : f32 to vector<16xf32>
      %mul3A_1084 = arith.mulf %mul3A_1083, %convert_element_type3A_1082 : vector<16xf32>
      %add3A_1085 = arith.addf %add3A_1073, %mul3A_1084 : vector<16xf32>
      %swap3A_1086 = arith.index_cast %add3A_1049 : i32 to index
      %swap3A_1087 = arith.constant 0 : index
      %swap3A_1088 = tpu.vector_load %arg11[%swap3A_1086, %swap3A_1087] {strides = array<i32>} : memref<512x16xf32, #tpu.memory_space<vmem>>, vector<16xf32>,
      tpu.vector_store %arg11[%swap3A_1086, %swap3A_1087], %add3A_1085 {strides = array<i32>} : memref<512x16xf32, #tpu.memory_space<vmem>>, vector<16xf32>,
      %mul3A_1089 = arith.constant 8 : i32
      %mul3A_1090 = arith.muli %add3A_699, %mul3A_1089 : i32
      %add3A_1091 = arith.constant 5 : i32
      %add3A_1092 = arith.addi %mul3A_1090, %add3A_1091 : i32
      %reduce_sum3A_1093 = arith.constant true
      %reduce_sum3A_1094 = vector.broadcast %reduce_sum3A_1093 : i1 to vector<16xi1>
      %reduce_sum3A_1095 = tpu.scan <sum>, %scan3A_869#15 masked %reduce_sum3A_1094 : vector<16xf32>, vector<16xi1> -> vector<16xf32>
      %reduce_sum3A_1096 = vector.extract %reduce_sum3A_1095[15] : f32 from vector<16xf32>
      %eq3A_1097 = arith.constant 0 : i32
      %eq3A_1098 = vector.broadcast %eq3A_1097 : i32 to vector<16xi32>
      %eq3A_1099 = arith.cmpi eq, %iota3A_871, %eq3A_1098 : vector<16xi32>
      %convert_element_type3A_1100 = arith.extui %eq3A_1099 : vector<16xi1> to vector<16xi32>
      %convert_element_type3A_1101 = arith.sitofp %convert_element_type3A_1100 : vector<16xi32> to vector<16xf32>
      %mul3A_1102 = vector.broadcast %reduce_sum3A_1096 : f32 to vector<16xf32>
      %mul3A_1103 = arith.mulf %mul3A_1102, %convert_element_type3A_1101 : vector<16xf32>
      %add3A_1104 = arith.addf %get3A_873, %mul3A_1103 : vector<16xf32>
      %reduce_sum3A_1105 = arith.constant true
      %reduce_sum3A_1106 = vector.broadcast %reduce_sum3A_1105 : i1 to vector<16xi1>
      %reduce_sum3A_1107 = tpu.scan <sum>, %scan3A_869#16 masked %reduce_sum3A_1106 : vector<16xf32>, vector<16xi1> -> vector<16xf32>
      %reduce_sum3A_1108 = vector.extract %reduce_sum3A_1107[15] : f32 from vector<16xf32>
      %eq3A_1109 = arith.constant 1 : i32
      %eq3A_1110 = vector.broadcast %eq3A_1109 : i32 to vector<16xi32>
      %eq3A_1111 = arith.cmpi eq, %iota3A_871, %eq3A_1110 : vector<16xi32>
      %convert_element_type3A_1112 = arith.extui %eq3A_1111 : vector<16xi1> to vector<16xi32>
      %convert_element_type3A_1113 = arith.sitofp %convert_element_type3A_1112 : vector<16xi32> to vector<16xf32>
      %mul3A_1114 = vector.broadcast %reduce_sum3A_1108 : f32 to vector<16xf32>
      %mul3A_1115 = arith.mulf %mul3A_1114, %convert_element_type3A_1113 : vector<16xf32>
      %add3A_1116 = arith.addf %add3A_1104, %mul3A_1115 : vector<16xf32>
      %reduce_sum3A_1117 = arith.constant true
      %reduce_sum3A_1118 = vector.broadcast %reduce_sum3A_1117 : i1 to vector<16xi1>
      %reduce_sum3A_1119 = tpu.scan <sum>, %scan3A_869#17 masked %reduce_sum3A_1118 : vector<16xf32>, vector<16xi1> -> vector<16xf32>
      %reduce_sum3A_1120 = vector.extract %reduce_sum3A_1119[15] : f32 from vector<16xf32>
      %eq3A_1121 = arith.constant 2 : i32
      %eq3A_1122 = vector.broadcast %eq3A_1121 : i32 to vector<16xi32>
      %eq3A_1123 = arith.cmpi eq, %iota3A_871, %eq3A_1122 : vector<16xi32>
      %convert_element_type3A_1124 = arith.extui %eq3A_1123 : vector<16xi1> to vector<16xi32>
      %convert_element_type3A_1125 = arith.sitofp %convert_element_type3A_1124 : vector<16xi32> to vector<16xf32>
      %mul3A_1126 = vector.broadcast %reduce_sum3A_1120 : f32 to vector<16xf32>
      %mul3A_1127 = arith.mulf %mul3A_1126, %convert_element_type3A_1125 : vector<16xf32>
      %add3A_1128 = arith.addf %add3A_1116, %mul3A_1127 : vector<16xf32>
      %swap3A_1129 = arith.index_cast %add3A_1092 : i32 to index
      %swap3A_1130 = arith.constant 0 : index
      %swap3A_1131 = tpu.vector_load %arg11[%swap3A_1129, %swap3A_1130] {strides = array<i32>} : memref<512x16xf32, #tpu.memory_space<vmem>>, vector<16xf32>,
      tpu.vector_store %arg11[%swap3A_1129, %swap3A_1130], %add3A_1128 {strides = array<i32>} : memref<512x16xf32, #tpu.memory_space<vmem>>, vector<16xf32>,
      %mul3A_1132 = arith.constant 8 : i32
      %mul3A_1133 = arith.muli %add3A_699, %mul3A_1132 : i32
      %add3A_1134 = arith.constant 6 : i32
      %add3A_1135 = arith.addi %mul3A_1133, %add3A_1134 : i32
      %reduce_sum3A_1136 = arith.constant true
      %reduce_sum3A_1137 = vector.broadcast %reduce_sum3A_1136 : i1 to vector<16xi1>
      %reduce_sum3A_1138 = tpu.scan <sum>, %scan3A_869#18 masked %reduce_sum3A_1137 : vector<16xf32>, vector<16xi1> -> vector<16xf32>
      %reduce_sum3A_1139 = vector.extract %reduce_sum3A_1138[15] : f32 from vector<16xf32>
      %eq3A_1140 = arith.constant 0 : i32
      %eq3A_1141 = vector.broadcast %eq3A_1140 : i32 to vector<16xi32>
      %eq3A_1142 = arith.cmpi eq, %iota3A_871, %eq3A_1141 : vector<16xi32>
      %convert_element_type3A_1143 = arith.extui %eq3A_1142 : vector<16xi1> to vector<16xi32>
      %convert_element_type3A_1144 = arith.sitofp %convert_element_type3A_1143 : vector<16xi32> to vector<16xf32>
      %mul3A_1145 = vector.broadcast %reduce_sum3A_1139 : f32 to vector<16xf32>
      %mul3A_1146 = arith.mulf %mul3A_1145, %convert_element_type3A_1144 : vector<16xf32>
      %add3A_1147 = arith.addf %get3A_873, %mul3A_1146 : vector<16xf32>
      %reduce_sum3A_1148 = arith.constant true
      %reduce_sum3A_1149 = vector.broadcast %reduce_sum3A_1148 : i1 to vector<16xi1>
      %reduce_sum3A_1150 = tpu.scan <sum>, %scan3A_869#19 masked %reduce_sum3A_1149 : vector<16xf32>, vector<16xi1> -> vector<16xf32>
      %reduce_sum3A_1151 = vector.extract %reduce_sum3A_1150[15] : f32 from vector<16xf32>
      %eq3A_1152 = arith.constant 1 : i32
      %eq3A_1153 = vector.broadcast %eq3A_1152 : i32 to vector<16xi32>
      %eq3A_1154 = arith.cmpi eq, %iota3A_871, %eq3A_1153 : vector<16xi32>
      %convert_element_type3A_1155 = arith.extui %eq3A_1154 : vector<16xi1> to vector<16xi32>
      %convert_element_type3A_1156 = arith.sitofp %convert_element_type3A_1155 : vector<16xi32> to vector<16xf32>
      %mul3A_1157 = vector.broadcast %reduce_sum3A_1151 : f32 to vector<16xf32>
      %mul3A_1158 = arith.mulf %mul3A_1157, %convert_element_type3A_1156 : vector<16xf32>
      %add3A_1159 = arith.addf %add3A_1147, %mul3A_1158 : vector<16xf32>
      %reduce_sum3A_1160 = arith.constant true
      %reduce_sum3A_1161 = vector.broadcast %reduce_sum3A_1160 : i1 to vector<16xi1>
      %reduce_sum3A_1162 = tpu.scan <sum>, %scan3A_869#20 masked %reduce_sum3A_1161 : vector<16xf32>, vector<16xi1> -> vector<16xf32>
      %reduce_sum3A_1163 = vector.extract %reduce_sum3A_1162[15] : f32 from vector<16xf32>
      %eq3A_1164 = arith.constant 2 : i32
      %eq3A_1165 = vector.broadcast %eq3A_1164 : i32 to vector<16xi32>
      %eq3A_1166 = arith.cmpi eq, %iota3A_871, %eq3A_1165 : vector<16xi32>
      %convert_element_type3A_1167 = arith.extui %eq3A_1166 : vector<16xi1> to vector<16xi32>
      %convert_element_type3A_1168 = arith.sitofp %convert_element_type3A_1167 : vector<16xi32> to vector<16xf32>
      %mul3A_1169 = vector.broadcast %reduce_sum3A_1163 : f32 to vector<16xf32>
      %mul3A_1170 = arith.mulf %mul3A_1169, %convert_element_type3A_1168 : vector<16xf32>
      %add3A_1171 = arith.addf %add3A_1159, %mul3A_1170 : vector<16xf32>
      %swap3A_1172 = arith.index_cast %add3A_1135 : i32 to index
      %swap3A_1173 = arith.constant 0 : index
      %swap3A_1174 = tpu.vector_load %arg11[%swap3A_1172, %swap3A_1173] {strides = array<i32>} : memref<512x16xf32, #tpu.memory_space<vmem>>, vector<16xf32>,
      tpu.vector_store %arg11[%swap3A_1172, %swap3A_1173], %add3A_1171 {strides = array<i32>} : memref<512x16xf32, #tpu.memory_space<vmem>>, vector<16xf32>,
      %mul3A_1175 = arith.constant 8 : i32
      %mul3A_1176 = arith.muli %add3A_699, %mul3A_1175 : i32
      %add3A_1177 = arith.constant 7 : i32
      %add3A_1178 = arith.addi %mul3A_1176, %add3A_1177 : i32
      %reduce_sum3A_1179 = arith.constant true
      %reduce_sum3A_1180 = vector.broadcast %reduce_sum3A_1179 : i1 to vector<16xi1>
      %reduce_sum3A_1181 = tpu.scan <sum>, %scan3A_869#21 masked %reduce_sum3A_1180 : vector<16xf32>, vector<16xi1> -> vector<16xf32>
      %reduce_sum3A_1182 = vector.extract %reduce_sum3A_1181[15] : f32 from vector<16xf32>
      %eq3A_1183 = arith.constant 0 : i32
      %eq3A_1184 = vector.broadcast %eq3A_1183 : i32 to vector<16xi32>
      %eq3A_1185 = arith.cmpi eq, %iota3A_871, %eq3A_1184 : vector<16xi32>
      %convert_element_type3A_1186 = arith.extui %eq3A_1185 : vector<16xi1> to vector<16xi32>
      %convert_element_type3A_1187 = arith.sitofp %convert_element_type3A_1186 : vector<16xi32> to vector<16xf32>
      %mul3A_1188 = vector.broadcast %reduce_sum3A_1182 : f32 to vector<16xf32>
      %mul3A_1189 = arith.mulf %mul3A_1188, %convert_element_type3A_1187 : vector<16xf32>
      %add3A_1190 = arith.addf %get3A_873, %mul3A_1189 : vector<16xf32>
      %reduce_sum3A_1191 = arith.constant true
      %reduce_sum3A_1192 = vector.broadcast %reduce_sum3A_1191 : i1 to vector<16xi1>
      %reduce_sum3A_1193 = tpu.scan <sum>, %scan3A_869#22 masked %reduce_sum3A_1192 : vector<16xf32>, vector<16xi1> -> vector<16xf32>
      %reduce_sum3A_1194 = vector.extract %reduce_sum3A_1193[15] : f32 from vector<16xf32>
      %eq3A_1195 = arith.constant 1 : i32
      %eq3A_1196 = vector.broadcast %eq3A_1195 : i32 to vector<16xi32>
      %eq3A_1197 = arith.cmpi eq, %iota3A_871, %eq3A_1196 : vector<16xi32>
      %convert_element_type3A_1198 = arith.extui %eq3A_1197 : vector<16xi1> to vector<16xi32>
      %convert_element_type3A_1199 = arith.sitofp %convert_element_type3A_1198 : vector<16xi32> to vector<16xf32>
      %mul3A_1200 = vector.broadcast %reduce_sum3A_1194 : f32 to vector<16xf32>
      %mul3A_1201 = arith.mulf %mul3A_1200, %convert_element_type3A_1199 : vector<16xf32>
      %add3A_1202 = arith.addf %add3A_1190, %mul3A_1201 : vector<16xf32>
      %reduce_sum3A_1203 = arith.constant true
      %reduce_sum3A_1204 = vector.broadcast %reduce_sum3A_1203 : i1 to vector<16xi1>
      %reduce_sum3A_1205 = tpu.scan <sum>, %scan3A_869#23 masked %reduce_sum3A_1204 : vector<16xf32>, vector<16xi1> -> vector<16xf32>
      %reduce_sum3A_1206 = vector.extract %reduce_sum3A_1205[15] : f32 from vector<16xf32>
      %eq3A_1207 = arith.constant 2 : i32
      %eq3A_1208 = vector.broadcast %eq3A_1207 : i32 to vector<16xi32>
      %eq3A_1209 = arith.cmpi eq, %iota3A_871, %eq3A_1208 : vector<16xi32>
      %convert_element_type3A_1210 = arith.extui %eq3A_1209 : vector<16xi1> to vector<16xi32>
      %convert_element_type3A_1211 = arith.sitofp %convert_element_type3A_1210 : vector<16xi32> to vector<16xf32>
      %mul3A_1212 = vector.broadcast %reduce_sum3A_1206 : f32 to vector<16xf32>
      %mul3A_1213 = arith.mulf %mul3A_1212, %convert_element_type3A_1211 : vector<16xf32>
      %add3A_1214 = arith.addf %add3A_1202, %mul3A_1213 : vector<16xf32>
      %swap3A_1215 = arith.index_cast %add3A_1178 : i32 to index
      %swap3A_1216 = arith.constant 0 : index
      %swap3A_1217 = tpu.vector_load %arg11[%swap3A_1215, %swap3A_1216] {strides = array<i32>} : memref<512x16xf32, #tpu.memory_space<vmem>>, vector<16xf32>,
      tpu.vector_store %arg11[%swap3A_1215, %swap3A_1216], %add3A_1214 {strides = array<i32>} : memref<512x16xf32, #tpu.memory_space<vmem>>, vector<16xf32>,
      %add3A_1218 = arith.constant 2 : i32
      %add3A_1219 = arith.addi %add3A_699, %add3A_1218 : i32
      %lt3A_1220 = arith.constant 64 : i32
      %lt3A_1221 = arith.cmpi slt, %add3A_1219, %lt3A_1220 : i32
      %convert_element_type3A_1222 = arith.extui %lt3A_1221 : i1 to i32
      %cond3A_1223 = arith.constant 0 : i32
      %cond3A_1224 = arith.cmpi ne, %convert_element_type3A_1222, %cond3A_1223 : i32
      scf.if %cond3A_1224 {
        %add3A_1225 = arith.constant 2 : i32
        %add3A_1226 = arith.addi %add3A_699, %add3A_1225 : i32
        %mul3A_1227 = arith.constant 64 : i32
        %mul3A_1228 = arith.muli %add3A, %mul3A_1227 : i32
        %add3A_1229 = arith.addi %mul3A_1228, %add3A_1226 : i32
        %mul3A_1230 = arith.constant 1600 : i32
        %mul3A_1231 = arith.muli %add3A_1229, %mul3A_1230 : i32
        %run_scoped3A_1232 = arith.constant 1 : i32
        "tpu.region"() ({
          %run_scoped3A_1233 = tpu.sem_alloc : memref<!tpu.dma_semaphore, #tpu.memory_space<semaphore_mem>>
          %dma_start3A_1234 = arith.constant 0 : i32
          %dma_start3A_1235 = tpu.memref_slice %arg7[%run_scoped3A_1232, %dma_start3A_1234] : memref<2x1600xi32, #tpu.memory_space<vmem>> -> memref<1x1600xi32, #tpu.memory_space<vmem>>
          %dma_start3A_1236 = tpu.memref_squeeze %dma_start3A_1235 : memref<1x1600xi32, #tpu.memory_space<vmem>> -> memref<1600xi32, #tpu.memory_space<vmem>>
          %dma_start3A_1237 = tpu.memref_slice %arg2[%mul3A_1231] : memref<3276800xi32, #tpu.memory_space<hbm>> -> memref<1600xi32, #tpu.memory_space<hbm>>
          %dma_start3A_1238 = arith.constant 0 : i32
          %dma_start3A_1239 = tpu.memref_slice %arg7[%run_scoped3A_1232, %dma_start3A_1238] : memref<2x1600xi32, #tpu.memory_space<vmem>> -> memref<1x1600xi32, #tpu.memory_space<vmem>>
          %dma_start3A_1240 = tpu.memref_squeeze %dma_start3A_1239 : memref<1x1600xi32, #tpu.memory_space<vmem>> -> memref<1600xi32, #tpu.memory_space<vmem>>
          %dma_start3A_1241 = tpu.memref_slice %arg2[%mul3A_1231] : memref<3276800xi32, #tpu.memory_space<hbm>> -> memref<1600xi32, #tpu.memory_space<hbm>>
          tpu.enqueue_dma source(%dma_start3A_1241 : memref<1600xi32, #tpu.memory_space<hbm>>) target(%dma_start3A_1240 : memref<1600xi32, #tpu.memory_space<vmem>>) target_semaphore(%run_scoped3A_1233 : memref<!tpu.dma_semaphore, #tpu.memory_space<semaphore_mem>>)
          %dma_wait3A_1242 = arith.constant 0 : i32
          %dma_wait3A_1243 = tpu.memref_slice %arg7[%run_scoped3A_1232, %dma_wait3A_1242] : memref<2x1600xi32, #tpu.memory_space<vmem>> -> memref<1x1600xi32, #tpu.memory_space<vmem>>
          %dma_wait3A_1244 = tpu.memref_squeeze %dma_wait3A_1243 : memref<1x1600xi32, #tpu.memory_space<vmem>> -> memref<1600xi32, #tpu.memory_space<vmem>>
          %dma_wait3A_1245 = tpu.memref_slice %arg2[%mul3A_1231] : memref<3276800xi32, #tpu.memory_space<hbm>> -> memref<1600xi32, #tpu.memory_space<hbm>>
          %dma_wait3A_1246 = arith.constant 0 : i32
          %dma_wait3A_1247 = tpu.memref_slice %arg7[%run_scoped3A_1232, %dma_wait3A_1246] : memref<2x1600xi32, #tpu.memory_space<vmem>> -> memref<1x1600xi32, #tpu.memory_space<vmem>>
          %dma_wait3A_1248 = tpu.memref_squeeze %dma_wait3A_1247 : memref<1x1600xi32, #tpu.memory_space<vmem>> -> memref<1600xi32, #tpu.memory_space<vmem>>
          %dma_wait3A_1249 = tpu.memref_slice %arg2[%mul3A_1231] : memref<3276800xi32, #tpu.memory_space<hbm>> -> memref<1600xi32, #tpu.memory_space<hbm>>
          tpu.wait_dma2 semaphore(%run_scoped3A_1233 : memref<!tpu.dma_semaphore, #tpu.memory_space<semaphore_mem>>) src(%dma_wait3A_1249 : memref<1600xi32, #tpu.memory_space<hbm>>) dst(%dma_wait3A_1248 : memref<1600xi32, #tpu.memory_space<vmem>>)
          tpu.yield
        }) : () -> ()
      } else {
      }
    }
    %scan3A_175 = arith.constant 32 : i32
    "tpu.region"() ({
      %run_scoped3A_176 = tpu.sem_alloc : memref<!tpu.dma_semaphore, #tpu.memory_space<semaphore_mem>>
      %dma_start3A_177 = arith.constant 0 : i32
      %dma_start3A_178 = tpu.memref_slice %arg6[%mul3A_2, %dma_start3A_177] : memref<16384x16xf32, #tpu.memory_space<hbm>> -> memref<512x16xf32, #tpu.memory_space<hbm>>
      %dma_start3A_179 = arith.constant 0 : i32
      %dma_start3A_180 = tpu.memref_slice %arg6[%mul3A_2, %dma_start3A_179] : memref<16384x16xf32, #tpu.memory_space<hbm>> -> memref<512x16xf32, #tpu.memory_space<hbm>>
      tpu.enqueue_dma source(%arg11 : memref<512x16xf32, #tpu.memory_space<vmem>>) target(%dma_start3A_180 : memref<512x16xf32, #tpu.memory_space<hbm>>) target_semaphore(%run_scoped3A_176 : memref<!tpu.dma_semaphore, #tpu.memory_space<semaphore_mem>>)
      %dma_wait3A = arith.constant 0 : i32
      %dma_wait3A_181 = tpu.memref_slice %arg6[%mul3A_2, %dma_wait3A] : memref<16384x16xf32, #tpu.memory_space<hbm>> -> memref<512x16xf32, #tpu.memory_space<hbm>>
      %dma_wait3A_182 = arith.constant 0 : i32
      %dma_wait3A_183 = tpu.memref_slice %arg6[%mul3A_2, %dma_wait3A_182] : memref<16384x16xf32, #tpu.memory_space<hbm>> -> memref<512x16xf32, #tpu.memory_space<hbm>>
      tpu.wait_dma2 semaphore(%run_scoped3A_176 : memref<!tpu.dma_semaphore, #tpu.memory_space<semaphore_mem>>) src(%arg11 : memref<512x16xf32, #tpu.memory_space<vmem>>) dst(%dma_wait3A_183 : memref<512x16xf32, #tpu.memory_space<hbm>>)
      tpu.yield
    }) : () -> ()
    return
  }
}

</mosaic_0001>

<sc_bundles>
// kernel: kernel.3.cloned.1.call-start
scs
__scs_entry_jumppad:
0x0: {  	(pc) =	sbr.rel $0x88, $3  }
0x1: {  	(tag) =	ssettag $0x0;
	lr =	simm.s32 $0x1  }
0x2: {  	[smem:$0x3F9D] =	sst lr;
	_ =	strace $0xD0000000  }
0x3: {  	_ = 	snop  }
0x4: {  	_ = 	snop  }
0x5: {  	_ = 	snop  }
0x6: {  	_ = 	snop  }
0x7: {  	_ = 	snop  }
__scs_overlays_trampoline_lowered:
0x8: {  	[smem:$0x3FAC] =	sst s0  }
0x9: {  	[smem:$0x3FAD] =	sst s1  }
0xa: {  	[smem:$0x3FAE] =	sst s2  }
0xb: {  	[smem:$0x3FAF] =	sst s3  }
0xc: {  	[smem:$0x3FB0] =	sst s4  }
0xd: {  	[smem:$0x3FB1] =	sst s5  }
0xe: {  	[smem:$0x3FB2] =	sst s6  }
0xf: {  	[smem:$0x3FB3] =	sst s7  }
0x10: {  	[smem:$0x3FB4] =	sst s8  }
0x11: {  	[smem:$0x3FB5] =	sst s9;
	s0 =	simm.s32 @!p0 $0x0  }
0x12: {  	s1 =	sld [smem:$0x3F9B];
	s0 =	simm.s32 @p0 $0x1  }
0x13: {  	[smem:$0x3FB6] =	sst s0;
	s0 =	simm.s32 @!p1 $0x0  }
0x14: {  	s2 =	sld [smem:$0x3F9A];
	s0 =	simm.s32 @p1 $0x1  }
0x15: {  	[smem:$0x3FB7] =	sst s0;
	s0 =	simm.s32 @!p2 $0x0  }
0x16: {  	s3 =	sld [smem:$0x3FDB];
	s0 =	simm.s32 @p2 $0x1  }
0x17: {  	s4 =	simm.s32 $0x1BF5;
	[smem:$0x3FB9] =	sst s0  }
0x18: {  	s0 =	sld [smem:$0x3F9C];
	_ =	swait.ge [sflag:s4], $0x0  }
0x19: {  	s7 =	sld [smem:$0x3F9D]  }
0x1a: {  	s8 =	sadd.s32 $0xFFFFE003, lr  }
0x1b: {  	s9 =	sadd.s32 $0xFFFFFEF7, lr;
	s5 =	simm.s32 $0xFFFFFFFF;
	p2 =	slt.u32 s8, $0xFFFFF086  }
0x1c: {  	p1 =	slt.u32 s9, $0xF7A;
	s5 =	simm.s32 @!p2 $0x0  }
0x1d: {  	s5 =	simm.s32 @p1 $0x1;
	p0 =	seq.s32 s7, s2  }
0x1e: {  	s7 =	smul.u32 @!p0 $0xF7A, s2;
	p2 =	seq.s32 @!p0 s5, $0x0  }
0x1f: {  	s9 =	smul.u32 $0xF7A, s1;
	s8 =	simm.s32 @!p0 $0x1BF5;
	p2 =	por !p2, p0  }
0x20: {  	[sflag:s8] =	ssyncset.s32 @!p0 $0xFFFFF086;
	s6 =	sadd.s32 @!p0 s3, s7;
	s7 =	simm.s32 @!p0 $0x108  }
0x21: {  	s3 =	sadd.s32 s3, s9;
	s6 =	sadd.s32 @!p0 $0x88, s6;
	s7 =	simm.s32 @p2 $0x1082  }
0x22: {  	[simem:s7], [sflag:s8] =	dma.local @!p0 [hbm:s6], $0xF7A  }
0x23: {  	s9 =	sor.u32 $0xD0000000, s2;
	s6 =	simm.s32 $0x108;
	_ =	swait.ge @!p0 [sflag:s8], $0x0  }
0x24: {  	s3 =	sadd.s32 $0x88, s3;
	s6 =	simm.s32 @!p1 $0x1082;
	[sflag:s4] =	ssyncset.s32 $0xFFFFF086  }
0x25: {  	[simem:s6], [sflag:s4] =	dma.local [hbm:s3], $0xF7A  }
0x26: {  	[smem:$0x3F9D] =	sst s1;
	(tag) =	ssettag s2;
	_ =	strace s9  }
0x27: {  	s1 =	sld [smem:$0x3FAD]  }
0x28: {  	s2 =	sld [smem:$0x3FAE]  }
0x29: {  	s4 =	sld [smem:$0x3FB0]  }
0x2a: {  	p0 =	seq.s32 s5, $0x0;
	s5 =	sld [smem:$0x3FB1]  }
0x2b: {  	s6 =	sld [smem:$0x3FB2]  }
0x2c: {  	s7 =	sld [smem:$0x3FB3]  }
0x2d: {  	s3 =	simm.s32 $0x108;
	s8 =	sld [smem:$0x3FB4]  }
0x2e: {  	s3 =	simm.s32 @!p0 $0x1082;
	s9 =	sld [smem:$0x3FB5]  }
0x2f: {  	lr =	sadd.s32 s0, s3;
	s0 =	sld [smem:$0x3FAC]  }
0x30: {  	s3 =	sld [smem:$0x3FAF]  }
0x31: {  	[smem:$0x3FB8] =	sst s10  }
0x32: {  	s10 =	sld [smem:$0x3FB6];
	_ =	sdelay $0x3  }
0x33: {  	p0 =	seq.s32 s10, $0x1;
	s10 =	sld [smem:$0x3FB8];
	_ =	sdelay $0x3  }
0x34: {  	[smem:$0x3FB8] =	sst s10  }
0x35: {  	s10 =	sld [smem:$0x3FB7];
	_ =	sdelay $0x3  }
0x36: {  	p1 =	seq.s32 s10, $0x1;
	s10 =	sld [smem:$0x3FB8];
	_ =	sdelay $0x3  }
0x37: {  	[smem:$0x3FB8] =	sst s10  }
0x38: {  	s10 =	sld [smem:$0x3FB9]  }
0x39: {  	_ = 	snop;
	(pc) =	sbr.ind lr, $3  }
0x3a: {  	_ = 	snop  }
0x3b: {  	_ = 	snop  }
0x3c: {  	p2 =	seq.s32 s10, $0x1;
	s10 =	sld [smem:$0x3FB8]  }
0x3d: {  	_ =	shalt  }
0x3e: {  	_ =	shalt  }
0x3f: {  	_ =	shalt  }
0x40: {  	_ =	shalt  }
0x41: {  	_ =	shalt  }
0x42: {  	_ =	shalt  }
0x43: {  	_ =	shalt  }
0x44: {  	_ =	shalt  }
0x45: {  	_ =	shalt  }
0x46: {  	_ =	shalt  }
0x47: {  	_ =	shalt  }
0x48: {  	_ =	shalt  }
0x49: {  	_ =	shalt  }
0x4a: {  	_ =	shalt  }
0x4b: {  	_ =	shalt  }
0x4c: {  	_ =	shalt  }
0x4d: {  	_ =	shalt  }
0x4e: {  	_ =	shalt  }
0x4f: {  	_ =	shalt  }
0x50: {  	_ =	shalt  }
0x51: {  	_ =	shalt  }
0x52: {  	_ =	shalt  }
0x53: {  	_ =	shalt  }
0x54: {  	_ =	shalt  }
0x55: {  	_ =	shalt  }
0x56: {  	_ =	shalt  }
0x57: {  	_ =	shalt  }
0x58: {  	_ =	shalt  }
0x59: {  	_ =	shalt  }
0x5a: {  	_ =	shalt  }
0x5b: {  	_ =	shalt  }
0x5c: {  	_ =	shalt  }
0x5d: {  	_ =	shalt  }
0x5e: {  	_ =	shalt  }
0x5f: {  	_ =	shalt  }
0x60: {  	_ =	shalt  }
0x61: {  	_ =	shalt  }
0x62: {  	_ =	shalt  }
0x63: {  	_ =	shalt  }
0x64: {  	_ =	shalt  }
0x65: {  	_ =	shalt  }
0x66: {  	_ =	shalt  }
0x67: {  	_ =	shalt  }
0x68: {  	_ =	shalt  }
0x69: {  	_ =	shalt  }
0x6a: {  	_ =	shalt  }
0x6b: {  	_ =	shalt  }
0x6c: {  	_ =	shalt  }
0x6d: {  	_ =	shalt  }
0x6e: {  	_ =	shalt  }
0x6f: {  	_ =	shalt  }
0x70: {  	_ =	shalt  }
0x71: {  	_ =	shalt  }
0x72: {  	_ =	shalt  }
0x73: {  	_ =	shalt  }
0x74: {  	_ =	shalt  }
0x75: {  	_ =	shalt  }
0x76: {  	_ =	shalt  }
0x77: {  	_ =	shalt  }
0x78: {  	_ =	shalt  }
0x79: {  	_ =	shalt  }
0x7a: {  	_ =	shalt  }
0x7b: {  	_ =	shalt  }
0x7c: {  	_ =	shalt  }
0x7d: {  	_ =	shalt  }
0x7e: {  	_ =	shalt  }
0x7f: {  	_ =	shalt  }
0x80: {  	_ =	shalt  }
0x81: {  	_ =	shalt  }
0x82: {  	_ =	shalt  }
0x83: {  	_ =	shalt  }
0x84: {  	_ =	shalt  }
0x85: {  	_ =	shalt  }
0x86: {  	_ =	shalt  }
0x87: {  	_ =	shalt  }
.Lfunc_end0:
.L_simem_size_0:
called_computation.1_lowered:
.L_overlay_start_0:
0x88: {  	s2 =	sld [smem:$0x3FD9]  }
0x89: {  	s3 =	sld [smem:$0x3FFE];
	_ =	sdelay $0x1  }
0x8a: {  	s1 =	srdreg.scid  }
0x8b: {  	s0 =	sand.u32 $0x1, s1  }
0x8c: {  	s17 =	sshll.u32 s0, $0xA;
	s2 =	sadd.s32 s3, s2  }
0x8d: {  	s2 =	sadd.s32 s2, s17  }
0x8e: {  	[smem:$0x3FC4] =	sst s2  }
0x8f: {  	_ = 	snop  }
0x90: {  	s2 =	sld [smem:$0x3FD0];
	(tm) =	ssettm $0x1  }
0x91: {  	s18 =	sld [smem:$0x3FFB];
	_ =	sdelay $0x3  }
0x92: {  	_ =	strace s18  }
0x93: {  	s3 =	sld [smem:$0x3FFC];
	_ =	sdelay $0x3  }
0x94: {  	_ =	strace s3  }
0x95: {  	s3 =	sld [smem:$0x3FFD];
	_ =	sdelay $0x3  }
0x96: {  	_ =	strace s3  }
0x97: {  	_ =	strace $0x8FFFFFFF  }
0x98: {  	s19 =	sld [smem:$0x3FDB];
	_ =	sdelay $0x1  }
0x99: {  	s4 =	simm.s32 $_scs_section_size  }
0x9a: {  	s5 =	simm.s32 $_size__tile_overlayer_lowered;
	s6 =	simm.s32 $_tile_overlayer_lowered  }
0x9b: {  	s22 =	simm.s32 $0x1BFF;
	s21 =	sshll.u32 s6, $0x1;
	s3 =	sadd.s32 s4, s19  }
0x9c: {  	s7 =	simm.s32 $0x0;
	s20 =	sshll.u32 s5, $0x1;
	s5 =	sadd.s32 s21, s3  }
0x9d: {  	[timem:s7], [sflag:s22] =	dma.local [hbm:s5], s20  }
0x9e: {  	_ =	swait.ge [sflag:s22], s20  }
0x9f: {  	s4 =	ssub.s32 $0x0, s20;
	[sflag:s22] =	ssyncset.done $0x0  }
0xa0: {  	[sflag:s22] =	ssyncadd.s32 s4;
	_ =	sdelay $0x1  }
0xa1: {  	s23 =	simm.s32 $0x1B8B  }
0xa2: {  	_ =	swait.ge [sflag:s23], $0x1  }
0xa3: {  	[sflag:s23] =	ssyncset.done $0x0  }
0xa4: {  	s25 =	simm.s32 $0x1B8E;
	s24 =	sld [smem:$0x3FFE];
	[sflag:s23] =	ssyncadd.s32 $0xFFFFFFFF  }
0xa5: {  	s26 =	simm.s32 $execute0_lowered;
	[smem:$0x3FD2] =	sst s25  }
0xa6: {  	s5 =	sshll.u32 s26, $0x1;
	_ =	strace $0x80000049;
	[dreg:$0x1] =	wrdreg $0xFFFFFFFF  }
0xa7: {  	s28 =	simm.s32 $_size_execute0_lowered;
	s3 =	sadd.s32 s3, s5;
	[dreg:$0x0] =	wrdreg $0x0  }
0xa8: {  	s5 =	sshll.u32 s28, $0x1;
	[dreg:$0x2] =	wrdreg s3  }
0xa9: {  	[dreg:$0x3] =	wrdreg s5  }
0xaa: {  	[dreg:$0x4] =	wrdreg $0xC0  }
0xab: {  	_ =	task [dreg:s7], $0x5FFFF  }
0xac: {  	[dreg:$0x1] =	wrdreg $0xFFFFFFFF  }
0xad: {  	[dreg:$0x0] =	wrdreg $0x60  }
0xae: {  	[dreg:$0x2] =	wrdreg s24  }
0xaf: {  	[dreg:$0x3] =	wrdreg s2  }
0xb0: {  	[dreg:$0x4] =	wrdreg $0x9  }
0xb1: {  	_ =	task.clear_ibuf [dreg:s7], $0x5FFFF;
	_ =	strace $0x90000049  }
0xb2: {  	s29 =	simm.s32 $0x9;
	_ =	strace $0x8000004B  }
0xb3: {  	_ =	swait.ge [sflag:s29], $0x1  }
0xb4: {  	[sflag:s29] =	ssyncadd.s32 $0xFFFFFFFF  }
0xb5: {  	_ =	strace $0x9000004B  }
0xb6: {  	_ =	sfence  }
0xb7: {  	s30 =	sld [smem:$0x0];
	_ =	sdelay $0x2  }
0xb8: {  	s31 =	sshll.u32 s1, $0xD;
	s1 =	sshrl.u32 s1, $0x2  }
0xb9: {  	s3 =	sand.u32 $0x4000, s31;
	s1 =	sadd.s32 s1, s30  }
0xba: {  	s0 =	sor.u32 s3, s0;
	s1 =	sshll.u32 s1, $0x11  }
0xbb: {  	s0 =	sor.u32 s1, s0  }
0xbc: {  	s0 =	sadd.s32 $0x8F2B, s0  }
0xbd: {  	[sflag:s0] =	ssyncadd.remote.s32 $0x1  }
0xbe: {  	_ =	sfence.sel $0xFFFF  }
0xbf: {  	[dreg:$0x0] =	wrdreg $0xFFFFFFFF;
	(pc) =	sbr.abs _section_cstart, $3  }
0xc0: {  	[dreg:$0x1] =	wrdreg $0xFFFFFFFF  }
0xc1: {  	_ =	task.clear_ibuf [dreg:s7], $0x2FFFF;
	_ =	strace $0x9FFFFFFF  }
0xc2: {  	(tm) =	ssettm $0x7FFFFFFF  }
0xc3: {  	_ =	shalt  }
tec
execute0_lowered:
.L_overlay_start_1:
0x0: {  	(tag) =	ssettag $0x1  }
0x1: {  	s0 =	rddreg [dreg:$0x0]  }
0x2: {  	s3 =	simm.s32 $0x0;
	s1 =	srdreg.scid;
	s2 =	stileid.u32  }
0x3: {  	s14 =	simm.s32 $0x3;
	s16 =	simm.s32 $0x80;
	s20 =	simm.s32 $0x40  }
0x4: {  	s23 =	simm.s32 $0x640;
	s24 =	simm.s32 $0x1;
	s17 =	simm.s32 $0x940  }
0x5: {  	s18 =	simm.s32 $0xA080;
	s19 =	simm.s32 $0x9C0;
	s21 =	simm.s32 $0xA880  }
0x6: {  	s22 =	simm.s32 $0xA40;
	s8 =	simm.s32 $0xAC0;
	s11 =	simm.s32 $0xB880  }
0x7: {  	s12 =	simm.s32 $0xB40;
	s28 =	simm.s32 $0xC40;
	s29 =	simm.s32 $0xD080  }
0x8: {  	s30 =	simm.s32 $0x2;
	[smem:$0x7FF] =	sst s3;
	s1 =	sand.u32 $0x1, s1  }
0x9: {  	s2 =	sshll.u32 s2, $0x1;
	s4 =	sadd.s32 $0x1BC3200, s0;
	s5 =	sadd.s32 $0x1C27200, s0  }
0xa: {  	s7 =	sadd.s32 $0xF43200, s0;
	_ =	strace $0x8000004A;
	s2 =	sor.u32 s1, s2  }
0xb: {  	[dreg:$0x3] =	wrdreg s7;
	s1 =	ssub.s32 $0x2, s1;
	s7 =	simm.s32 $0xC080  }
0xc: {  	s6 =	smul.u32 $0x3200, s2;
	s25 =	sshll.u32 s2, $0xA;
	s26 =	sshrl.u32 s1, $0x1  }
0xd: {  	s2 =	sshll.u32 s2, $0x6;
	s0 =	sadd.s32 s25, s0;
	s1 =	ssub.s32 s1, s26  }
.Ltmp0:
0xe: {  	s9 =	sor.u32 $0x2, s2;
	s6 =	sadd.s32 s4, s6;
	(pc) =	sbr.rel .LBB2_1-.Ltmp0, $4  }
0xf: {  	s10 =	sor.u32 $0x3, s2;
	s0 =	sadd.s32 $0xF43400, s0;
	[dreg:$0x4] =	wrdreg s6  }
0x10: {  	s25 =	simm.s32 $0xBC0;
	s31 =	smax.u32 s1, $0x1;
	[dreg:$0x6] =	wrdreg s0  }
0x11: {  	s26 =	simm.s32 $0xC880;
	s6 =	sadd.s32 $0xC8, s6;
	[dreg:$0x7] =	wrdreg s31  }
0x12: {  	vm0 =	vcmask $0x300;
	vm1 =	vcmask $0x704;
	vm2 =	vcmask $0xB08;
	s1 =	simm.s32 $0x0;
	[dreg:$0x5] =	wrdreg s6;
	s6 =	simm.s32 $0xB080  }
.LBB2_8:
0x13: {  	s0 =	rddreg [dreg:$0x6];
	s1 =	simm.s32 $0xFA10  }
0x14: {  	[hbm4b:s0+s3] =	stream.linear.scatter [tilespmem:s1], [sflag:$0x3], $0x2000, $0x38;
	[tilespmem:$0x11A10] =	vst v63  }
0x15: {  	_ =	swait.ge [sflag:s14], $0x2000  }
0x16: {  	s15 =	rddreg [dreg:$0x8]  }
0x17: {  	s31 =	rddreg [dreg:$0x7];
	s1 =	sadd.s32 $0x1, s15  }
0x18: {  	p0 =	sne.s32 s1, s31  }
.Ltmp1:
0x19: {  	_ = 	snop;
	(pc) =	sbr.rel @!p0 .LBB2_9-.Ltmp1, $3  }
0x1a: {  	_ =	sdelay $0x1  }
0x1b: {  	[sflag:s14] =	ssyncset.done $0x0  }
0x1c: {  	[sflag:s14] =	ssyncadd.s32 $0xFFFFE000  }
.LBB2_1:
0x1d: {  	[dreg:$0x8] =	wrdreg s1  }
0x1e: {  	s0 =	rddreg [dreg:$0x1];
	s2 =	simm.s32 $0xD480  }
0x1f: {  	[tilespmem:s2], [sflag:$0x3] =	stream.linear.gather [hbm4b:s0+s3], $0x2580, $0x38;
	[tilespmem:$0x11A10] =	vst v63  }
0x20: {  	_ =	swait.ge [sflag:s14], $0x2580  }
0x21: {  	[sflag:s14] =	ssyncset.done $0x0  }
0x22: {  	s15 =	simm.s32 $0xFA00;
	s13 =	rddreg [dreg:$0x3];
	[sflag:s14] =	ssyncadd.s32 $0xFFFFDA80  }
0x23: {  	[tilespmem:s15], [sflag:$0x3] =	stream.linear.gather [hbm4b:s13+s3], $0x10, $0x38;
	[tilespmem:$0x11A10] =	vst v63  }
0x24: {  	_ =	swait.ge [sflag:s14], $0x10  }
0x25: {  	[sflag:s14] =	ssyncset.done $0x0  }
0x26: {  	s2 =	rddreg [dreg:$0x4];
	[sflag:s14] =	ssyncadd.s32 $0xFFFFFFF0  }
0x27: {  	[tilespmem:s3], [sflag:$0x3] =	stream.linear.gather [hbm4b:s2+s3], $0x640, $0x38;
	[tilespmem:$0x11A10] =	vst v63  }
0x28: {  	_ =	swait.ge [sflag:s14], $0x640  }
0x29: {  	[sflag:s14] =	ssyncset.done $0x0  }
0x2a: {  	s13 =	simm.s32 $0xC80;
	[sflag:s14] =	ssyncadd.s32 $0xFFFFF9C0  }
0x2b: {  	[tilespmem:s13], [sflag:$0x1] =	stream.indirect.gather [hbm4b:s5+s16], $0x10, s3, s16, $0xb8;
	[tilespmem:$0x11A10] =	vst v63  }
0x2c: {  	s15 =	simm.s32 $0x1480  }
0x2d: {  	[tilespmem:s15], [sflag:$0x1] =	stream.indirect.gather [hbm4b:s5+s16], $0x10, s16, s16, $0xb8;
	[tilespmem:$0x11A10] =	vst v63  }
0x2e: {  	s1 =	simm.s32 $0x100;
	s2 =	simm.s32 $0x1C80  }
0x2f: {  	[tilespmem:s2], [sflag:$0x1] =	stream.indirect.gather [hbm4b:s5+s16], $0x10, s1, s16, $0xb8;
	[tilespmem:$0x11A10] =	vst v63  }
0x30: {  	s13 =	simm.s32 $0x180;
	s15 =	simm.s32 $0x2480  }
0x31: {  	[tilespmem:s15], [sflag:$0x1] =	stream.indirect.gather [hbm4b:s5+s16], $0x10, s13, s16, $0xb8;
	[tilespmem:$0x11A10] =	vst v63  }
0x32: {  	s1 =	simm.s32 $0x200;
	s2 =	simm.s32 $0x2C80  }
0x33: {  	[tilespmem:s2], [sflag:$0x1] =	stream.indirect.gather [hbm4b:s5+s16], $0x10, s1, s16, $0xb8;
	[tilespmem:$0x11A10] =	vst v63  }
0x34: {  	s13 =	simm.s32 $0x280;
	s15 =	simm.s32 $0x3480  }
0x35: {  	[tilespmem:s15], [sflag:$0x1] =	stream.indirect.gather [hbm4b:s5+s16], $0x10, s13, s16, $0xb8;
	[tilespmem:$0x11A10] =	vst v63  }
0x36: {  	s1 =	simm.s32 $0x300;
	s2 =	simm.s32 $0x3C80  }
0x37: {  	[tilespmem:s2], [sflag:$0x1] =	stream.indirect.gather [hbm4b:s5+s16], $0x10, s1, s16, $0xb8;
	[tilespmem:$0x11A10] =	vst v63  }
0x38: {  	s13 =	simm.s32 $0x380;
	s15 =	simm.s32 $0x4480  }
0x39: {  	[tilespmem:s15], [sflag:$0x1] =	stream.indirect.gather [hbm4b:s5+s16], $0x10, s13, s16, $0xb8;
	[tilespmem:$0x11A10] =	vst v63  }
0x3a: {  	s1 =	simm.s32 $0x400;
	s2 =	simm.s32 $0x4C80  }
0x3b: {  	[tilespmem:s2], [sflag:$0x1] =	stream.indirect.gather [hbm4b:s5+s16], $0x10, s1, s16, $0xb8;
	[tilespmem:$0x11A10] =	vst v63  }
0x3c: {  	s13 =	simm.s32 $0x480;
	s15 =	simm.s32 $0x5480  }
0x3d: {  	[tilespmem:s15], [sflag:$0x1] =	stream.indirect.gather [hbm4b:s5+s16], $0x10, s13, s16, $0xb8;
	[tilespmem:$0x11A10] =	vst v63  }
0x3e: {  	s1 =	simm.s32 $0x500;
	s2 =	simm.s32 $0x5C80  }
0x3f: {  	[tilespmem:s2], [sflag:$0x1] =	stream.indirect.gather [hbm4b:s5+s16], $0x10, s1, s16, $0xb8;
	[tilespmem:$0x11A10] =	vst v63  }
0x40: {  	s13 =	simm.s32 $0x580;
	s15 =	simm.s32 $0x6480  }
0x41: {  	[tilespmem:s15], [sflag:$0x1] =	stream.indirect.gather [hbm4b:s5+s16], $0x10, s13, s16, $0xb8;
	[tilespmem:$0x11A10] =	vst v63  }
0x42: {  	s2 =	simm.s32 $0x600;
	s13 =	simm.s32 $0x6C80  }
0x43: {  	[tilespmem:s13], [sflag:$0x1] =	stream.indirect.gather [hbm4b:s5+s20], $0x10, s2, s20, $0xb8;
	[tilespmem:$0x11A10] =	vst v63  }
0x44: {  	s15 =	rddreg [dreg:$0x5]  }
0x45: {  	[tilespmem:s23], [sflag:$0x3] =	stream.linear.gather [hbm4b:s15+s3], $0x640, $0x38;
	[tilespmem:$0x11A10] =	vst v63  }
0x46: {  	_ =	swait.ge [sflag:s14], $0x640  }
0x47: {  	[sflag:s14] =	ssyncset.done $0x0  }
0x48: {  	s31 =	simm.s32 $0x0;
	[sflag:s14] =	ssyncadd.s32 $0xFFFFF9C0  }
.LBB2_2:
0x49: {  	_ =	swait.ge [sflag:s24], $0x800  }
0x4a: {  	[sflag:s24] =	ssyncset.done $0x0  }
0x4b: {  	[sflag:s24] =	ssyncadd.s32 $0xFFFFF800  }
0x4c: {  	_ =	swait.ge [sflag:s24], $0x800  }
0x4d: {  	[sflag:s24] =	ssyncset.done $0x0  }
0x4e: {  	[sflag:s24] =	ssyncadd.s32 $0xFFFFF800  }
0x4f: {  	_ =	swait.ge [sflag:s24], $0x800  }
0x50: {  	[sflag:s24] =	ssyncset.done $0x0  }
0x51: {  	[sflag:s24] =	ssyncadd.s32 $0xFFFFF800  }
0x52: {  	_ =	swait.ge [sflag:s24], $0x800  }
0x53: {  	[sflag:s24] =	ssyncset.done $0x0  }
0x54: {  	[sflag:s24] =	ssyncadd.s32 $0xFFFFF800  }
0x55: {  	_ =	swait.ge [sflag:s24], $0x800  }
0x56: {  	[sflag:s24] =	ssyncset.done $0x0  }
0x57: {  	[sflag:s24] =	ssyncadd.s32 $0xFFFFF800  }
0x58: {  	_ =	swait.ge [sflag:s24], $0x800  }
0x59: {  	[sflag:s24] =	ssyncset.done $0x0  }
0x5a: {  	[sflag:s24] =	ssyncadd.s32 $0xFFFFF800  }
0x5b: {  	_ =	swait.ge [sflag:s24], $0x800  }
0x5c: {  	[sflag:s24] =	ssyncset.done $0x0  }
0x5d: {  	[sflag:s24] =	ssyncadd.s32 $0xFFFFF800  }
0x5e: {  	_ =	swait.ge [sflag:s24], $0x800  }
0x5f: {  	[sflag:s24] =	ssyncset.done $0x0  }
0x60: {  	[sflag:s24] =	ssyncadd.s32 $0xFFFFF800  }
0x61: {  	_ =	swait.ge [sflag:s24], $0x800  }
0x62: {  	[sflag:s24] =	ssyncset.done $0x0  }
0x63: {  	[sflag:s24] =	ssyncadd.s32 $0xFFFFF800  }
0x64: {  	_ =	swait.ge [sflag:s24], $0x800  }
0x65: {  	[sflag:s24] =	ssyncset.done $0x0  }
0x66: {  	[sflag:s24] =	ssyncadd.s32 $0xFFFFF800  }
0x67: {  	_ =	swait.ge [sflag:s24], $0x800  }
0x68: {  	[sflag:s24] =	ssyncset.done $0x0  }
0x69: {  	[sflag:s24] =	ssyncadd.s32 $0xFFFFF800  }
0x6a: {  	_ =	swait.ge [sflag:s24], $0x800  }
0x6b: {  	[sflag:s24] =	ssyncset.done $0x0  }
0x6c: {  	[sflag:s24] =	ssyncadd.s32 $0xFFFFF800  }
0x6d: {  	_ =	swait.ge [sflag:s24], $0x400  }
0x6e: {  	[sflag:s24] =	ssyncset.done $0x0  }
0x6f: {  	s0 =	simm.s32 $0x7080;
	[sflag:s24] =	ssyncadd.s32 $0xFFFFFC00  }
0x70: {  	[tilespmem:s0], [sflag:$0x2] =	stream.indirect.gather [hbm4b:s5+s16], $0x10, s23, s16, $0xb8;
	[tilespmem:$0x11A10] =	vst v63  }
0x71: {  	s2 =	simm.s32 $0x6C0;
	s1 =	simm.s32 $0x7880  }
0x72: {  	[tilespmem:s1], [sflag:$0x2] =	stream.indirect.gather [hbm4b:s5+s16], $0x10, s2, s16, $0xb8;
	[tilespmem:$0x11A10] =	vst v63  }
0x73: {  	s13 =	simm.s32 $0x740;
	s15 =	simm.s32 $0x8080  }
0x74: {  	[tilespmem:s15], [sflag:$0x2] =	stream.indirect.gather [hbm4b:s5+s16], $0x10, s13, s16, $0xb8;
	[tilespmem:$0x11A10] =	vst v63  }
0x75: {  	s1 =	simm.s32 $0x7C0;
	s2 =	simm.s32 $0x8880  }
0x76: {  	[tilespmem:s2], [sflag:$0x2] =	stream.indirect.gather [hbm4b:s5+s16], $0x10, s1, s16, $0xb8;
	[tilespmem:$0x11A10] =	vst v63  }
0x77: {  	s13 =	simm.s32 $0x840;
	s15 =	simm.s32 $0x9080  }
0x78: {  	[tilespmem:s15], [sflag:$0x2] =	stream.indirect.gather [hbm4b:s5+s16], $0x10, s13, s16, $0xb8;
	[tilespmem:$0x11A10] =	vst v63  }
0x79: {  	s2 =	simm.s32 $0x8C0;
	s13 =	simm.s32 $0x9880  }
0x7a: {  	[tilespmem:s13], [sflag:$0x2] =	stream.indirect.gather [hbm4b:s5+s16], $0x10, s2, s16, $0xb8;
	[tilespmem:$0x11A10] =	vst v63  }
0x7b: {  	_ = 	snop  }
0x7c: {  	[tilespmem:s18], [sflag:$0x2] =	stream.indirect.gather [hbm4b:s5+s16], $0x10, s17, s16, $0xb8;
	[tilespmem:$0x11A10] =	vst v63  }
0x7d: {  	_ = 	snop  }
0x7e: {  	[tilespmem:s21], [sflag:$0x2] =	stream.indirect.gather [hbm4b:s5+s16], $0x10, s19, s16, $0xb8;
	[tilespmem:$0x11A10] =	vst v63  }
0x7f: {  	_ = 	snop  }
0x80: {  	[tilespmem:s6], [sflag:$0x2] =	stream.indirect.gather [hbm4b:s5+s16], $0x10, s22, s16, $0xb8;
	[tilespmem:$0x11A10] =	vst v63  }
0x81: {  	_ = 	snop  }
0x82: {  	[tilespmem:s11], [sflag:$0x2] =	stream.indirect.gather [hbm4b:s5+s16], $0x10, s8, s16, $0xb8;
	[tilespmem:$0x11A10] =	vst v63  }
0x83: {  	_ = 	snop  }
0x84: {  	[tilespmem:s7], [sflag:$0x2] =	stream.indirect.gather [hbm4b:s5+s16], $0x10, s12, s16, $0xb8;
	[tilespmem:$0x11A10] =	vst v63  }
0x85: {  	_ = 	snop  }
0x86: {  	[tilespmem:s26], [sflag:$0x2] =	stream.indirect.gather [hbm4b:s5+s16], $0x10, s25, s16, $0xb8;
	[tilespmem:$0x11A10] =	vst v63  }
0x87: {  	s0 =	simm.s32 $0xD4E0  }
0x88: {  	[tilespmem:s29], [sflag:$0x2] =	stream.indirect.gather [hbm4b:s5+s20], $0x10, s28, s20, $0xb8;
	[tilespmem:$0x11A10] =	vst v63  }
0x89: {  	v6 =	vld [tilespmem:s0+$0x30]  }
0x8a: {  	v2 =	vld [tilespmem:s0+$0x40]  }
0x8b: {  	s15 =	simm.s32 $0x0;
	v1 =	vld [tilespmem:s0+$0x50]  }
0x8c: {  	v0 =	vld [tilespmem:s15+$0xCA2]  }
0x8d: {  	v4 =	vld [tilespmem:s15+$0x1922]  }
0x8e: {  	v7 =	vld [tilespmem:s15+$0x25A2]  }
0x8f: {  	v8 =	vld [tilespmem:s15+$0x3222]  }
0x90: {  	v9 =	vld [tilespmem:s15+$0x3EA2]  }
0x91: {  	v10 =	vld [tilespmem:s15+$0x4B22]  }
0x92: {  	v13 =	vld [tilespmem:s15+$0x57A2]  }
0x93: {  	v41 =	vld [tilespmem:s15+$0x6422]  }
0x94: {  	v28 =	vld [tilespmem:s0+$0x0]  }
0x95: {  	v5 =	vld [tilespmem:s0+$0x10];
	v15 =	vmul.f32 v0, v6  }
0x96: {  	v14 =	vld [tilespmem:s15+$0xCA0];
	v16 =	vmul.f32 v0, v2;
	v18 =	vmul.f32 v0, v1  }
0x97: {  	v17 =	vld [tilespmem:s15+$0x1920];
	v19 =	vmul.f32 v4, v6;
	v20 =	vmul.f32 v4, v2  }
0x98: {  	v23 =	vld [tilespmem:s0+$0xFFFFFFD0];
	v31 =	vmul.f32 v4, v1;
	v35 =	vmul.f32 v7, v6  }
0x99: {  	v32 =	vld [tilespmem:s15+$0xC90];
	v38 =	vmul.f32 v7, v2;
	v0 =	vmul.f32 v8, v6  }
0x9a: {  	v26 =	vld [tilespmem:s0+$0xFFFFFFA0];
	v27 =	vmul.f32 v8, v2;
	v34 =	vmul.f32 v8, v1  }
0x9b: {  	v42 =	vld [tilespmem:s15+$0xC80];
	v30 =	vmul.f32 v9, v6;
	v37 =	vmul.f32 v10, v6  }
0x9c: {  	v4 =	vld [tilespmem:s0+$0x20];
	v3 =	vmul.f32 v10, v2;
	v63 =	vmul.f32 v13, v6  }
0x9d: {  	v22 =	vld [tilespmem:s15+$0x3220];
	v61 =	vmul.f32 v13, v1;
	v33 =	vmul.f32 v41, v6  }
0x9e: {  	v25 =	vld [tilespmem:s0+$0xFFFFFFB0];
	v6 =	vmul.f32 v14, v28;
	v40 =	vmul.f32 v17, v28  }
0x9f: {  	v21 =	vld [tilespmem:s0+$0xFFFFFFC0];
	v43 =	vmul.f32 v17, v5;
	[tilespmem:$0x1FF70] =	vst v3;
	v3 =	vmul.f32 v10, v1  }
0xa0: {  	v45 =	vld [tilespmem:s15+$0x1910];
	v46 =	vmul.f32 v32, v23;
	v52 =	vmul.f32 v42, v26  }
0xa1: {  	v62 =	vimm.f32 $0.0e+00;
	[tilespmem:$0x1FF80] =	vst v3;
	v3 =	vmul.f32 v13, v2;
	v44 =	vmul.f32 v17, v4;
	v17 =	vld [tilespmem:s15+$0x1900]  }
0xa2: {  	v52 =	vadd.f32 v52, v62;
	v13 =	vmul.f32 v14, v5;
	v39 =	vmul.f32 v14, v4;
	v14 =	vld [tilespmem:s0+$0xFFFFFFE0]  }
0xa3: {  	v24 =	vld [tilespmem:s0+$0xFFFFFFF0];
	v11 =	vmul.f32 v9, v2;
	v36 =	vmul.f32 v9, v1  }
0xa4: {  	v50 =	vmul.f32 v22, v28;
	v53 =	vmul.f32 v42, v25;
	v46 =	vadd.f32 v46, v52  }
0xa5: {  	v51 =	vmul.f32 v22, v5;
	v42 =	vmul.f32 v42, v21  }
0xa6: {  	v53 =	vadd.f32 v53, v62;
	v10 =	vmul.f32 v45, v23;
	v6 =	vadd.f32 v6, v46  }
0xa7: {  	v8 =	vld [tilespmem:s15+$0x25A0];
	v42 =	vadd.f32 v42, v62;
	v54 =	vmul.f32 v17, v26;
	v55 =	vmul.f32 v32, v14  }
0xa8: {  	[tilespmem:$0x1FF90] =	vst v3;
	v3 =	vadd.f32 v15, v6;
	v32 =	vmul.f32 v32, v24;
	v60 =	vmul.f32 v17, v21  }
0xa9: {  	v52 =	vld [tilespmem:s15+$0x2580];
	v56 =	vmul.f32 v22, v4;
	v54 =	vadd.f32 v54, v62;
	v53 =	vadd.f32 v55, v53  }
0xaa: {  	v57 =	vmul.f32 v45, v14;
	v22 =	vadd.f32 v32, v42;
	v9 =	vadd.f32 v60, v62  }
0xab: {  	v45 =	vmul.f32 v45, v24;
	v58 =	vadd.f32 v10, v54;
	v54 =	vld [tilespmem:s15+$0x2590];
	v13 =	vadd.f32 v13, v53  }
0xac: {  	v29 =	vmul.f32 v7, v1;
	v47 =	vmul.f32 v8, v28;
	v22 =	vadd.f32 v39, v22;
	v39 =	vld [tilespmem:s15+$0x3EA0]  }
0xad: {  	v48 =	vmul.f32 v8, v5;
	[tilespmem:$0x1FFA0] =	vst v3;
	v60 =	vadd.f32 v45, v9;
	v9 =	vld [tilespmem:s15+$0x3200];
	v3 =	vadd.f32 v16, v13  }
0xae: {  	v6 =	vmul.f32 v52, v26;
	v59 =	vmul.f32 v17, v25;
	v40 =	vadd.f32 v40, v58  }
0xaf: {  	[tilespmem:$0x1FFB0] =	vst v3;
	v3 =	vadd.f32 v18, v22;
	v18 =	vld [tilespmem:s15+$0x4B20];
	v22 =	vmul.f32 v52, v25;
	v52 =	vmul.f32 v52, v21  }
0xb0: {  	v6 =	vadd.f32 v6, v62;
	v10 =	vmul.f32 v54, v23;
	v55 =	vmul.f32 v54, v14  }
0xb1: {  	v53 =	vld [tilespmem:s15+$0x3210];
	v42 =	vmul.f32 v39, v5;
	v7 =	vmul.f32 v39, v4;
	[tilespmem:$0x1FFC0] =	vst v3;
	v3 =	vadd.f32 v19, v40  }
0xb2: {  	v45 =	vmul.f32 v9, v26;
	v19 =	vadd.f32 v59, v62;
	v22 =	vadd.f32 v22, v62  }
0xb3: {  	v59 =	vadd.f32 v52, v62;
	v6 =	vadd.f32 v10, v6;
	v10 =	vmul.f32 v54, v24  }
0xb4: {  	v19 =	vadd.f32 v57, v19;
	v22 =	vadd.f32 v55, v22;
	v58 =	vmul.f32 v18, v28  }
0xb5: {  	v54 =	vld [tilespmem:s15+$0x57A0];
	v13 =	vmul.f32 v18, v5;
	v15 =	vmul.f32 v18, v4;
	v18 =	vadd.f32 v44, v60  }
0xb6: {  	v44 =	vmul.f32 v53, v23;
	v6 =	vadd.f32 v47, v6;
	v60 =	vadd.f32 v45, v62  }
0xb7: {  	v57 =	vmul.f32 v39, v28;
	v19 =	vadd.f32 v43, v19;
	v39 =	vadd.f32 v48, v22  }
0xb8: {  	v32 =	vld [tilespmem:s15+$0x6420];
	v46 =	vmul.f32 v9, v21;
	v43 =	vadd.f32 v10, v59;
	v44 =	vadd.f32 v44, v60  }
0xb9: {  	v49 =	vmul.f32 v8, v4;
	[tilespmem:$0x1FFD0] =	vst v3;
	v10 =	vld [tilespmem:s15+$0x3E80];
	v3 =	vadd.f32 v20, v19;
	v19 =	vadd.f32 v35, v6  }
0xba: {  	v59 =	vld [tilespmem:s15+$0x4B00];
	v35 =	vadd.f32 v46, v62;
	v47 =	vmul.f32 v54, v28;
	v48 =	vmul.f32 v54, v5  }
0xbb: {  	v6 =	vld [tilespmem:s15+$0x3E90];
	v44 =	vadd.f32 v50, v44;
	[tilespmem:$0x1FFE0] =	vst v3;
	v3 =	vadd.f32 v31, v18;
	v31 =	vmul.f32 v9, v25  }
0xbc: {  	v18 =	vadd.f32 v38, v39;
	v9 =	vmul.f32 v53, v14;
	v53 =	vmul.f32 v53, v24  }
0xbd: {  	v38 =	vmul.f32 v54, v4;
	v39 =	vmul.f32 v32, v28;
	v28 =	vadd.f32 v49, v43  }
0xbe: {  	v60 =	vmul.f32 v10, v26;
	v52 =	vmul.f32 v10, v21;
	v31 =	vadd.f32 v31, v62  }
0xbf: {  	v55 =	vld [tilespmem:s15+$0x5790];
	v22 =	vadd.f32 v0, v44;
	v0 =	vmul.f32 v59, v26;
	v35 =	vadd.f32 v53, v35  }
0xc0: {  	v28 =	vadd.f32 v29, v28;
	v43 =	vmul.f32 v6, v23;
	v31 =	vadd.f32 v9, v31  }
0xc1: {  	v49 =	vmul.f32 v6, v14;
	v0 =	vadd.f32 v0, v62;
	v35 =	vadd.f32 v56, v35  }
0xc2: {  	v9 =	vmul.f32 v10, v25;
	v10 =	vadd.f32 v60, v62;
	v46 =	vadd.f32 v51, v31;
	v51 =	vld [tilespmem:s15+$0x4B10]  }
0xc3: {  	v56 =	vmul.f32 v6, v24;
	v60 =	vadd.f32 v52, v62;
	v6 =	vld [tilespmem:s15+$0x5780];
	v17 =	vadd.f32 v34, v35  }
0xc4: {  	v52 =	vmul.f32 v55, v14;
	v40 =	vadd.f32 v9, v62;
	v34 =	vadd.f32 v43, v10  }
0xc5: {  	v10 =	vadd.f32 v56, v60;
	v56 =	vmul.f32 v59, v25;
	v20 =	vadd.f32 v27, v46  }
0xc6: {  	v35 =	vadd.f32 v49, v40;
	v34 =	vadd.f32 v57, v34;
	v57 =	vmul.f32 v59, v21  }
0xc7: {  	[tilespmem:$0x1FFF0] =	vst v3;
	v3 =	vadd.f32 v7, v10;
	v50 =	vadd.f32 v56, v62;
	v9 =	vmul.f32 v51, v23  }
0xc8: {  	v59 =	vmul.f32 v6, v25;
	v42 =	vadd.f32 v42, v35;
	v31 =	vadd.f32 v30, v34  }
0xc9: {  	v29 =	vadd.f32 v36, v3;
	v36 =	vimm.f32 $0.0e+00;
	v0 =	vadd.f32 v9, v0  }
0xca: {  	v34 =	vimm.f32 $0.0e+00;
	v53 =	vmul.f32 v51, v14;
	v54 =	vmul.f32 v51, v24  }
0xcb: {  	v51 =	vadd.f32 v57, v62;
	v0 =	vadd.f32 v58, v0;
	v58 =	vmul.f32 v6, v26  }
0xcc: {  	v49 =	vld [tilespmem:s15+$0x6400];
	v35 =	vimm.f32 $0.0e+00;
	v44 =	vadd.f32 v59, v62;
	v60 =	vadd.f32 v11, v42  }
0xcd: {  	s1 =	simm.s32 $0x100;
	v42 =	vmul.f32 v55, v23;
	v27 =	vadd.f32 v37, v0;
	v0 =	vld [tilespmem:s15+$0x6410];
	v43 =	vadd.f32 v58, v62  }
.LBB2_3:
0xce: {  	_ =	sdelay $0x2  }
0xcf: {  	v12 =	vmul.f32 v49, v21  }
0xd0: {  	s0 =	sadd.s32 $0xC0, s0;
	v23 =	vmul.f32 v0, v23;
	v26 =	vmul.f32 v49, v26  }
0xd1: {  	s2 =	sshra.s32 s1, $0x2;
	v11 =	vld [tilespmem:s0+$0x50];
	v10 =	vmul.f32 v0, v14;
	v0 =	vmul.f32 v0, v24;
	v12 =	vadd.f32 v12, v35  }
0xd2: {  	v37 =	vmul.f32 v55, v24;
	v24 =	vld [tilespmem:s2+$0x25A2];
	v8 =	vadd.f32 v26, v36  }
0xd3: {  	v4 =	vmul.f32 v32, v4;
	v46 =	vld [tilespmem:s0+$0x30];
	v0 =	vadd.f32 v0, v12  }
0xd4: {  	v8 =	vadd.f32 v23, v8;
	v23 =	vld [tilespmem:s2+$0x3222]  }
0xd5: {  	v58 =	vld [tilespmem:s0+$0x40];
	v0 =	vadd.f32 v4, v0;
	v4 =	vmul.f32 v41, v1  }
0xd6: {  	v1 =	vmov v11  }
0xd7: {  	v56 =	vadd.f32 v52, v44;
	v52 =	vadd.f32 v4, v0;
	v0 =	vmul.f32 v24, v1;
	_ =	sdelay $0x1  }
0xd8: {  	v3 =	vld [tilespmem:$0x1FF70];
	[tilespmem:$0x1FE60] =	vst v0;
	v0 =	vmul.f32 v23, v46  }
0xd9: {  	v50 =	vadd.f32 v53, v50;
	v26 =	vmul.f32 v41, v2;
	v2 =	vmov v58;
	v12 =	vld [tilespmem:s2+$0x3EA2]  }
0xda: {  	[tilespmem:$0x1FE70] =	vst v0;
	v0 =	vmul.f32 v23, v2  }
0xdb: {  	v57 =	vadd.f32 v13, v50  }
0xdc: {  	[tilespmem:$0x1FE80] =	vst v0;
	v0 =	vmul.f32 v23, v1  }
0xdd: {  	v3 =	vadd.f32 v3, v57  }
0xde: {  	[tilespmem:$0x1FE90] =	vst v0;
	v0 =	vmul.f32 v12, v46  }
0xdf: {  	v59 =	vld [tilespmem:s2+$0x4B22];
	[tilespmem:$0x1FF30] =	vst v3  }
0xe0: {  	v3 =	vld [tilespmem:$0x1FF80];
	[tilespmem:$0x1FEF0] =	vst v0;
	v0 =	vmul.f32 v12, v2  }
0xe1: {  	v51 =	vadd.f32 v54, v51  }
0xe2: {  	v42 =	vadd.f32 v42, v43;
	[tilespmem:$0x1FF00] =	vst v0;
	v0 =	vmul.f32 v12, v1  }
0xe3: {  	v45 =	vadd.f32 v15, v51;
	v25 =	vmul.f32 v49, v25  }
0xe4: {  	v6 =	vmul.f32 v6, v21;
	v47 =	vadd.f32 v47, v42;
	[tilespmem:$0x1FF10] =	vst v0;
	v0 =	vmul.f32 v59, v46  }
0xe5: {  	v21 =	vadd.f32 v25, v34;
	v35 =	vld [tilespmem:s2+$0x57A2];
	v3 =	vadd.f32 v3, v45  }
0xe6: {  	v9 =	vld [tilespmem:s2+$0xCA2];
	v6 =	vadd.f32 v6, v62;
	[tilespmem:$0x1FF20] =	vst v0;
	v0 =	vmul.f32 v59, v2  }
0xe7: {  	v5 =	vmul.f32 v32, v5;
	v10 =	vadd.f32 v10, v21;
	v41 =	vld [tilespmem:s2+$0x6422];
	[tilespmem:$0x1FF40] =	vst v3;
	v3 =	vadd.f32 v63, v47  }
0xe8: {  	v40 =	vld [tilespmem:s0+$0x0];
	[tilespmem:$0x1FF70] =	vst v0;
	v0 =	vmul.f32 v59, v1  }
0xe9: {  	v42 =	vld [tilespmem:s2+$0x3EA0];
	v6 =	vadd.f32 v37, v6;
	v5 =	vadd.f32 v5, v10;
	[tilespmem:$0x1FF50] =	vst v3  }
0xea: {  	v3 =	vld [tilespmem:$0x1FF90];
	[tilespmem:$0x1FF80] =	vst v0;
	v0 =	vmul.f32 v35, v2  }
0xeb: {  	v21 =	vadd.f32 v38, v6;
	v6 =	vadd.f32 v26, v5;
	v5 =	vld [tilespmem:s0+$0x10]  }
0xec: {  	v14 =	vld [tilespmem:s2+$0x1922];
	[tilespmem:$0x1FF90] =	vst v0;
	v0 =	vmul.f32 v41, v46  }
0xed: {  	v48 =	vadd.f32 v48, v56;
	v4 =	vld [tilespmem:s0+$0x20]  }
0xee: {  	v45 =	vld [tilespmem:s2+$0x3220];
	[tilespmem:$0x1FEE0] =	vst v0;
	v0 =	vmul.f32 v42, v40  }
0xef: {  	v3 =	vadd.f32 v3, v48;
	v48 =	vld [tilespmem:s2+$0x4B20]  }
0xf0: {  	v44 =	vmul.f32 v9, v46;
	[tilespmem:$0x1FEA0] =	vst v0;
	v0 =	vmul.f32 v42, v5  }
0xf1: {  	v55 =	vmul.f32 v24, v46;
	v25 =	vadd.f32 v39, v8;
	v8 =	vmul.f32 v14, v46  }
0xf2: {  	v63 =	vmul.f32 v35, v46;
	[tilespmem:$0x1FEB0] =	vst v0;
	v0 =	vmul.f32 v42, v4  }
0xf3: {  	v50 =	vmov v27;
	v26 =	vld [tilespmem:s0+$0xFFFFFFA0];
	v27 =	vmul.f32 v45, v5;
	v56 =	vmul.f32 v45, v4  }
0xf4: {  	v46 =	vmul.f32 v45, v40;
	v45 =	vmov v28;
	v28 =	vld [tilespmem:s2+$0xC80];
	[tilespmem:$0x1FEC0] =	vst v0;
	v0 =	vmul.f32 v48, v40;
	_ =	sdelay $0x1  }
0xf5: {  	[tilespmem:$0x1FED0] =	vst v0;
	v0 =	vld [tilespmem:$0x1FFA0];
	_ =	sdelay $0x1  }
0xf6: {  	[tilespmem:$0x1FF60] =	vst v3;
	v3 =	vadd.f32 v61, v21;
	v21 =	vld [tilespmem:s2+$0x1920]  }
0xf7: {  	v43 =	vadd.f32 v33, v25;
	v25 =	vld [tilespmem:s0+$0xFFFFFFB0];
	v33 =	vmul.f32 v28, v26  }
0xf8: {  	v32 =	vld [tilespmem:s2+$0x6420]  }
0xf9: {  	v33 =	vadd.f32 v33, v0;
	v0 =	vld [tilespmem:$0x1FFB0]  }
0xfa: {  	v30 =	vld [tilespmem:s2+$0x1910]  }
0xfb: {  	v58 =	vmov v17;
	v17 =	vld [tilespmem:s2+$0xC90];
	v13 =	vmul.f32 v21, v40;
	v15 =	vmul.f32 v21, v5  }
0xfc: {  	v16 =	vmul.f32 v21, v4;
	v21 =	vld [tilespmem:s0+$0xFFFFFFC0];
	v34 =	vmul.f32 v28, v25  }
0xfd: {  	v54 =	vmul.f32 v14, v2;
	v53 =	vmul.f32 v14, v1;
	v14 =	vld [tilespmem:s2+$0xCA0]  }
0xfe: {  	v34 =	vadd.f32 v34, v0;
	v0 =	vld [tilespmem:$0x1FFC0]  }
0xff: {  	v62 =	vmul.f32 v24, v2;
	v24 =	vld [tilespmem:s2+$0x25A0]  }
0x100: {  	v36 =	vmul.f32 v9, v2;
	v7 =	vmul.f32 v9, v1;
	v9 =	vld [tilespmem:s2+$0x57A0]  }
0x101: {  	v28 =	vmul.f32 v28, v21;
	v42 =	vmov v29;
	v29 =	vld [tilespmem:s2+$0x1900]  }
0x102: {  	v39 =	vmul.f32 v32, v40;
	v23 =	vld [tilespmem:s0+$0xFFFFFFD0]  }
0x103: {  	v10 =	vmul.f32 v14, v40;
	v11 =	vmul.f32 v14, v5;
	v28 =	vadd.f32 v28, v0;
	v0 =	vld [tilespmem:$0x1FFD0]  }
0x104: {  	v37 =	vmul.f32 v24, v40;
	v12 =	vmul.f32 v14, v4;
	v14 =	vld [tilespmem:s0+$0xFFFFFFE0]  }
0x105: {  	v57 =	vmul.f32 v24, v5;
	v59 =	vmul.f32 v24, v4;
	v24 =	vld [tilespmem:s0+$0xFFFFFFF0]  }
0x106: {  	v47 =	vmul.f32 v9, v40;
	[tilespmem:$0x1FE50] =	vst v3;
	v3 =	vmul.f32 v29, v26  }
0x107: {  	v38 =	vmul.f32 v9, v4;
	v49 =	vmul.f32 v48, v5  }
0x108: {  	v51 =	vmul.f32 v48, v4;
	v3 =	vadd.f32 v3, v0;
	v0 =	vmul.f32 v30, v23  }
0x109: {  	v48 =	vmul.f32 v9, v5;
	v9 =	vmul.f32 v17, v23  }
0x10a: {  	v40 =	vmovc v31;
	v31 =	vmul.f32 v17, v14;
	v17 =	vmul.f32 v17, v24;
	v0 =	vadd.f32 v0, v3  }
0x10b: {  	v9 =	vadd.f32 v9, v33  }
0x10c: {  	v17 =	vadd.f32 v17, v28;
	v0 =	vadd.f32 v13, v0  }
0x10d: {  	v9 =	vadd.f32 v10, v9;
	v31 =	vadd.f32 v31, v34  }
0x10e: {  	v12 =	vadd.f32 v12, v17;
	v0 =	vadd.f32 v8, v0  }
0x10f: {  	v61 =	vmul.f32 v35, v1;
	v35 =	vld [tilespmem:s2+$0x2580];
	v34 =	vmov v6;
	v6 =	vadd.f32 v44, v9  }
0x110: {  	v10 =	vadd.f32 v11, v31;
	v7 =	vadd.f32 v7, v12;
	[tilespmem:$0x1FFD0] =	vst v0;
	v0 =	vld [tilespmem:$0x1FFE0]  }
0x111: {  	[tilespmem:$0x1FFA0] =	vst v6;
	v28 =	vld [tilespmem:s2+$0x2590]  }
0x112: {  	v33 =	vmul.f32 v30, v14;
	v6 =	vadd.f32 v36, v10;
	[tilespmem:$0x1FFC0] =	vst v7;
	v7 =	vld [tilespmem:$0x1FFF0]  }
0x113: {  	v3 =	vmul.f32 v30, v24;
	v30 =	vmul.f32 v29, v25  }
0x114: {  	[tilespmem:$0x1FFB0] =	vst v6;
	v6 =	vmul.f32 v35, v25  }
0x115: {  	v11 =	vmul.f32 v29, v21;
	v0 =	vadd.f32 v30, v0  }
0x116: {  	v36 =	vmovc v43;
	v17 =	vld [tilespmem:s2+$0x3210];
	v6 =	vadd.f32 v6, v18;
	v43 =	vmul.f32 v28, v14;
	v13 =	vmul.f32 v35, v26  }
0x117: {  	v7 =	vadd.f32 v11, v7;
	v0 =	vadd.f32 v33, v0  }
0x118: {  	v9 =	vmul.f32 v28, v23;
	v6 =	vadd.f32 v43, v6;
	v8 =	vld [tilespmem:s2+$0x3200];
	v44 =	vadd.f32 v13, v19  }
0x119: {  	v3 =	vadd.f32 v3, v7;
	v0 =	vadd.f32 v15, v0  }
0x11a: {  	v6 =	vadd.f32 v57, v6;
	v9 =	vadd.f32 v9, v44  }
0x11b: {  	v10 =	vmul.f32 v17, v23;
	v3 =	vadd.f32 v16, v3;
	v0 =	vadd.f32 v54, v0  }
0x11c: {  	v44 =	vmul.f32 v35, v21;
	v18 =	vadd.f32 v62, v6;
	v7 =	vmul.f32 v28, v24  }
0x11d: {  	v9 =	vadd.f32 v37, v9;
	v12 =	vmul.f32 v8, v26;
	[tilespmem:$0x1FFE0] =	vst v0;
	v0 =	vadd.f32 v53, v3  }
0x11e: {  	v6 =	vadd.f32 v44, v45;
	v37 =	vmul.f32 v17, v14;
	v15 =	vmul.f32 v8, v25  }
0x11f: {  	[tilespmem:$0x1FFF0] =	vst v0;
	v0 =	vmul.f32 v8, v21;
	v8 =	vadd.f32 v12, v22;
	v12 =	vmul.f32 v17, v24;
	v17 =	vld [tilespmem:$0x1FE60]  }
0x120: {  	v6 =	vadd.f32 v7, v6;
	_ =	sdelay $0x1  }
0x121: {  	v6 =	vadd.f32 v59, v6;
	_ =	sdelay $0x1  }
0x122: {  	v28 =	vadd.f32 v17, v6;
	v6 =	vld [tilespmem:$0x1FE70]  }
0x123: {  	v7 =	vadd.f32 v10, v8;
	_ =	sdelay $0x1  }
0x124: {  	v7 =	vadd.f32 v46, v7  }
0x125: {  	v43 =	vadd.f32 v15, v20  }
0x126: {  	v22 =	vadd.f32 v6, v7;
	v7 =	vld [tilespmem:$0x1FE80]  }
0x127: {  	v19 =	vadd.f32 v55, v9;
	v9 =	vadd.f32 v37, v43;
	_ =	sdelay $0x1  }
0x128: {  	v3 =	vld [tilespmem:s2+$0x3E80];
	v9 =	vadd.f32 v27, v9  }
0x129: {  	v13 =	vld [tilespmem:s2+$0x3E90];
	v0 =	vadd.f32 v0, v58  }
0x12a: {  	v20 =	vadd.f32 v7, v9;
	v7 =	vld [tilespmem:$0x1FE90]  }
0x12b: {  	v0 =	vadd.f32 v12, v0;
	_ =	sdelay $0x1  }
0x12c: {  	v45 =	vmul.f32 v3, v26;
	v0 =	vadd.f32 v56, v0  }
0x12d: {  	v56 =	vld [tilespmem:$0x1FEA0]  }
0x12e: {  	v8 =	vmul.f32 v13, v23;
	v17 =	vadd.f32 v7, v0;
	v0 =	vadd.f32 v45, v40;
	_ =	sdelay $0x1  }
0x12f: {  	v0 =	vadd.f32 v8, v0  }
0x130: {  	v16 =	vmul.f32 v3, v25  }
0x131: {  	v10 =	vadd.f32 v56, v0;
	v0 =	vld [tilespmem:$0x1FEB0]  }
0x132: {  	v44 =	vmul.f32 v13, v14;
	v7 =	vadd.f32 v16, v60;
	_ =	sdelay $0x1  }
0x133: {  	v7 =	vadd.f32 v44, v7  }
0x134: {  	v15 =	vld [tilespmem:s2+$0x4B00];
	v3 =	vmul.f32 v3, v21  }
0x135: {  	v7 =	vadd.f32 v0, v7;
	v0 =	vld [tilespmem:$0x1FEC0]  }
0x136: {  	v12 =	vld [tilespmem:s2+$0x4B10];
	v46 =	vmul.f32 v13, v24;
	v3 =	vadd.f32 v3, v42  }
0x137: {  	v59 =	vld [tilespmem:$0x1FF10]  }
0x138: {  	v3 =	vadd.f32 v46, v3  }
0x139: {  	v6 =	vmul.f32 v15, v26  }
0x13a: {  	v3 =	vadd.f32 v0, v3;
	v0 =	vld [tilespmem:$0x1FED0]  }
0x13b: {  	v50 =	vadd.f32 v6, v50;
	v16 =	vmul.f32 v12, v23  }
0x13c: {  	v29 =	vadd.f32 v59, v3;
	v3 =	vld [tilespmem:$0x1FF20]  }
0x13d: {  	v8 =	vadd.f32 v16, v50;
	_ =	sdelay $0x1  }
0x13e: {  	v8 =	vadd.f32 v0, v8;
	_ =	sdelay $0x1  }
0x13f: {  	v27 =	vadd.f32 v3, v8;
	v3 =	vld [tilespmem:$0x1FF30];
	_ =	sdelay $0x2  }
0x140: {  	v35 =	vmov v52;
	v52 =	vmul.f32 v15, v25;
	_ =	sdelay $0x1  }
0x141: {  	v50 =	vadd.f32 v52, v3;
	v3 =	vld [tilespmem:$0x1FF40];
	_ =	sdelay $0x2  }
0x142: {  	v57 =	vmul.f32 v15, v21;
	v6 =	vld [tilespmem:s2+$0x5780];
	_ =	sdelay $0x1  }
0x143: {  	v15 =	vmov v51;
	v51 =	vadd.f32 v57, v3;
	v3 =	vld [tilespmem:$0x1FF50];
	_ =	sdelay $0x1  }
0x144: {  	v55 =	vld [tilespmem:s2+$0x5790];
	v53 =	vmul.f32 v12, v14  }
0x145: {  	v58 =	vld [tilespmem:$0x1FF00];
	v54 =	vmul.f32 v12, v24;
	v12 =	vmul.f32 v6, v26  }
0x146: {  	v16 =	vld [tilespmem:$0x1FEF0]  }
0x147: {  	p0 =	sne.s32 s1, $0x3100;
	v43 =	vadd.f32 v12, v3;
	v3 =	vld [tilespmem:$0x1FF60]  }
.Ltmp2:
0x148: {  	_ = 	snop;
	(pc) =	sbr.rel @p0 .LBB2_3-.Ltmp2, $4  }
0x149: {  	v62 =	vld [tilespmem:$0x1FE50]  }
0x14a: {  	v33 =	vld [tilespmem:$0x1FEE0];
	v60 =	vadd.f32 v58, v7;
	v7 =	vmul.f32 v6, v25  }
0x14b: {  	v13 =	vmov v49;
	v49 =	vld [tilespmem:s2+$0x6400];
	v42 =	vmul.f32 v55, v23  }
0x14c: {  	s1 =	sadd.s32 $0x100, s1;
	v31 =	vadd.f32 v16, v10;
	v0 =	vld [tilespmem:s2+$0x6410];
	v52 =	vmul.f32 v55, v14;
	v44 =	vadd.f32 v7, v3  }
0x14d: {  	v3 =	vld [tilespmem:$0x1FFA0];
	_ =	sdelay $0x1  }
0x14e: {  	v7 =	vadd.f32 v54, v51;
	_ =	sdelay $0x1  }
0x14f: {  	v7 =	vadd.f32 v15, v7;
	v15 =	vld [tilespmem:$0x1FF70]  }
0x150: {  	(xrf2) =	vadd.scan.msk.f32 $0xffff, v3;
	v3 =	vadd.f32 v53, v50  }
0x151: {  	v9 =	vld [tilespmem:$0x1FFB0]  }
0x152: {  	v12 =	vld [tilespmem:$0x1FFC0];
	v3 =	vadd.f32 v13, v3;
	_ =	sdelay $0x1  }
0x153: {  	v3 =	vadd.f32 v15, v3;
	v15 =	vld [tilespmem:$0x1FF80];
	_ =	sdelay $0x1  }
0x154: {  	v16 =	vld [tilespmem:$0x1FF90];
	(xrf2) =	vadd.scan.msk.f32 $0xffff, v9  }
0x155: {  	(xrf2) =	vadd.scan.msk.f32 $0xffff, v12;
	v12 =	vld [tilespmem:$0x1FFD0]  }
0x156: {  	v13 =	vld [tilespmem:$0x1FFE0]  }
0x157: {  	v7 =	vadd.f32 v15, v7;
	v15 =	vld [tilespmem:$0x1FFF0]  }
0x158: {  	v6 =	vmul.f32 v6, v21;
	v10 =	vadd.f32 v52, v44  }
0x159: {  	v8 =	vmul.f32 v55, v24  }
0x15a: {  	v4 =	vmul.f32 v32, v4;
	v6 =	vadd.f32 v6, v62;
	v10 =	vadd.f32 v48, v10;
	(xrf2) =	vadd.scan.msk.f32 $0xffff, v12  }
0x15b: {  	v11 =	vmul.f32 v0, v23;
	v12 =	vmul.f32 v49, v26;
	(xrf2) =	vadd.scan.msk.f32 $0xffff, v13  }
0x15c: {  	v6 =	vadd.f32 v8, v6;
	v10 =	vadd.f32 v16, v10;
	v13 =	vmul.f32 v49, v25;
	(xrf2) =	vadd.scan.msk.f32 $0xffff, v15  }
0x15d: {  	v9 =	vadd.f32 v42, v43;
	v12 =	vadd.f32 v12, v36;
	v15 =	vmul.f32 v49, v21;
	(xrf2) =	vadd.scan.msk.f32 $0xffff, v19  }
0x15e: {  	v14 =	vmul.f32 v0, v14;
	v6 =	vadd.f32 v38, v6;
	v13 =	vadd.f32 v13, v34;
	(xrf2) =	vadd.scan.msk.f32 $0xffff, v18  }
0x15f: {  	v0 =	vmul.f32 v0, v24;
	v9 =	vadd.f32 v47, v9;
	v15 =	vadd.f32 v15, v35;
	(xrf2) =	vadd.scan.msk.f32 $0xffff, v28  }
0x160: {  	v6 =	vadd.f32 v61, v6;
	v8 =	vadd.f32 v11, v12;
	(xrf2) =	vadd.scan.msk.f32 $0xffff, v22  }
0x161: {  	v5 =	vmul.f32 v32, v5;
	v11 =	vadd.f32 v14, v13;
	v12, _, _ =	vpop (xrf2);
	v0 =	vadd.f32 v0, v15;
	(xrf2) =	vadd.scan.msk.f32 $0xffff, v20  }
0x162: {  	v2 =	vmul.f32 v41, v2;
	v9 =	vadd.f32 v63, v9;
	v8 =	vadd.f32 v39, v8;
	v13, _, _ =	vpop (xrf2);
	(xrf2) =	vadd.scan.msk.f32 $0xffff, v17  }
0x163: {  	v1 =	vmul.f32 v41, v1;
	v5 =	vadd.f32 v5, v11;
	v0 =	vadd.f32 v4, v0;
	v4, _, _ =	vpop (xrf2);
	(xrf2) =	vadd.scan.msk.f32 $0xffff, v31  }
0x164: {  	v14 =	vld [tilespmem:$0xFA00];
	v11 =	vbroadcast v12, $0xF;
	v8 =	vadd.f32 v33, v8;
	v17 =	vimm.f32 $0.0e+00;
	v12, _, _ =	vpop (xrf2);
	(xrf2) =	vadd.scan.msk.f32 $0xffff, v60  }
0x165: {  	v13 =	vbroadcast v13, $0xF;
	v20 =	vsel vm0, $0x3F800000, v17;
	v15, _, _ =	vpop (xrf2);
	v12 =	vbroadcast v12, $0xF;
	(xrf2) =	vadd.scan.msk.f32 $0xffff, v29  }
0x166: {  	v19 =	vsel vm1, $0x3F800000, v17;
	v4 =	vbroadcast v4, $0xF;
	v18 =	vsel vm2, $0x3F800000, v17;
	v16, _, _ =	vpop (xrf2);
	(xrf2) =	vadd.scan.msk.f32 $0xffff, v27  }
0x167: {  	v11 =	vmul.f32 v20, v11;
	v0 =	vadd.f32 v1, v0;
	v1 =	vmul.f32 v20, v12;
	v17, _, _ =	vpop (xrf2);
	(xrf2) =	vadd.scan.msk.f32 $0xffff, v3  }
0x168: {  	v2 =	vadd.f32 v2, v5;
	v3 =	vmul.f32 v18, v4;
	v4 =	vbroadcast v15, $0xF;
	v5, _, _ =	vpop (xrf2);
	(xrf2) =	vadd.scan.msk.f32 $0xffff, v7  }
0x169: {  	v13 =	vmul.f32 v19, v13;
	v12, _, _ =	vpop (xrf2);
	(xrf2) =	vadd.scan.msk.f32 $0xffff, v9;
	v9 =	vadd.f32 v14, v11;
	v11 =	vbroadcast v17, $0xF  }
0x16a: {  	v1 =	vadd.f32 v14, v1;
	v4 =	vmul.f32 v19, v4;
	v5 =	vbroadcast v5, $0xF;
	v15, _, _ =	vpop (xrf2);
	(xrf2) =	vadd.scan.msk.f32 $0xffff, v10  }
0x16b: {  	v10, _, _ =	vpop (xrf2);
	(xrf2) =	vadd.scan.msk.f32 $0xffff, v6;
	v6 =	vadd.f32 v9, v13;
	v9 =	vmul.f32 v20, v11;
	v11 =	vbroadcast v12, $0xF  }
0x16c: {  	v7 =	vbroadcast v16, $0xF  }
0x16d: {  	v1 =	vadd.f32 v1, v4;
	v4 =	vmul.f32 v19, v5;
	v5 =	vbroadcast v15, $0xF;
	v12, _, _ =	vpop (xrf2);
	(xrf2) =	vadd.scan.msk.f32 $0xffff, v8  }
0x16e: {  	v7 =	vmul.f32 v18, v7;
	v10 =	vbroadcast v10, $0xF;
	v8, _, _ =	vpop (xrf2)  }
0x16f: {  	v3 =	vadd.f32 v6, v3;
	v6 =	vmul.f32 v18, v11;
	(xrf2) =	vadd.scan.msk.f32 $0xffff, v2;
	v5 =	vmul.f32 v20, v5;
	v11, _, _ =	vpop (xrf2)  }
0x170: {  	v1 =	vadd.f32 v1, v7;
	v7 =	vbroadcast v12, $0xF;
	v9 =	vadd.f32 v14, v9;
	v2, _, _ =	vpop (xrf2)  }
0x171: {  	v10 =	vmul.f32 v19, v10;
	v8 =	vbroadcast v8, $0xF;
	(xrf2) =	vadd.scan.msk.f32 $0xffff, v0;
	v5 =	vadd.f32 v14, v5;
	v12, _, _ =	vpop (xrf2)  }
0x172: {  	v7 =	vmul.f32 v18, v7;
	v4 =	vadd.f32 v9, v4;
	v11 =	vbroadcast v11, $0xF;
	v0, _, _ =	vpop (xrf2)  }
0x173: {  	v8 =	vmul.f32 v20, v8;
	v2 =	vbroadcast v2, $0xF;
	v5 =	vadd.f32 v5, v10;
	v13, _, _ =	vpop (xrf2)  }
0x174: {  	v4 =	vadd.f32 v4, v6;
	v10 =	vmul.f32 v19, v11;
	v11 =	vbroadcast v12, $0xF;
	v9, _, _ =	vpop (xrf2)  }
0x175: {  	v8 =	vadd.f32 v14, v8;
	v2 =	vmul.f32 v18, v2;
	v0 =	vbroadcast v0, $0xF;
	v12, _, _ =	vpop (xrf2)  }
0x176: {  	v5 =	vadd.f32 v5, v7;
	v7 =	vmul.f32 v20, v11;
	v11 =	vbroadcast v13, $0xF;
	v6, _, _ =	vpop (xrf2)  }
0x177: {  	v8 =	vadd.f32 v8, v10;
	v9 =	vbroadcast v9, $0xF;
	v10 =	vbroadcast v12, $0xF;
	v13, _, _ =	vpop (xrf2)  }
0x178: {  	v0 =	vmul.f32 v19, v0;
	v7 =	vadd.f32 v14, v7;
	v13 =	vbroadcast v13, $0xF  }
0x179: {  	s0 =	sshll.u32 s31, $0x8;
	[tilespmem:$0x1FDC0] =	vst v20;
	v11 =	vmul.f32 v18, v11;
	v9 =	vmul.f32 v20, v9;
	v15, _, _ =	vpop (xrf2)  }
0x17a: {  	s0 =	sand.u32 $0x3FFFFF00, s0;
	[tilespmem:$0x1FDD0] =	vst v19;
	v0 =	vadd.f32 v7, v0;
	v12 =	vbroadcast v15, $0xF;
	v7 =	vmul.f32 v20, v13  }
0x17b: {  	[tilespmem:s0+$0xFA10] =	vst v3;
	v6 =	vbroadcast v6, $0xF;
	v3 =	vadd.f32 v14, v9;
	v9 =	vmul.f32 v19, v10;
	v10, _, _ =	vpop (xrf2)  }
0x17c: {  	[tilespmem:s0+$0xFA20] =	vst v1;
	v10 =	vbroadcast v10, $0xF;
	v1 =	vadd.f32 v14, v7;
	v7 =	vmul.f32 v19, v12  }
0x17d: {  	[tilespmem:s0+$0xFA30] =	vst v4;
	v2 =	vadd.f32 v8, v2;
	v4 =	vmul.f32 v18, v6;
	v3 =	vadd.f32 v3, v9  }
0x17e: {  	s1 =	sshll.u32 s31, $0x1;
	p0 =	seq.s32 s31, $0x1F;
	[tilespmem:s0+$0xFA40] =	vst v5;
	v0 =	vadd.f32 v0, v11;
	v5 =	vmul.f32 v18, v10;
	v1 =	vadd.f32 v1, v7  }
0x17f: {  	s2 =	sadd.s32 @!p0 s1, s9;
	[tilespmem:s0+$0xFA50] =	vst v2;
	v2 =	vadd.f32 v3, v4  }
0x180: {  	s2 =	smul.u32 @!p0 $0xC8, s2;
	[tilespmem:s0+$0xFA60] =	vst v0;
	v0 =	vadd.f32 v1, v5  }
0x181: {  	[tilespmem:s0+$0xFA70] =	vst v2  }
0x182: {  	s13 =	simm.s32 @!p0 $0x0;
	s2 =	sadd.s32 @!p0 s4, s2;
	[tilespmem:s0+$0xFA80] =	vst v0  }
0x183: {  	[tilespmem:s13], [sflag:$0x4] =	stream.linear.gather @!p0 [hbm4b:s2+s13], $0x640, $0x38;
	[tilespmem:$0x11A10] =	vst v63  }
0x184: {  	[tilespmem:$0x1FDE0] =	vst v18;
	s2 =	simm.s32 @!p0 $0x4  }
0x185: {  	_ =	swait.ge @!p0 [sflag:s2], $0x640  }
0x186: {  	[sflag:s2] =	ssyncset.done @!p0 $0x0  }
0x187: {  	[sflag:s2] =	ssyncadd.s32 @!p0 $0xFFFFF9C0  }
0x188: {  	_ =	swait.ge [sflag:s30], $0x800  }
0x189: {  	[sflag:s30] =	ssyncset.done $0x0  }
0x18a: {  	[sflag:s30] =	ssyncadd.s32 $0xFFFFF800  }
0x18b: {  	_ =	swait.ge [sflag:s30], $0x800  }
0x18c: {  	[sflag:s30] =	ssyncset.done $0x0  }
0x18d: {  	[sflag:s30] =	ssyncadd.s32 $0xFFFFF800  }
0x18e: {  	_ =	swait.ge [sflag:s30], $0x800  }
0x18f: {  	[sflag:s30] =	ssyncset.done $0x0  }
0x190: {  	[sflag:s30] =	ssyncadd.s32 $0xFFFFF800  }
0x191: {  	_ =	swait.ge [sflag:s30], $0x800  }
0x192: {  	[sflag:s30] =	ssyncset.done $0x0  }
0x193: {  	[sflag:s30] =	ssyncadd.s32 $0xFFFFF800  }
0x194: {  	_ =	swait.ge [sflag:s30], $0x800  }
0x195: {  	[sflag:s30] =	ssyncset.done $0x0  }
0x196: {  	[sflag:s30] =	ssyncadd.s32 $0xFFFFF800  }
0x197: {  	_ =	swait.ge [sflag:s30], $0x800  }
0x198: {  	[sflag:s30] =	ssyncset.done $0x0  }
0x199: {  	[sflag:s30] =	ssyncadd.s32 $0xFFFFF800  }
0x19a: {  	_ =	swait.ge [sflag:s30], $0x800  }
0x19b: {  	[sflag:s30] =	ssyncset.done $0x0  }
0x19c: {  	[sflag:s30] =	ssyncadd.s32 $0xFFFFF800  }
0x19d: {  	_ =	swait.ge [sflag:s30], $0x800  }
0x19e: {  	[sflag:s30] =	ssyncset.done $0x0  }
0x19f: {  	[sflag:s30] =	ssyncadd.s32 $0xFFFFF800  }
0x1a0: {  	_ =	swait.ge [sflag:s30], $0x800  }
0x1a1: {  	[sflag:s30] =	ssyncset.done $0x0  }
0x1a2: {  	[sflag:s30] =	ssyncadd.s32 $0xFFFFF800  }
0x1a3: {  	_ =	swait.ge [sflag:s30], $0x800  }
0x1a4: {  	[sflag:s30] =	ssyncset.done $0x0  }
0x1a5: {  	[sflag:s30] =	ssyncadd.s32 $0xFFFFF800  }
0x1a6: {  	_ =	swait.ge [sflag:s30], $0x800  }
0x1a7: {  	[sflag:s30] =	ssyncset.done $0x0  }
0x1a8: {  	[sflag:s30] =	ssyncadd.s32 $0xFFFFF800  }
0x1a9: {  	_ =	swait.ge [sflag:s30], $0x800  }
0x1aa: {  	[sflag:s30] =	ssyncset.done $0x0  }
0x1ab: {  	[sflag:s30] =	ssyncadd.s32 $0xFFFFF800  }
0x1ac: {  	_ =	swait.ge [sflag:s30], $0x400  }
0x1ad: {  	[sflag:s30] =	ssyncset.done $0x0  }
0x1ae: {  	s15 =	simm.s32 @!p0 $0xC80;
	s2 =	simm.s32 @!p0 $0x80;
	[sflag:s30] =	ssyncadd.s32 $0xFFFFFC00  }
0x1af: {  	[tilespmem:s15], [sflag:$0x1] =	stream.indirect.gather @!p0 [hbm4b:s5+s2], $0x10, s13, s2, $0xb8;
	[tilespmem:$0x11A10] =	vst v63  }
0x1b0: {  	s13 =	simm.s32 @!p0 $0x1480  }
0x1b1: {  	[tilespmem:s13], [sflag:$0x1] =	stream.indirect.gather @!p0 [hbm4b:s5+s2], $0x10, s2, s2, $0xb8;
	[tilespmem:$0x11A10] =	vst v63  }
0x1b2: {  	s15 =	simm.s32 @!p0 $0x1C80;
	s13 =	simm.s32 @!p0 $0x100  }
0x1b3: {  	[tilespmem:s15], [sflag:$0x1] =	stream.indirect.gather @!p0 [hbm4b:s5+s2], $0x10, s13, s2, $0xb8;
	[tilespmem:$0x11A10] =	vst v63  }
0x1b4: {  	s13 =	simm.s32 @!p0 $0x180;
	s15 =	simm.s32 @!p0 $0x2480  }
0x1b5: {  	[tilespmem:s15], [sflag:$0x1] =	stream.indirect.gather @!p0 [hbm4b:s5+s2], $0x10, s13, s2, $0xb8;
	[tilespmem:$0x11A10] =	vst v63  }
0x1b6: {  	s13 =	simm.s32 @!p0 $0x200;
	s15 =	simm.s32 @!p0 $0x2C80  }
0x1b7: {  	[tilespmem:s15], [sflag:$0x1] =	stream.indirect.gather @!p0 [hbm4b:s5+s2], $0x10, s13, s2, $0xb8;
	[tilespmem:$0x11A10] =	vst v63  }
0x1b8: {  	s13 =	simm.s32 @!p0 $0x280;
	s15 =	simm.s32 @!p0 $0x3480  }
0x1b9: {  	[tilespmem:s15], [sflag:$0x1] =	stream.indirect.gather @!p0 [hbm4b:s5+s2], $0x10, s13, s2, $0xb8;
	[tilespmem:$0x11A10] =	vst v63  }
0x1ba: {  	s13 =	simm.s32 @!p0 $0x300;
	s15 =	simm.s32 @!p0 $0x3C80  }
0x1bb: {  	[tilespmem:s15], [sflag:$0x1] =	stream.indirect.gather @!p0 [hbm4b:s5+s2], $0x10, s13, s2, $0xb8;
	[tilespmem:$0x11A10] =	vst v63  }
0x1bc: {  	s13 =	simm.s32 @!p0 $0x380;
	s15 =	simm.s32 @!p0 $0x4480  }
0x1bd: {  	[tilespmem:s15], [sflag:$0x1] =	stream.indirect.gather @!p0 [hbm4b:s5+s2], $0x10, s13, s2, $0xb8;
	[tilespmem:$0x11A10] =	vst v63  }
0x1be: {  	s13 =	simm.s32 @!p0 $0x400;
	s15 =	simm.s32 @!p0 $0x4C80  }
0x1bf: {  	[tilespmem:s15], [sflag:$0x1] =	stream.indirect.gather @!p0 [hbm4b:s5+s2], $0x10, s13, s2, $0xb8;
	[tilespmem:$0x11A10] =	vst v63  }
0x1c0: {  	s13 =	simm.s32 @!p0 $0x480;
	s15 =	simm.s32 @!p0 $0x5480  }
0x1c1: {  	[tilespmem:s15], [sflag:$0x1] =	stream.indirect.gather @!p0 [hbm4b:s5+s2], $0x10, s13, s2, $0xb8;
	[tilespmem:$0x11A10] =	vst v63  }
0x1c2: {  	s13 =	simm.s32 @!p0 $0x500;
	s15 =	simm.s32 @!p0 $0x5C80  }
0x1c3: {  	[tilespmem:s15], [sflag:$0x1] =	stream.indirect.gather @!p0 [hbm4b:s5+s2], $0x10, s13, s2, $0xb8;
	[tilespmem:$0x11A10] =	vst v63  }
0x1c4: {  	s13 =	simm.s32 @!p0 $0x580;
	s15 =	simm.s32 @!p0 $0x6480  }
0x1c5: {  	[tilespmem:s15], [sflag:$0x1] =	stream.indirect.gather @!p0 [hbm4b:s5+s2], $0x10, s13, s2, $0xb8;
	[tilespmem:$0x11A10] =	vst v63  }
0x1c6: {  	s2 =	simm.s32 @!p0 $0x40;
	s13 =	simm.s32 @!p0 $0x600;
	s15 =	simm.s32 @!p0 $0x6C80  }
0x1c7: {  	[tilespmem:s15], [sflag:$0x1] =	stream.indirect.gather @!p0 [hbm4b:s5+s2], $0x10, s13, s2, $0xb8;
	[tilespmem:$0x11A10] =	vst v63  }
0x1c8: {  	s2 =	simm.s32 $0xD4E0  }
0x1c9: {  	v9 =	vld [tilespmem:s2+$0x30]  }
0x1ca: {  	v5 =	vld [tilespmem:s2+$0x40]  }
0x1cb: {  	s15 =	simm.s32 $0x0;
	v4 =	vld [tilespmem:s2+$0x50]  }
0x1cc: {  	v0 =	vld [tilespmem:s15+$0x70A2]  }
0x1cd: {  	v1 =	vld [tilespmem:s15+$0x7D22]  }
0x1ce: {  	v2 =	vld [tilespmem:s15+$0x89A2]  }
0x1cf: {  	v10 =	vld [tilespmem:s15+$0x9622]  }
0x1d0: {  	v11 =	vld [tilespmem:s15+$0xA2A2]  }
0x1d1: {  	v12 =	vld [tilespmem:s15+$0xAF22]  }
0x1d2: {  	v16 =	vld [tilespmem:s15+$0xBBA2]  }
0x1d3: {  	v44 =	vld [tilespmem:s15+$0xC822]  }
0x1d4: {  	v3 =	vld [tilespmem:s2+$0x0]  }
0x1d5: {  	v8 =	vld [tilespmem:s2+$0x10];
	v17 =	vmul.f32 v0, v9  }
0x1d6: {  	v7 =	vld [tilespmem:s2+$0x20];
	v18 =	vmul.f32 v0, v5;
	v21 =	vmul.f32 v0, v4  }
0x1d7: {  	v19 =	vld [tilespmem:s15+$0x70A0];
	v23 =	vmul.f32 v1, v9;
	v26 =	vmul.f32 v1, v5  }
0x1d8: {  	v20 =	vld [tilespmem:s15+$0x7D20];
	v32 =	vmul.f32 v1, v4;
	v33 =	vmul.f32 v2, v9  }
0x1d9: {  	v25 =	vld [tilespmem:s15+$0x89A0];
	v35 =	vmul.f32 v2, v5;
	v30 =	vmul.f32 v2, v4  }
0x1da: {  	v28 =	vld [tilespmem:s15+$0x9620];
	v0 =	vmul.f32 v10, v9;
	v1 =	vmul.f32 v10, v5  }
0x1db: {  	v24 =	vld [tilespmem:s2+$0xFFFFFFD0];
	v2 =	vmul.f32 v10, v4;
	v34 =	vmul.f32 v11, v9  }
0x1dc: {  	v31 =	vld [tilespmem:s15+$0x7090];
	v36 =	vmul.f32 v11, v5;
	v39 =	vmul.f32 v11, v4  }
0x1dd: {  	v29 =	vld [tilespmem:s2+$0xFFFFFFA0];
	v40 =	vmul.f32 v12, v9;
	v14 =	vmul.f32 v12, v5  }
0x1de: {  	v27 =	vld [tilespmem:s2+$0xFFFFFFB0];
	v62 =	vmul.f32 v12, v4;
	v59 =	vmul.f32 v16, v9  }
0x1df: {  	v60 =	vld [tilespmem:s15+$0x7080];
	v61 =	vmul.f32 v16, v5;
	v58 =	vmul.f32 v16, v4  }
0x1e0: {  	v22 =	vld [tilespmem:s2+$0xFFFFFFC0];
	v57 =	vmul.f32 v44, v9;
	v9 =	vmul.f32 v19, v3  }
0x1e1: {  	v48 =	vld [tilespmem:s15+$0x7D10];
	v37 =	vmul.f32 v19, v8;
	v38 =	vmul.f32 v20, v3  }
0x1e2: {  	v42 =	vmul.f32 v20, v8;
	v43 =	vmul.f32 v20, v7;
	v20 =	vld [tilespmem:s15+$0x7D00]  }
0x1e3: {  	v16 =	vld [tilespmem:s2+$0xFFFFFFE0];
	v45 =	vmul.f32 v25, v3;
	v46 =	vmul.f32 v25, v8  }
0x1e4: {  	v47 =	vmul.f32 v25, v7;
	v25 =	vld [tilespmem:s2+$0xFFFFFFF0];
	v50 =	vmul.f32 v60, v29  }
0x1e5: {  	v15 =	vimm.f32 $0.0e+00;
	v19 =	vmul.f32 v19, v7;
	v51 =	vmul.f32 v60, v27  }
0x1e6: {  	v49 =	vmul.f32 v31, v24;
	v41 =	vmul.f32 v60, v22;
	v50 =	vadd.f32 v50, v15  }
0x1e7: {  	v52 =	vmul.f32 v28, v3;
	v51 =	vadd.f32 v51, v15;
	v63 =	vmul.f32 v20, v29  }
0x1e8: {  	v41 =	vadd.f32 v41, v15;
	v49 =	vadd.f32 v49, v50;
	v60 =	vmul.f32 v31, v16  }
0x1e9: {  	v31 =	vmul.f32 v31, v25;
	v54 =	vadd.f32 v63, v15;
	v63 =	vmul.f32 v48, v24  }
0x1ea: {  	v53 =	vmul.f32 v28, v8;
	v50 =	vld [tilespmem:s15+$0x8980];
	v9 =	vadd.f32 v9, v49;
	v51 =	vadd.f32 v60, v51  }
0x1eb: {  	v56 =	vmul.f32 v28, v7;
	v28 =	vadd.f32 v31, v41;
	v41 =	vadd.f32 v63, v54;
	v54 =	vld [tilespmem:s15+$0x8990]  }
0x1ec: {  	v31 =	vmul.f32 v48, v16;
	v6 =	vadd.f32 v17, v9;
	v37 =	vadd.f32 v37, v51;
	v51 =	vld [tilespmem:s15+$0xA2A0]  }
0x1ed: {  	v48 =	vmul.f32 v48, v25;
	v63 =	vmul.f32 v20, v22  }
0x1ee: {  	v60 =	vmul.f32 v20, v27;
	v28 =	vadd.f32 v19, v28;
	[tilespmem:$0x1FDF0] =	vst v6;
	v6 =	vadd.f32 v18, v37  }
0x1ef: {  	v9 =	vmul.f32 v50, v29;
	v38 =	vadd.f32 v38, v41;
	v37 =	vadd.f32 v63, v15  }
0x1f0: {  	[tilespmem:$0x1FE00] =	vst v6;
	v6 =	vadd.f32 v21, v28;
	v28 =	vmul.f32 v50, v27;
	v50 =	vmul.f32 v50, v22  }
0x1f1: {  	v9 =	vadd.f32 v9, v15;
	v21 =	vld [tilespmem:s15+$0xAF20];
	v63 =	vmul.f32 v54, v16;
	v55 =	vmul.f32 v51, v3  }
0x1f2: {  	v10 =	vmul.f32 v51, v7;
	[tilespmem:$0x1FE10] =	vst v6;
	v6 =	vadd.f32 v23, v38;
	v23 =	vadd.f32 v60, v15  }
0x1f3: {  	v41 =	vld [tilespmem:s15+$0x9610];
	v60 =	vmul.f32 v54, v24;
	v28 =	vadd.f32 v28, v15;
	v50 =	vadd.f32 v50, v15  }
0x1f4: {  	v38 =	vmul.f32 v51, v8;
	v23 =	vadd.f32 v31, v23;
	v31 =	vadd.f32 v48, v37;
	v37 =	vld [tilespmem:s15+$0x9600]  }
0x1f5: {  	v54 =	vmul.f32 v54, v25;
	v9 =	vadd.f32 v60, v9;
	v28 =	vadd.f32 v63, v28  }
0x1f6: {  	v11 =	vmul.f32 v21, v3;
	v13 =	vmul.f32 v21, v8;
	v23 =	vadd.f32 v42, v23  }
0x1f7: {  	v49 =	vmul.f32 v21, v7;
	v21 =	vadd.f32 v43, v31;
	v9 =	vadd.f32 v45, v9  }
0x1f8: {  	[tilespmem:$0x1FE20] =	vst v6;
	v43 =	vmul.f32 v41, v24;
	v45 =	vld [tilespmem:s15+$0xBBA0];
	v46 =	vadd.f32 v46, v28;
	v6 =	vadd.f32 v26, v23  }
0x1f9: {  	v31 =	vld [tilespmem:s15+$0xC820];
	v23 =	vadd.f32 v33, v9;
	v60 =	vmul.f32 v37, v29;
	v63 =	vmul.f32 v37, v27  }
0x1fa: {  	v9 =	vld [tilespmem:s15+$0xA290];
	v48 =	vmul.f32 v37, v22;
	[tilespmem:$0x1FE30] =	vst v6;
	v6 =	vadd.f32 v32, v21;
	v21 =	vadd.f32 v35, v46  }
0x1fb: {  	v46 =	vmul.f32 v41, v16;
	v35 =	vadd.f32 v54, v50;
	v51 =	vadd.f32 v60, v15  }
0x1fc: {  	v32 =	vadd.f32 v63, v15;
	v33 =	vadd.f32 v48, v15;
	v63 =	vmul.f32 v41, v25  }
0x1fd: {  	v60 =	vld [tilespmem:s15+$0xA280];
	v50 =	vmul.f32 v45, v3;
	v41 =	vmul.f32 v45, v7;
	v37 =	vadd.f32 v43, v51  }
0x1fe: {  	v32 =	vadd.f32 v46, v32;
	v51 =	vmul.f32 v45, v8;
	v33 =	vadd.f32 v63, v33  }
0x1ff: {  	v45 =	vld [tilespmem:s15+$0xAF00];
	v43 =	vmul.f32 v31, v3;
	v3 =	vadd.f32 v47, v35;
	v46 =	vmul.f32 v9, v24  }
0x200: {  	v47 =	vmul.f32 v9, v16;
	v37 =	vadd.f32 v52, v37;
	v32 =	vadd.f32 v53, v32  }
0x201: {  	v9 =	vmul.f32 v9, v25;
	v52 =	vld [tilespmem:s15+$0xAF10];
	v35 =	vadd.f32 v56, v33;
	v26 =	vadd.f32 v30, v3  }
0x202: {  	v48 =	vmul.f32 v60, v29;
	v3 =	vmul.f32 v60, v27;
	v63 =	vadd.f32 v0, v37  }
0x203: {  	v42 =	vmul.f32 v60, v22;
	v60 =	vadd.f32 v1, v32;
	v17 =	vadd.f32 v2, v35  }
0x204: {  	v0 =	vmul.f32 v45, v29;
	v2 =	vadd.f32 v48, v15;
	v3 =	vadd.f32 v3, v15  }
0x205: {  	v1 =	vld [tilespmem:s15+$0xBB80];
	v33 =	vadd.f32 v42, v15;
	v42 =	vmul.f32 v45, v27;
	v45 =	vmul.f32 v45, v22  }
0x206: {  	v0 =	vadd.f32 v0, v15;
	v35 =	vmul.f32 v52, v24;
	v46 =	vadd.f32 v46, v2  }
0x207: {  	v47 =	vadd.f32 v47, v3;
	v2 =	vmul.f32 v52, v16;
	v37 =	vadd.f32 v9, v33  }
0x208: {  	v3 =	vmul.f32 v52, v25;
	v53 =	vadd.f32 v42, v15;
	v54 =	vadd.f32 v45, v15  }
0x209: {  	v9 =	vld [tilespmem:s15+$0xBB90];
	v33 =	vimm.f32 $0.0e+00;
	v0 =	vadd.f32 v35, v0;
	v46 =	vadd.f32 v55, v46  }
0x20a: {  	v47 =	vadd.f32 v38, v47;
	v37 =	vadd.f32 v10, v37;
	v38 =	vmul.f32 v1, v29  }
0x20b: {  	v48 =	vmul.f32 v1, v27;
	v0 =	vadd.f32 v11, v0;
	v32 =	vadd.f32 v34, v46  }
0x20c: {  	v35 =	vimm.f32 $0.0e+00;
	v30 =	vadd.f32 v36, v47;
	v28 =	vadd.f32 v39, v37  }
0x20d: {  	v52 =	vld [tilespmem:s15+$0xC800];
	v46 =	vadd.f32 v38, v15;
	v47 =	vadd.f32 v48, v15;
	v34 =	vimm.f32 $0.0e+00  }
0x20e: {  	s13 =	simm.s32 $0x100;
	[tilespmem:$0x1FE40] =	vst v6;
	v45 =	vmul.f32 v9, v24;
	v55 =	vmul.f32 v9, v16;
	v18 =	vadd.f32 v40, v0;
	v0 =	vld [tilespmem:s15+$0xC810]  }
.LBB2_5:
0x20f: {  	_ = 	snop  }
0x210: {  	v2 =	vadd.f32 v2, v53;
	_ =	sdelay $0x1  }
0x211: {  	v3 =	vadd.f32 v3, v54;
	v2 =	vadd.f32 v13, v2  }
0x212: {  	v45 =	vadd.f32 v45, v46  }
0x213: {  	v9 =	vmul.f32 v9, v25;
	s2 =	sadd.s32 $0xC0, s2;
	v3 =	vadd.f32 v49, v3;
	v2 =	vadd.f32 v14, v2  }
0x214: {  	v1 =	vmul.f32 v1, v22;
	v53 =	vadd.f32 v55, v47;
	v48 =	vld [tilespmem:s2+$0x30];
	v54 =	vadd.f32 v50, v45  }
0x215: {  	s15 =	sshra.s32 s13, $0x2;
	v56 =	vld [tilespmem:s2+$0x40];
	v24 =	vmul.f32 v0, v24;
	[tilespmem:$0x1FD60] =	vst v2;
	v2 =	vadd.f32 v62, v3;
	v3 =	vmul.f32 v52, v22  }
0x216: {  	v12 =	vld [tilespmem:s15+$0x70A2];
	v29 =	vmul.f32 v52, v29;
	v27 =	vmul.f32 v52, v27;
	v1 =	vadd.f32 v1, v15  }
0x217: {  	v13 =	vmul.f32 v0, v16;
	v0 =	vmul.f32 v0, v25;
	v16 =	vld [tilespmem:s15+$0x89A2];
	v3 =	vadd.f32 v3, v34  }
0x218: {  	v11 =	vadd.f32 v29, v35;
	v14 =	vld [tilespmem:s15+$0x7D22];
	v15 =	vadd.f32 v27, v33  }
0x219: {  	v1 =	vadd.f32 v9, v1;
	[tilespmem:$0x1FD80] =	vst v2;
	v2 =	vld [tilespmem:s2+$0x50];
	v0 =	vadd.f32 v0, v3;
	v3 =	vmul.f32 v31, v7  }
0x21a: {  	v8 =	vmul.f32 v31, v8;
	v29 =	vld [tilespmem:s15+$0x7D20];
	v9 =	vadd.f32 v24, v11;
	v11 =	vadd.f32 v13, v15  }
0x21b: {  	v55 =	vadd.f32 v51, v53;
	v22 =	vld [tilespmem:s15+$0x9622];
	v0 =	vadd.f32 v3, v0;
	v3 =	vmul.f32 v44, v4  }
0x21c: {  	v6 =	vadd.f32 v59, v54;
	v15 =	vmul.f32 v44, v5;
	v8 =	vadd.f32 v8, v11;
	v34 =	vld [tilespmem:s15+$0xA2A0]  }
0x21d: {  	v7 =	vadd.f32 v43, v9;
	v43 =	vld [tilespmem:s2+$0x0];
	v3 =	vadd.f32 v3, v0;
	v0 =	vmul.f32 v16, v48  }
0x21e: {  	v35 =	vld [tilespmem:s15+$0xAF20];
	[tilespmem:$0x1FD90] =	vst v6;
	v6 =	vadd.f32 v61, v55;
	v4 =	vmov v2  }
0x21f: {  	v5 =	vmov v56;
	v46 =	vadd.f32 v15, v8;
	v8 =	vld [tilespmem:s2+$0x10];
	[tilespmem:$0x1FC70] =	vst v0;
	v0 =	vmul.f32 v16, v4  }
0x220: {  	[tilespmem:$0x1FCC0] =	vst v18;
	v37 =	vmul.f32 v12, v5;
	v55 =	vmul.f32 v16, v5;
	v52 =	vadd.f32 v57, v7;
	v7 =	vld [tilespmem:s2+$0x20]  }
0x221: {  	v27 =	vld [tilespmem:s15+$0x70A0];
	v11 =	vmul.f32 v14, v48;
	[tilespmem:$0x1FC80] =	vst v0;
	v0 =	vmul.f32 v22, v48  }
0x222: {  	v13 =	vld [tilespmem:s15+$0xA2A2];
	[tilespmem:$0x1FDB0] =	vst v6;
	v54 =	vmul.f32 v14, v5;
	v6 =	vmul.f32 v34, v43  }
0x223: {  	v40 =	vmov v17;
	v33 =	vld [tilespmem:s15+$0x9620];
	v17 =	vmul.f32 v29, v43;
	[tilespmem:$0x1FC90] =	vst v0;
	v0 =	vmul.f32 v22, v5  }
0x224: {  	v36 =	vld [tilespmem:s15+$0x7080];
	v18 =	vmul.f32 v29, v8;
	[tilespmem:$0x1FCD0] =	vst v6;
	v6 =	vmul.f32 v35, v43  }
0x225: {  	v19 =	vmul.f32 v29, v7;
	v29 =	vld [tilespmem:s2+$0xFFFFFFA0];
	[tilespmem:$0x1FCA0] =	vst v0;
	v0 =	vmul.f32 v22, v4  }
0x226: {  	v20 =	vld [tilespmem:s15+$0x7090];
	v53 =	vmul.f32 v14, v4;
	[tilespmem:$0x1FD00] =	vst v6;
	v6 =	vmul.f32 v35, v8  }
0x227: {  	v24 =	vld [tilespmem:s15+$0xAF22];
	v14 =	vmul.f32 v27, v8;
	[tilespmem:$0x1FCB0] =	vst v0;
	v0 =	vmul.f32 v13, v48  }
0x228: {  	v47 =	vmovc v28;
	v45 =	vmov v30;
	v28 =	vmul.f32 v33, v43;
	v30 =	vmul.f32 v33, v8;
	[tilespmem:$0x1FD70] =	vst v6;
	v6 =	vld [tilespmem:$0x1FDF0]  }
0x229: {  	v15 =	vmul.f32 v27, v7;
	v22 =	vld [tilespmem:s15+$0x89A0];
	[tilespmem:$0x1FD10] =	vst v0;
	v0 =	vmul.f32 v13, v5  }
0x22a: {  	v25 =	vld [tilespmem:s15+$0xBBA2];
	v1 =	vadd.f32 v41, v1;
	v56 =	vmul.f32 v33, v7;
	v33 =	vmul.f32 v36, v29  }
0x22b: {  	[tilespmem:$0x1FD20] =	vst v0;
	v0 =	vmul.f32 v13, v4;
	v13 =	vmul.f32 v27, v43;
	v27 =	vld [tilespmem:s2+$0xFFFFFFB0]  }
0x22c: {  	v1 =	vadd.f32 v58, v1;
	v9 =	vmul.f32 v12, v48;
	v44 =	vld [tilespmem:s15+$0xC822];
	v10 =	vmul.f32 v12, v4  }
0x22d: {  	v61 =	vmul.f32 v34, v8;
	v33 =	vadd.f32 v33, v6;
	v6 =	vld [tilespmem:$0x1FE00];
	[tilespmem:$0x1FD30] =	vst v0;
	v0 =	vmul.f32 v24, v48  }
0x22e: {  	[tilespmem:$0x1FDA0] =	vst v1;
	v12 =	vld [tilespmem:s15+$0xBBA0];
	v62 =	vmul.f32 v34, v7;
	v1 =	vmul.f32 v22, v43  }
0x22f: {  	v16 =	vld [tilespmem:s2+$0xFFFFFFE0];
	v2 =	vmul.f32 v22, v8;
	[tilespmem:$0x1FD40] =	vst v0;
	v0 =	vmul.f32 v24, v5  }
0x230: {  	v42 =	vmul.f32 v22, v7;
	v22 =	vld [tilespmem:s2+$0xFFFFFFC0];
	v34 =	vmul.f32 v36, v27  }
0x231: {  	[tilespmem:$0x1FD50] =	vst v0;
	v0 =	vmul.f32 v24, v4;
	v24 =	vld [tilespmem:s2+$0xFFFFFFD0]  }
0x232: {  	v34 =	vadd.f32 v34, v6;
	v6 =	vld [tilespmem:$0x1FE10]  }
0x233: {  	v39 =	vmul.f32 v25, v48;
	v58 =	vld [tilespmem:s15+$0x7D00];
	[tilespmem:$0x1FCF0] =	vst v0;
	v0 =	vmul.f32 v25, v5  }
0x234: {  	v59 =	vld [tilespmem:s15+$0x7D10];
	v38 =	vmul.f32 v44, v48;
	v50 =	vmul.f32 v12, v43  }
0x235: {  	v57 =	vmul.f32 v36, v22;
	[tilespmem:$0x1FCE0] =	vst v0;
	v0 =	vmul.f32 v25, v4;
	v25 =	vld [tilespmem:s2+$0xFFFFFFF0]  }
0x236: {  	v41 =	vmov v32;
	v51 =	vmul.f32 v12, v8;
	v32 =	vmul.f32 v20, v16  }
0x237: {  	v48 =	vmul.f32 v12, v7;
	v12 =	vmul.f32 v20, v24;
	v57 =	vadd.f32 v57, v6;
	v6 =	vld [tilespmem:$0x1FE20]  }
0x238: {  	v49 =	vmul.f32 v35, v7;
	v36 =	vmul.f32 v58, v29  }
0x239: {  	v32 =	vadd.f32 v32, v34;
	v12 =	vadd.f32 v12, v33;
	v33 =	vmul.f32 v59, v16  }
0x23a: {  	v20 =	vmul.f32 v20, v25;
	v34 =	vmul.f32 v59, v25  }
0x23b: {  	v12 =	vadd.f32 v13, v12;
	v13 =	vadd.f32 v14, v32;
	v14 =	vmul.f32 v58, v22  }
0x23c: {  	v35 =	vadd.f32 v36, v6;
	v6 =	vmul.f32 v59, v24;
	v20 =	vadd.f32 v20, v57  }
0x23d: {  	v59 =	vmovc v39;
	v39 =	vmul.f32 v58, v27;
	v58 =	vmov v0;
	v0 =	vadd.f32 v9, v12  }
0x23e: {  	v6 =	vadd.f32 v6, v35  }
0x23f: {  	v15 =	vadd.f32 v15, v20;
	[tilespmem:$0x1FDF0] =	vst v0;
	v0 =	vadd.f32 v37, v13;
	_ =	sdelay $0x1  }
0x240: {  	v6 =	vadd.f32 v17, v6;
	[tilespmem:$0x1FE00] =	vst v0;
	v0 =	vadd.f32 v10, v15;
	_ =	sdelay $0x1  }
0x241: {  	[tilespmem:$0x1FE10] =	vst v0;
	v0 =	vadd.f32 v11, v6;
	_ =	sdelay $0x1  }
0x242: {  	[tilespmem:$0x1FE20] =	vst v0;
	v0 =	vld [tilespmem:$0x1FE30];
	_ =	sdelay $0x4  }
0x243: {  	v6 =	vadd.f32 v39, v0;
	v0 =	vld [tilespmem:$0x1FE40];
	_ =	sdelay $0x4  }
0x244: {  	v36 =	vld [tilespmem:s15+$0x8980];
	v6 =	vadd.f32 v33, v6;
	v10 =	vadd.f32 v14, v0;
	_ =	sdelay $0x1  }
0x245: {  	v35 =	vld [tilespmem:s15+$0x8990];
	v6 =	vadd.f32 v18, v6;
	v10 =	vadd.f32 v34, v10;
	_ =	sdelay $0x1  }
0x246: {  	v0 =	vadd.f32 v54, v6;
	v10 =	vadd.f32 v19, v10  }
0x247: {  	v17 =	vmul.f32 v36, v29  }
0x248: {  	[tilespmem:$0x1FE30] =	vst v0;
	v0 =	vadd.f32 v53, v10  }
0x249: {  	v9 =	vmul.f32 v36, v27;
	v12 =	vmul.f32 v35, v24;
	v13 =	vadd.f32 v17, v23  }
0x24a: {  	[tilespmem:$0x1FE40] =	vst v0;
	v0 =	vld [tilespmem:$0x1FC70]  }
0x24b: {  	v9 =	vadd.f32 v9, v21;
	v12 =	vadd.f32 v12, v13;
	v14 =	vmul.f32 v35, v16;
	_ =	sdelay $0x1  }
0x24c: {  	v12 =	vadd.f32 v1, v12;
	v9 =	vadd.f32 v14, v9;
	v14 =	vmul.f32 v36, v22  }
0x24d: {  	v11 =	vld [tilespmem:s15+$0x9600]  }
0x24e: {  	v15 =	vmul.f32 v35, v25;
	v23 =	vadd.f32 v0, v12;
	v0 =	vadd.f32 v14, v26  }
0x24f: {  	v20 =	vld [tilespmem:s15+$0x9610]  }
0x250: {  	v0 =	vadd.f32 v15, v0;
	v15 =	vld [tilespmem:$0x1FC80];
	_ =	sdelay $0x1  }
0x251: {  	v17 =	vmul.f32 v11, v29  }
0x252: {  	v0 =	vadd.f32 v42, v0  }
0x253: {  	v13 =	vmul.f32 v20, v24;
	v1 =	vadd.f32 v17, v63  }
0x254: {  	v26 =	vadd.f32 v15, v0;
	v0 =	vld [tilespmem:$0x1FC90]  }
0x255: {  	v1 =	vadd.f32 v13, v1  }
0x256: {  	v9 =	vadd.f32 v2, v9;
	v19 =	vmul.f32 v11, v27  }
0x257: {  	v1 =	vadd.f32 v28, v1  }
0x258: {  	v6 =	vmul.f32 v20, v16;
	v21 =	vadd.f32 v55, v9;
	v9 =	vadd.f32 v19, v60  }
0x259: {  	v63 =	vadd.f32 v0, v1;
	v1 =	vld [tilespmem:$0x1FCA0]  }
0x25a: {  	v6 =	vadd.f32 v6, v9  }
0x25b: {  	v2 =	vmul.f32 v11, v22  }
0x25c: {  	v6 =	vadd.f32 v30, v6  }
0x25d: {  	v2 =	vadd.f32 v2, v40;
	v10 =	vmul.f32 v20, v25  }
0x25e: {  	v60 =	vadd.f32 v1, v6;
	v1 =	vld [tilespmem:$0x1FCB0]  }
0x25f: {  	v2 =	vadd.f32 v10, v2  }
0x260: {  	v34 =	vmov v3;
	v3 =	vld [tilespmem:s15+$0xA280]  }
0x261: {  	v11 =	vld [tilespmem:s15+$0xAF00];
	v2 =	vadd.f32 v56, v2  }
0x262: {  	v13 =	vld [tilespmem:s15+$0xAF10]  }
0x263: {  	v17 =	vadd.f32 v1, v2;
	v1 =	vld [tilespmem:$0x1FCC0];
	_ =	sdelay $0x2  }
0x264: {  	v18 =	vld [tilespmem:s15+$0xA290];
	v14 =	vmul.f32 v3, v27;
	v0 =	vmul.f32 v11, v29;
	_ =	sdelay $0x1  }
0x265: {  	v6 =	vadd.f32 v14, v45;
	v14 =	vmul.f32 v13, v24;
	v0 =	vadd.f32 v0, v1  }
0x266: {  	v10 =	vmul.f32 v3, v29  }
0x267: {  	v0 =	vadd.f32 v14, v0;
	v14 =	vld [tilespmem:$0x1FCD0]  }
0x268: {  	v12 =	vmul.f32 v18, v24;
	v2 =	vadd.f32 v10, v41  }
0x269: {  	v9 =	vmul.f32 v18, v16;
	v10 =	vmul.f32 v18, v25;
	v18 =	vld [tilespmem:$0x1FD10]  }
0x26a: {  	v12 =	vadd.f32 v12, v2;
	_ =	sdelay $0x1  }
0x26b: {  	v12 =	vadd.f32 v14, v12;
	_ =	sdelay $0x1  }
0x26c: {  	v32 =	vadd.f32 v18, v12;
	v12 =	vld [tilespmem:$0x1FD20]  }
0x26d: {  	v6 =	vadd.f32 v9, v6  }
0x26e: {  	v3 =	vmul.f32 v3, v22  }
0x26f: {  	v6 =	vadd.f32 v61, v6  }
0x270: {  	v3 =	vadd.f32 v3, v47  }
0x271: {  	v30 =	vadd.f32 v12, v6;
	v12 =	vld [tilespmem:$0x1FD30]  }
0x272: {  	v10 =	vadd.f32 v10, v3;
	_ =	sdelay $0x1  }
0x273: {  	v10 =	vadd.f32 v62, v10;
	v14 =	vld [tilespmem:$0x1FD00];
	_ =	sdelay $0x1  }
0x274: {  	v28 =	vadd.f32 v12, v10;
	v10 =	vld [tilespmem:$0x1FD40];
	_ =	sdelay $0x2  }
0x275: {  	v14 =	vadd.f32 v14, v0;
	_ =	sdelay $0x1  }
0x276: {  	v18 =	vadd.f32 v10, v14;
	v10 =	vld [tilespmem:$0x1FD60];
	_ =	sdelay $0x1  }
0x277: {  	v2 =	vmul.f32 v13, v16  }
0x278: {  	v3 =	vmul.f32 v13, v25;
	v13 =	vmul.f32 v11, v27;
	_ =	sdelay $0x1  }
0x279: {  	v53 =	vadd.f32 v13, v10;
	v10 =	vld [tilespmem:$0x1FD80];
	_ =	sdelay $0x2  }
0x27a: {  	v11 =	vmul.f32 v11, v22;
	v1 =	vld [tilespmem:s15+$0xBB80];
	_ =	sdelay $0x1  }
0x27b: {  	v54 =	vadd.f32 v11, v10;
	v10 =	vld [tilespmem:$0x1FD90]  }
0x27c: {  	v31 =	vld [tilespmem:s15+$0xC820]  }
0x27d: {  	v35 =	vmov v52;
	v52 =	vld [tilespmem:s15+$0xC800]  }
0x27e: {  	v9 =	vld [tilespmem:s15+$0xBB90];
	v15 =	vmul.f32 v1, v29  }
0x27f: {  	v61 =	vld [tilespmem:$0x1FCE0]  }
0x280: {  	p1 =	sne.s32 s13, $0x3100;
	v33 =	vmov v46;
	v46 =	vadd.f32 v15, v10;
	v10 =	vld [tilespmem:$0x1FDB0]  }
.Ltmp3:
0x281: {  	v62 =	vld [tilespmem:$0x1FCF0];
	(pc) =	sbr.rel @p1 .LBB2_5-.Ltmp3, $4  }
0x282: {  	v0 =	vld [tilespmem:s15+$0xC810]  }
0x283: {  	v6 =	vmul.f32 v1, v27;
	v14 =	vld [tilespmem:$0x1FD50]  }
0x284: {  	v43 =	vmul.f32 v31, v43;
	v57 =	vmov v38;
	v13 =	vld [tilespmem:$0x1FD70]  }
0x285: {  	s13 =	sadd.s32 $0x100, s13;
	v41 =	vmovc v48;
	v45 =	vmul.f32 v9, v24;
	v55 =	vmul.f32 v9, v16;
	v15 =	vld [tilespmem:$0x1FDA0];
	v47 =	vadd.f32 v6, v10  }
0x286: {  	v6 =	vld [tilespmem:$0x1FDF0]  }
0x287: {  	v20 =	vld [tilespmem:$0x1FE00]  }
0x288: {  	v37 =	vld [tilespmem:$0x1FE10]  }
0x289: {  	v12 =	vld [tilespmem:$0x1FE20]  }
0x28a: {  	v39 =	vld [tilespmem:$0x1FE30]  }
0x28b: {  	v42 =	vld [tilespmem:$0x1FE40];
	(xrf2) =	vadd.scan.msk.f32 $0xffff, v6  }
0x28c: {  	(xrf2) =	vadd.scan.msk.f32 $0xffff, v20  }
0x28d: {  	v2 =	vadd.f32 v2, v53;
	v36 =	vmul.f32 v9, v25;
	(xrf2) =	vadd.scan.msk.f32 $0xffff, v37  }
0x28e: {  	v3 =	vadd.f32 v3, v54;
	v1 =	vmul.f32 v1, v22;
	v40 =	vmul.f32 v52, v29;
	(xrf2) =	vadd.scan.msk.f32 $0xffff, v12  }
0x28f: {  	v8 =	vmul.f32 v31, v8;
	v38 =	vadd.f32 v45, v46;
	v10 =	vadd.f32 v55, v47;
	(xrf2) =	vadd.scan.msk.f32 $0xffff, v39  }
0x290: {  	v45 =	vmul.f32 v52, v27;
	v3 =	vadd.f32 v49, v3;
	v2 =	vadd.f32 v13, v2;
	(xrf2) =	vadd.scan.msk.f32 $0xffff, v42  }
0x291: {  	v7 =	vmul.f32 v31, v7;
	v9 =	vadd.f32 v50, v38;
	v10 =	vadd.f32 v51, v10;
	(xrf2) =	vadd.scan.msk.f32 $0xffff, v23  }
0x292: {  	v11 =	vmul.f32 v0, v24;
	v13 =	vadd.f32 v45, v33;
	v3 =	vadd.f32 v62, v3;
	(xrf2) =	vadd.scan.msk.f32 $0xffff, v21  }
0x293: {  	v46 =	vmul.f32 v52, v22;
	v1 =	vadd.f32 v1, v15;
	v2 =	vadd.f32 v14, v2;
	(xrf2) =	vadd.scan.msk.f32 $0xffff, v26  }
0x294: {  	v47 =	vmul.f32 v0, v16;
	v9 =	vadd.f32 v59, v9;
	v10 =	vadd.f32 v61, v10;
	v20 =	vld [tilespmem:$0x1FDC0];
	(xrf2) =	vadd.scan.msk.f32 $0xffff, v63  }
0x295: {  	v48 =	vmul.f32 v0, v25;
	v14 =	vadd.f32 v46, v34;
	v12 =	vadd.f32 v40, v35;
	v50, _, _ =	vpop (xrf2);
	(xrf2) =	vadd.scan.msk.f32 $0xffff, v60  }
0x296: {  	v5 =	vmul.f32 v44, v5;
	v19 =	vld [tilespmem:$0x1FDD0];
	v51 =	vadd.f32 v47, v13;
	v1 =	vadd.f32 v36, v1;
	v52, _, _ =	vpop (xrf2);
	(xrf2) =	vadd.scan.msk.f32 $0xffff, v17  }
0x297: {  	v0 =	vadd.f32 v48, v14;
	v49 =	vadd.f32 v11, v12;
	v11 =	vbroadcast v50, $0xF;
	v53, _, _ =	vpop (xrf2);
	(xrf2) =	vadd.scan.msk.f32 $0xffff, v32  }
0x298: {  	v4 =	vmul.f32 v44, v4;
	v8 =	vadd.f32 v8, v51;
	v1 =	vadd.f32 v41, v1;
	v54, _, _ =	vpop (xrf2);
	(xrf2) =	vadd.scan.msk.f32 $0xffff, v30  }
0x299: {  	v0 =	vadd.f32 v7, v0;
	v7 =	vld [tilespmem:$0xFA00];
	v13 =	vbroadcast v52, $0xF;
	v11 =	vmul.f32 v20, v11;
	v55, _, _ =	vpop (xrf2);
	(xrf2) =	vadd.scan.msk.f32 $0xffff, v28  }
0x29a: {  	v59 =	vadd.f32 v5, v8;
	v14 =	vbroadcast v53, $0xF;
	v12 =	vbroadcast v54, $0xF;
	v56, _, _ =	vpop (xrf2);
	(xrf2) =	vadd.scan.msk.f32 $0xffff, v18;
	v18 =	vld [tilespmem:$0x1FDE0]  }
0x29b: {  	v1 =	vadd.f32 v58, v1;
	v13 =	vmul.f32 v19, v13;
	v61 =	vbroadcast v55, $0xF;
	v58, _, _ =	vpop (xrf2);
	(xrf2) =	vadd.scan.msk.f32 $0xffff, v2  }
0x29c: {  	v6 =	vadd.f32 v43, v49;
	v63 =	vmul.f32 v20, v12;
	v62, _, _ =	vpop (xrf2);
	(xrf2) =	vadd.scan.msk.f32 $0xffff, v3;
	v24 =	vbroadcast v58, $0xF  }
0x29d: {  	v0 =	vadd.f32 v4, v0;
	v21 =	vbroadcast v56, $0xF;
	v8 =	vmul.f32 v19, v61;
	v22, _, _ =	vpop (xrf2);
	(xrf2) =	vadd.scan.msk.f32 $0xffff, v9  }
0x29e: {  	v6 =	vadd.f32 v57, v6;
	v26 =	vbroadcast v62, $0xF;
	v25, _, _ =	vpop (xrf2);
	(xrf2) =	vadd.scan.msk.f32 $0xffff, v10;
	v29 =	vmul.f32 v20, v24  }
0x29f: {  	v23 =	vadd.f32 v7, v11;
	v30 =	vbroadcast v22, $0xF;
	v60 =	vmul.f32 v18, v14;
	v27, _, _ =	vpop (xrf2);
	(xrf2) =	vadd.scan.msk.f32 $0xffff, v1  }
0x2a0: {  	v3 =	vadd.f32 v7, v63;
	v4 =	vmul.f32 v18, v21;
	v34 =	vbroadcast v25, $0xF;
	v31, _, _ =	vpop (xrf2);
	(xrf2) =	vadd.scan.msk.f32 $0xffff, v6  }
0x2a1: {  	v28 =	vadd.f32 v23, v13;
	v33 =	vmul.f32 v19, v26;
	v35 =	vmul.f32 v18, v30;
	v32, _, _ =	vpop (xrf2)  }
0x2a2: {  	v3 =	vadd.f32 v3, v8;
	v36 =	vbroadcast v27, $0xF;
	(xrf2) =	vadd.scan.msk.f32 $0xffff, v59;
	v39 =	vmul.f32 v20, v34;
	v37, _, _ =	vpop (xrf2)  }
0x2a3: {  	v9 =	vadd.f32 v7, v29;
	v40 =	vbroadcast v31, $0xF;
	v6 =	vbroadcast v32, $0xF;
	v38, _, _ =	vpop (xrf2)  }
0x2a4: {  	v1 =	vadd.f32 v28, v60;
	v11 =	vmul.f32 v19, v36;
	(xrf2) =	vadd.scan.msk.f32 $0xffff, v0;
	v13 =	vbroadcast v37, $0xF;
	v41, _, _ =	vpop (xrf2)  }
0x2a5: {  	v3 =	vadd.f32 v3, v4;
	v10 =	vmul.f32 v18, v40;
	v6 =	vmul.f32 v20, v6;
	v42, _, _ =	vpop (xrf2)  }
0x2a6: {  	v8 =	vadd.f32 v9, v33;
	v2 =	vbroadcast v38, $0xF;
	v45 =	vmul.f32 v19, v13;
	v43, _, _ =	vpop (xrf2)  }
0x2a7: {  	v4 =	vadd.f32 v7, v39;
	v12 =	vbroadcast v41, $0xF;
	v0 =	vbroadcast v42, $0xF;
	v44, _, _ =	vpop (xrf2)  }
0x2a8: {  	v5 =	vadd.f32 v8, v35;
	v2 =	vmul.f32 v18, v2;
	v49 =	vbroadcast v43, $0xF;
	v46, _, _ =	vpop (xrf2)  }
0x2a9: {  	v4 =	vadd.f32 v4, v11;
	v48 =	vmul.f32 v20, v12;
	v0 =	vmul.f32 v19, v0;
	v47, _, _ =	vpop (xrf2)  }
0x2aa: {  	v6 =	vadd.f32 v7, v6;
	v9 =	vbroadcast v44, $0xF;
	v12 =	vmul.f32 v18, v49;
	v50, _, _ =	vpop (xrf2)  }
0x2ab: {  	v4 =	vadd.f32 v4, v10;
	v52 =	vbroadcast v46, $0xF;
	v14 =	vbroadcast v50, $0xF  }
0x2ac: {  	v10 =	vadd.f32 v7, v48;
	v9 =	vmul.f32 v20, v9;
	v8 =	vbroadcast v47, $0xF;
	v51, _, _ =	vpop (xrf2)  }
0x2ad: {  	v6 =	vadd.f32 v6, v45;
	v54 =	vbroadcast v51, $0xF;
	v53 =	vmul.f32 v20, v14  }
0x2ae: {  	[tilespmem:s0+$0xFA90] =	vst v1;
	v0 =	vadd.f32 v10, v0;
	v56 =	vmul.f32 v19, v52;
	v55 =	vadd.f32 v7, v9;
	v57, _, _ =	vpop (xrf2)  }
0x2af: {  	[tilespmem:s0+$0xFAA0] =	vst v3;
	v60 =	vbroadcast v57, $0xF;
	v59 =	vmul.f32 v19, v54;
	v58 =	vadd.f32 v7, v53  }
0x2b0: {  	[tilespmem:s0+$0xFAB0] =	vst v5;
	v2 =	vadd.f32 v6, v2;
	v61 =	vmul.f32 v18, v8;
	v1 =	vadd.f32 v55, v56  }
.Ltmp4:
0x2b1: {  	[tilespmem:s0+$0xFAC0] =	vst v4;
	v0 =	vadd.f32 v0, v12;
	v62 =	vmul.f32 v18, v60;
	v3 =	vadd.f32 v58, v59;
	(pc) =	sbr.rel @p0 .LBB2_8-.Ltmp4, $4  }
0x2b2: {  	[tilespmem:s0+$0xFAD0] =	vst v2;
	v1 =	vadd.f32 v1, v61  }
0x2b3: {  	[tilespmem:s0+$0xFAE0] =	vst v0;
	v63 =	vadd.f32 v3, v62  }
0x2b4: {  	[tilespmem:s0+$0xFAF0] =	vst v1  }
0x2b5: {  	[tilespmem:s0+$0xFB00] =	vst v63  }
0x2b6: {  	s0 =	sadd.s32 s1, s10  }
0x2b7: {  	s0 =	smul.u32 $0xC8, s0;
	_ =	sdelay $0x1  }
.Ltmp5:
0x2b8: {  	s0 =	sadd.s32 s4, s0;
	(pc) =	sbr.rel .LBB2_2-.Ltmp5, $4  }
0x2b9: {  	[tilespmem:s23], [sflag:$0x3] =	stream.linear.gather [hbm4b:s0+s3], $0x640, $0x38;
	[tilespmem:$0x11A10] =	vst v63  }
0x2ba: {  	_ =	swait.ge [sflag:s14], $0x640  }
0x2bb: {  	[sflag:s14] =	ssyncset.done $0x0  }
0x2bc: {  	s31 =	sadd.s32 $0x1, s31;
	[sflag:s14] =	ssyncadd.s32 $0xFFFFF9C0  }
.LBB2_9:
0x2bd: {  	_ =	sfence.sel $0x180000  }
0x2be: {  	[bflag:$0x0] =	sbarrier.arrive $0xFFFF  }
0x2bf: {  	_ =	strace $0x9000004A  }
0x2c0: {  	s0 =	stileid.u32;
	[bflag:$0x2] =	sbarrier.arrive $0xFFFF  }
0x2c1: {  	p0 =	sne.s32 s0, $0x0;
	s0 =	rddreg [dreg:$0x2]  }
0x2c2: {  	s0 =	sadd.s32 @!p0 $0x100000, s0  }
0x2c3: {  	[sflag:s0] =	ssyncadd.tile.s32 @!p0 $0x1;
	_ =	shalt  }
.Lfunc_end2:
_tile_overlayer_lowered:
.L_overlay_start_2:
0x2c4: {  	(tag) =	ssettag $0x2  }
0x2c5: {  	s0 =	rddreg [dreg:$0x0];
	s2 =	stileid.u32  }
0x2c6: {  	s1 =	rddreg [dreg:$0x1];
	p0 =	sne.s32 s2, $0x0  }
0x2c7: {  	s3 =	rddreg [dreg:$0x2];
	[bflag:$0x3] =	sbarrier.arrive $0xFFFF;
	s2 =	simm.s32 @!p0 $0x1C03  }
0x2c8: {  	[timem:s3], [sflag:s2] =	dma.local @!p0 [hbm:s0], s1  }
0x2c9: {  	s0 =	simm.s32 @!p0 $0x3  }
0x2ca: {  	_ =	swait.ge @!p0 [sflag:s0], s1  }
0x2cb: {  	s1 =	ssub.s32 @!p0 $0x0, s1;
	[sflag:s0] =	ssyncset.done @!p0 $0x0  }
0x2cc: {  	[sflag:s0] =	ssyncadd.s32 @!p0 s1  }
0x2cd: {  	[bflag:$0x3] =	sbarrier.arrive $0xFFFF  }
0x2ce: {  	_ =	shalt  }

// kernel: sparse-core-data-format-call.cloned.1.call-start
scs
called_computation_lowered:
.L_overlay_start_0:
0x0: {  	s2 =	sld [smem:$0x3FD9]  }
0x1: {  	s3 =	sld [smem:$0x3FFE];
	_ =	sdelay $0x1  }
0x2: {  	s1 =	srdreg.scid  }
0x3: {  	s0 =	sand.u32 $0x1, s1  }
0x4: {  	s18 =	sshll.u32 s0, $0xA;
	s2 =	sadd.s32 s3, s2  }
0x5: {  	s2 =	sadd.s32 s2, s18  }
0x6: {  	[smem:$0x3FC4] =	sst s2  }
0x7: {  	_ = 	snop  }
0x8: {  	s2 =	sld [smem:$0x3FC8];
	(tm) =	ssettm $0x1  }
0x9: {  	s19 =	sld [smem:$0x3FFB];
	_ =	sdelay $0x3  }
0xa: {  	_ =	strace s19  }
0xb: {  	s3 =	sld [smem:$0x3FFC];
	_ =	sdelay $0x3  }
0xc: {  	_ =	strace s3  }
0xd: {  	s3 =	sld [smem:$0x3FFD];
	_ =	sdelay $0x3  }
0xe: {  	_ =	strace s3  }
0xf: {  	_ =	strace $0x8FFFFFFF  }
0x10: {  	s20 =	sld [smem:$0x3FDB];
	_ =	sdelay $0x1  }
0x11: {  	s4 =	simm.s32 $_scs_section_size  }
0x12: {  	s5 =	simm.s32 $_size__tile_overlayer_lowered;
	s6 =	simm.s32 $_tile_overlayer_lowered  }
0x13: {  	s23 =	simm.s32 $0x1BFF;
	s22 =	sshll.u32 s6, $0x1;
	s3 =	sadd.s32 s4, s20  }
0x14: {  	s7 =	simm.s32 $0x0;
	s21 =	sshll.u32 s5, $0x1;
	s5 =	sadd.s32 s22, s3  }
0x15: {  	[timem:s7], [sflag:s23] =	dma.local [hbm:s5], s21  }
0x16: {  	_ =	swait.ge [sflag:s23], s21  }
0x17: {  	s4 =	ssub.s32 $0x0, s21;
	[sflag:s23] =	ssyncset.done $0x0  }
0x18: {  	[sflag:s23] =	ssyncadd.s32 s4;
	_ =	sdelay $0x1  }
0x19: {  	s24 =	simm.s32 $0x1B8B  }
0x1a: {  	_ =	swait.ge [sflag:s24], $0x1  }
0x1b: {  	[sflag:s24] =	ssyncset.done $0x0  }
0x1c: {  	s26 =	simm.s32 $0x1B8E;
	s25 =	sld [smem:$0x3FFE];
	[sflag:s24] =	ssyncadd.s32 $0xFFFFFFFF  }
0x1d: {  	s27 =	simm.s32 $execute0_lowered;
	[smem:$0x3FD2] =	sst s26  }
0x1e: {  	s5 =	sshll.u32 s27, $0x1;
	_ =	strace $0x80000046;
	[dreg:$0x1] =	wrdreg $0xFFFFFFFF  }
0x1f: {  	s28 =	simm.s32 $_size_execute0_lowered;
	s3 =	sadd.s32 s3, s5;
	[dreg:$0x0] =	wrdreg $0x0  }
0x20: {  	s5 =	sshll.u32 s28, $0x1;
	[dreg:$0x2] =	wrdreg s3  }
0x21: {  	[dreg:$0x3] =	wrdreg s5  }
0x22: {  	[dreg:$0x4] =	wrdreg $0xC0  }
0x23: {  	_ =	task [dreg:s7], $0x5FFFF  }
0x24: {  	[dreg:$0x1] =	wrdreg $0xFFFFFFFF  }
0x25: {  	[dreg:$0x0] =	wrdreg $0x60  }
0x26: {  	[dreg:$0x2] =	wrdreg s2  }
0x27: {  	[dreg:$0x3] =	wrdreg s25  }
0x28: {  	[dreg:$0x4] =	wrdreg $0x9  }
0x29: {  	_ =	task.clear_ibuf [dreg:s7], $0x5FFFF;
	_ =	strace $0x90000046  }
0x2a: {  	s29 =	simm.s32 $0x9;
	_ =	strace $0x80000048  }
0x2b: {  	_ =	swait.ge [sflag:s29], $0x1  }
0x2c: {  	[sflag:s29] =	ssyncadd.s32 $0xFFFFFFFF  }
0x2d: {  	_ =	strace $0x90000048  }
0x2e: {  	_ =	sfence  }
0x2f: {  	s30 =	sld [smem:$0x0];
	_ =	sdelay $0x2  }
0x30: {  	s31 =	sshll.u32 s1, $0xD;
	s1 =	sshrl.u32 s1, $0x2  }
0x31: {  	s3 =	sand.u32 $0x4000, s31;
	s1 =	sadd.s32 s1, s30  }
0x32: {  	s0 =	sor.u32 s3, s0;
	s1 =	sshll.u32 s1, $0x11  }
0x33: {  	s0 =	sor.u32 s1, s0  }
0x34: {  	s0 =	sadd.s32 $0x8F2B, s0  }
0x35: {  	[sflag:s0] =	ssyncadd.remote.s32 $0x1  }
0x36: {  	_ =	sfence.sel $0xFFFF  }
0x37: {  	[dreg:$0x0] =	wrdreg $0xFFFFFFFF;
	(pc) =	sbr.abs _section_cstart, $3  }
0x38: {  	[dreg:$0x1] =	wrdreg $0xFFFFFFFF  }
0x39: {  	_ =	task.clear_ibuf [dreg:s7], $0x2FFFF;
	_ =	strace $0x9FFFFFFF  }
0x3a: {  	(tm) =	ssettm $0x7FFFFFFF  }
0x3b: {  	_ =	shalt  }
tec
execute0_lowered:
.L_overlay_start_1:
0x0: {  	(tag) =	ssettag $0x1  }
0x1: {  	s0 =	srdreg.scid  }
0x2: {  	s1 =	rddreg [dreg:$0x1];
	s2 =	stileid.u32  }
0x3: {  	_ =	strace $0x80000047;
	s29 =	simm.s32 $0x1;
	s0 =	sshll.u32 s0, $0x4  }
0x4: {  	s31 =	simm.s32 $0x2;
	s14 =	simm.s32 $0x0;
	s0 =	sand.u32 $0x10, s0  }
0x5: {  	s9 =	simm.s32 $0x0;
	s8 =	simm.s32 $0x0;
	s0 =	sor.u32 s2, s0  }
.Ltmp0:
0x6: {  	s28 =	sadd.s32 $0xE00, s1;
	s10 =	sshll.u32 s0, $0x7;
	(pc) =	sbr.rel .LBB1_1-.Ltmp0, $4  }
0x7: {  	s11 =	simm.s32 $0x0;
	[dreg:$0x4] =	wrdreg s28;
	s30 =	ssub.s32 $0xF4200, s10  }
0x8: {  	s12 =	simm.s32 $0x0;
	[dreg:$0x3] =	wrdreg s10;
	s0 =	sshrl.u32 s30, $0xC  }
0x9: {  	[sflag:s29] =	ssyncpa.u1 $0x0;
	[dreg:$0x5] =	wrdreg s0;
	s7 =	sadd.s32 $0x2, s0  }
0xa: {  	s13 =	simm.s32 $0x0;
	[sflag:s31] =	ssyncpa.u1 $0x0;
	[dreg:$0x6] =	wrdreg s7  }
.LBB1_12:
0xb: {  	s8 =	rddreg [dreg:$0x7]  }
0xc: {  	s4 =	rddreg [dreg:$0xb]  }
0xd: {  	s1 =	sshll.u32 s11, $0x3;
	s24 =	rddreg [dreg:$0xa]  }
0xe: {  	s3 =	smov.u32 s11;
	s27 =	sshrl.u32 s11, $0x3;
	s29 =	rddreg [dreg:$0x4]  }
0xf: {  	s28 =	sand.u32 $0x7, s11;
	s7 =	rddreg [dreg:$0x6];
	s0 =	sshll.u32 s8, $0x7  }
0x10: {  	s1 =	sand.u32 $0xFFFFFC00, s1;
	p0 =	sgt.s32 s8, $0xF41C0;
	s2 =	sand.u32 $0xFFFFFC00, s0  }
0x11: {  	s0 =	sand.u32 $0x380, s0;
	s1 =	sadd.s32 s1, s2;
	s2 =	smov.u32 s8  }
0x12: {  	s9 =	rddreg [dreg:$0x8];
	s0 =	sor.u32 s0, s1;
	s2 =	simm.s32 @!p0 $0xF41C0  }
0x13: {  	p0 =	sgt.s32 s11, $0x40;
	s0 =	sshrl.u32 s0, $0x7;
	s2 =	sadd.s32 s4, s2  }
0x14: {  	s3 =	simm.s32 @!p0 $0x40;
	s23 =	smulhi.u32 $0x218DEF5, s0;
	s25 =	sadd.s32 $0xFFF0BE40, s2  }
0x15: {  	s3 =	sadd.s32 s24, s3;
	s2 =	ssub.s32 $0xF4240, s2;
	p0 =	sgt.s32 s25, $0x7F  }
0x16: {  	s26 =	sadd.s32 $0xFFFFFFC0, s3;
	s3 =	ssub.s32 $0x80, s3;
	s1 =	sshrl.u32 s23, $0xD  }
0x17: {  	s2 =	simm.s32 @p0 $0x0;
	p0 =	sgt.s32 s26, $0x3F;
	s1 =	smul.u32 $0xF4240, s1  }
0x18: {  	s31 =	simm.s32 $0x80;
	s14 =	rddreg [dreg:$0x9];
	s3 =	simm.s32 @p0 $0x0  }
0x19: {  	s2 =	smul.u32 s3, s2;
	s0 =	ssub.s32 s0, s1;
	s1 =	sand.u32 $0xF, s27  }
0x1a: {  	s3 =	sshll.u32 s28, $0x12;
	s0 =	sshll.u32 s0, $0x4;
	s1 =	sadd.s32 s29, s1  }
0x1b: {  	s30 =	sor.u32 $0x40, s3;
	s2 =	sand.u32 $0x3FFFFFFF, s2;
	s0 =	sadd.s32 s0, s1  }
0x1c: {  	[hbm4b:s0+s30] =	stream.strided.scatter [tilespmem:s18], [sflag:$0x2], s2, s31, s30, $0x18;
	[tilespmem:$0x8100] =	vst v63  }
.LBB1_13:
0x1d: {  	p0 =	slt.u32 s13, $0x2  }
0x1e: {  	s1 =	smov.u32 s14;
	s2 =	smov.u32 s9;
	p1 =	sgt.s32 @!p0 s14, $0xF41C0  }
0x1f: {  	s0 =	sshra.s32 @!p0 s14, $0x1F;
	p2 =	sgt.s32 @!p0 s9, $0x40;
	s3 =	sshra.s32 @!p0 s9, $0x1F  }
0x20: {  	p1 =	por !p1, p0;
	s0 =	sand.u32 @!p0 s0, s14;
	p2 =	por !p2, p0  }
0x21: {  	s3 =	sand.u32 @!p0 s3, s9;
	s1 =	simm.s32 @p1 $0xF41C0;
	s2 =	simm.s32 @p2 $0x40  }
0x22: {  	s0 =	ssub.s32 @!p0 s1, s0;
	s1 =	ssub.s32 @!p0 s2, s3  }
0x23: {  	s2 =	sadd.s32 @!p0 $0xFFF0BE40, s0;
	s3 =	sadd.s32 @!p0 $0xFFFFFFC0, s1  }
0x24: {  	s0 =	ssub.s32 @!p0 $0xF4240, s0;
	p1 =	sgt.s32 @!p0 s2, $0x7F;
	p2 =	sgt.s32 @!p0 s3, $0x3F  }
0x25: {  	s1 =	ssub.s32 @!p0 $0x80, s1;
	p1 =	por !p1, p0;
	p2 =	por !p2, p0  }
0x26: {  	s0 =	simm.s32 @!p1 $0x0;
	s1 =	simm.s32 @!p2 $0x0  }
0x27: {  	s0 =	smul.u32 @!p0 s1, s0  }
0x28: {  	s4 =	smov.u32 s12  }
0x29: {  	s2 =	simm.s32 @!p0 $0x2;
	s1 =	sadd.s32 $0x1000, s10;
	s0 =	sand.u32 @!p0 $0x3FFFFFFF, s0  }
0x2a: {  	s3 =	sadd.s32 $0x40, s12;
	p1 =	sgt.s32 s1, $0xF423F;
	_ =	swait.ge @!p0 [sflag:s2], s0  }
0x2b: {  	s4 =	smov.u32 @p1 s3;
	s3 =	rddreg [dreg:$0x3]  }
0x2c: {  	s1 =	smov.u32 @p1 s3;
	p1 =	sgt.s32 s4, $0x31  }
0x2d: {  	s4 =	simm.s32 @p1 $0x0;
	p1 =	sne.s32 s13, s7  }
.Ltmp1:
0x2e: {  	_ = 	snop;
	(pc) =	sbr.rel @!p1 .LBB1_14-.Ltmp1, $4  }
0x2f: {  	s14 =	smov.u32 s8  }
0x30: {  	s9 =	smov.u32 s11;
	s0 =	ssub.s32 @!p0 $0x0, s0;
	[sflag:s2] =	ssyncset.done @!p0 $0x0  }
0x31: {  	s8 =	smov.u32 s10;
	s11 =	smov.u32 s12;
	[sflag:s2] =	ssyncadd.s32 @!p0 s0  }
0x32: {  	s13 =	sadd.s32 $0x1, s13;
	s10 =	smov.u32 s1;
	s12 =	smov.u32 s4  }
.LBB1_1:
0x33: {  	s0 =	rddreg [dreg:$0x5]  }
0x34: {  	p0 =	sgt.u32 s13, s0  }
0x35: {  	s0 =	sshrl.u32 @!p0 s12, $0x3  }
0x36: {  	s1 =	sshll.u32 @!p0 s10, $0x3;
	s0 =	smul.u32 @!p0 $0x7A1400, s0  }
0x37: {  	s5 =	smov.u32 s10;
	s2 =	sshll.u32 @!p0 s12, $0x7;
	s1 =	sand.u32 @!p0 $0xFFFFFC00, s1  }
0x38: {  	s3 =	sand.u32 @!p0 $0x7F, s10;
	s0 =	sadd.s32 @!p0 s0, s1;
	s1 =	sand.u32 @!p0 $0x380, s2  }
0x39: {  	p1 =	sgt.s32 @!p0 s12, $0xFFFFFFF8;
	s4 =	sshra.s32 @!p0 s12, $0x1F;
	s0 =	sor.u32 @!p0 s1, s0  }
0x3a: {  	s6 =	sshra.s32 @!p0 s10, $0x1F;
	p1 =	por !p1, p0;
	s1 =	smulhi.u32 @!p0 $0x218D6287, s0  }
0x3b: {  	s4 =	sand.u32 @!p0 s4, s12;
	s0 =	sor.u32 @!p0 s3, s0;
	s3 =	smov.u32 s12  }
0x3c: {  	s3 =	simm.s32 @p1 $0xFFFFFFF8;
	p1 =	sgt.s32 @!p0 s10, $0xF4200;
	s1 =	sshrl.u32 @!p0 s1, $0x11  }
0x3d: {  	p1 =	por !p1, p0;
	s3 =	ssub.s32 @!p0 s3, s4;
	s2 =	smul.u32 @!p0 $0x2493, s1  }
0x3e: {  	s4 =	sand.u32 @!p0 s6, s10;
	s6 =	smulhi.u32 @!p0 $0x218D6287, s0;
	s5 =	simm.s32 @p1 $0xF4200  }
0x3f: {  	s4 =	ssub.s32 @!p0 s5, s4;
	s5 =	sadd.s32 @!p0 $0x8, s3;
	s2 =	sshrl.u32 @!p0 s2, $0x13  }
0x40: {  	p1 =	sgt.s32 @!p0 s5, $0x3F;
	s5 =	sshrl.u32 @!p0 s6, $0x11;
	s2 =	smul.u32 @!p0 $0x38, s2  }
0x41: {  	s3 =	ssub.s32 @!p0 $0x38, s3;
	s5 =	smul.u32 @!p0 $0xF4280, s5  }
0x42: {  	p1 =	por !p1, p0;
	s1 =	ssub.s32 @!p0 s1, s2;
	s2 =	sadd.s32 @!p0 $0xFFF0BE00, s4  }
0x43: {  	s3 =	simm.s32 @!p1 $0x0;
	s4 =	ssub.s32 @!p0 $0xF4280, s4;
	p2 =	sgt.s32 @!p0 s2, $0x7F  }
0x44: {  	s0 =	ssub.s32 @!p0 s0, s5;
	s1 =	sand.u32 @!p0 $0xFFFF, s1;
	p2 =	por !p2, p0  }
0x45: {  	s2 =	sxor.u32 @!p0 $0xFFFFFFFF, s13;
	s1 =	smul.u32 @!p0 $0x1E850, s1;
	s4 =	simm.s32 @!p2 $0x0  }
0x46: {  	s5 =	rddreg [dreg:$0x0];
	s2 =	sshll.u32 @!p0 s2, $0xD;
	s3 =	smul.u32 @!p0 s3, s4  }
0x47: {  	s2 =	sand.u32 @!p0 $0x2000, s2;
	s4 =	sshrl.u32 @!p0 s0, $0x3;
	s0 =	sand.u32 @!p0 $0x7, s0  }
0x48: {  	s4 =	sadd.s32 @!p0 s5, s4;
	s0 =	sshll.u32 @!p0 s0, $0x12;
	s3 =	sand.u32 @!p0 $0x3FFFFFFF, s3  }
0x49: {  	s1 =	sadd.s32 @!p0 s1, s4;
	s0 =	sor.u32 @!p0 $0x400, s0;
	s4 =	simm.s32 @!p0 $0x7A1400  }
0x4a: {  	[tilespmem:s2], [sflag:$0x1] =	stream.strided.gather @!p0 [hbm4b:s1+s0], s3, s4, s0, $0x38;
	[tilespmem:$0x8100] =	vst v63  }
0x4b: {  	p0 =	seq.s32 s13, $0x0  }
0x4c: {  	p1 =	sge.u32 @!p0 s13, s7  }
0x4d: {  	p0 =	por p0, p1  }
.Ltmp2:
0x4e: {  	_ = 	snop;
	(pc) =	sbr.rel @p0 .LBB1_13-.Ltmp2, $1  }
0x4f: {  	_ =	sdelay $0x3  }
0x50: {  	s0 =	ssub.s32 $0x0, s11;
	s1 =	sshra.s32 s11, $0x1F;
	p0 =	sgt.s32 s11, $0xFFFFFFF8  }
0x51: {  	s2 =	smov.u32 s11;
	s25 =	ssub.s32 $0x0, s8;
	s26 =	sshra.s32 s8, $0x1F  }
0x52: {  	s3 =	smov.u32 s8;
	s2 =	simm.s32 @!p0 $0xFFFFFFF8;
	p0 =	sgt.s32 s8, $0xF4200  }
0x53: {  	s4 =	sand.u32 s0, s1;
	s1 =	sand.u32 s25, s26;
	s3 =	simm.s32 @!p0 $0xF4200  }
0x54: {  	s2 =	sadd.s32 s4, s2;
	[dreg:$0xb] =	wrdreg s1;
	s1 =	sadd.s32 s1, s3  }
0x55: {  	s27 =	sadd.s32 $0x8, s2;
	s2 =	ssub.s32 $0x38, s2;
	s28 =	sadd.s32 $0xFFF0BE00, s1  }
0x56: {  	p0 =	sgt.s32 s27, $0x3F;
	s0 =	ssub.s32 $0xF4280, s1;
	p1 =	sgt.s32 s28, $0x7F  }
0x57: {  	s2 =	simm.s32 @p0 $0x0;
	s0 =	simm.s32 @p1 $0x0  }
0x58: {  	s29 =	smul.u32 s2, s0;
	s2 =	sadd.s32 $0x40, s11  }
0x59: {  	p0 =	slt.s32 s2, $0x32  }
0x5a: {  	s2 =	simm.s32 @!p0 $0x32  }
0x5b: {  	[dreg:$0x9] =	wrdreg s14;
	s19 =	ssub.s32 s2, s11  }
0x5c: {  	[dreg:$0x8] =	wrdreg s9;
	p0 =	slt.s32 s19, $0x1  }
.Ltmp3:
0x5d: {  	[dreg:$0x7] =	wrdreg s8;
	s30 =	simm.s32 $0x1;
	(pc) =	sbr.rel @p0 .LBB1_12-.Ltmp3, $4  }
0x5e: {  	[dreg:$0xa] =	wrdreg s4;
	s0 =	sand.u32 $0x1, s13;
	s1 =	sand.u32 $0x3FFFFFFF, s29  }
0x5f: {  	s31 =	smul.u32 $0x2080, s0;
	_ =	swait.ge [sflag:s30], s1  }
0x60: {  	s1 =	ssub.s32 $0x0, s1;
	[sflag:s30] =	ssyncset.done $0x0  }
0x61: {  	s18 =	sor.u32 $0x4000, s31;
	[sflag:s30] =	ssyncadd.s32 s1  }
0x62: {  	s2 =	rddreg [dreg:$0x7]  }
0x63: {  	s1 =	sadd.s32 $0x80, s2  }
0x64: {  	p0 =	slt.s32 s1, $0xF4240  }
.Ltmp4:
0x65: {  	s1 =	simm.s32 @!p0 $0xF4240;
	(pc) =	sbr.rel .LBB1_4-.Ltmp4, $4  }
0x66: {  	s22 =	sshll.u32 s0, $0xD;
	s1 =	ssub.s32 s1, s2  }
0x67: {  	s24 =	simm.s32 $0x0;
	s25 =	simm.s32 $0x400;
	s1 =	sadd.s32 $0xF, s1  }
0x68: {  	s20 =	sand.u32 $0xFFFFFFF0, s1;
	s21 =	sand.u32 $0xFFFFFF00, s1;
	s31 =	sshll.u32 s1, $0x3  }
0x69: {  	p0 =	slt.s32 s1, $0x100;
	s23 =	sand.u32 $0xFFFFF800, s31;
	p1 =	sge.s32 s21, s20  }
.LBB1_11:
0x6a: {  	s24 =	sadd.s32 $0x1, s24  }
0x6b: {  	p2 =	sne.s32 s24, s19  }
.Ltmp5:
0x6c: {  	_ = 	snop;
	(pc) =	sbr.rel @!p2 .LBB1_12-.Ltmp5, $2  }
0x6d: {  	_ =	sdelay $0x2  }
0x6e: {  	s25 =	sadd.s32 $0x80, s25  }
.LBB1_4:
.Ltmp6:
0x6f: {  	(pc) =	sbr.rel @p0 .LBB1_8-.Ltmp6, $2  }
0x70: {  	_ =	sdelay $0x2  }
0x71: {  	s26 =	sshll.u32 s24, $0x7;
	s27 =	sand.u32 $0x7F, s24  }
0x72: {  	s1 =	sshll.u32 s24, $0x3  }
0x73: {  	s5 =	sand.u32 $0x380, s26;
	s3 =	sshrl.u32 s1, $0x7  }
0x74: {  	s2 =	sadd.s32 $0x800, s1;
	s6 =	sadd.s32 $0x1000, s1;
	s17 =	sadd.s32 s5, s22  }
0x75: {  	s9 =	sadd.s32 $0x1800, s1;
	s16 =	sadd.s32 $0x2800, s1;
	s7 =	sadd.s32 $0x3000, s1  }
0x76: {  	s1 =	sadd.s32 $0x3800, s1;
	s0 =	sand.u32 $0x78, s3;
	s2 =	sshrl.u32 s2, $0x7  }
0x77: {  	s8 =	sshrl.u32 s6, $0x7;
	s6 =	sshrl.u32 s9, $0x7;
	s9 =	sshrl.u32 s1, $0x7  }
0x78: {  	v0 =	vmov s17;
	s17 =	sand.u32 $0x1C00, s25;
	s4 =	smul.u32 $0x104, s0;
	s2 =	sand.u32 $0x78, s2  }
0x79: {  	s5 =	sand.u32 $0x78, s8;
	s14 =	sand.u32 $0x78, s6;
	s2 =	smul.u32 $0x104, s2  }
0x7a: {  	s0 =	sxor.u32 $0x40, s0;
	s8 =	sshrl.u32 s7, $0x7;
	s5 =	smul.u32 $0x104, s5  }
0x7b: {  	s7 =	sadd.s32 $0x30, s3;
	s0 =	smul.u32 $0x104, s0;
	s4 =	sshrl.u32 s4, $0x2  }
0x7c: {  	s4 =	sadd.s32 s4, s18;
	s2 =	sshrl.u32 s2, $0x2;
	s15 =	sshrl.u32 s5, $0x2  }
0x7d: {  	s5 =	sshrl.u32 s16, $0x7;
	s0 =	sshrl.u32 s0, $0x2;
	s16 =	sadd.s32 $0x20, s3  }
0x7e: {  	s2 =	sadd.s32 s2, s18;
	s28 =	sadd.s32 s27, s4;
	s4 =	sadd.s32 s15, s18  }
0x7f: {  	s6 =	sadd.s32 s0, s18;
	s29 =	sadd.s32 s27, s2;
	s2 =	smul.u32 $0x104, s14  }
0x80: {  	s15 =	sadd.s32 $0x10, s3;
	s30 =	sadd.s32 s27, s4;
	s4 =	sand.u32 $0x78, s5  }
0x81: {  	s5 =	sand.u32 $0x78, s15;
	s4 =	smul.u32 $0x104, s4;
	s2 =	sshrl.u32 s2, $0x2  }
0x82: {  	s31 =	sadd.s32 s27, s6;
	s5 =	smul.u32 $0x104, s5;
	s2 =	sadd.s32 s2, s18  }
0x83: {  	s4 =	sshrl.u32 s4, $0x2;
	s0 =	sadd.s32 s27, s2;
	s2 =	sand.u32 $0x78, s8  }
0x84: {  	s14 =	sand.u32 $0x78, s9;
	s4 =	sadd.s32 s4, s18;
	s2 =	smul.u32 $0x104, s2  }
0x85: {  	s6 =	sand.u32 $0x78, s16;
	s1 =	sadd.s32 s27, s4;
	s4 =	smul.u32 $0x104, s14  }
0x86: {  	s5 =	sshrl.u32 s5, $0x2;
	s14 =	sadd.s32 $0x60, s3;
	s2 =	sshrl.u32 s2, $0x2  }
0x87: {  	s14 =	sand.u32 $0x78, s14;
	s4 =	sshrl.u32 s4, $0x2;
	s2 =	sadd.s32 s2, s18  }
0x88: {  	s14 =	smul.u32 $0x104, s14;
	s8 =	sadd.s32 s27, s2;
	s2 =	sadd.s32 s4, s18  }
0x89: {  	s4 =	smul.u32 $0x104, s6;
	s6 =	sand.u32 $0x78, s7;
	s7 =	sadd.s32 $0x50, s3  }
0x8a: {  	s3 =	sadd.s32 $0x70, s3;
	s6 =	smul.u32 $0x104, s6;
	s7 =	sand.u32 $0x78, s7  }
0x8b: {  	v1 =	vld.idx.msk [tilespmem:v0+s17+$0x0 ss:$0x1], $0xffff;
	s5 =	sadd.s32 s5, s18;
	s3 =	sand.u32 $0x78, s3;
	s7 =	smul.u32 $0x104, s7  }
0x8c: {  	s14 =	sshrl.u32 s14, $0x2;
	s3 =	smul.u32 $0x104, s3;
	s6 =	sshrl.u32 s6, $0x2  }
0x8d: {  	s14 =	sadd.s32 s14, s18;
	s15 =	sadd.s32 s6, s18;
	s6 =	sadd.s32 s27, s5  }
0x8e: {  	s7 =	sshrl.u32 s7, $0x2;
	s3 =	sshrl.u32 s3, $0x2;
	s5 =	sadd.s32 s27, s15  }
0x8f: {  	s7 =	sadd.s32 s7, s18;
	s9 =	sadd.s32 s3, s18;
	s15 =	sadd.s32 $0xFFFFFC00, s25  }
0x90: {  	[tilespmem:s28+$0x0 ss:$0x41] =	vst.msk $0xffff, v1;
	v1 =	vld.idx.msk [tilespmem:v0+s17+$0x20 ss:$0x1], $0xffff;
	s3 =	sadd.s32 s27, s7;
	s7 =	sadd.s32 s27, s14;
	s14 =	sand.u32 $0x1C00, s15  }
0x91: {  	v2 =	vld.idx.msk [tilespmem:v0+s14+$0x70 ss:$0x1], $0xffff  }
0x92: {  	v3 =	vld.idx.msk [tilespmem:v0+s14+$0x0 ss:$0x1], $0xffff  }
0x93: {  	v4 =	vld.idx.msk [tilespmem:v0+s14+$0x10 ss:$0x1], $0xffff  }
0x94: {  	v5 =	vld.idx.msk [tilespmem:v0+s14+$0x20 ss:$0x1], $0xffff  }
0x95: {  	s2 =	sadd.s32 s27, s2;
	v6 =	vld.idx.msk [tilespmem:v0+s14+$0x30 ss:$0x1], $0xffff  }
0x96: {  	v7 =	vld.idx.msk [tilespmem:v0+s14+$0x40 ss:$0x1], $0xffff;
	[tilespmem:s2+$0x0 ss:$0x41] =	vst.msk $0xffff, v2  }
0x97: {  	v8 =	vld.idx.msk [tilespmem:v0+s14+$0x50 ss:$0x1], $0xffff;
	[tilespmem:s28+$0x0 ss:$0x41] =	vst.msk $0xffff, v3  }
0x98: {  	p2 =	sgt.s32 s21, $0x100;
	v9 =	vld.idx.msk [tilespmem:v0+s14+$0x60 ss:$0x1], $0xffff;
	[tilespmem:s29+$0x0 ss:$0x41] =	vst.msk $0xffff, v4  }
.Ltmp7:
0x99: {  	v4 =	vld.idx.msk [tilespmem:v0+s17+$0x10 ss:$0x1], $0xffff;
	[tilespmem:s30+$0x0 ss:$0x41] =	vst.msk $0xffff, v5;
	(pc) =	sbr.rel @!p2 .LBB1_7-.Ltmp7, $4  }
0x9a: {  	s4 =	sshrl.u32 s4, $0x2;
	[tilespmem:s0+$0x0 ss:$0x41] =	vst.msk $0xffff, v6;
	v2 =	vld.idx.msk [tilespmem:v0+s17+$0x30 ss:$0x1], $0xffff  }
0x9b: {  	s4 =	sadd.s32 s4, s18;
	[tilespmem:s31+$0x0 ss:$0x41] =	vst.msk $0xffff, v7;
	v3 =	vld.idx.msk [tilespmem:v0+s17+$0x40 ss:$0x1], $0xffff  }
0x9c: {  	s4 =	sadd.s32 s27, s4;
	[tilespmem:s1+$0x0 ss:$0x41] =	vst.msk $0xffff, v8;
	v5 =	vld.idx.msk [tilespmem:v0+s17+$0x50 ss:$0x1], $0xffff  }
0x9d: {  	s16 =	sadd.s32 s27, s9;
	s15 =	sadd.s32 $0x800, s25;
	s14 =	simm.s32 $0x100;
	[tilespmem:s8+$0x0 ss:$0x41] =	vst.msk $0xffff, v9;
	v6 =	vld.idx.msk [tilespmem:v0+s17+$0x60 ss:$0x1], $0xffff  }
.LBB1_6:
0x9e: {  	s9 =	sadd.s32 $0xFFFFFC00, s15;
	s14 =	sadd.s32 $0x100, s14;
	[tilespmem:s6+$0x0 ss:$0x41] =	vst.msk $0xffff, v4;
	v4 =	vld.idx.msk [tilespmem:v0+s17+$0x70 ss:$0x1], $0xffff;
	s17 =	sand.u32 $0x1C00, s15  }
0x9f: {  	s9 =	sand.u32 $0x1C00, s9;
	v7 =	vld.idx.msk [tilespmem:v0+s17+$0x0 ss:$0x1], $0xffff;
	p2 =	slt.s32 s14, s21;
	[tilespmem:s4+$0x0 ss:$0x41] =	vst.msk $0xffff, v1  }
0xa0: {  	v1 =	vld.idx.msk [tilespmem:v0+s9+$0x70 ss:$0x1], $0xffff;
	[tilespmem:s5+$0x0 ss:$0x41] =	vst.msk $0xffff, v2  }
0xa1: {  	v2 =	vld.idx.msk [tilespmem:v0+s9+$0x0 ss:$0x1], $0xffff;
	[tilespmem:s31+$0x0 ss:$0x41] =	vst.msk $0xffff, v3  }
0xa2: {  	v3 =	vld.idx.msk [tilespmem:v0+s9+$0x10 ss:$0x1], $0xffff;
	[tilespmem:s3+$0x0 ss:$0x41] =	vst.msk $0xffff, v5  }
0xa3: {  	v5 =	vld.idx.msk [tilespmem:v0+s9+$0x20 ss:$0x1], $0xffff;
	[tilespmem:s7+$0x0 ss:$0x41] =	vst.msk $0xffff, v6  }
0xa4: {  	v6 =	vld.idx.msk [tilespmem:v0+s9+$0x30 ss:$0x1], $0xffff;
	[tilespmem:s16+$0x0 ss:$0x41] =	vst.msk $0xffff, v4  }
0xa5: {  	v8 =	vld.idx.msk [tilespmem:v0+s9+$0x40 ss:$0x1], $0xffff;
	[tilespmem:s28+$0x0 ss:$0x41] =	vst.msk $0xffff, v7  }
0xa6: {  	v7 =	vld.idx.msk [tilespmem:v0+s9+$0x50 ss:$0x1], $0xffff;
	[tilespmem:s2+$0x0 ss:$0x41] =	vst.msk $0xffff, v1  }
0xa7: {  	[tilespmem:s28+$0x0 ss:$0x41] =	vst.msk $0xffff, v2;
	v9 =	vld.idx.msk [tilespmem:v0+s9+$0x60 ss:$0x1], $0xffff  }
0xa8: {  	[tilespmem:s29+$0x0 ss:$0x41] =	vst.msk $0xffff, v3;
	v4 =	vld.idx.msk [tilespmem:v0+s17+$0x10 ss:$0x1], $0xffff  }
.Ltmp8:
0xa9: {  	[tilespmem:s30+$0x0 ss:$0x41] =	vst.msk $0xffff, v5;
	v1 =	vld.idx.msk [tilespmem:v0+s17+$0x20 ss:$0x1], $0xffff;
	(pc) =	sbr.rel @p2 .LBB1_6-.Ltmp8, $4  }
0xaa: {  	[tilespmem:s0+$0x0 ss:$0x41] =	vst.msk $0xffff, v6;
	v2 =	vld.idx.msk [tilespmem:v0+s17+$0x30 ss:$0x1], $0xffff  }
0xab: {  	[tilespmem:s31+$0x0 ss:$0x41] =	vst.msk $0xffff, v8;
	v3 =	vld.idx.msk [tilespmem:v0+s17+$0x40 ss:$0x1], $0xffff  }
0xac: {  	[tilespmem:s1+$0x0 ss:$0x41] =	vst.msk $0xffff, v7;
	v5 =	vld.idx.msk [tilespmem:v0+s17+$0x50 ss:$0x1], $0xffff  }
0xad: {  	s15 =	sadd.s32 $0x800, s15;
	[tilespmem:s8+$0x0 ss:$0x41] =	vst.msk $0xffff, v9;
	v6 =	vld.idx.msk [tilespmem:v0+s17+$0x60 ss:$0x1], $0xffff  }
.LBB1_7:
0xae: {  	_ =	sdelay $0x2  }
0xaf: {  	[tilespmem:s6+$0x0 ss:$0x41] =	vst.msk $0xffff, v4  }
0xb0: {  	v0 =	vld.idx.msk [tilespmem:v0+s17+$0x70 ss:$0x1], $0xffff;
	[tilespmem:s4+$0x0 ss:$0x41] =	vst.msk $0xffff, v1  }
0xb1: {  	[tilespmem:s5+$0x0 ss:$0x41] =	vst.msk $0xffff, v2  }
0xb2: {  	[tilespmem:s31+$0x0 ss:$0x41] =	vst.msk $0xffff, v3  }
0xb3: {  	[tilespmem:s3+$0x0 ss:$0x41] =	vst.msk $0xffff, v5  }
0xb4: {  	[tilespmem:s7+$0x0 ss:$0x41] =	vst.msk $0xffff, v6  }
0xb5: {  	[tilespmem:s16+$0x0 ss:$0x41] =	vst.msk $0xffff, v0  }
.LBB1_8:
.Ltmp9:
0xb6: {  	(pc) =	sbr.rel @p1 .LBB1_11-.Ltmp9, $1  }
0xb7: {  	_ =	sdelay $0x3  }
0xb8: {  	s1 =	sand.u32 $0x380, s26;
	s0 =	sshrl.u32 s24, $0x4;
	s2 =	sadd.s32 s27, s18  }
0xb9: {  	s3 =	smov.u32 s23;
	s4 =	smov.u32 s21;
	s1 =	sadd.s32 s1, s22  }
.LBB1_10:
0xba: {  	s5 =	sand.u32 $0x1C00, s3  }
0xbb: {  	s5 =	sadd.s32 s26, s5  }
0xbc: {  	s5 =	sand.u32 $0x1C00, s5  }
0xbd: {  	s6 =	sand.u32 $0x70, s4;
	s30 =	sadd.s32 s4, s0;
	s5 =	sadd.s32 s5, s1  }
0xbe: {  	s4 =	sadd.s32 $0x10, s4;
	s31 =	sand.u32 $0x78, s30;
	s5 =	sadd.s32 s6, s5  }
0xbf: {  	p2 =	slt.s32 s4, s20;
	v0 =	vld [tilespmem:s5+$0x0];
	s5 =	smul.u32 $0x104, s31  }
.Ltmp10:
0xc0: {  	_ = 	snop;
	(pc) =	sbr.rel @p2 .LBB1_10-.Ltmp10, $4  }
0xc1: {  	_ = 	snop  }
0xc2: {  	s5 =	sshrl.u32 s5, $0x2  }
0xc3: {  	s5 =	sadd.s32 s5, s2  }
0xc4: {  	s3 =	sadd.s32 $0x80, s3;
	[tilespmem:s5+$0x0 ss:$0x41] =	vst.msk $0xffff, v0  }
.Ltmp11:
0xc5: {  	_ = 	snop;
	(pc) =	sbr.rel .LBB1_11-.Ltmp11, $1  }
0xc6: {  	_ =	sdelay $0x3  }
.LBB1_14:
0xc7: {  	_ =	sfence.sel $0x180000  }
0xc8: {  	s0 =	simm.s32 $0x1;
	[bflag:$0x0] =	sbarrier.arrive $0xFFFF  }
0xc9: {  	s30 =	simm.s32 $0x2;
	[sflag:s0] =	ssyncpa.u1 $0x1  }
0xca: {  	[sflag:s30] =	ssyncpa.u1 $0x1  }
0xcb: {  	_ =	strace $0x90000047  }
0xcc: {  	s31 =	stileid.u32;
	[bflag:$0x2] =	sbarrier.arrive $0xFFFF  }
0xcd: {  	p0 =	sne.s32 s31, $0x0;
	s0 =	rddreg [dreg:$0x2]  }
0xce: {  	s0 =	sadd.s32 @!p0 $0x100000, s0  }
0xcf: {  	[sflag:s0] =	ssyncadd.tile.s32 @!p0 $0x1;
	_ =	shalt  }
.Lfunc_end1:
_tile_overlayer_lowered:
.L_overlay_start_2:
0xd0: {  	(tag) =	ssettag $0x2  }
0xd1: {  	s0 =	rddreg [dreg:$0x0];
	s2 =	stileid.u32  }
0xd2: {  	s1 =	rddreg [dreg:$0x1];
	p0 =	sne.s32 s2, $0x0  }
0xd3: {  	s3 =	rddreg [dreg:$0x2];
	[bflag:$0x3] =	sbarrier.arrive $0xFFFF;
	s2 =	simm.s32 @!p0 $0x1C01  }
0xd4: {  	[timem:s3], [sflag:s2] =	dma.local @!p0 [hbm:s0], s1  }
0xd5: {  	s0 =	simm.s32 @!p0 $0x1  }
0xd6: {  	_ =	swait.ge @!p0 [sflag:s0], s1  }
0xd7: {  	s1 =	ssub.s32 @!p0 $0x0, s1;
	[sflag:s0] =	ssyncset.done @!p0 $0x0  }
0xd8: {  	[sflag:s0] =	ssyncadd.s32 @!p0 s1  }
0xd9: {  	[bflag:$0x3] =	sbarrier.arrive $0xFFFF  }
0xda: {  	_ =	shalt  }

</sc_bundles>
